<compile_context>
chip_gen: v7x
topology: tpu7x:2x2x1
jax: 0.10.2.dev20260603
libtpu: 0.0.44.dev20260713+nightly
codegen_flags: <defaults>
</compile_context>

<pallas_src>
import functools

import jax
import jax.numpy as jnp
from jax import lax
from jax.experimental import pallas as pl
from jax.experimental.pallas import tpu as pltpu
from jax.experimental.pallas import tpu_sc as plsc

N = 50000
E = 800000
HID = 32
HEADS = 4
G = 64
LRELU = 0.2

NC = 2
NS = 16
L = 16
NW = NC * NS

CH = 512
CPT = 49
EPT = CH * CPT
EP = EPT * NW
NP = 50176
NPS = NP // NS
NZC = NP // CH
TB = 2000
NBLK = N // TB
CH2 = 256
HALF = NP // 2
HALFP = HALF + 256
EPS2 = EP // NS
CPT2 = EPS2 // CH2
NZC2 = HALFP // CH2


def _bcast(x):
    return jnp.broadcast_to(x, (L,))


def _p1_body(x_hbm, src_hbm, dst_hbm, cscd_hbm,
             out_hbm,
             cb_v, src_v, dst_v, xs_v, xd_v, xstg,
             eb0, eb1, eb2, eb3, nb0, nb1, nb2, nb3,
             x_spm, da0, da1, da2, da3, na0, na1, na2, na3):
    c = lax.axis_index("c")
    s = lax.axis_index("s")
    ebs = [eb0, eb1, eb2, eb3]
    nbs = [nb0, nb1, nb2, nb3]
    accs = [da0, da1, da2, da3, na0, na1, na2, na3]

    pltpu.sync_copy(cscd_hbm, cb_v)

    def _z(i, _):
        eb0[pl.ds(i * L, L)] = jnp.zeros((L,), jnp.float32)
        return 0
    lax.fori_loop(0, CH // L, _z, 0)

    @pl.when(s < NS - 1)
    def _():
        pltpu.sync_copy(x_hbm.at[pl.ds(s * NPS, NPS)], xstg)
        pltpu.sync_copy(xstg, x_spm.at[pl.ds(s * NPS, NPS)])

    @pl.when(s == NS - 1)
    def _():
        pltpu.sync_copy(x_hbm.at[pl.ds((NS - 1) * NPS, N - (NS - 1) * NPS)],
                        xstg.at[pl.ds(0, N - (NS - 1) * NPS)])
        pltpu.sync_copy(xstg.at[pl.ds(0, N - (NS - 1) * NPS)],
                        x_spm.at[pl.ds((NS - 1) * NPS, N - (NS - 1) * NPS)])
        pltpu.sync_copy(eb0.at[pl.ds(0, L)], x_spm.at[pl.ds(N, L)])
    for k in range(7):
        ci = s + NS * k

        @pl.when(ci < NZC)
        def _():
            for acc in accs:
                pltpu.sync_copy(eb0, acc.at[pl.ds(ci * CH, CH)])
    plsc.subcore_barrier()

    csh, cdh, m1h = [], [], []
    for h in range(HEADS):
        csh.append(cb_v[pl.ds(h * L, L)])
        cdh.append(cb_v[pl.ds((HEADS + h) * L, L)])
        m1h.append(cb_v[pl.ds((2 * HEADS + h) * L, L)])

    base_e = (c * NS + s) * EPT

    def _chunk(j, _):
        off = base_e + j * CH
        pltpu.sync_copy(src_hbm.at[pl.ds(off, CH)], src_v)
        pltpu.sync_copy(dst_hbm.at[pl.ds(off, CH)], dst_v)
        pltpu.sync_copy(x_spm.at[src_v], xs_v)
        pltpu.sync_copy(x_spm.at[dst_v], xd_v)

        def _grp(g, _):
            xs = xs_v[pl.ds(g * L, L)]
            xd = xd_v[pl.ds(g * L, L)]
            for h in range(HEADS):
                e = xs * csh[h] + xd * cdh[h]
                e = jnp.where(e > 0, e, e * LRELU)
                ex = jnp.exp(e - m1h[h])
                ebs[h][pl.ds(g * L, L)] = ex
                nbs[h][pl.ds(g * L, L)] = ex * xs
            return 0
        lax.fori_loop(0, CH // L, _grp, 0)
        for h in range(HEADS):
            pltpu.sync_copy(ebs[h], accs[h].at[dst_v], add=True)
            pltpu.sync_copy(nbs[h], accs[HEADS + h].at[dst_v], add=True)
        return 0
    lax.fori_loop(0, CPT, _chunk, 0)
    plsc.subcore_barrier()

    r0 = s * NPS
    for h in range(HEADS):
        for q, acc in ((2 * h, accs[h]), (2 * h + 1, accs[HEADS + h])):
            pltpu.sync_copy(acc.at[pl.ds(r0, NPS)], xstg)
            pltpu.sync_copy(xstg, out_hbm.at[pl.ds((q * NC + c) * NP + r0, NPS)])


@functools.lru_cache(maxsize=None)
def _build_p1():
  return pl.kernel(
    _p1_body,
    out_type=jax.ShapeDtypeStruct((2 * HEADS * NC * NP,), jnp.float32),
    mesh=plsc.VectorSubcoreMesh(core_axis_name="c", subcore_axis_name="s",
                                num_cores=NC, num_subcores=NS),
    scratch_types=[
        pltpu.VMEM((3 * HEADS * L,), jnp.float32),
        pltpu.VMEM((CH,), jnp.int32),
        pltpu.VMEM((CH,), jnp.int32),
        pltpu.VMEM((CH,), jnp.float32),
        pltpu.VMEM((CH,), jnp.float32),
        pltpu.VMEM((NPS,), jnp.float32),
    ]
    + [pltpu.VMEM((CH,), jnp.float32) for _ in range(8)]
    + [pltpu.VMEM_SHARED((NP,), jnp.float32)]
    + [pltpu.VMEM_SHARED((NP,), jnp.float32) for _ in range(8)],
  )


def _p2_body(h2_hbm, as_hbm, ad_hbm, src_hbm, dst_hbm, m2_hbm,
             out2_hbm, den2_hbm,
             src_v, dst_v, dstl_v, asb, adb, rows_v, rowsb1, idxb, exbuf,
             m2_v, astg,
             as_spm, ad_spm, out_acc, den_acc):
    c = lax.axis_index("c")
    s = lax.axis_index("s")
    iota16 = lax.iota(jnp.int32, L)

    pltpu.sync_copy(m2_hbm, m2_v.at[pl.ds(0, L)])

    def _z(i, _):
        rowsb1[pl.ds(i * L, L)] = jnp.zeros((L,), jnp.float32)
        return 0
    lax.fori_loop(0, (CH2 * HID) // L, _z, 0)

    def _z2(i, _):
        exbuf[pl.ds(i * L, L)] = jnp.zeros((L,), jnp.float32)
        return 0
    lax.fori_loop(0, CH2 // L, _z2, 0)

    HS = NPS // 2
    NL = N - (NS - 1) * NPS
    for hbm, spm in ((as_hbm, as_spm), (ad_hbm, ad_spm)):
        for half in range(2):
            lo = s * NPS + half * HS

            @pl.when(s < NS - 1)
            def _():
                pltpu.sync_copy(hbm.at[pl.ds(lo, HS)], astg.at[pl.ds(0, HS)])
                pltpu.sync_copy(astg.at[pl.ds(0, HS)], spm.at[pl.ds(lo, HS)])

        @pl.when(s == NS - 1)
        def _():
            pltpu.sync_copy(hbm.at[pl.ds((NS - 1) * NPS, HS)],
                            astg.at[pl.ds(0, HS)])
            pltpu.sync_copy(astg.at[pl.ds(0, HS)],
                            spm.at[pl.ds((NS - 1) * NPS, HS)])
            pltpu.sync_copy(hbm.at[pl.ds((NS - 1) * NPS + HS, NL - HS)],
                            astg.at[pl.ds(0, NL - HS)])
            pltpu.sync_copy(astg.at[pl.ds(0, NL - HS)],
                            spm.at[pl.ds((NS - 1) * NPS + HS, NL - HS)])
            pltpu.sync_copy(exbuf.at[pl.ds(0, L)], spm.at[pl.ds(N, L)])
    for k in range(7):
        ci = s + NS * k

        @pl.when(ci < NZC2)
        def _():
            pltpu.sync_copy(rowsb1,
                            out_acc.at[pl.ds(ci * CH2 * HID, CH2 * HID)])
            pltpu.sync_copy(exbuf, den_acc.at[pl.ds(ci * CH2, CH2)])
    plsc.subcore_barrier()

    m2 = m2_v[pl.ds(0, L)]
    cbase = c * HALF

    def _chunk(j, _):
        off = s * EPS2 + j * CH2
        pltpu.sync_copy(src_hbm.at[pl.ds(off, CH2)], src_v)
        pltpu.sync_copy(dst_hbm.at[pl.ds(off, CH2)], dst_v)
        pltpu.sync_copy(as_spm.at[src_v], asb)
        pltpu.sync_copy(ad_spm.at[dst_v], adb)
        pltpu.sync_copy(h2_hbm.at[src_v], rows_v)

        def _ex(g, _):
            d16 = dst_v[pl.ds(g * L, L)] - cbase
            ok = (d16 >= 0) & (d16 < HALF)
            dstl_v[pl.ds(g * L, L)] = jnp.where(ok, d16, HALF)
            e = asb[pl.ds(g * L, L)] + adb[pl.ds(g * L, L)]
            e = jnp.where(e > 0, e, e * LRELU)
            exbuf[pl.ds(g * L, L)] = jnp.exp(e - m2)
            return 0
        lax.fori_loop(0, CH2 // L, _ex, 0)

        def _sc(b, _):
            exv = exbuf[pl.ds(b * L, L)]
            dlv = dstl_v[pl.ds(b * L, L)]
            for k in range(L):
                ek = _bcast(exv[k])
                base = _bcast(dlv[k]) * HID + iota16
                r = b * L + k
                rowsb1[pl.ds(r * HID, L)] = rows_v[r, pl.ds(0, L)] * ek
                rowsb1[pl.ds(r * HID + L, L)] = rows_v[r, pl.ds(L, L)] * ek
                idxb[pl.ds(r * HID, L)] = base
                idxb[pl.ds(r * HID + L, L)] = base + L
            return 0
        lax.fori_loop(0, CH2 // L, _sc, 0)

        pltpu.sync_copy(rowsb1, out_acc.at[idxb], add=True)
        pltpu.sync_copy(exbuf, den_acc.at[dstl_v], add=True)
        return 0
    lax.fori_loop(0, CPT2, _chunk, 0)
    plsc.subcore_barrier()

    r0 = s * (HALFP // NS)
    o0 = s * ((HALFP * HID) // NS)
    for t in range(11):
        o = o0 + t * 4608
        pltpu.sync_copy(out_acc.at[pl.ds(o, 4608)], rowsb1.at[pl.ds(0, 4608)])
        pltpu.sync_copy(rowsb1.at[pl.ds(0, 4608)],
                        out2_hbm.at[pl.ds(c * HALFP * HID + o, 4608)])
    pltpu.sync_copy(den_acc.at[pl.ds(r0, HALFP // NS)],
                    astg.at[pl.ds(0, HALFP // NS)])
    pltpu.sync_copy(astg.at[pl.ds(0, HALFP // NS)],
                    den2_hbm.at[pl.ds(c * HALFP + r0, HALFP // NS)])


@functools.lru_cache(maxsize=None)
def _build_p2():
  return pl.kernel(
    _p2_body,
    out_type=(
        jax.ShapeDtypeStruct((NC * HALFP * HID,), jnp.float32),
        jax.ShapeDtypeStruct((NC * HALFP,), jnp.float32),
    ),
    mesh=plsc.VectorSubcoreMesh(core_axis_name="c", subcore_axis_name="s",
                                num_cores=NC, num_subcores=NS),
    scratch_types=[
        pltpu.VMEM((CH2,), jnp.int32),
        pltpu.VMEM((CH2,), jnp.int32),
        pltpu.VMEM((CH2,), jnp.int32),
        pltpu.VMEM((CH2,), jnp.float32),
        pltpu.VMEM((CH2,), jnp.float32),
        pltpu.VMEM((CH2, 128), jnp.float32),
        pltpu.VMEM((CH2 * HID,), jnp.float32),
        pltpu.VMEM((CH2 * HID,), jnp.int32),
        pltpu.VMEM((CH2,), jnp.float32),
        pltpu.VMEM((128,), jnp.float32),
        pltpu.VMEM((1584,), jnp.float32),
        pltpu.VMEM_SHARED((NP,), jnp.float32),
        pltpu.VMEM_SHARED((NP,), jnp.float32),
        pltpu.VMEM_SHARED((HALFP * HID,), jnp.float32),
        pltpu.VMEM_SHARED((HALFP,), jnp.float32),
    ],
  )


def _a_body(x_ref, out_ref, mxs_ref, mns_ref):
    i = pl.program_id(0)

    @pl.when(i == 0)
    def _():
        mxs_ref[...] = jnp.full_like(mxs_ref, -jnp.inf)
        mns_ref[...] = jnp.full_like(mns_ref, jnp.inf)

    mxs_ref[...] = jnp.maximum(mxs_ref[...], jnp.max(x_ref[...]))
    mns_ref[...] = jnp.minimum(mns_ref[...], jnp.min(x_ref[...]))

    @pl.when(i == NBLK - 1)
    def _():
        out_ref[0:1, :] = mxs_ref[...]
        out_ref[1:2, :] = mns_ref[...]


_stage_a = pl.pallas_call(
    _a_body,
    grid=(NBLK,),
    in_specs=[pl.BlockSpec((TB, 1), lambda i: (i, 0))],
    out_specs=pl.BlockSpec((2, 128), lambda i: (0, 0)),
    out_shape=jax.ShapeDtypeStruct((2, 128), jnp.float32),
    scratch_shapes=[
        pltpu.VMEM((1, 128), jnp.float32),
        pltpu.VMEM((1, 128), jnp.float32),
    ],
)


def _b_body(den_ref, num_ref, selw_ref, b1_ref, w2_ref, asw_ref, adw_ref,
            h2_ref, aso_ref, ado_ref, m2_ref, ms_ref, md_ref):
    i = pl.program_id(0)

    @pl.when(i == 0)
    def _():
        ms_ref[...] = jnp.full_like(ms_ref, -jnp.inf)
        md_ref[...] = jnp.full_like(md_ref, -jnp.inf)

    den = den_ref[0] + den_ref[1] + 1e-16
    s1 = (num_ref[0] + num_ref[1]) / den
    x1 = jnp.dot(s1, selw_ref[...], preferred_element_type=jnp.float32)
    x1 = jnp.maximum(x1 + b1_ref[...], 0.0)
    h2 = jnp.dot(x1, w2_ref[...], preferred_element_type=jnp.float32)
    h2_ref[...] = jnp.concatenate(
        [h2, jnp.zeros((TB, 128 - HID), jnp.float32)], axis=1)
    aso = jnp.dot(h2, asw_ref[...], preferred_element_type=jnp.float32)
    ado = jnp.dot(h2, adw_ref[...], preferred_element_type=jnp.float32)
    aso_ref[...] = aso
    ado_ref[...] = ado
    ms_ref[...] = jnp.maximum(ms_ref[...], jnp.max(aso))
    md_ref[...] = jnp.maximum(md_ref[...], jnp.max(ado))

    @pl.when(i == NBLK - 1)
    def _():
        t = ms_ref[...] + md_ref[...]
        m2_ref[...] = jnp.maximum(t, LRELU * t)


_stage_b = pl.pallas_call(
    _b_body,
    grid=(NBLK,),
    in_specs=[
        pl.BlockSpec((NC, TB, HEADS), lambda i: (0, i, 0)),
        pl.BlockSpec((NC, TB, HEADS), lambda i: (0, i, 0)),
        pl.BlockSpec((HEADS, HEADS * HID), lambda i: (0, 0)),
        pl.BlockSpec((1, HEADS * HID), lambda i: (0, 0)),
        pl.BlockSpec((HEADS * HID, HID), lambda i: (0, 0)),
        pl.BlockSpec((HID, 1), lambda i: (0, 0)),
        pl.BlockSpec((HID, 1), lambda i: (0, 0)),
    ],
    out_specs=[
        pl.BlockSpec((TB, 128), lambda i: (i, 0)),
        pl.BlockSpec((TB, 1), lambda i: (i, 0)),
        pl.BlockSpec((TB, 1), lambda i: (i, 0)),
        pl.BlockSpec((1, L), lambda i: (0, 0)),
    ],
    out_shape=[
        jax.ShapeDtypeStruct((N, 128), jnp.float32),
        jax.ShapeDtypeStruct((N, 1), jnp.float32),
        jax.ShapeDtypeStruct((N, 1), jnp.float32),
        jax.ShapeDtypeStruct((1, L), jnp.float32),
    ],
    scratch_shapes=[
        pltpu.VMEM((1, L), jnp.float32),
        pltpu.VMEM((1, L), jnp.float32),
    ],
)


def _c_body(o2_ref, d2_ref, batch_ref, b2_ref, wlin_ref, blin_ref,
            out_ref, sums_ref, cnt_ref):
    i = pl.program_id(0)

    @pl.when(i == 0)
    def _():
        sums_ref[...] = jnp.zeros_like(sums_ref)
        cnt_ref[...] = jnp.zeros_like(cnt_ref)

    den = d2_ref[...] + 1e-16
    x2 = o2_ref[...] / den + b2_ref[...]
    x2 = jnp.maximum(x2, 0.0)
    gid = lax.broadcasted_iota(jnp.int32, (TB, G), 1)
    p = (batch_ref[...] == gid).astype(jnp.float32)
    dn = (((0,), (0,)), ((), ()))
    sums_ref[...] += lax.dot_general(p, x2, dn, preferred_element_type=jnp.float32)
    cnt_ref[...] += lax.dot_general(p, jnp.ones_like(x2), dn,
                                    preferred_element_type=jnp.float32)

    @pl.when(i == NBLK - 1)
    def _():
        pooled = sums_ref[...] / jnp.maximum(cnt_ref[...], 1.0)
        logit = jnp.dot(pooled, wlin_ref[...],
                        preferred_element_type=jnp.float32) + blin_ref[...]
        out_ref[...] = jax.nn.sigmoid(logit)


_stage_c = pl.pallas_call(
    _c_body,
    grid=(NBLK,),
    in_specs=[
        pl.BlockSpec((TB, HID), lambda i: (i, 0)),
        pl.BlockSpec((TB, 1), lambda i: (i, 0)),
        pl.BlockSpec((TB, 1), lambda i: (i, 0)),
        pl.BlockSpec((1, HID), lambda i: (0, 0)),
        pl.BlockSpec((HID, 1), lambda i: (0, 0)),
        pl.BlockSpec((1, 1), lambda i: (0, 0)),
    ],
    out_specs=pl.BlockSpec((G, 1), lambda i: (0, 0)),
    out_shape=jax.ShapeDtypeStruct((G, 1), jnp.float32),
    scratch_shapes=[
        pltpu.VMEM((G, HID), jnp.float32),
        pltpu.VMEM((G, HID), jnp.float32),
    ],
)


def kernel(x, edge_index, batch, W1, a_src1, a_dst1, b1, W2, a_src2, a_dst2,
           b2, Wlin, blin):
    src = edge_index[0]
    dst = edge_index[1]
    npad = EP - E
    srcp = jnp.concatenate([src, jnp.zeros((npad,), jnp.int32)])
    dstp = jnp.concatenate([dst, jnp.full((npad,), N, jnp.int32)])
    xf = x[:, 0]

    w1r = W1.reshape(HEADS, HID)
    cs = jnp.sum(w1r * a_src1, axis=1)
    cd = jnp.sum(w1r * a_dst1, axis=1)
    mxmn = _stage_a(x)
    mx, mn = mxmn[0, 0], mxmn[1, 0]
    t1 = (jnp.maximum(cs * mx, cs * mn) + jnp.maximum(cd * mx, cd * mn))
    m1 = jnp.maximum(t1, LRELU * t1)
    cscd = jnp.repeat(jnp.concatenate([cs, cd, m1]), L)
    p1 = _build_p1()(xf, srcp, dstp, cscd)
    p1 = p1.reshape(HEADS, 2, NC, NP)
    den1 = p1[:, 0, :, :N].transpose(1, 2, 0)
    num1 = p1[:, 1, :, :N].transpose(1, 2, 0)

    selw = jnp.repeat(jnp.eye(HEADS, dtype=jnp.float32), HID, axis=1) * W1
    h2, aso, ado, m2 = _stage_b(den1, num1, selw, b1.reshape(1, -1), W2,
                                a_src2.reshape(HID, 1), a_dst2.reshape(HID, 1))

    out2f, den2f = _build_p2()(h2, aso.reshape(-1), ado.reshape(-1),
                               srcp, dstp, m2.reshape(L))
    out2 = out2f.reshape(NC, HALFP, HID)[:, :HALF, :].reshape(NC * HALF, HID)[:N]
    den2 = den2f.reshape(NC, HALFP)[:, :HALF].reshape(NC * HALF)[:N]

    outc = _stage_c(out2, den2.reshape(N, 1), batch.reshape(N, 1),
                    b2.reshape(1, -1), Wlin, blin.reshape(1, 1))
    return outc.reshape(G)

# --- scband reference (transcript-rebuilt; emitter-appended) ---
"""Pipeline reference for scband-ring-risk-gnn-90417651515945 (READ-ONLY COPY).

The authoritative reference and input builder live on the scoring server;
editing this copy changes nothing except your own understanding.
"""

import jax, jax.numpy as jnp
import numpy as np

N = 50000
E = 800000
HIDDEN = 32
HEADS = 4
G = 64


def setup_inputs(seed: int = 0) -> dict:
    key = jax.random.key(seed)
    ks = jax.random.split(key, 16)
    x = jax.random.normal(ks[0], (N, 1), dtype=jnp.float32)
    edge_index = jax.random.randint(ks[1], (2, E), 0, N, dtype=jnp.int32)
    batch = jnp.sort(jax.random.randint(ks[2], (N,), 0, G, dtype=jnp.int32))
    W1 = jax.random.normal(ks[3], (1, HEADS * HIDDEN), dtype=jnp.float32) * 0.5
    a_src1 = jax.random.normal(ks[4], (HEADS, HIDDEN), dtype=jnp.float32) * 0.1
    a_dst1 = jax.random.normal(ks[5], (HEADS, HIDDEN), dtype=jnp.float32) * 0.1
    b1 = jnp.zeros((HEADS * HIDDEN,), dtype=jnp.float32)
    W2 = jax.random.normal(ks[6], (HEADS * HIDDEN, HIDDEN), dtype=jnp.float32) * (1.0 / np.sqrt(HEADS * HIDDEN))
    a_src2 = jax.random.normal(ks[7], (1, HIDDEN), dtype=jnp.float32) * 0.1
    a_dst2 = jax.random.normal(ks[8], (1, HIDDEN), dtype=jnp.float32) * 0.1
    b2 = jnp.zeros((HIDDEN,), dtype=jnp.float32)
    Wlin = jax.random.normal(ks[9], (HIDDEN, 1), dtype=jnp.float32) * (1.0 / np.sqrt(HIDDEN))
    blin = jnp.zeros((1,), dtype=jnp.float32)
    return {"x": x, "edge_index": edge_index, "batch": batch, "W1": W1, "a_src1": a_src1, "a_dst1": a_dst1, "b1": b1, "W2": W2, "a_src2": a_src2, "a_dst2": a_dst2, "b2": b2, "Wlin": Wlin, "blin": blin}


def _gat_conv(x, src, dst, W, a_src, a_dst, b, heads, ch, concat):
    n = x.shape[0]
    h = (x @ W).reshape(n, heads, ch)
    alpha_src = jnp.sum(h * a_src[None, :, :], axis=-1)
    alpha_dst = jnp.sum(h * a_dst[None, :, :], axis=-1)
    e = alpha_src[src] + alpha_dst[dst]
    e = jnp.where(e > 0, e, 0.2 * e)
    m = jax.ops.segment_max(e, dst, num_segments=n)
    m = jnp.where(jnp.isfinite(m), m, 0.0)
    ex = jnp.exp(e - jax.lax.stop_gradient(m)[dst])
    denom = jax.ops.segment_sum(ex, dst, num_segments=n)
    alpha = ex / (denom[dst] + 1e-16)
    msg = h[src] * alpha[:, :, None]
    out = jax.ops.segment_sum(msg, dst, num_segments=n)
    if concat:
        out = out.reshape(n, heads * ch)
    else:
        out = jnp.mean(out, axis=1)
    return out + b


def reference(x, edge_index, batch, W1, a_src1, a_dst1, b1, W2, a_src2, a_dst2, b2, Wlin, blin):
    src = edge_index[0]
    dst = edge_index[1]
    x1 = jax.nn.relu(_gat_conv(x, src, dst, W1, a_src1, a_dst1, b1, HEADS, HIDDEN, True))
    # dropout is identity in eval mode
    x2 = jax.nn.relu(_gat_conv(x1, src, dst, W2, a_src2, a_dst2, b2, 1, HIDDEN, True))
    sums = jax.ops.segment_sum(x2, batch, num_segments=G)
    cnt = jax.ops.segment_sum(jnp.ones((x2.shape[0],), jnp.float32), batch, num_segments=G)
    pooled = sums / jnp.maximum(cnt, 1.0)[:, None]
    out = jax.nn.sigmoid(pooled @ Wlin + blin)
    return jnp.squeeze(out, -1)

if __name__ == "__main__":
    import jax
    _d = setup_inputs()
    print(jax.jit(kernel)(*tuple(_d.values())))

</pallas_src>

<mosaic_0001>
#map = affine_map<(d0, d1) -> (0)>
module attributes {stable_mosaic.version = 14 : i64} {
  func.func @_p1_body(%arg0: i32, %arg1: i32, %arg2: memref<50000xf32, #tpu.memory_space<hbm>>, %arg3: memref<802816xi32, #tpu.memory_space<hbm>>, %arg4: memref<802816xi32, #tpu.memory_space<hbm>>, %arg5: memref<192xf32, #tpu.memory_space<hbm>>, %arg6: memref<802816xf32, #tpu.memory_space<hbm>>, %arg7: memref<192xf32, #tpu.memory_space<vmem>>, %arg8: memref<512xi32, #tpu.memory_space<vmem>>, %arg9: memref<512xi32, #tpu.memory_space<vmem>>, %arg10: memref<512xf32, #tpu.memory_space<vmem>>, %arg11: memref<512xf32, #tpu.memory_space<vmem>>, %arg12: memref<3136xf32, #tpu.memory_space<vmem>>, %arg13: memref<512xf32, #tpu.memory_space<vmem>>, %arg14: memref<512xf32, #tpu.memory_space<vmem>>, %arg15: memref<512xf32, #tpu.memory_space<vmem>>, %arg16: memref<512xf32, #tpu.memory_space<vmem>>, %arg17: memref<512xf32, #tpu.memory_space<vmem>>, %arg18: memref<512xf32, #tpu.memory_space<vmem>>, %arg19: memref<512xf32, #tpu.memory_space<vmem>>, %arg20: memref<512xf32, #tpu.memory_space<vmem>>, %arg21: memref<50176xf32, #tpu.memory_space<vmem_shared>>, %arg22: memref<50176xf32, #tpu.memory_space<vmem_shared>>, %arg23: memref<50176xf32, #tpu.memory_space<vmem_shared>>, %arg24: memref<50176xf32, #tpu.memory_space<vmem_shared>>, %arg25: memref<50176xf32, #tpu.memory_space<vmem_shared>>, %arg26: memref<50176xf32, #tpu.memory_space<vmem_shared>>, %arg27: memref<50176xf32, #tpu.memory_space<vmem_shared>>, %arg28: memref<50176xf32, #tpu.memory_space<vmem_shared>>, %arg29: memref<50176xf32, #tpu.memory_space<vmem_shared>>) attributes {dimension_semantics = [#tpu.dimension_semantics<core_parallel>, #tpu.dimension_semantics<subcore_parallel>], iteration_bounds = array<i64: 2, 16>, scalar_prefetch = 0 : i64, scratch_operands = 23 : i64, tpu.core_type = #tpu.core_type<sc_vector_subcore>, window_params = [{transform_indices = #map}, {transform_indices = #map}, {transform_indices = #map}, {transform_indices = #map}, {transform_indices = #map}]} {
    "tpu.region"() ({
      %run_scoped3A = tpu.sem_alloc : memref<!tpu.dma_semaphore, #tpu.memory_space<semaphore_mem>>
      tpu.enqueue_dma source(%arg5 : memref<192xf32, #tpu.memory_space<hbm>>) target(%arg7 : memref<192xf32, #tpu.memory_space<vmem>>) target_semaphore(%run_scoped3A : memref<!tpu.dma_semaphore, #tpu.memory_space<semaphore_mem>>)
      tpu.wait_dma2 semaphore(%run_scoped3A : memref<!tpu.dma_semaphore, #tpu.memory_space<semaphore_mem>>) src(%arg5 : memref<192xf32, #tpu.memory_space<hbm>>) dst(%arg7 : memref<192xf32, #tpu.memory_space<vmem>>)
      tpu.yield
    }) : () -> ()
    %scan3A = arith.constant 0 : i32
    %scan3A_0 = arith.constant 0 : i32
    %scan3A_1 = arith.constant 32 : i32
    %scan3A_2 = arith.addi %scan3A_0, %scan3A_1 : i32
    %scan3A_3 = arith.constant 1 : i32
    %scan3A_4 = scf.for %scan3A_149 = %scan3A_0 to %scan3A_2 step %scan3A_3 iter_args(%scan3A_150 = %scan3A) -> (i32)  : i32 {
      %broadcast_in_dim3A = arith.constant 0.000000e+00 : f32
      %broadcast_in_dim3A_151 = vector.broadcast %broadcast_in_dim3A : f32 to vector<16xf32>
      %mul3A_152 = arith.constant 16 : i32
      %mul3A_153 = arith.muli %scan3A_149, %mul3A_152 : i32
      %swap3A = arith.index_cast %mul3A_153 : i32 to index
      %swap3A_154 = tpu.vector_load %arg13[%swap3A] {strides = array<i32>} : memref<512xf32, #tpu.memory_space<vmem>>, vector<16xf32>,
      %swap3A_155 = vector.shape_cast %swap3A_154 : vector<16xf32> to vector<16xf32>
      %swap3A_156 = vector.shape_cast %broadcast_in_dim3A_151 : vector<16xf32> to vector<16xf32>
      tpu.vector_store %arg13[%swap3A], %swap3A_156 {strides = array<i32>} : memref<512xf32, #tpu.memory_space<vmem>>, vector<16xf32>,
      %scan3A_157 = arith.constant 0 : i32
      scf.yield %scan3A_157 : i32
    }
    %scan3A_5 = arith.constant 32 : i32
    %lt3A = arith.constant 15 : i32
    %lt3A_6 = arith.cmpi slt, %arg1, %lt3A : i32
    %convert_element_type3A = arith.extui %lt3A_6 : i1 to i32
    %cond3A = arith.constant 0 : i32
    %cond3A_7 = arith.cmpi ne, %convert_element_type3A, %cond3A : i32
    scf.if %cond3A_7 {
      %mul3A_149 = arith.constant 3136 : i32
      %mul3A_150 = arith.muli %arg1, %mul3A_149 : i32
      "tpu.region"() ({
        %run_scoped3A = tpu.sem_alloc : memref<!tpu.dma_semaphore, #tpu.memory_space<semaphore_mem>>
        %dma_start3A = tpu.memref_slice %arg2[%mul3A_150] : memref<50000xf32, #tpu.memory_space<hbm>> -> memref<3136xf32, #tpu.memory_space<hbm>>
        %dma_start3A_153 = tpu.memref_slice %arg2[%mul3A_150] : memref<50000xf32, #tpu.memory_space<hbm>> -> memref<3136xf32, #tpu.memory_space<hbm>>
        tpu.enqueue_dma source(%dma_start3A_153 : memref<3136xf32, #tpu.memory_space<hbm>>) target(%arg12 : memref<3136xf32, #tpu.memory_space<vmem>>) target_semaphore(%run_scoped3A : memref<!tpu.dma_semaphore, #tpu.memory_space<semaphore_mem>>)
        %dma_wait3A = tpu.memref_slice %arg2[%mul3A_150] : memref<50000xf32, #tpu.memory_space<hbm>> -> memref<3136xf32, #tpu.memory_space<hbm>>
        %dma_wait3A_154 = tpu.memref_slice %arg2[%mul3A_150] : memref<50000xf32, #tpu.memory_space<hbm>> -> memref<3136xf32, #tpu.memory_space<hbm>>
        tpu.wait_dma2 semaphore(%run_scoped3A : memref<!tpu.dma_semaphore, #tpu.memory_space<semaphore_mem>>) src(%dma_wait3A_154 : memref<3136xf32, #tpu.memory_space<hbm>>) dst(%arg12 : memref<3136xf32, #tpu.memory_space<vmem>>)
        tpu.yield
      }) : () -> ()
      %mul3A_151 = arith.constant 3136 : i32
      %mul3A_152 = arith.muli %arg1, %mul3A_151 : i32
      "tpu.region"() ({
        %run_scoped3A = tpu.sem_alloc : memref<!tpu.dma_semaphore, #tpu.memory_space<semaphore_mem>>
        %dma_start3A = tpu.memref_slice %arg21[%mul3A_152] : memref<50176xf32, #tpu.memory_space<vmem_shared>> -> memref<3136xf32, #tpu.memory_space<vmem_shared>>
        %dma_start3A_153 = tpu.memref_slice %arg21[%mul3A_152] : memref<50176xf32, #tpu.memory_space<vmem_shared>> -> memref<3136xf32, #tpu.memory_space<vmem_shared>>
        tpu.enqueue_dma source(%arg12 : memref<3136xf32, #tpu.memory_space<vmem>>) target(%dma_start3A_153 : memref<3136xf32, #tpu.memory_space<vmem_shared>>) target_semaphore(%run_scoped3A : memref<!tpu.dma_semaphore, #tpu.memory_space<semaphore_mem>>)
        %dma_wait3A = tpu.memref_slice %arg21[%mul3A_152] : memref<50176xf32, #tpu.memory_space<vmem_shared>> -> memref<3136xf32, #tpu.memory_space<vmem_shared>>
        %dma_wait3A_154 = tpu.memref_slice %arg21[%mul3A_152] : memref<50176xf32, #tpu.memory_space<vmem_shared>> -> memref<3136xf32, #tpu.memory_space<vmem_shared>>
        tpu.wait_dma2 semaphore(%run_scoped3A : memref<!tpu.dma_semaphore, #tpu.memory_space<semaphore_mem>>) src(%arg12 : memref<3136xf32, #tpu.memory_space<vmem>>) dst(%dma_wait3A_154 : memref<3136xf32, #tpu.memory_space<vmem_shared>>)
        tpu.yield
      }) : () -> ()
    } else {
    }
    %eq3A = arith.constant 15 : i32
    %eq3A_8 = arith.cmpi eq, %arg1, %eq3A : i32
    %convert_element_type3A_9 = arith.extui %eq3A_8 : i1 to i32
    %cond3A_10 = arith.constant 0 : i32
    %cond3A_11 = arith.cmpi ne, %convert_element_type3A_9, %cond3A_10 : i32
    scf.if %cond3A_11 {
      "tpu.region"() ({
        %run_scoped3A = tpu.sem_alloc : memref<!tpu.dma_semaphore, #tpu.memory_space<semaphore_mem>>
        %dma_start3A = arith.constant 0 : i32
        %dma_start3A_149 = tpu.memref_slice %arg12[%dma_start3A] : memref<3136xf32, #tpu.memory_space<vmem>> -> memref<2960xf32, #tpu.memory_space<vmem>>
        %dma_start3A_150 = arith.constant 47040 : i32
        %dma_start3A_151 = tpu.memref_slice %arg2[%dma_start3A_150] : memref<50000xf32, #tpu.memory_space<hbm>> -> memref<2960xf32, #tpu.memory_space<hbm>>
        %dma_start3A_152 = arith.constant 0 : i32
        %dma_start3A_153 = tpu.memref_slice %arg12[%dma_start3A_152] : memref<3136xf32, #tpu.memory_space<vmem>> -> memref<2960xf32, #tpu.memory_space<vmem>>
        %dma_start3A_154 = arith.constant 47040 : i32
        %dma_start3A_155 = tpu.memref_slice %arg2[%dma_start3A_154] : memref<50000xf32, #tpu.memory_space<hbm>> -> memref<2960xf32, #tpu.memory_space<hbm>>
        tpu.enqueue_dma source(%dma_start3A_155 : memref<2960xf32, #tpu.memory_space<hbm>>) target(%dma_start3A_153 : memref<2960xf32, #tpu.memory_space<vmem>>) target_semaphore(%run_scoped3A : memref<!tpu.dma_semaphore, #tpu.memory_space<semaphore_mem>>)
        %dma_wait3A = arith.constant 0 : i32
        %dma_wait3A_156 = tpu.memref_slice %arg12[%dma_wait3A] : memref<3136xf32, #tpu.memory_space<vmem>> -> memref<2960xf32, #tpu.memory_space<vmem>>
        %dma_wait3A_157 = arith.constant 47040 : i32
        %dma_wait3A_158 = tpu.memref_slice %arg2[%dma_wait3A_157] : memref<50000xf32, #tpu.memory_space<hbm>> -> memref<2960xf32, #tpu.memory_space<hbm>>
        %dma_wait3A_159 = arith.constant 0 : i32
        %dma_wait3A_160 = tpu.memref_slice %arg12[%dma_wait3A_159] : memref<3136xf32, #tpu.memory_space<vmem>> -> memref<2960xf32, #tpu.memory_space<vmem>>
        %dma_wait3A_161 = arith.constant 47040 : i32
        %dma_wait3A_162 = tpu.memref_slice %arg2[%dma_wait3A_161] : memref<50000xf32, #tpu.memory_space<hbm>> -> memref<2960xf32, #tpu.memory_space<hbm>>
        tpu.wait_dma2 semaphore(%run_scoped3A : memref<!tpu.dma_semaphore, #tpu.memory_space<semaphore_mem>>) src(%dma_wait3A_162 : memref<2960xf32, #tpu.memory_space<hbm>>) dst(%dma_wait3A_160 : memref<2960xf32, #tpu.memory_space<vmem>>)
        tpu.yield
      }) : () -> ()
      "tpu.region"() ({
        %run_scoped3A = tpu.sem_alloc : memref<!tpu.dma_semaphore, #tpu.memory_space<semaphore_mem>>
        %dma_start3A = arith.constant 0 : i32
        %dma_start3A_149 = tpu.memref_slice %arg12[%dma_start3A] : memref<3136xf32, #tpu.memory_space<vmem>> -> memref<2960xf32, #tpu.memory_space<vmem>>
        %dma_start3A_150 = arith.constant 47040 : i32
        %dma_start3A_151 = tpu.memref_slice %arg21[%dma_start3A_150] : memref<50176xf32, #tpu.memory_space<vmem_shared>> -> memref<2960xf32, #tpu.memory_space<vmem_shared>>
        %dma_start3A_152 = arith.constant 47040 : i32
        %dma_start3A_153 = tpu.memref_slice %arg21[%dma_start3A_152] : memref<50176xf32, #tpu.memory_space<vmem_shared>> -> memref<2960xf32, #tpu.memory_space<vmem_shared>>
        %dma_start3A_154 = arith.constant 0 : i32
        %dma_start3A_155 = tpu.memref_slice %arg12[%dma_start3A_154] : memref<3136xf32, #tpu.memory_space<vmem>> -> memref<2960xf32, #tpu.memory_space<vmem>>
        tpu.enqueue_dma source(%dma_start3A_155 : memref<2960xf32, #tpu.memory_space<vmem>>) target(%dma_start3A_153 : memref<2960xf32, #tpu.memory_space<vmem_shared>>) target_semaphore(%run_scoped3A : memref<!tpu.dma_semaphore, #tpu.memory_space<semaphore_mem>>)
        %dma_wait3A = arith.constant 0 : i32
        %dma_wait3A_156 = tpu.memref_slice %arg12[%dma_wait3A] : memref<3136xf32, #tpu.memory_space<vmem>> -> memref<2960xf32, #tpu.memory_space<vmem>>
        %dma_wait3A_157 = arith.constant 47040 : i32
        %dma_wait3A_158 = tpu.memref_slice %arg21[%dma_wait3A_157] : memref<50176xf32, #tpu.memory_space<vmem_shared>> -> memref<2960xf32, #tpu.memory_space<vmem_shared>>
        %dma_wait3A_159 = arith.constant 47040 : i32
        %dma_wait3A_160 = tpu.memref_slice %arg21[%dma_wait3A_159] : memref<50176xf32, #tpu.memory_space<vmem_shared>> -> memref<2960xf32, #tpu.memory_space<vmem_shared>>
        %dma_wait3A_161 = arith.constant 0 : i32
        %dma_wait3A_162 = tpu.memref_slice %arg12[%dma_wait3A_161] : memref<3136xf32, #tpu.memory_space<vmem>> -> memref<2960xf32, #tpu.memory_space<vmem>>
        tpu.wait_dma2 semaphore(%run_scoped3A : memref<!tpu.dma_semaphore, #tpu.memory_space<semaphore_mem>>) src(%dma_wait3A_162 : memref<2960xf32, #tpu.memory_space<vmem>>) dst(%dma_wait3A_160 : memref<2960xf32, #tpu.memory_space<vmem_shared>>)
        tpu.yield
      }) : () -> ()
      "tpu.region"() ({
        %run_scoped3A = tpu.sem_alloc : memref<!tpu.dma_semaphore, #tpu.memory_space<semaphore_mem>>
        %dma_start3A = arith.constant 0 : i32
        %dma_start3A_149 = tpu.memref_slice %arg13[%dma_start3A] : memref<512xf32, #tpu.memory_space<vmem>> -> memref<16xf32, #tpu.memory_space<vmem>>
        %dma_start3A_150 = arith.constant 50000 : i32
        %dma_start3A_151 = tpu.memref_slice %arg21[%dma_start3A_150] : memref<50176xf32, #tpu.memory_space<vmem_shared>> -> memref<16xf32, #tpu.memory_space<vmem_shared>>
        %dma_start3A_152 = arith.constant 50000 : i32
        %dma_start3A_153 = tpu.memref_slice %arg21[%dma_start3A_152] : memref<50176xf32, #tpu.memory_space<vmem_shared>> -> memref<16xf32, #tpu.memory_space<vmem_shared>>
        %dma_start3A_154 = arith.constant 0 : i32
        %dma_start3A_155 = tpu.memref_slice %arg13[%dma_start3A_154] : memref<512xf32, #tpu.memory_space<vmem>> -> memref<16xf32, #tpu.memory_space<vmem>>
        tpu.enqueue_dma source(%dma_start3A_155 : memref<16xf32, #tpu.memory_space<vmem>>) target(%dma_start3A_153 : memref<16xf32, #tpu.memory_space<vmem_shared>>) target_semaphore(%run_scoped3A : memref<!tpu.dma_semaphore, #tpu.memory_space<semaphore_mem>>)
        %dma_wait3A = arith.constant 0 : i32
        %dma_wait3A_156 = tpu.memref_slice %arg13[%dma_wait3A] : memref<512xf32, #tpu.memory_space<vmem>> -> memref<16xf32, #tpu.memory_space<vmem>>
        %dma_wait3A_157 = arith.constant 50000 : i32
        %dma_wait3A_158 = tpu.memref_slice %arg21[%dma_wait3A_157] : memref<50176xf32, #tpu.memory_space<vmem_shared>> -> memref<16xf32, #tpu.memory_space<vmem_shared>>
        %dma_wait3A_159 = arith.constant 50000 : i32
        %dma_wait3A_160 = tpu.memref_slice %arg21[%dma_wait3A_159] : memref<50176xf32, #tpu.memory_space<vmem_shared>> -> memref<16xf32, #tpu.memory_space<vmem_shared>>
        %dma_wait3A_161 = arith.constant 0 : i32
        %dma_wait3A_162 = tpu.memref_slice %arg13[%dma_wait3A_161] : memref<512xf32, #tpu.memory_space<vmem>> -> memref<16xf32, #tpu.memory_space<vmem>>
        tpu.wait_dma2 semaphore(%run_scoped3A : memref<!tpu.dma_semaphore, #tpu.memory_space<semaphore_mem>>) src(%dma_wait3A_162 : memref<16xf32, #tpu.memory_space<vmem>>) dst(%dma_wait3A_160 : memref<16xf32, #tpu.memory_space<vmem_shared>>)
        tpu.yield
      }) : () -> ()
    } else {
    }
    %add3A = arith.constant 0 : i32
    %add3A_12 = arith.addi %arg1, %add3A : i32
    %lt3A_13 = arith.constant 98 : i32
    %lt3A_14 = arith.cmpi slt, %add3A_12, %lt3A_13 : i32
    %convert_element_type3A_15 = arith.extui %lt3A_14 : i1 to i32
    %cond3A_16 = arith.constant 0 : i32
    %cond3A_17 = arith.cmpi ne, %convert_element_type3A_15, %cond3A_16 : i32
    scf.if %cond3A_17 {
      %mul3A_149 = arith.constant 512 : i32
      %mul3A_150 = arith.muli %add3A_12, %mul3A_149 : i32
      "tpu.region"() ({
        %run_scoped3A = tpu.sem_alloc : memref<!tpu.dma_semaphore, #tpu.memory_space<semaphore_mem>>
        %dma_start3A = tpu.memref_slice %arg22[%mul3A_150] : memref<50176xf32, #tpu.memory_space<vmem_shared>> -> memref<512xf32, #tpu.memory_space<vmem_shared>>
        %dma_start3A_165 = tpu.memref_slice %arg22[%mul3A_150] : memref<50176xf32, #tpu.memory_space<vmem_shared>> -> memref<512xf32, #tpu.memory_space<vmem_shared>>
        tpu.enqueue_dma source(%arg13 : memref<512xf32, #tpu.memory_space<vmem>>) target(%dma_start3A_165 : memref<512xf32, #tpu.memory_space<vmem_shared>>) target_semaphore(%run_scoped3A : memref<!tpu.dma_semaphore, #tpu.memory_space<semaphore_mem>>)
        %dma_wait3A = tpu.memref_slice %arg22[%mul3A_150] : memref<50176xf32, #tpu.memory_space<vmem_shared>> -> memref<512xf32, #tpu.memory_space<vmem_shared>>
        %dma_wait3A_166 = tpu.memref_slice %arg22[%mul3A_150] : memref<50176xf32, #tpu.memory_space<vmem_shared>> -> memref<512xf32, #tpu.memory_space<vmem_shared>>
        tpu.wait_dma2 semaphore(%run_scoped3A : memref<!tpu.dma_semaphore, #tpu.memory_space<semaphore_mem>>) src(%arg13 : memref<512xf32, #tpu.memory_space<vmem>>) dst(%dma_wait3A_166 : memref<512xf32, #tpu.memory_space<vmem_shared>>)
        tpu.yield
      }) : () -> ()
      %mul3A_151 = arith.constant 512 : i32
      %mul3A_152 = arith.muli %add3A_12, %mul3A_151 : i32
      "tpu.region"() ({
        %run_scoped3A = tpu.sem_alloc : memref<!tpu.dma_semaphore, #tpu.memory_space<semaphore_mem>>
        %dma_start3A = tpu.memref_slice %arg23[%mul3A_152] : memref<50176xf32, #tpu.memory_space<vmem_shared>> -> memref<512xf32, #tpu.memory_space<vmem_shared>>
        %dma_start3A_165 = tpu.memref_slice %arg23[%mul3A_152] : memref<50176xf32, #tpu.memory_space<vmem_shared>> -> memref<512xf32, #tpu.memory_space<vmem_shared>>
        tpu.enqueue_dma source(%arg13 : memref<512xf32, #tpu.memory_space<vmem>>) target(%dma_start3A_165 : memref<512xf32, #tpu.memory_space<vmem_shared>>) target_semaphore(%run_scoped3A : memref<!tpu.dma_semaphore, #tpu.memory_space<semaphore_mem>>)
        %dma_wait3A = tpu.memref_slice %arg23[%mul3A_152] : memref<50176xf32, #tpu.memory_space<vmem_shared>> -> memref<512xf32, #tpu.memory_space<vmem_shared>>
        %dma_wait3A_166 = tpu.memref_slice %arg23[%mul3A_152] : memref<50176xf32, #tpu.memory_space<vmem_shared>> -> memref<512xf32, #tpu.memory_space<vmem_shared>>
        tpu.wait_dma2 semaphore(%run_scoped3A : memref<!tpu.dma_semaphore, #tpu.memory_space<semaphore_mem>>) src(%arg13 : memref<512xf32, #tpu.memory_space<vmem>>) dst(%dma_wait3A_166 : memref<512xf32, #tpu.memory_space<vmem_shared>>)
        tpu.yield
      }) : () -> ()
      %mul3A_153 = arith.constant 512 : i32
      %mul3A_154 = arith.muli %add3A_12, %mul3A_153 : i32
      "tpu.region"() ({
        %run_scoped3A = tpu.sem_alloc : memref<!tpu.dma_semaphore, #tpu.memory_space<semaphore_mem>>
        %dma_start3A = tpu.memref_slice %arg24[%mul3A_154] : memref<50176xf32, #tpu.memory_space<vmem_shared>> -> memref<512xf32, #tpu.memory_space<vmem_shared>>
        %dma_start3A_165 = tpu.memref_slice %arg24[%mul3A_154] : memref<50176xf32, #tpu.memory_space<vmem_shared>> -> memref<512xf32, #tpu.memory_space<vmem_shared>>
        tpu.enqueue_dma source(%arg13 : memref<512xf32, #tpu.memory_space<vmem>>) target(%dma_start3A_165 : memref<512xf32, #tpu.memory_space<vmem_shared>>) target_semaphore(%run_scoped3A : memref<!tpu.dma_semaphore, #tpu.memory_space<semaphore_mem>>)
        %dma_wait3A = tpu.memref_slice %arg24[%mul3A_154] : memref<50176xf32, #tpu.memory_space<vmem_shared>> -> memref<512xf32, #tpu.memory_space<vmem_shared>>
        %dma_wait3A_166 = tpu.memref_slice %arg24[%mul3A_154] : memref<50176xf32, #tpu.memory_space<vmem_shared>> -> memref<512xf32, #tpu.memory_space<vmem_shared>>
        tpu.wait_dma2 semaphore(%run_scoped3A : memref<!tpu.dma_semaphore, #tpu.memory_space<semaphore_mem>>) src(%arg13 : memref<512xf32, #tpu.memory_space<vmem>>) dst(%dma_wait3A_166 : memref<512xf32, #tpu.memory_space<vmem_shared>>)
        tpu.yield
      }) : () -> ()
      %mul3A_155 = arith.constant 512 : i32
      %mul3A_156 = arith.muli %add3A_12, %mul3A_155 : i32
      "tpu.region"() ({
        %run_scoped3A = tpu.sem_alloc : memref<!tpu.dma_semaphore, #tpu.memory_space<semaphore_mem>>
        %dma_start3A = tpu.memref_slice %arg25[%mul3A_156] : memref<50176xf32, #tpu.memory_space<vmem_shared>> -> memref<512xf32, #tpu.memory_space<vmem_shared>>
        %dma_start3A_165 = tpu.memref_slice %arg25[%mul3A_156] : memref<50176xf32, #tpu.memory_space<vmem_shared>> -> memref<512xf32, #tpu.memory_space<vmem_shared>>
        tpu.enqueue_dma source(%arg13 : memref<512xf32, #tpu.memory_space<vmem>>) target(%dma_start3A_165 : memref<512xf32, #tpu.memory_space<vmem_shared>>) target_semaphore(%run_scoped3A : memref<!tpu.dma_semaphore, #tpu.memory_space<semaphore_mem>>)
        %dma_wait3A = tpu.memref_slice %arg25[%mul3A_156] : memref<50176xf32, #tpu.memory_space<vmem_shared>> -> memref<512xf32, #tpu.memory_space<vmem_shared>>
        %dma_wait3A_166 = tpu.memref_slice %arg25[%mul3A_156] : memref<50176xf32, #tpu.memory_space<vmem_shared>> -> memref<512xf32, #tpu.memory_space<vmem_shared>>
        tpu.wait_dma2 semaphore(%run_scoped3A : memref<!tpu.dma_semaphore, #tpu.memory_space<semaphore_mem>>) src(%arg13 : memref<512xf32, #tpu.memory_space<vmem>>) dst(%dma_wait3A_166 : memref<512xf32, #tpu.memory_space<vmem_shared>>)
        tpu.yield
      }) : () -> ()
      %mul3A_157 = arith.constant 512 : i32
      %mul3A_158 = arith.muli %add3A_12, %mul3A_157 : i32
      "tpu.region"() ({
        %run_scoped3A = tpu.sem_alloc : memref<!tpu.dma_semaphore, #tpu.memory_space<semaphore_mem>>
        %dma_start3A = tpu.memref_slice %arg26[%mul3A_158] : memref<50176xf32, #tpu.memory_space<vmem_shared>> -> memref<512xf32, #tpu.memory_space<vmem_shared>>
        %dma_start3A_165 = tpu.memref_slice %arg26[%mul3A_158] : memref<50176xf32, #tpu.memory_space<vmem_shared>> -> memref<512xf32, #tpu.memory_space<vmem_shared>>
        tpu.enqueue_dma source(%arg13 : memref<512xf32, #tpu.memory_space<vmem>>) target(%dma_start3A_165 : memref<512xf32, #tpu.memory_space<vmem_shared>>) target_semaphore(%run_scoped3A : memref<!tpu.dma_semaphore, #tpu.memory_space<semaphore_mem>>)
        %dma_wait3A = tpu.memref_slice %arg26[%mul3A_158] : memref<50176xf32, #tpu.memory_space<vmem_shared>> -> memref<512xf32, #tpu.memory_space<vmem_shared>>
        %dma_wait3A_166 = tpu.memref_slice %arg26[%mul3A_158] : memref<50176xf32, #tpu.memory_space<vmem_shared>> -> memref<512xf32, #tpu.memory_space<vmem_shared>>
        tpu.wait_dma2 semaphore(%run_scoped3A : memref<!tpu.dma_semaphore, #tpu.memory_space<semaphore_mem>>) src(%arg13 : memref<512xf32, #tpu.memory_space<vmem>>) dst(%dma_wait3A_166 : memref<512xf32, #tpu.memory_space<vmem_shared>>)
        tpu.yield
      }) : () -> ()
      %mul3A_159 = arith.constant 512 : i32
      %mul3A_160 = arith.muli %add3A_12, %mul3A_159 : i32
      "tpu.region"() ({
        %run_scoped3A = tpu.sem_alloc : memref<!tpu.dma_semaphore, #tpu.memory_space<semaphore_mem>>
        %dma_start3A = tpu.memref_slice %arg27[%mul3A_160] : memref<50176xf32, #tpu.memory_space<vmem_shared>> -> memref<512xf32, #tpu.memory_space<vmem_shared>>
        %dma_start3A_165 = tpu.memref_slice %arg27[%mul3A_160] : memref<50176xf32, #tpu.memory_space<vmem_shared>> -> memref<512xf32, #tpu.memory_space<vmem_shared>>
        tpu.enqueue_dma source(%arg13 : memref<512xf32, #tpu.memory_space<vmem>>) target(%dma_start3A_165 : memref<512xf32, #tpu.memory_space<vmem_shared>>) target_semaphore(%run_scoped3A : memref<!tpu.dma_semaphore, #tpu.memory_space<semaphore_mem>>)
        %dma_wait3A = tpu.memref_slice %arg27[%mul3A_160] : memref<50176xf32, #tpu.memory_space<vmem_shared>> -> memref<512xf32, #tpu.memory_space<vmem_shared>>
        %dma_wait3A_166 = tpu.memref_slice %arg27[%mul3A_160] : memref<50176xf32, #tpu.memory_space<vmem_shared>> -> memref<512xf32, #tpu.memory_space<vmem_shared>>
        tpu.wait_dma2 semaphore(%run_scoped3A : memref<!tpu.dma_semaphore, #tpu.memory_space<semaphore_mem>>) src(%arg13 : memref<512xf32, #tpu.memory_space<vmem>>) dst(%dma_wait3A_166 : memref<512xf32, #tpu.memory_space<vmem_shared>>)
        tpu.yield
      }) : () -> ()
      %mul3A_161 = arith.constant 512 : i32
      %mul3A_162 = arith.muli %add3A_12, %mul3A_161 : i32
      "tpu.region"() ({
        %run_scoped3A = tpu.sem_alloc : memref<!tpu.dma_semaphore, #tpu.memory_space<semaphore_mem>>
        %dma_start3A = tpu.memref_slice %arg28[%mul3A_162] : memref<50176xf32, #tpu.memory_space<vmem_shared>> -> memref<512xf32, #tpu.memory_space<vmem_shared>>
        %dma_start3A_165 = tpu.memref_slice %arg28[%mul3A_162] : memref<50176xf32, #tpu.memory_space<vmem_shared>> -> memref<512xf32, #tpu.memory_space<vmem_shared>>
        tpu.enqueue_dma source(%arg13 : memref<512xf32, #tpu.memory_space<vmem>>) target(%dma_start3A_165 : memref<512xf32, #tpu.memory_space<vmem_shared>>) target_semaphore(%run_scoped3A : memref<!tpu.dma_semaphore, #tpu.memory_space<semaphore_mem>>)
        %dma_wait3A = tpu.memref_slice %arg28[%mul3A_162] : memref<50176xf32, #tpu.memory_space<vmem_shared>> -> memref<512xf32, #tpu.memory_space<vmem_shared>>
        %dma_wait3A_166 = tpu.memref_slice %arg28[%mul3A_162] : memref<50176xf32, #tpu.memory_space<vmem_shared>> -> memref<512xf32, #tpu.memory_space<vmem_shared>>
        tpu.wait_dma2 semaphore(%run_scoped3A : memref<!tpu.dma_semaphore, #tpu.memory_space<semaphore_mem>>) src(%arg13 : memref<512xf32, #tpu.memory_space<vmem>>) dst(%dma_wait3A_166 : memref<512xf32, #tpu.memory_space<vmem_shared>>)
        tpu.yield
      }) : () -> ()
      %mul3A_163 = arith.constant 512 : i32
      %mul3A_164 = arith.muli %add3A_12, %mul3A_163 : i32
      "tpu.region"() ({
        %run_scoped3A = tpu.sem_alloc : memref<!tpu.dma_semaphore, #tpu.memory_space<semaphore_mem>>
        %dma_start3A = tpu.memref_slice %arg29[%mul3A_164] : memref<50176xf32, #tpu.memory_space<vmem_shared>> -> memref<512xf32, #tpu.memory_space<vmem_shared>>
        %dma_start3A_165 = tpu.memref_slice %arg29[%mul3A_164] : memref<50176xf32, #tpu.memory_space<vmem_shared>> -> memref<512xf32, #tpu.memory_space<vmem_shared>>
        tpu.enqueue_dma source(%arg13 : memref<512xf32, #tpu.memory_space<vmem>>) target(%dma_start3A_165 : memref<512xf32, #tpu.memory_space<vmem_shared>>) target_semaphore(%run_scoped3A : memref<!tpu.dma_semaphore, #tpu.memory_space<semaphore_mem>>)
        %dma_wait3A = tpu.memref_slice %arg29[%mul3A_164] : memref<50176xf32, #tpu.memory_space<vmem_shared>> -> memref<512xf32, #tpu.memory_space<vmem_shared>>
        %dma_wait3A_166 = tpu.memref_slice %arg29[%mul3A_164] : memref<50176xf32, #tpu.memory_space<vmem_shared>> -> memref<512xf32, #tpu.memory_space<vmem_shared>>
        tpu.wait_dma2 semaphore(%run_scoped3A : memref<!tpu.dma_semaphore, #tpu.memory_space<semaphore_mem>>) src(%arg13 : memref<512xf32, #tpu.memory_space<vmem>>) dst(%dma_wait3A_166 : memref<512xf32, #tpu.memory_space<vmem_shared>>)
        tpu.yield
      }) : () -> ()
    } else {
    }
    %add3A_18 = arith.constant 16 : i32
    %add3A_19 = arith.addi %arg1, %add3A_18 : i32
    %lt3A_20 = arith.constant 98 : i32
    %lt3A_21 = arith.cmpi slt, %add3A_19, %lt3A_20 : i32
    %convert_element_type3A_22 = arith.extui %lt3A_21 : i1 to i32
    %cond3A_23 = arith.constant 0 : i32
    %cond3A_24 = arith.cmpi ne, %convert_element_type3A_22, %cond3A_23 : i32
    scf.if %cond3A_24 {
      %mul3A_149 = arith.constant 512 : i32
      %mul3A_150 = arith.muli %add3A_19, %mul3A_149 : i32
      "tpu.region"() ({
        %run_scoped3A = tpu.sem_alloc : memref<!tpu.dma_semaphore, #tpu.memory_space<semaphore_mem>>
        %dma_start3A = tpu.memref_slice %arg22[%mul3A_150] : memref<50176xf32, #tpu.memory_space<vmem_shared>> -> memref<512xf32, #tpu.memory_space<vmem_shared>>
        %dma_start3A_165 = tpu.memref_slice %arg22[%mul3A_150] : memref<50176xf32, #tpu.memory_space<vmem_shared>> -> memref<512xf32, #tpu.memory_space<vmem_shared>>
        tpu.enqueue_dma source(%arg13 : memref<512xf32, #tpu.memory_space<vmem>>) target(%dma_start3A_165 : memref<512xf32, #tpu.memory_space<vmem_shared>>) target_semaphore(%run_scoped3A : memref<!tpu.dma_semaphore, #tpu.memory_space<semaphore_mem>>)
        %dma_wait3A = tpu.memref_slice %arg22[%mul3A_150] : memref<50176xf32, #tpu.memory_space<vmem_shared>> -> memref<512xf32, #tpu.memory_space<vmem_shared>>
        %dma_wait3A_166 = tpu.memref_slice %arg22[%mul3A_150] : memref<50176xf32, #tpu.memory_space<vmem_shared>> -> memref<512xf32, #tpu.memory_space<vmem_shared>>
        tpu.wait_dma2 semaphore(%run_scoped3A : memref<!tpu.dma_semaphore, #tpu.memory_space<semaphore_mem>>) src(%arg13 : memref<512xf32, #tpu.memory_space<vmem>>) dst(%dma_wait3A_166 : memref<512xf32, #tpu.memory_space<vmem_shared>>)
        tpu.yield
      }) : () -> ()
      %mul3A_151 = arith.constant 512 : i32
      %mul3A_152 = arith.muli %add3A_19, %mul3A_151 : i32
      "tpu.region"() ({
        %run_scoped3A = tpu.sem_alloc : memref<!tpu.dma_semaphore, #tpu.memory_space<semaphore_mem>>
        %dma_start3A = tpu.memref_slice %arg23[%mul3A_152] : memref<50176xf32, #tpu.memory_space<vmem_shared>> -> memref<512xf32, #tpu.memory_space<vmem_shared>>
        %dma_start3A_165 = tpu.memref_slice %arg23[%mul3A_152] : memref<50176xf32, #tpu.memory_space<vmem_shared>> -> memref<512xf32, #tpu.memory_space<vmem_shared>>
        tpu.enqueue_dma source(%arg13 : memref<512xf32, #tpu.memory_space<vmem>>) target(%dma_start3A_165 : memref<512xf32, #tpu.memory_space<vmem_shared>>) target_semaphore(%run_scoped3A : memref<!tpu.dma_semaphore, #tpu.memory_space<semaphore_mem>>)
        %dma_wait3A = tpu.memref_slice %arg23[%mul3A_152] : memref<50176xf32, #tpu.memory_space<vmem_shared>> -> memref<512xf32, #tpu.memory_space<vmem_shared>>
        %dma_wait3A_166 = tpu.memref_slice %arg23[%mul3A_152] : memref<50176xf32, #tpu.memory_space<vmem_shared>> -> memref<512xf32, #tpu.memory_space<vmem_shared>>
        tpu.wait_dma2 semaphore(%run_scoped3A : memref<!tpu.dma_semaphore, #tpu.memory_space<semaphore_mem>>) src(%arg13 : memref<512xf32, #tpu.memory_space<vmem>>) dst(%dma_wait3A_166 : memref<512xf32, #tpu.memory_space<vmem_shared>>)
        tpu.yield
      }) : () -> ()
      %mul3A_153 = arith.constant 512 : i32
      %mul3A_154 = arith.muli %add3A_19, %mul3A_153 : i32
      "tpu.region"() ({
        %run_scoped3A = tpu.sem_alloc : memref<!tpu.dma_semaphore, #tpu.memory_space<semaphore_mem>>
        %dma_start3A = tpu.memref_slice %arg24[%mul3A_154] : memref<50176xf32, #tpu.memory_space<vmem_shared>> -> memref<512xf32, #tpu.memory_space<vmem_shared>>
        %dma_start3A_165 = tpu.memref_slice %arg24[%mul3A_154] : memref<50176xf32, #tpu.memory_space<vmem_shared>> -> memref<512xf32, #tpu.memory_space<vmem_shared>>
        tpu.enqueue_dma source(%arg13 : memref<512xf32, #tpu.memory_space<vmem>>) target(%dma_start3A_165 : memref<512xf32, #tpu.memory_space<vmem_shared>>) target_semaphore(%run_scoped3A : memref<!tpu.dma_semaphore, #tpu.memory_space<semaphore_mem>>)
        %dma_wait3A = tpu.memref_slice %arg24[%mul3A_154] : memref<50176xf32, #tpu.memory_space<vmem_shared>> -> memref<512xf32, #tpu.memory_space<vmem_shared>>
        %dma_wait3A_166 = tpu.memref_slice %arg24[%mul3A_154] : memref<50176xf32, #tpu.memory_space<vmem_shared>> -> memref<512xf32, #tpu.memory_space<vmem_shared>>
        tpu.wait_dma2 semaphore(%run_scoped3A : memref<!tpu.dma_semaphore, #tpu.memory_space<semaphore_mem>>) src(%arg13 : memref<512xf32, #tpu.memory_space<vmem>>) dst(%dma_wait3A_166 : memref<512xf32, #tpu.memory_space<vmem_shared>>)
        tpu.yield
      }) : () -> ()
      %mul3A_155 = arith.constant 512 : i32
      %mul3A_156 = arith.muli %add3A_19, %mul3A_155 : i32
      "tpu.region"() ({
        %run_scoped3A = tpu.sem_alloc : memref<!tpu.dma_semaphore, #tpu.memory_space<semaphore_mem>>
        %dma_start3A = tpu.memref_slice %arg25[%mul3A_156] : memref<50176xf32, #tpu.memory_space<vmem_shared>> -> memref<512xf32, #tpu.memory_space<vmem_shared>>
        %dma_start3A_165 = tpu.memref_slice %arg25[%mul3A_156] : memref<50176xf32, #tpu.memory_space<vmem_shared>> -> memref<512xf32, #tpu.memory_space<vmem_shared>>
        tpu.enqueue_dma source(%arg13 : memref<512xf32, #tpu.memory_space<vmem>>) target(%dma_start3A_165 : memref<512xf32, #tpu.memory_space<vmem_shared>>) target_semaphore(%run_scoped3A : memref<!tpu.dma_semaphore, #tpu.memory_space<semaphore_mem>>)
        %dma_wait3A = tpu.memref_slice %arg25[%mul3A_156] : memref<50176xf32, #tpu.memory_space<vmem_shared>> -> memref<512xf32, #tpu.memory_space<vmem_shared>>
        %dma_wait3A_166 = tpu.memref_slice %arg25[%mul3A_156] : memref<50176xf32, #tpu.memory_space<vmem_shared>> -> memref<512xf32, #tpu.memory_space<vmem_shared>>
        tpu.wait_dma2 semaphore(%run_scoped3A : memref<!tpu.dma_semaphore, #tpu.memory_space<semaphore_mem>>) src(%arg13 : memref<512xf32, #tpu.memory_space<vmem>>) dst(%dma_wait3A_166 : memref<512xf32, #tpu.memory_space<vmem_shared>>)
        tpu.yield
      }) : () -> ()
      %mul3A_157 = arith.constant 512 : i32
      %mul3A_158 = arith.muli %add3A_19, %mul3A_157 : i32
      "tpu.region"() ({
        %run_scoped3A = tpu.sem_alloc : memref<!tpu.dma_semaphore, #tpu.memory_space<semaphore_mem>>
        %dma_start3A = tpu.memref_slice %arg26[%mul3A_158] : memref<50176xf32, #tpu.memory_space<vmem_shared>> -> memref<512xf32, #tpu.memory_space<vmem_shared>>
        %dma_start3A_165 = tpu.memref_slice %arg26[%mul3A_158] : memref<50176xf32, #tpu.memory_space<vmem_shared>> -> memref<512xf32, #tpu.memory_space<vmem_shared>>
        tpu.enqueue_dma source(%arg13 : memref<512xf32, #tpu.memory_space<vmem>>) target(%dma_start3A_165 : memref<512xf32, #tpu.memory_space<vmem_shared>>) target_semaphore(%run_scoped3A : memref<!tpu.dma_semaphore, #tpu.memory_space<semaphore_mem>>)
        %dma_wait3A = tpu.memref_slice %arg26[%mul3A_158] : memref<50176xf32, #tpu.memory_space<vmem_shared>> -> memref<512xf32, #tpu.memory_space<vmem_shared>>
        %dma_wait3A_166 = tpu.memref_slice %arg26[%mul3A_158] : memref<50176xf32, #tpu.memory_space<vmem_shared>> -> memref<512xf32, #tpu.memory_space<vmem_shared>>
        tpu.wait_dma2 semaphore(%run_scoped3A : memref<!tpu.dma_semaphore, #tpu.memory_space<semaphore_mem>>) src(%arg13 : memref<512xf32, #tpu.memory_space<vmem>>) dst(%dma_wait3A_166 : memref<512xf32, #tpu.memory_space<vmem_shared>>)
        tpu.yield
      }) : () -> ()
      %mul3A_159 = arith.constant 512 : i32
      %mul3A_160 = arith.muli %add3A_19, %mul3A_159 : i32
      "tpu.region"() ({
        %run_scoped3A = tpu.sem_alloc : memref<!tpu.dma_semaphore, #tpu.memory_space<semaphore_mem>>
        %dma_start3A = tpu.memref_slice %arg27[%mul3A_160] : memref<50176xf32, #tpu.memory_space<vmem_shared>> -> memref<512xf32, #tpu.memory_space<vmem_shared>>
        %dma_start3A_165 = tpu.memref_slice %arg27[%mul3A_160] : memref<50176xf32, #tpu.memory_space<vmem_shared>> -> memref<512xf32, #tpu.memory_space<vmem_shared>>
        tpu.enqueue_dma source(%arg13 : memref<512xf32, #tpu.memory_space<vmem>>) target(%dma_start3A_165 : memref<512xf32, #tpu.memory_space<vmem_shared>>) target_semaphore(%run_scoped3A : memref<!tpu.dma_semaphore, #tpu.memory_space<semaphore_mem>>)
        %dma_wait3A = tpu.memref_slice %arg27[%mul3A_160] : memref<50176xf32, #tpu.memory_space<vmem_shared>> -> memref<512xf32, #tpu.memory_space<vmem_shared>>
        %dma_wait3A_166 = tpu.memref_slice %arg27[%mul3A_160] : memref<50176xf32, #tpu.memory_space<vmem_shared>> -> memref<512xf32, #tpu.memory_space<vmem_shared>>
        tpu.wait_dma2 semaphore(%run_scoped3A : memref<!tpu.dma_semaphore, #tpu.memory_space<semaphore_mem>>) src(%arg13 : memref<512xf32, #tpu.memory_space<vmem>>) dst(%dma_wait3A_166 : memref<512xf32, #tpu.memory_space<vmem_shared>>)
        tpu.yield
      }) : () -> ()
      %mul3A_161 = arith.constant 512 : i32
      %mul3A_162 = arith.muli %add3A_19, %mul3A_161 : i32
      "tpu.region"() ({
        %run_scoped3A = tpu.sem_alloc : memref<!tpu.dma_semaphore, #tpu.memory_space<semaphore_mem>>
        %dma_start3A = tpu.memref_slice %arg28[%mul3A_162] : memref<50176xf32, #tpu.memory_space<vmem_shared>> -> memref<512xf32, #tpu.memory_space<vmem_shared>>
        %dma_start3A_165 = tpu.memref_slice %arg28[%mul3A_162] : memref<50176xf32, #tpu.memory_space<vmem_shared>> -> memref<512xf32, #tpu.memory_space<vmem_shared>>
        tpu.enqueue_dma source(%arg13 : memref<512xf32, #tpu.memory_space<vmem>>) target(%dma_start3A_165 : memref<512xf32, #tpu.memory_space<vmem_shared>>) target_semaphore(%run_scoped3A : memref<!tpu.dma_semaphore, #tpu.memory_space<semaphore_mem>>)
        %dma_wait3A = tpu.memref_slice %arg28[%mul3A_162] : memref<50176xf32, #tpu.memory_space<vmem_shared>> -> memref<512xf32, #tpu.memory_space<vmem_shared>>
        %dma_wait3A_166 = tpu.memref_slice %arg28[%mul3A_162] : memref<50176xf32, #tpu.memory_space<vmem_shared>> -> memref<512xf32, #tpu.memory_space<vmem_shared>>
        tpu.wait_dma2 semaphore(%run_scoped3A : memref<!tpu.dma_semaphore, #tpu.memory_space<semaphore_mem>>) src(%arg13 : memref<512xf32, #tpu.memory_space<vmem>>) dst(%dma_wait3A_166 : memref<512xf32, #tpu.memory_space<vmem_shared>>)
        tpu.yield
      }) : () -> ()
      %mul3A_163 = arith.constant 512 : i32
      %mul3A_164 = arith.muli %add3A_19, %mul3A_163 : i32
      "tpu.region"() ({
        %run_scoped3A = tpu.sem_alloc : memref<!tpu.dma_semaphore, #tpu.memory_space<semaphore_mem>>
        %dma_start3A = tpu.memref_slice %arg29[%mul3A_164] : memref<50176xf32, #tpu.memory_space<vmem_shared>> -> memref<512xf32, #tpu.memory_space<vmem_shared>>
        %dma_start3A_165 = tpu.memref_slice %arg29[%mul3A_164] : memref<50176xf32, #tpu.memory_space<vmem_shared>> -> memref<512xf32, #tpu.memory_space<vmem_shared>>
        tpu.enqueue_dma source(%arg13 : memref<512xf32, #tpu.memory_space<vmem>>) target(%dma_start3A_165 : memref<512xf32, #tpu.memory_space<vmem_shared>>) target_semaphore(%run_scoped3A : memref<!tpu.dma_semaphore, #tpu.memory_space<semaphore_mem>>)
        %dma_wait3A = tpu.memref_slice %arg29[%mul3A_164] : memref<50176xf32, #tpu.memory_space<vmem_shared>> -> memref<512xf32, #tpu.memory_space<vmem_shared>>
        %dma_wait3A_166 = tpu.memref_slice %arg29[%mul3A_164] : memref<50176xf32, #tpu.memory_space<vmem_shared>> -> memref<512xf32, #tpu.memory_space<vmem_shared>>
        tpu.wait_dma2 semaphore(%run_scoped3A : memref<!tpu.dma_semaphore, #tpu.memory_space<semaphore_mem>>) src(%arg13 : memref<512xf32, #tpu.memory_space<vmem>>) dst(%dma_wait3A_166 : memref<512xf32, #tpu.memory_space<vmem_shared>>)
        tpu.yield
      }) : () -> ()
    } else {
    }
    %add3A_25 = arith.constant 32 : i32
    %add3A_26 = arith.addi %arg1, %add3A_25 : i32
    %lt3A_27 = arith.constant 98 : i32
    %lt3A_28 = arith.cmpi slt, %add3A_26, %lt3A_27 : i32
    %convert_element_type3A_29 = arith.extui %lt3A_28 : i1 to i32
    %cond3A_30 = arith.constant 0 : i32
    %cond3A_31 = arith.cmpi ne, %convert_element_type3A_29, %cond3A_30 : i32
    scf.if %cond3A_31 {
      %mul3A_149 = arith.constant 512 : i32
      %mul3A_150 = arith.muli %add3A_26, %mul3A_149 : i32
      "tpu.region"() ({
        %run_scoped3A = tpu.sem_alloc : memref<!tpu.dma_semaphore, #tpu.memory_space<semaphore_mem>>
        %dma_start3A = tpu.memref_slice %arg22[%mul3A_150] : memref<50176xf32, #tpu.memory_space<vmem_shared>> -> memref<512xf32, #tpu.memory_space<vmem_shared>>
        %dma_start3A_165 = tpu.memref_slice %arg22[%mul3A_150] : memref<50176xf32, #tpu.memory_space<vmem_shared>> -> memref<512xf32, #tpu.memory_space<vmem_shared>>
        tpu.enqueue_dma source(%arg13 : memref<512xf32, #tpu.memory_space<vmem>>) target(%dma_start3A_165 : memref<512xf32, #tpu.memory_space<vmem_shared>>) target_semaphore(%run_scoped3A : memref<!tpu.dma_semaphore, #tpu.memory_space<semaphore_mem>>)
        %dma_wait3A = tpu.memref_slice %arg22[%mul3A_150] : memref<50176xf32, #tpu.memory_space<vmem_shared>> -> memref<512xf32, #tpu.memory_space<vmem_shared>>
        %dma_wait3A_166 = tpu.memref_slice %arg22[%mul3A_150] : memref<50176xf32, #tpu.memory_space<vmem_shared>> -> memref<512xf32, #tpu.memory_space<vmem_shared>>
        tpu.wait_dma2 semaphore(%run_scoped3A : memref<!tpu.dma_semaphore, #tpu.memory_space<semaphore_mem>>) src(%arg13 : memref<512xf32, #tpu.memory_space<vmem>>) dst(%dma_wait3A_166 : memref<512xf32, #tpu.memory_space<vmem_shared>>)
        tpu.yield
      }) : () -> ()
      %mul3A_151 = arith.constant 512 : i32
      %mul3A_152 = arith.muli %add3A_26, %mul3A_151 : i32
      "tpu.region"() ({
        %run_scoped3A = tpu.sem_alloc : memref<!tpu.dma_semaphore, #tpu.memory_space<semaphore_mem>>
        %dma_start3A = tpu.memref_slice %arg23[%mul3A_152] : memref<50176xf32, #tpu.memory_space<vmem_shared>> -> memref<512xf32, #tpu.memory_space<vmem_shared>>
        %dma_start3A_165 = tpu.memref_slice %arg23[%mul3A_152] : memref<50176xf32, #tpu.memory_space<vmem_shared>> -> memref<512xf32, #tpu.memory_space<vmem_shared>>
        tpu.enqueue_dma source(%arg13 : memref<512xf32, #tpu.memory_space<vmem>>) target(%dma_start3A_165 : memref<512xf32, #tpu.memory_space<vmem_shared>>) target_semaphore(%run_scoped3A : memref<!tpu.dma_semaphore, #tpu.memory_space<semaphore_mem>>)
        %dma_wait3A = tpu.memref_slice %arg23[%mul3A_152] : memref<50176xf32, #tpu.memory_space<vmem_shared>> -> memref<512xf32, #tpu.memory_space<vmem_shared>>
        %dma_wait3A_166 = tpu.memref_slice %arg23[%mul3A_152] : memref<50176xf32, #tpu.memory_space<vmem_shared>> -> memref<512xf32, #tpu.memory_space<vmem_shared>>
        tpu.wait_dma2 semaphore(%run_scoped3A : memref<!tpu.dma_semaphore, #tpu.memory_space<semaphore_mem>>) src(%arg13 : memref<512xf32, #tpu.memory_space<vmem>>) dst(%dma_wait3A_166 : memref<512xf32, #tpu.memory_space<vmem_shared>>)
        tpu.yield
      }) : () -> ()
      %mul3A_153 = arith.constant 512 : i32
      %mul3A_154 = arith.muli %add3A_26, %mul3A_153 : i32
      "tpu.region"() ({
        %run_scoped3A = tpu.sem_alloc : memref<!tpu.dma_semaphore, #tpu.memory_space<semaphore_mem>>
        %dma_start3A = tpu.memref_slice %arg24[%mul3A_154] : memref<50176xf32, #tpu.memory_space<vmem_shared>> -> memref<512xf32, #tpu.memory_space<vmem_shared>>
        %dma_start3A_165 = tpu.memref_slice %arg24[%mul3A_154] : memref<50176xf32, #tpu.memory_space<vmem_shared>> -> memref<512xf32, #tpu.memory_space<vmem_shared>>
        tpu.enqueue_dma source(%arg13 : memref<512xf32, #tpu.memory_space<vmem>>) target(%dma_start3A_165 : memref<512xf32, #tpu.memory_space<vmem_shared>>) target_semaphore(%run_scoped3A : memref<!tpu.dma_semaphore, #tpu.memory_space<semaphore_mem>>)
        %dma_wait3A = tpu.memref_slice %arg24[%mul3A_154] : memref<50176xf32, #tpu.memory_space<vmem_shared>> -> memref<512xf32, #tpu.memory_space<vmem_shared>>
        %dma_wait3A_166 = tpu.memref_slice %arg24[%mul3A_154] : memref<50176xf32, #tpu.memory_space<vmem_shared>> -> memref<512xf32, #tpu.memory_space<vmem_shared>>
        tpu.wait_dma2 semaphore(%run_scoped3A : memref<!tpu.dma_semaphore, #tpu.memory_space<semaphore_mem>>) src(%arg13 : memref<512xf32, #tpu.memory_space<vmem>>) dst(%dma_wait3A_166 : memref<512xf32, #tpu.memory_space<vmem_shared>>)
        tpu.yield
      }) : () -> ()
      %mul3A_155 = arith.constant 512 : i32
      %mul3A_156 = arith.muli %add3A_26, %mul3A_155 : i32
      "tpu.region"() ({
        %run_scoped3A = tpu.sem_alloc : memref<!tpu.dma_semaphore, #tpu.memory_space<semaphore_mem>>
        %dma_start3A = tpu.memref_slice %arg25[%mul3A_156] : memref<50176xf32, #tpu.memory_space<vmem_shared>> -> memref<512xf32, #tpu.memory_space<vmem_shared>>
        %dma_start3A_165 = tpu.memref_slice %arg25[%mul3A_156] : memref<50176xf32, #tpu.memory_space<vmem_shared>> -> memref<512xf32, #tpu.memory_space<vmem_shared>>
        tpu.enqueue_dma source(%arg13 : memref<512xf32, #tpu.memory_space<vmem>>) target(%dma_start3A_165 : memref<512xf32, #tpu.memory_space<vmem_shared>>) target_semaphore(%run_scoped3A : memref<!tpu.dma_semaphore, #tpu.memory_space<semaphore_mem>>)
        %dma_wait3A = tpu.memref_slice %arg25[%mul3A_156] : memref<50176xf32, #tpu.memory_space<vmem_shared>> -> memref<512xf32, #tpu.memory_space<vmem_shared>>
        %dma_wait3A_166 = tpu.memref_slice %arg25[%mul3A_156] : memref<50176xf32, #tpu.memory_space<vmem_shared>> -> memref<512xf32, #tpu.memory_space<vmem_shared>>
        tpu.wait_dma2 semaphore(%run_scoped3A : memref<!tpu.dma_semaphore, #tpu.memory_space<semaphore_mem>>) src(%arg13 : memref<512xf32, #tpu.memory_space<vmem>>) dst(%dma_wait3A_166 : memref<512xf32, #tpu.memory_space<vmem_shared>>)
        tpu.yield
      }) : () -> ()
      %mul3A_157 = arith.constant 512 : i32
      %mul3A_158 = arith.muli %add3A_26, %mul3A_157 : i32
      "tpu.region"() ({
        %run_scoped3A = tpu.sem_alloc : memref<!tpu.dma_semaphore, #tpu.memory_space<semaphore_mem>>
        %dma_start3A = tpu.memref_slice %arg26[%mul3A_158] : memref<50176xf32, #tpu.memory_space<vmem_shared>> -> memref<512xf32, #tpu.memory_space<vmem_shared>>
        %dma_start3A_165 = tpu.memref_slice %arg26[%mul3A_158] : memref<50176xf32, #tpu.memory_space<vmem_shared>> -> memref<512xf32, #tpu.memory_space<vmem_shared>>
        tpu.enqueue_dma source(%arg13 : memref<512xf32, #tpu.memory_space<vmem>>) target(%dma_start3A_165 : memref<512xf32, #tpu.memory_space<vmem_shared>>) target_semaphore(%run_scoped3A : memref<!tpu.dma_semaphore, #tpu.memory_space<semaphore_mem>>)
        %dma_wait3A = tpu.memref_slice %arg26[%mul3A_158] : memref<50176xf32, #tpu.memory_space<vmem_shared>> -> memref<512xf32, #tpu.memory_space<vmem_shared>>
        %dma_wait3A_166 = tpu.memref_slice %arg26[%mul3A_158] : memref<50176xf32, #tpu.memory_space<vmem_shared>> -> memref<512xf32, #tpu.memory_space<vmem_shared>>
        tpu.wait_dma2 semaphore(%run_scoped3A : memref<!tpu.dma_semaphore, #tpu.memory_space<semaphore_mem>>) src(%arg13 : memref<512xf32, #tpu.memory_space<vmem>>) dst(%dma_wait3A_166 : memref<512xf32, #tpu.memory_space<vmem_shared>>)
        tpu.yield
      }) : () -> ()
      %mul3A_159 = arith.constant 512 : i32
      %mul3A_160 = arith.muli %add3A_26, %mul3A_159 : i32
      "tpu.region"() ({
        %run_scoped3A = tpu.sem_alloc : memref<!tpu.dma_semaphore, #tpu.memory_space<semaphore_mem>>
        %dma_start3A = tpu.memref_slice %arg27[%mul3A_160] : memref<50176xf32, #tpu.memory_space<vmem_shared>> -> memref<512xf32, #tpu.memory_space<vmem_shared>>
        %dma_start3A_165 = tpu.memref_slice %arg27[%mul3A_160] : memref<50176xf32, #tpu.memory_space<vmem_shared>> -> memref<512xf32, #tpu.memory_space<vmem_shared>>
        tpu.enqueue_dma source(%arg13 : memref<512xf32, #tpu.memory_space<vmem>>) target(%dma_start3A_165 : memref<512xf32, #tpu.memory_space<vmem_shared>>) target_semaphore(%run_scoped3A : memref<!tpu.dma_semaphore, #tpu.memory_space<semaphore_mem>>)
        %dma_wait3A = tpu.memref_slice %arg27[%mul3A_160] : memref<50176xf32, #tpu.memory_space<vmem_shared>> -> memref<512xf32, #tpu.memory_space<vmem_shared>>
        %dma_wait3A_166 = tpu.memref_slice %arg27[%mul3A_160] : memref<50176xf32, #tpu.memory_space<vmem_shared>> -> memref<512xf32, #tpu.memory_space<vmem_shared>>
        tpu.wait_dma2 semaphore(%run_scoped3A : memref<!tpu.dma_semaphore, #tpu.memory_space<semaphore_mem>>) src(%arg13 : memref<512xf32, #tpu.memory_space<vmem>>) dst(%dma_wait3A_166 : memref<512xf32, #tpu.memory_space<vmem_shared>>)
        tpu.yield
      }) : () -> ()
      %mul3A_161 = arith.constant 512 : i32
      %mul3A_162 = arith.muli %add3A_26, %mul3A_161 : i32
      "tpu.region"() ({
        %run_scoped3A = tpu.sem_alloc : memref<!tpu.dma_semaphore, #tpu.memory_space<semaphore_mem>>
        %dma_start3A = tpu.memref_slice %arg28[%mul3A_162] : memref<50176xf32, #tpu.memory_space<vmem_shared>> -> memref<512xf32, #tpu.memory_space<vmem_shared>>
        %dma_start3A_165 = tpu.memref_slice %arg28[%mul3A_162] : memref<50176xf32, #tpu.memory_space<vmem_shared>> -> memref<512xf32, #tpu.memory_space<vmem_shared>>
        tpu.enqueue_dma source(%arg13 : memref<512xf32, #tpu.memory_space<vmem>>) target(%dma_start3A_165 : memref<512xf32, #tpu.memory_space<vmem_shared>>) target_semaphore(%run_scoped3A : memref<!tpu.dma_semaphore, #tpu.memory_space<semaphore_mem>>)
        %dma_wait3A = tpu.memref_slice %arg28[%mul3A_162] : memref<50176xf32, #tpu.memory_space<vmem_shared>> -> memref<512xf32, #tpu.memory_space<vmem_shared>>
        %dma_wait3A_166 = tpu.memref_slice %arg28[%mul3A_162] : memref<50176xf32, #tpu.memory_space<vmem_shared>> -> memref<512xf32, #tpu.memory_space<vmem_shared>>
        tpu.wait_dma2 semaphore(%run_scoped3A : memref<!tpu.dma_semaphore, #tpu.memory_space<semaphore_mem>>) src(%arg13 : memref<512xf32, #tpu.memory_space<vmem>>) dst(%dma_wait3A_166 : memref<512xf32, #tpu.memory_space<vmem_shared>>)
        tpu.yield
      }) : () -> ()
      %mul3A_163 = arith.constant 512 : i32
      %mul3A_164 = arith.muli %add3A_26, %mul3A_163 : i32
      "tpu.region"() ({
        %run_scoped3A = tpu.sem_alloc : memref<!tpu.dma_semaphore, #tpu.memory_space<semaphore_mem>>
        %dma_start3A = tpu.memref_slice %arg29[%mul3A_164] : memref<50176xf32, #tpu.memory_space<vmem_shared>> -> memref<512xf32, #tpu.memory_space<vmem_shared>>
        %dma_start3A_165 = tpu.memref_slice %arg29[%mul3A_164] : memref<50176xf32, #tpu.memory_space<vmem_shared>> -> memref<512xf32, #tpu.memory_space<vmem_shared>>
        tpu.enqueue_dma source(%arg13 : memref<512xf32, #tpu.memory_space<vmem>>) target(%dma_start3A_165 : memref<512xf32, #tpu.memory_space<vmem_shared>>) target_semaphore(%run_scoped3A : memref<!tpu.dma_semaphore, #tpu.memory_space<semaphore_mem>>)
        %dma_wait3A = tpu.memref_slice %arg29[%mul3A_164] : memref<50176xf32, #tpu.memory_space<vmem_shared>> -> memref<512xf32, #tpu.memory_space<vmem_shared>>
        %dma_wait3A_166 = tpu.memref_slice %arg29[%mul3A_164] : memref<50176xf32, #tpu.memory_space<vmem_shared>> -> memref<512xf32, #tpu.memory_space<vmem_shared>>
        tpu.wait_dma2 semaphore(%run_scoped3A : memref<!tpu.dma_semaphore, #tpu.memory_space<semaphore_mem>>) src(%arg13 : memref<512xf32, #tpu.memory_space<vmem>>) dst(%dma_wait3A_166 : memref<512xf32, #tpu.memory_space<vmem_shared>>)
        tpu.yield
      }) : () -> ()
    } else {
    }
    %add3A_32 = arith.constant 48 : i32
    %add3A_33 = arith.addi %arg1, %add3A_32 : i32
    %lt3A_34 = arith.constant 98 : i32
    %lt3A_35 = arith.cmpi slt, %add3A_33, %lt3A_34 : i32
    %convert_element_type3A_36 = arith.extui %lt3A_35 : i1 to i32
    %cond3A_37 = arith.constant 0 : i32
    %cond3A_38 = arith.cmpi ne, %convert_element_type3A_36, %cond3A_37 : i32
    scf.if %cond3A_38 {
      %mul3A_149 = arith.constant 512 : i32
      %mul3A_150 = arith.muli %add3A_33, %mul3A_149 : i32
      "tpu.region"() ({
        %run_scoped3A = tpu.sem_alloc : memref<!tpu.dma_semaphore, #tpu.memory_space<semaphore_mem>>
        %dma_start3A = tpu.memref_slice %arg22[%mul3A_150] : memref<50176xf32, #tpu.memory_space<vmem_shared>> -> memref<512xf32, #tpu.memory_space<vmem_shared>>
        %dma_start3A_165 = tpu.memref_slice %arg22[%mul3A_150] : memref<50176xf32, #tpu.memory_space<vmem_shared>> -> memref<512xf32, #tpu.memory_space<vmem_shared>>
        tpu.enqueue_dma source(%arg13 : memref<512xf32, #tpu.memory_space<vmem>>) target(%dma_start3A_165 : memref<512xf32, #tpu.memory_space<vmem_shared>>) target_semaphore(%run_scoped3A : memref<!tpu.dma_semaphore, #tpu.memory_space<semaphore_mem>>)
        %dma_wait3A = tpu.memref_slice %arg22[%mul3A_150] : memref<50176xf32, #tpu.memory_space<vmem_shared>> -> memref<512xf32, #tpu.memory_space<vmem_shared>>
        %dma_wait3A_166 = tpu.memref_slice %arg22[%mul3A_150] : memref<50176xf32, #tpu.memory_space<vmem_shared>> -> memref<512xf32, #tpu.memory_space<vmem_shared>>
        tpu.wait_dma2 semaphore(%run_scoped3A : memref<!tpu.dma_semaphore, #tpu.memory_space<semaphore_mem>>) src(%arg13 : memref<512xf32, #tpu.memory_space<vmem>>) dst(%dma_wait3A_166 : memref<512xf32, #tpu.memory_space<vmem_shared>>)
        tpu.yield
      }) : () -> ()
      %mul3A_151 = arith.constant 512 : i32
      %mul3A_152 = arith.muli %add3A_33, %mul3A_151 : i32
      "tpu.region"() ({
        %run_scoped3A = tpu.sem_alloc : memref<!tpu.dma_semaphore, #tpu.memory_space<semaphore_mem>>
        %dma_start3A = tpu.memref_slice %arg23[%mul3A_152] : memref<50176xf32, #tpu.memory_space<vmem_shared>> -> memref<512xf32, #tpu.memory_space<vmem_shared>>
        %dma_start3A_165 = tpu.memref_slice %arg23[%mul3A_152] : memref<50176xf32, #tpu.memory_space<vmem_shared>> -> memref<512xf32, #tpu.memory_space<vmem_shared>>
        tpu.enqueue_dma source(%arg13 : memref<512xf32, #tpu.memory_space<vmem>>) target(%dma_start3A_165 : memref<512xf32, #tpu.memory_space<vmem_shared>>) target_semaphore(%run_scoped3A : memref<!tpu.dma_semaphore, #tpu.memory_space<semaphore_mem>>)
        %dma_wait3A = tpu.memref_slice %arg23[%mul3A_152] : memref<50176xf32, #tpu.memory_space<vmem_shared>> -> memref<512xf32, #tpu.memory_space<vmem_shared>>
        %dma_wait3A_166 = tpu.memref_slice %arg23[%mul3A_152] : memref<50176xf32, #tpu.memory_space<vmem_shared>> -> memref<512xf32, #tpu.memory_space<vmem_shared>>
        tpu.wait_dma2 semaphore(%run_scoped3A : memref<!tpu.dma_semaphore, #tpu.memory_space<semaphore_mem>>) src(%arg13 : memref<512xf32, #tpu.memory_space<vmem>>) dst(%dma_wait3A_166 : memref<512xf32, #tpu.memory_space<vmem_shared>>)
        tpu.yield
      }) : () -> ()
      %mul3A_153 = arith.constant 512 : i32
      %mul3A_154 = arith.muli %add3A_33, %mul3A_153 : i32
      "tpu.region"() ({
        %run_scoped3A = tpu.sem_alloc : memref<!tpu.dma_semaphore, #tpu.memory_space<semaphore_mem>>
        %dma_start3A = tpu.memref_slice %arg24[%mul3A_154] : memref<50176xf32, #tpu.memory_space<vmem_shared>> -> memref<512xf32, #tpu.memory_space<vmem_shared>>
        %dma_start3A_165 = tpu.memref_slice %arg24[%mul3A_154] : memref<50176xf32, #tpu.memory_space<vmem_shared>> -> memref<512xf32, #tpu.memory_space<vmem_shared>>
        tpu.enqueue_dma source(%arg13 : memref<512xf32, #tpu.memory_space<vmem>>) target(%dma_start3A_165 : memref<512xf32, #tpu.memory_space<vmem_shared>>) target_semaphore(%run_scoped3A : memref<!tpu.dma_semaphore, #tpu.memory_space<semaphore_mem>>)
        %dma_wait3A = tpu.memref_slice %arg24[%mul3A_154] : memref<50176xf32, #tpu.memory_space<vmem_shared>> -> memref<512xf32, #tpu.memory_space<vmem_shared>>
        %dma_wait3A_166 = tpu.memref_slice %arg24[%mul3A_154] : memref<50176xf32, #tpu.memory_space<vmem_shared>> -> memref<512xf32, #tpu.memory_space<vmem_shared>>
        tpu.wait_dma2 semaphore(%run_scoped3A : memref<!tpu.dma_semaphore, #tpu.memory_space<semaphore_mem>>) src(%arg13 : memref<512xf32, #tpu.memory_space<vmem>>) dst(%dma_wait3A_166 : memref<512xf32, #tpu.memory_space<vmem_shared>>)
        tpu.yield
      }) : () -> ()
      %mul3A_155 = arith.constant 512 : i32
      %mul3A_156 = arith.muli %add3A_33, %mul3A_155 : i32
      "tpu.region"() ({
        %run_scoped3A = tpu.sem_alloc : memref<!tpu.dma_semaphore, #tpu.memory_space<semaphore_mem>>
        %dma_start3A = tpu.memref_slice %arg25[%mul3A_156] : memref<50176xf32, #tpu.memory_space<vmem_shared>> -> memref<512xf32, #tpu.memory_space<vmem_shared>>
        %dma_start3A_165 = tpu.memref_slice %arg25[%mul3A_156] : memref<50176xf32, #tpu.memory_space<vmem_shared>> -> memref<512xf32, #tpu.memory_space<vmem_shared>>
        tpu.enqueue_dma source(%arg13 : memref<512xf32, #tpu.memory_space<vmem>>) target(%dma_start3A_165 : memref<512xf32, #tpu.memory_space<vmem_shared>>) target_semaphore(%run_scoped3A : memref<!tpu.dma_semaphore, #tpu.memory_space<semaphore_mem>>)
        %dma_wait3A = tpu.memref_slice %arg25[%mul3A_156] : memref<50176xf32, #tpu.memory_space<vmem_shared>> -> memref<512xf32, #tpu.memory_space<vmem_shared>>
        %dma_wait3A_166 = tpu.memref_slice %arg25[%mul3A_156] : memref<50176xf32, #tpu.memory_space<vmem_shared>> -> memref<512xf32, #tpu.memory_space<vmem_shared>>
        tpu.wait_dma2 semaphore(%run_scoped3A : memref<!tpu.dma_semaphore, #tpu.memory_space<semaphore_mem>>) src(%arg13 : memref<512xf32, #tpu.memory_space<vmem>>) dst(%dma_wait3A_166 : memref<512xf32, #tpu.memory_space<vmem_shared>>)
        tpu.yield
      }) : () -> ()
      %mul3A_157 = arith.constant 512 : i32
      %mul3A_158 = arith.muli %add3A_33, %mul3A_157 : i32
      "tpu.region"() ({
        %run_scoped3A = tpu.sem_alloc : memref<!tpu.dma_semaphore, #tpu.memory_space<semaphore_mem>>
        %dma_start3A = tpu.memref_slice %arg26[%mul3A_158] : memref<50176xf32, #tpu.memory_space<vmem_shared>> -> memref<512xf32, #tpu.memory_space<vmem_shared>>
        %dma_start3A_165 = tpu.memref_slice %arg26[%mul3A_158] : memref<50176xf32, #tpu.memory_space<vmem_shared>> -> memref<512xf32, #tpu.memory_space<vmem_shared>>
        tpu.enqueue_dma source(%arg13 : memref<512xf32, #tpu.memory_space<vmem>>) target(%dma_start3A_165 : memref<512xf32, #tpu.memory_space<vmem_shared>>) target_semaphore(%run_scoped3A : memref<!tpu.dma_semaphore, #tpu.memory_space<semaphore_mem>>)
        %dma_wait3A = tpu.memref_slice %arg26[%mul3A_158] : memref<50176xf32, #tpu.memory_space<vmem_shared>> -> memref<512xf32, #tpu.memory_space<vmem_shared>>
        %dma_wait3A_166 = tpu.memref_slice %arg26[%mul3A_158] : memref<50176xf32, #tpu.memory_space<vmem_shared>> -> memref<512xf32, #tpu.memory_space<vmem_shared>>
        tpu.wait_dma2 semaphore(%run_scoped3A : memref<!tpu.dma_semaphore, #tpu.memory_space<semaphore_mem>>) src(%arg13 : memref<512xf32, #tpu.memory_space<vmem>>) dst(%dma_wait3A_166 : memref<512xf32, #tpu.memory_space<vmem_shared>>)
        tpu.yield
      }) : () -> ()
      %mul3A_159 = arith.constant 512 : i32
      %mul3A_160 = arith.muli %add3A_33, %mul3A_159 : i32
      "tpu.region"() ({
        %run_scoped3A = tpu.sem_alloc : memref<!tpu.dma_semaphore, #tpu.memory_space<semaphore_mem>>
        %dma_start3A = tpu.memref_slice %arg27[%mul3A_160] : memref<50176xf32, #tpu.memory_space<vmem_shared>> -> memref<512xf32, #tpu.memory_space<vmem_shared>>
        %dma_start3A_165 = tpu.memref_slice %arg27[%mul3A_160] : memref<50176xf32, #tpu.memory_space<vmem_shared>> -> memref<512xf32, #tpu.memory_space<vmem_shared>>
        tpu.enqueue_dma source(%arg13 : memref<512xf32, #tpu.memory_space<vmem>>) target(%dma_start3A_165 : memref<512xf32, #tpu.memory_space<vmem_shared>>) target_semaphore(%run_scoped3A : memref<!tpu.dma_semaphore, #tpu.memory_space<semaphore_mem>>)
        %dma_wait3A = tpu.memref_slice %arg27[%mul3A_160] : memref<50176xf32, #tpu.memory_space<vmem_shared>> -> memref<512xf32, #tpu.memory_space<vmem_shared>>
        %dma_wait3A_166 = tpu.memref_slice %arg27[%mul3A_160] : memref<50176xf32, #tpu.memory_space<vmem_shared>> -> memref<512xf32, #tpu.memory_space<vmem_shared>>
        tpu.wait_dma2 semaphore(%run_scoped3A : memref<!tpu.dma_semaphore, #tpu.memory_space<semaphore_mem>>) src(%arg13 : memref<512xf32, #tpu.memory_space<vmem>>) dst(%dma_wait3A_166 : memref<512xf32, #tpu.memory_space<vmem_shared>>)
        tpu.yield
      }) : () -> ()
      %mul3A_161 = arith.constant 512 : i32
      %mul3A_162 = arith.muli %add3A_33, %mul3A_161 : i32
      "tpu.region"() ({
        %run_scoped3A = tpu.sem_alloc : memref<!tpu.dma_semaphore, #tpu.memory_space<semaphore_mem>>
        %dma_start3A = tpu.memref_slice %arg28[%mul3A_162] : memref<50176xf32, #tpu.memory_space<vmem_shared>> -> memref<512xf32, #tpu.memory_space<vmem_shared>>
        %dma_start3A_165 = tpu.memref_slice %arg28[%mul3A_162] : memref<50176xf32, #tpu.memory_space<vmem_shared>> -> memref<512xf32, #tpu.memory_space<vmem_shared>>
        tpu.enqueue_dma source(%arg13 : memref<512xf32, #tpu.memory_space<vmem>>) target(%dma_start3A_165 : memref<512xf32, #tpu.memory_space<vmem_shared>>) target_semaphore(%run_scoped3A : memref<!tpu.dma_semaphore, #tpu.memory_space<semaphore_mem>>)
        %dma_wait3A = tpu.memref_slice %arg28[%mul3A_162] : memref<50176xf32, #tpu.memory_space<vmem_shared>> -> memref<512xf32, #tpu.memory_space<vmem_shared>>
        %dma_wait3A_166 = tpu.memref_slice %arg28[%mul3A_162] : memref<50176xf32, #tpu.memory_space<vmem_shared>> -> memref<512xf32, #tpu.memory_space<vmem_shared>>
        tpu.wait_dma2 semaphore(%run_scoped3A : memref<!tpu.dma_semaphore, #tpu.memory_space<semaphore_mem>>) src(%arg13 : memref<512xf32, #tpu.memory_space<vmem>>) dst(%dma_wait3A_166 : memref<512xf32, #tpu.memory_space<vmem_shared>>)
        tpu.yield
      }) : () -> ()
      %mul3A_163 = arith.constant 512 : i32
      %mul3A_164 = arith.muli %add3A_33, %mul3A_163 : i32
      "tpu.region"() ({
        %run_scoped3A = tpu.sem_alloc : memref<!tpu.dma_semaphore, #tpu.memory_space<semaphore_mem>>
        %dma_start3A = tpu.memref_slice %arg29[%mul3A_164] : memref<50176xf32, #tpu.memory_space<vmem_shared>> -> memref<512xf32, #tpu.memory_space<vmem_shared>>
        %dma_start3A_165 = tpu.memref_slice %arg29[%mul3A_164] : memref<50176xf32, #tpu.memory_space<vmem_shared>> -> memref<512xf32, #tpu.memory_space<vmem_shared>>
        tpu.enqueue_dma source(%arg13 : memref<512xf32, #tpu.memory_space<vmem>>) target(%dma_start3A_165 : memref<512xf32, #tpu.memory_space<vmem_shared>>) target_semaphore(%run_scoped3A : memref<!tpu.dma_semaphore, #tpu.memory_space<semaphore_mem>>)
        %dma_wait3A = tpu.memref_slice %arg29[%mul3A_164] : memref<50176xf32, #tpu.memory_space<vmem_shared>> -> memref<512xf32, #tpu.memory_space<vmem_shared>>
        %dma_wait3A_166 = tpu.memref_slice %arg29[%mul3A_164] : memref<50176xf32, #tpu.memory_space<vmem_shared>> -> memref<512xf32, #tpu.memory_space<vmem_shared>>
        tpu.wait_dma2 semaphore(%run_scoped3A : memref<!tpu.dma_semaphore, #tpu.memory_space<semaphore_mem>>) src(%arg13 : memref<512xf32, #tpu.memory_space<vmem>>) dst(%dma_wait3A_166 : memref<512xf32, #tpu.memory_space<vmem_shared>>)
        tpu.yield
      }) : () -> ()
    } else {
    }
    %add3A_39 = arith.constant 64 : i32
    %add3A_40 = arith.addi %arg1, %add3A_39 : i32
    %lt3A_41 = arith.constant 98 : i32
    %lt3A_42 = arith.cmpi slt, %add3A_40, %lt3A_41 : i32
    %convert_element_type3A_43 = arith.extui %lt3A_42 : i1 to i32
    %cond3A_44 = arith.constant 0 : i32
    %cond3A_45 = arith.cmpi ne, %convert_element_type3A_43, %cond3A_44 : i32
    scf.if %cond3A_45 {
      %mul3A_149 = arith.constant 512 : i32
      %mul3A_150 = arith.muli %add3A_40, %mul3A_149 : i32
      "tpu.region"() ({
        %run_scoped3A = tpu.sem_alloc : memref<!tpu.dma_semaphore, #tpu.memory_space<semaphore_mem>>
        %dma_start3A = tpu.memref_slice %arg22[%mul3A_150] : memref<50176xf32, #tpu.memory_space<vmem_shared>> -> memref<512xf32, #tpu.memory_space<vmem_shared>>
        %dma_start3A_165 = tpu.memref_slice %arg22[%mul3A_150] : memref<50176xf32, #tpu.memory_space<vmem_shared>> -> memref<512xf32, #tpu.memory_space<vmem_shared>>
        tpu.enqueue_dma source(%arg13 : memref<512xf32, #tpu.memory_space<vmem>>) target(%dma_start3A_165 : memref<512xf32, #tpu.memory_space<vmem_shared>>) target_semaphore(%run_scoped3A : memref<!tpu.dma_semaphore, #tpu.memory_space<semaphore_mem>>)
        %dma_wait3A = tpu.memref_slice %arg22[%mul3A_150] : memref<50176xf32, #tpu.memory_space<vmem_shared>> -> memref<512xf32, #tpu.memory_space<vmem_shared>>
        %dma_wait3A_166 = tpu.memref_slice %arg22[%mul3A_150] : memref<50176xf32, #tpu.memory_space<vmem_shared>> -> memref<512xf32, #tpu.memory_space<vmem_shared>>
        tpu.wait_dma2 semaphore(%run_scoped3A : memref<!tpu.dma_semaphore, #tpu.memory_space<semaphore_mem>>) src(%arg13 : memref<512xf32, #tpu.memory_space<vmem>>) dst(%dma_wait3A_166 : memref<512xf32, #tpu.memory_space<vmem_shared>>)
        tpu.yield
      }) : () -> ()
      %mul3A_151 = arith.constant 512 : i32
      %mul3A_152 = arith.muli %add3A_40, %mul3A_151 : i32
      "tpu.region"() ({
        %run_scoped3A = tpu.sem_alloc : memref<!tpu.dma_semaphore, #tpu.memory_space<semaphore_mem>>
        %dma_start3A = tpu.memref_slice %arg23[%mul3A_152] : memref<50176xf32, #tpu.memory_space<vmem_shared>> -> memref<512xf32, #tpu.memory_space<vmem_shared>>
        %dma_start3A_165 = tpu.memref_slice %arg23[%mul3A_152] : memref<50176xf32, #tpu.memory_space<vmem_shared>> -> memref<512xf32, #tpu.memory_space<vmem_shared>>
        tpu.enqueue_dma source(%arg13 : memref<512xf32, #tpu.memory_space<vmem>>) target(%dma_start3A_165 : memref<512xf32, #tpu.memory_space<vmem_shared>>) target_semaphore(%run_scoped3A : memref<!tpu.dma_semaphore, #tpu.memory_space<semaphore_mem>>)
        %dma_wait3A = tpu.memref_slice %arg23[%mul3A_152] : memref<50176xf32, #tpu.memory_space<vmem_shared>> -> memref<512xf32, #tpu.memory_space<vmem_shared>>
        %dma_wait3A_166 = tpu.memref_slice %arg23[%mul3A_152] : memref<50176xf32, #tpu.memory_space<vmem_shared>> -> memref<512xf32, #tpu.memory_space<vmem_shared>>
        tpu.wait_dma2 semaphore(%run_scoped3A : memref<!tpu.dma_semaphore, #tpu.memory_space<semaphore_mem>>) src(%arg13 : memref<512xf32, #tpu.memory_space<vmem>>) dst(%dma_wait3A_166 : memref<512xf32, #tpu.memory_space<vmem_shared>>)
        tpu.yield
      }) : () -> ()
      %mul3A_153 = arith.constant 512 : i32
      %mul3A_154 = arith.muli %add3A_40, %mul3A_153 : i32
      "tpu.region"() ({
        %run_scoped3A = tpu.sem_alloc : memref<!tpu.dma_semaphore, #tpu.memory_space<semaphore_mem>>
        %dma_start3A = tpu.memref_slice %arg24[%mul3A_154] : memref<50176xf32, #tpu.memory_space<vmem_shared>> -> memref<512xf32, #tpu.memory_space<vmem_shared>>
        %dma_start3A_165 = tpu.memref_slice %arg24[%mul3A_154] : memref<50176xf32, #tpu.memory_space<vmem_shared>> -> memref<512xf32, #tpu.memory_space<vmem_shared>>
        tpu.enqueue_dma source(%arg13 : memref<512xf32, #tpu.memory_space<vmem>>) target(%dma_start3A_165 : memref<512xf32, #tpu.memory_space<vmem_shared>>) target_semaphore(%run_scoped3A : memref<!tpu.dma_semaphore, #tpu.memory_space<semaphore_mem>>)
        %dma_wait3A = tpu.memref_slice %arg24[%mul3A_154] : memref<50176xf32, #tpu.memory_space<vmem_shared>> -> memref<512xf32, #tpu.memory_space<vmem_shared>>
        %dma_wait3A_166 = tpu.memref_slice %arg24[%mul3A_154] : memref<50176xf32, #tpu.memory_space<vmem_shared>> -> memref<512xf32, #tpu.memory_space<vmem_shared>>
        tpu.wait_dma2 semaphore(%run_scoped3A : memref<!tpu.dma_semaphore, #tpu.memory_space<semaphore_mem>>) src(%arg13 : memref<512xf32, #tpu.memory_space<vmem>>) dst(%dma_wait3A_166 : memref<512xf32, #tpu.memory_space<vmem_shared>>)
        tpu.yield
      }) : () -> ()
      %mul3A_155 = arith.constant 512 : i32
      %mul3A_156 = arith.muli %add3A_40, %mul3A_155 : i32
      "tpu.region"() ({
        %run_scoped3A = tpu.sem_alloc : memref<!tpu.dma_semaphore, #tpu.memory_space<semaphore_mem>>
        %dma_start3A = tpu.memref_slice %arg25[%mul3A_156] : memref<50176xf32, #tpu.memory_space<vmem_shared>> -> memref<512xf32, #tpu.memory_space<vmem_shared>>
        %dma_start3A_165 = tpu.memref_slice %arg25[%mul3A_156] : memref<50176xf32, #tpu.memory_space<vmem_shared>> -> memref<512xf32, #tpu.memory_space<vmem_shared>>
        tpu.enqueue_dma source(%arg13 : memref<512xf32, #tpu.memory_space<vmem>>) target(%dma_start3A_165 : memref<512xf32, #tpu.memory_space<vmem_shared>>) target_semaphore(%run_scoped3A : memref<!tpu.dma_semaphore, #tpu.memory_space<semaphore_mem>>)
        %dma_wait3A = tpu.memref_slice %arg25[%mul3A_156] : memref<50176xf32, #tpu.memory_space<vmem_shared>> -> memref<512xf32, #tpu.memory_space<vmem_shared>>
        %dma_wait3A_166 = tpu.memref_slice %arg25[%mul3A_156] : memref<50176xf32, #tpu.memory_space<vmem_shared>> -> memref<512xf32, #tpu.memory_space<vmem_shared>>
        tpu.wait_dma2 semaphore(%run_scoped3A : memref<!tpu.dma_semaphore, #tpu.memory_space<semaphore_mem>>) src(%arg13 : memref<512xf32, #tpu.memory_space<vmem>>) dst(%dma_wait3A_166 : memref<512xf32, #tpu.memory_space<vmem_shared>>)
        tpu.yield
      }) : () -> ()
      %mul3A_157 = arith.constant 512 : i32
      %mul3A_158 = arith.muli %add3A_40, %mul3A_157 : i32
      "tpu.region"() ({
        %run_scoped3A = tpu.sem_alloc : memref<!tpu.dma_semaphore, #tpu.memory_space<semaphore_mem>>
        %dma_start3A = tpu.memref_slice %arg26[%mul3A_158] : memref<50176xf32, #tpu.memory_space<vmem_shared>> -> memref<512xf32, #tpu.memory_space<vmem_shared>>
        %dma_start3A_165 = tpu.memref_slice %arg26[%mul3A_158] : memref<50176xf32, #tpu.memory_space<vmem_shared>> -> memref<512xf32, #tpu.memory_space<vmem_shared>>
        tpu.enqueue_dma source(%arg13 : memref<512xf32, #tpu.memory_space<vmem>>) target(%dma_start3A_165 : memref<512xf32, #tpu.memory_space<vmem_shared>>) target_semaphore(%run_scoped3A : memref<!tpu.dma_semaphore, #tpu.memory_space<semaphore_mem>>)
        %dma_wait3A = tpu.memref_slice %arg26[%mul3A_158] : memref<50176xf32, #tpu.memory_space<vmem_shared>> -> memref<512xf32, #tpu.memory_space<vmem_shared>>
        %dma_wait3A_166 = tpu.memref_slice %arg26[%mul3A_158] : memref<50176xf32, #tpu.memory_space<vmem_shared>> -> memref<512xf32, #tpu.memory_space<vmem_shared>>
        tpu.wait_dma2 semaphore(%run_scoped3A : memref<!tpu.dma_semaphore, #tpu.memory_space<semaphore_mem>>) src(%arg13 : memref<512xf32, #tpu.memory_space<vmem>>) dst(%dma_wait3A_166 : memref<512xf32, #tpu.memory_space<vmem_shared>>)
        tpu.yield
      }) : () -> ()
      %mul3A_159 = arith.constant 512 : i32
      %mul3A_160 = arith.muli %add3A_40, %mul3A_159 : i32
      "tpu.region"() ({
        %run_scoped3A = tpu.sem_alloc : memref<!tpu.dma_semaphore, #tpu.memory_space<semaphore_mem>>
        %dma_start3A = tpu.memref_slice %arg27[%mul3A_160] : memref<50176xf32, #tpu.memory_space<vmem_shared>> -> memref<512xf32, #tpu.memory_space<vmem_shared>>
        %dma_start3A_165 = tpu.memref_slice %arg27[%mul3A_160] : memref<50176xf32, #tpu.memory_space<vmem_shared>> -> memref<512xf32, #tpu.memory_space<vmem_shared>>
        tpu.enqueue_dma source(%arg13 : memref<512xf32, #tpu.memory_space<vmem>>) target(%dma_start3A_165 : memref<512xf32, #tpu.memory_space<vmem_shared>>) target_semaphore(%run_scoped3A : memref<!tpu.dma_semaphore, #tpu.memory_space<semaphore_mem>>)
        %dma_wait3A = tpu.memref_slice %arg27[%mul3A_160] : memref<50176xf32, #tpu.memory_space<vmem_shared>> -> memref<512xf32, #tpu.memory_space<vmem_shared>>
        %dma_wait3A_166 = tpu.memref_slice %arg27[%mul3A_160] : memref<50176xf32, #tpu.memory_space<vmem_shared>> -> memref<512xf32, #tpu.memory_space<vmem_shared>>
        tpu.wait_dma2 semaphore(%run_scoped3A : memref<!tpu.dma_semaphore, #tpu.memory_space<semaphore_mem>>) src(%arg13 : memref<512xf32, #tpu.memory_space<vmem>>) dst(%dma_wait3A_166 : memref<512xf32, #tpu.memory_space<vmem_shared>>)
        tpu.yield
      }) : () -> ()
      %mul3A_161 = arith.constant 512 : i32
      %mul3A_162 = arith.muli %add3A_40, %mul3A_161 : i32
      "tpu.region"() ({
        %run_scoped3A = tpu.sem_alloc : memref<!tpu.dma_semaphore, #tpu.memory_space<semaphore_mem>>
        %dma_start3A = tpu.memref_slice %arg28[%mul3A_162] : memref<50176xf32, #tpu.memory_space<vmem_shared>> -> memref<512xf32, #tpu.memory_space<vmem_shared>>
        %dma_start3A_165 = tpu.memref_slice %arg28[%mul3A_162] : memref<50176xf32, #tpu.memory_space<vmem_shared>> -> memref<512xf32, #tpu.memory_space<vmem_shared>>
        tpu.enqueue_dma source(%arg13 : memref<512xf32, #tpu.memory_space<vmem>>) target(%dma_start3A_165 : memref<512xf32, #tpu.memory_space<vmem_shared>>) target_semaphore(%run_scoped3A : memref<!tpu.dma_semaphore, #tpu.memory_space<semaphore_mem>>)
        %dma_wait3A = tpu.memref_slice %arg28[%mul3A_162] : memref<50176xf32, #tpu.memory_space<vmem_shared>> -> memref<512xf32, #tpu.memory_space<vmem_shared>>
        %dma_wait3A_166 = tpu.memref_slice %arg28[%mul3A_162] : memref<50176xf32, #tpu.memory_space<vmem_shared>> -> memref<512xf32, #tpu.memory_space<vmem_shared>>
        tpu.wait_dma2 semaphore(%run_scoped3A : memref<!tpu.dma_semaphore, #tpu.memory_space<semaphore_mem>>) src(%arg13 : memref<512xf32, #tpu.memory_space<vmem>>) dst(%dma_wait3A_166 : memref<512xf32, #tpu.memory_space<vmem_shared>>)
        tpu.yield
      }) : () -> ()
      %mul3A_163 = arith.constant 512 : i32
      %mul3A_164 = arith.muli %add3A_40, %mul3A_163 : i32
      "tpu.region"() ({
        %run_scoped3A = tpu.sem_alloc : memref<!tpu.dma_semaphore, #tpu.memory_space<semaphore_mem>>
        %dma_start3A = tpu.memref_slice %arg29[%mul3A_164] : memref<50176xf32, #tpu.memory_space<vmem_shared>> -> memref<512xf32, #tpu.memory_space<vmem_shared>>
        %dma_start3A_165 = tpu.memref_slice %arg29[%mul3A_164] : memref<50176xf32, #tpu.memory_space<vmem_shared>> -> memref<512xf32, #tpu.memory_space<vmem_shared>>
        tpu.enqueue_dma source(%arg13 : memref<512xf32, #tpu.memory_space<vmem>>) target(%dma_start3A_165 : memref<512xf32, #tpu.memory_space<vmem_shared>>) target_semaphore(%run_scoped3A : memref<!tpu.dma_semaphore, #tpu.memory_space<semaphore_mem>>)
        %dma_wait3A = tpu.memref_slice %arg29[%mul3A_164] : memref<50176xf32, #tpu.memory_space<vmem_shared>> -> memref<512xf32, #tpu.memory_space<vmem_shared>>
        %dma_wait3A_166 = tpu.memref_slice %arg29[%mul3A_164] : memref<50176xf32, #tpu.memory_space<vmem_shared>> -> memref<512xf32, #tpu.memory_space<vmem_shared>>
        tpu.wait_dma2 semaphore(%run_scoped3A : memref<!tpu.dma_semaphore, #tpu.memory_space<semaphore_mem>>) src(%arg13 : memref<512xf32, #tpu.memory_space<vmem>>) dst(%dma_wait3A_166 : memref<512xf32, #tpu.memory_space<vmem_shared>>)
        tpu.yield
      }) : () -> ()
    } else {
    }
    %add3A_46 = arith.constant 80 : i32
    %add3A_47 = arith.addi %arg1, %add3A_46 : i32
    %lt3A_48 = arith.constant 98 : i32
    %lt3A_49 = arith.cmpi slt, %add3A_47, %lt3A_48 : i32
    %convert_element_type3A_50 = arith.extui %lt3A_49 : i1 to i32
    %cond3A_51 = arith.constant 0 : i32
    %cond3A_52 = arith.cmpi ne, %convert_element_type3A_50, %cond3A_51 : i32
    scf.if %cond3A_52 {
      %mul3A_149 = arith.constant 512 : i32
      %mul3A_150 = arith.muli %add3A_47, %mul3A_149 : i32
      "tpu.region"() ({
        %run_scoped3A = tpu.sem_alloc : memref<!tpu.dma_semaphore, #tpu.memory_space<semaphore_mem>>
        %dma_start3A = tpu.memref_slice %arg22[%mul3A_150] : memref<50176xf32, #tpu.memory_space<vmem_shared>> -> memref<512xf32, #tpu.memory_space<vmem_shared>>
        %dma_start3A_165 = tpu.memref_slice %arg22[%mul3A_150] : memref<50176xf32, #tpu.memory_space<vmem_shared>> -> memref<512xf32, #tpu.memory_space<vmem_shared>>
        tpu.enqueue_dma source(%arg13 : memref<512xf32, #tpu.memory_space<vmem>>) target(%dma_start3A_165 : memref<512xf32, #tpu.memory_space<vmem_shared>>) target_semaphore(%run_scoped3A : memref<!tpu.dma_semaphore, #tpu.memory_space<semaphore_mem>>)
        %dma_wait3A = tpu.memref_slice %arg22[%mul3A_150] : memref<50176xf32, #tpu.memory_space<vmem_shared>> -> memref<512xf32, #tpu.memory_space<vmem_shared>>
        %dma_wait3A_166 = tpu.memref_slice %arg22[%mul3A_150] : memref<50176xf32, #tpu.memory_space<vmem_shared>> -> memref<512xf32, #tpu.memory_space<vmem_shared>>
        tpu.wait_dma2 semaphore(%run_scoped3A : memref<!tpu.dma_semaphore, #tpu.memory_space<semaphore_mem>>) src(%arg13 : memref<512xf32, #tpu.memory_space<vmem>>) dst(%dma_wait3A_166 : memref<512xf32, #tpu.memory_space<vmem_shared>>)
        tpu.yield
      }) : () -> ()
      %mul3A_151 = arith.constant 512 : i32
      %mul3A_152 = arith.muli %add3A_47, %mul3A_151 : i32
      "tpu.region"() ({
        %run_scoped3A = tpu.sem_alloc : memref<!tpu.dma_semaphore, #tpu.memory_space<semaphore_mem>>
        %dma_start3A = tpu.memref_slice %arg23[%mul3A_152] : memref<50176xf32, #tpu.memory_space<vmem_shared>> -> memref<512xf32, #tpu.memory_space<vmem_shared>>
        %dma_start3A_165 = tpu.memref_slice %arg23[%mul3A_152] : memref<50176xf32, #tpu.memory_space<vmem_shared>> -> memref<512xf32, #tpu.memory_space<vmem_shared>>
        tpu.enqueue_dma source(%arg13 : memref<512xf32, #tpu.memory_space<vmem>>) target(%dma_start3A_165 : memref<512xf32, #tpu.memory_space<vmem_shared>>) target_semaphore(%run_scoped3A : memref<!tpu.dma_semaphore, #tpu.memory_space<semaphore_mem>>)
        %dma_wait3A = tpu.memref_slice %arg23[%mul3A_152] : memref<50176xf32, #tpu.memory_space<vmem_shared>> -> memref<512xf32, #tpu.memory_space<vmem_shared>>
        %dma_wait3A_166 = tpu.memref_slice %arg23[%mul3A_152] : memref<50176xf32, #tpu.memory_space<vmem_shared>> -> memref<512xf32, #tpu.memory_space<vmem_shared>>
        tpu.wait_dma2 semaphore(%run_scoped3A : memref<!tpu.dma_semaphore, #tpu.memory_space<semaphore_mem>>) src(%arg13 : memref<512xf32, #tpu.memory_space<vmem>>) dst(%dma_wait3A_166 : memref<512xf32, #tpu.memory_space<vmem_shared>>)
        tpu.yield
      }) : () -> ()
      %mul3A_153 = arith.constant 512 : i32
      %mul3A_154 = arith.muli %add3A_47, %mul3A_153 : i32
      "tpu.region"() ({
        %run_scoped3A = tpu.sem_alloc : memref<!tpu.dma_semaphore, #tpu.memory_space<semaphore_mem>>
        %dma_start3A = tpu.memref_slice %arg24[%mul3A_154] : memref<50176xf32, #tpu.memory_space<vmem_shared>> -> memref<512xf32, #tpu.memory_space<vmem_shared>>
        %dma_start3A_165 = tpu.memref_slice %arg24[%mul3A_154] : memref<50176xf32, #tpu.memory_space<vmem_shared>> -> memref<512xf32, #tpu.memory_space<vmem_shared>>
        tpu.enqueue_dma source(%arg13 : memref<512xf32, #tpu.memory_space<vmem>>) target(%dma_start3A_165 : memref<512xf32, #tpu.memory_space<vmem_shared>>) target_semaphore(%run_scoped3A : memref<!tpu.dma_semaphore, #tpu.memory_space<semaphore_mem>>)
        %dma_wait3A = tpu.memref_slice %arg24[%mul3A_154] : memref<50176xf32, #tpu.memory_space<vmem_shared>> -> memref<512xf32, #tpu.memory_space<vmem_shared>>
        %dma_wait3A_166 = tpu.memref_slice %arg24[%mul3A_154] : memref<50176xf32, #tpu.memory_space<vmem_shared>> -> memref<512xf32, #tpu.memory_space<vmem_shared>>
        tpu.wait_dma2 semaphore(%run_scoped3A : memref<!tpu.dma_semaphore, #tpu.memory_space<semaphore_mem>>) src(%arg13 : memref<512xf32, #tpu.memory_space<vmem>>) dst(%dma_wait3A_166 : memref<512xf32, #tpu.memory_space<vmem_shared>>)
        tpu.yield
      }) : () -> ()
      %mul3A_155 = arith.constant 512 : i32
      %mul3A_156 = arith.muli %add3A_47, %mul3A_155 : i32
      "tpu.region"() ({
        %run_scoped3A = tpu.sem_alloc : memref<!tpu.dma_semaphore, #tpu.memory_space<semaphore_mem>>
        %dma_start3A = tpu.memref_slice %arg25[%mul3A_156] : memref<50176xf32, #tpu.memory_space<vmem_shared>> -> memref<512xf32, #tpu.memory_space<vmem_shared>>
        %dma_start3A_165 = tpu.memref_slice %arg25[%mul3A_156] : memref<50176xf32, #tpu.memory_space<vmem_shared>> -> memref<512xf32, #tpu.memory_space<vmem_shared>>
        tpu.enqueue_dma source(%arg13 : memref<512xf32, #tpu.memory_space<vmem>>) target(%dma_start3A_165 : memref<512xf32, #tpu.memory_space<vmem_shared>>) target_semaphore(%run_scoped3A : memref<!tpu.dma_semaphore, #tpu.memory_space<semaphore_mem>>)
        %dma_wait3A = tpu.memref_slice %arg25[%mul3A_156] : memref<50176xf32, #tpu.memory_space<vmem_shared>> -> memref<512xf32, #tpu.memory_space<vmem_shared>>
        %dma_wait3A_166 = tpu.memref_slice %arg25[%mul3A_156] : memref<50176xf32, #tpu.memory_space<vmem_shared>> -> memref<512xf32, #tpu.memory_space<vmem_shared>>
        tpu.wait_dma2 semaphore(%run_scoped3A : memref<!tpu.dma_semaphore, #tpu.memory_space<semaphore_mem>>) src(%arg13 : memref<512xf32, #tpu.memory_space<vmem>>) dst(%dma_wait3A_166 : memref<512xf32, #tpu.memory_space<vmem_shared>>)
        tpu.yield
      }) : () -> ()
      %mul3A_157 = arith.constant 512 : i32
      %mul3A_158 = arith.muli %add3A_47, %mul3A_157 : i32
      "tpu.region"() ({
        %run_scoped3A = tpu.sem_alloc : memref<!tpu.dma_semaphore, #tpu.memory_space<semaphore_mem>>
        %dma_start3A = tpu.memref_slice %arg26[%mul3A_158] : memref<50176xf32, #tpu.memory_space<vmem_shared>> -> memref<512xf32, #tpu.memory_space<vmem_shared>>
        %dma_start3A_165 = tpu.memref_slice %arg26[%mul3A_158] : memref<50176xf32, #tpu.memory_space<vmem_shared>> -> memref<512xf32, #tpu.memory_space<vmem_shared>>
        tpu.enqueue_dma source(%arg13 : memref<512xf32, #tpu.memory_space<vmem>>) target(%dma_start3A_165 : memref<512xf32, #tpu.memory_space<vmem_shared>>) target_semaphore(%run_scoped3A : memref<!tpu.dma_semaphore, #tpu.memory_space<semaphore_mem>>)
        %dma_wait3A = tpu.memref_slice %arg26[%mul3A_158] : memref<50176xf32, #tpu.memory_space<vmem_shared>> -> memref<512xf32, #tpu.memory_space<vmem_shared>>
        %dma_wait3A_166 = tpu.memref_slice %arg26[%mul3A_158] : memref<50176xf32, #tpu.memory_space<vmem_shared>> -> memref<512xf32, #tpu.memory_space<vmem_shared>>
        tpu.wait_dma2 semaphore(%run_scoped3A : memref<!tpu.dma_semaphore, #tpu.memory_space<semaphore_mem>>) src(%arg13 : memref<512xf32, #tpu.memory_space<vmem>>) dst(%dma_wait3A_166 : memref<512xf32, #tpu.memory_space<vmem_shared>>)
        tpu.yield
      }) : () -> ()
      %mul3A_159 = arith.constant 512 : i32
      %mul3A_160 = arith.muli %add3A_47, %mul3A_159 : i32
      "tpu.region"() ({
        %run_scoped3A = tpu.sem_alloc : memref<!tpu.dma_semaphore, #tpu.memory_space<semaphore_mem>>
        %dma_start3A = tpu.memref_slice %arg27[%mul3A_160] : memref<50176xf32, #tpu.memory_space<vmem_shared>> -> memref<512xf32, #tpu.memory_space<vmem_shared>>
        %dma_start3A_165 = tpu.memref_slice %arg27[%mul3A_160] : memref<50176xf32, #tpu.memory_space<vmem_shared>> -> memref<512xf32, #tpu.memory_space<vmem_shared>>
        tpu.enqueue_dma source(%arg13 : memref<512xf32, #tpu.memory_space<vmem>>) target(%dma_start3A_165 : memref<512xf32, #tpu.memory_space<vmem_shared>>) target_semaphore(%run_scoped3A : memref<!tpu.dma_semaphore, #tpu.memory_space<semaphore_mem>>)
        %dma_wait3A = tpu.memref_slice %arg27[%mul3A_160] : memref<50176xf32, #tpu.memory_space<vmem_shared>> -> memref<512xf32, #tpu.memory_space<vmem_shared>>
        %dma_wait3A_166 = tpu.memref_slice %arg27[%mul3A_160] : memref<50176xf32, #tpu.memory_space<vmem_shared>> -> memref<512xf32, #tpu.memory_space<vmem_shared>>
        tpu.wait_dma2 semaphore(%run_scoped3A : memref<!tpu.dma_semaphore, #tpu.memory_space<semaphore_mem>>) src(%arg13 : memref<512xf32, #tpu.memory_space<vmem>>) dst(%dma_wait3A_166 : memref<512xf32, #tpu.memory_space<vmem_shared>>)
        tpu.yield
      }) : () -> ()
      %mul3A_161 = arith.constant 512 : i32
      %mul3A_162 = arith.muli %add3A_47, %mul3A_161 : i32
      "tpu.region"() ({
        %run_scoped3A = tpu.sem_alloc : memref<!tpu.dma_semaphore, #tpu.memory_space<semaphore_mem>>
        %dma_start3A = tpu.memref_slice %arg28[%mul3A_162] : memref<50176xf32, #tpu.memory_space<vmem_shared>> -> memref<512xf32, #tpu.memory_space<vmem_shared>>
        %dma_start3A_165 = tpu.memref_slice %arg28[%mul3A_162] : memref<50176xf32, #tpu.memory_space<vmem_shared>> -> memref<512xf32, #tpu.memory_space<vmem_shared>>
        tpu.enqueue_dma source(%arg13 : memref<512xf32, #tpu.memory_space<vmem>>) target(%dma_start3A_165 : memref<512xf32, #tpu.memory_space<vmem_shared>>) target_semaphore(%run_scoped3A : memref<!tpu.dma_semaphore, #tpu.memory_space<semaphore_mem>>)
        %dma_wait3A = tpu.memref_slice %arg28[%mul3A_162] : memref<50176xf32, #tpu.memory_space<vmem_shared>> -> memref<512xf32, #tpu.memory_space<vmem_shared>>
        %dma_wait3A_166 = tpu.memref_slice %arg28[%mul3A_162] : memref<50176xf32, #tpu.memory_space<vmem_shared>> -> memref<512xf32, #tpu.memory_space<vmem_shared>>
        tpu.wait_dma2 semaphore(%run_scoped3A : memref<!tpu.dma_semaphore, #tpu.memory_space<semaphore_mem>>) src(%arg13 : memref<512xf32, #tpu.memory_space<vmem>>) dst(%dma_wait3A_166 : memref<512xf32, #tpu.memory_space<vmem_shared>>)
        tpu.yield
      }) : () -> ()
      %mul3A_163 = arith.constant 512 : i32
      %mul3A_164 = arith.muli %add3A_47, %mul3A_163 : i32
      "tpu.region"() ({
        %run_scoped3A = tpu.sem_alloc : memref<!tpu.dma_semaphore, #tpu.memory_space<semaphore_mem>>
        %dma_start3A = tpu.memref_slice %arg29[%mul3A_164] : memref<50176xf32, #tpu.memory_space<vmem_shared>> -> memref<512xf32, #tpu.memory_space<vmem_shared>>
        %dma_start3A_165 = tpu.memref_slice %arg29[%mul3A_164] : memref<50176xf32, #tpu.memory_space<vmem_shared>> -> memref<512xf32, #tpu.memory_space<vmem_shared>>
        tpu.enqueue_dma source(%arg13 : memref<512xf32, #tpu.memory_space<vmem>>) target(%dma_start3A_165 : memref<512xf32, #tpu.memory_space<vmem_shared>>) target_semaphore(%run_scoped3A : memref<!tpu.dma_semaphore, #tpu.memory_space<semaphore_mem>>)
        %dma_wait3A = tpu.memref_slice %arg29[%mul3A_164] : memref<50176xf32, #tpu.memory_space<vmem_shared>> -> memref<512xf32, #tpu.memory_space<vmem_shared>>
        %dma_wait3A_166 = tpu.memref_slice %arg29[%mul3A_164] : memref<50176xf32, #tpu.memory_space<vmem_shared>> -> memref<512xf32, #tpu.memory_space<vmem_shared>>
        tpu.wait_dma2 semaphore(%run_scoped3A : memref<!tpu.dma_semaphore, #tpu.memory_space<semaphore_mem>>) src(%arg13 : memref<512xf32, #tpu.memory_space<vmem>>) dst(%dma_wait3A_166 : memref<512xf32, #tpu.memory_space<vmem_shared>>)
        tpu.yield
      }) : () -> ()
    } else {
    }
    %add3A_53 = arith.constant 96 : i32
    %add3A_54 = arith.addi %arg1, %add3A_53 : i32
    %lt3A_55 = arith.constant 98 : i32
    %lt3A_56 = arith.cmpi slt, %add3A_54, %lt3A_55 : i32
    %convert_element_type3A_57 = arith.extui %lt3A_56 : i1 to i32
    %cond3A_58 = arith.constant 0 : i32
    %cond3A_59 = arith.cmpi ne, %convert_element_type3A_57, %cond3A_58 : i32
    scf.if %cond3A_59 {
      %mul3A_149 = arith.constant 512 : i32
      %mul3A_150 = arith.muli %add3A_54, %mul3A_149 : i32
      "tpu.region"() ({
        %run_scoped3A = tpu.sem_alloc : memref<!tpu.dma_semaphore, #tpu.memory_space<semaphore_mem>>
        %dma_start3A = tpu.memref_slice %arg22[%mul3A_150] : memref<50176xf32, #tpu.memory_space<vmem_shared>> -> memref<512xf32, #tpu.memory_space<vmem_shared>>
        %dma_start3A_165 = tpu.memref_slice %arg22[%mul3A_150] : memref<50176xf32, #tpu.memory_space<vmem_shared>> -> memref<512xf32, #tpu.memory_space<vmem_shared>>
        tpu.enqueue_dma source(%arg13 : memref<512xf32, #tpu.memory_space<vmem>>) target(%dma_start3A_165 : memref<512xf32, #tpu.memory_space<vmem_shared>>) target_semaphore(%run_scoped3A : memref<!tpu.dma_semaphore, #tpu.memory_space<semaphore_mem>>)
        %dma_wait3A = tpu.memref_slice %arg22[%mul3A_150] : memref<50176xf32, #tpu.memory_space<vmem_shared>> -> memref<512xf32, #tpu.memory_space<vmem_shared>>
        %dma_wait3A_166 = tpu.memref_slice %arg22[%mul3A_150] : memref<50176xf32, #tpu.memory_space<vmem_shared>> -> memref<512xf32, #tpu.memory_space<vmem_shared>>
        tpu.wait_dma2 semaphore(%run_scoped3A : memref<!tpu.dma_semaphore, #tpu.memory_space<semaphore_mem>>) src(%arg13 : memref<512xf32, #tpu.memory_space<vmem>>) dst(%dma_wait3A_166 : memref<512xf32, #tpu.memory_space<vmem_shared>>)
        tpu.yield
      }) : () -> ()
      %mul3A_151 = arith.constant 512 : i32
      %mul3A_152 = arith.muli %add3A_54, %mul3A_151 : i32
      "tpu.region"() ({
        %run_scoped3A = tpu.sem_alloc : memref<!tpu.dma_semaphore, #tpu.memory_space<semaphore_mem>>
        %dma_start3A = tpu.memref_slice %arg23[%mul3A_152] : memref<50176xf32, #tpu.memory_space<vmem_shared>> -> memref<512xf32, #tpu.memory_space<vmem_shared>>
        %dma_start3A_165 = tpu.memref_slice %arg23[%mul3A_152] : memref<50176xf32, #tpu.memory_space<vmem_shared>> -> memref<512xf32, #tpu.memory_space<vmem_shared>>
        tpu.enqueue_dma source(%arg13 : memref<512xf32, #tpu.memory_space<vmem>>) target(%dma_start3A_165 : memref<512xf32, #tpu.memory_space<vmem_shared>>) target_semaphore(%run_scoped3A : memref<!tpu.dma_semaphore, #tpu.memory_space<semaphore_mem>>)
        %dma_wait3A = tpu.memref_slice %arg23[%mul3A_152] : memref<50176xf32, #tpu.memory_space<vmem_shared>> -> memref<512xf32, #tpu.memory_space<vmem_shared>>
        %dma_wait3A_166 = tpu.memref_slice %arg23[%mul3A_152] : memref<50176xf32, #tpu.memory_space<vmem_shared>> -> memref<512xf32, #tpu.memory_space<vmem_shared>>
        tpu.wait_dma2 semaphore(%run_scoped3A : memref<!tpu.dma_semaphore, #tpu.memory_space<semaphore_mem>>) src(%arg13 : memref<512xf32, #tpu.memory_space<vmem>>) dst(%dma_wait3A_166 : memref<512xf32, #tpu.memory_space<vmem_shared>>)
        tpu.yield
      }) : () -> ()
      %mul3A_153 = arith.constant 512 : i32
      %mul3A_154 = arith.muli %add3A_54, %mul3A_153 : i32
      "tpu.region"() ({
        %run_scoped3A = tpu.sem_alloc : memref<!tpu.dma_semaphore, #tpu.memory_space<semaphore_mem>>
        %dma_start3A = tpu.memref_slice %arg24[%mul3A_154] : memref<50176xf32, #tpu.memory_space<vmem_shared>> -> memref<512xf32, #tpu.memory_space<vmem_shared>>
        %dma_start3A_165 = tpu.memref_slice %arg24[%mul3A_154] : memref<50176xf32, #tpu.memory_space<vmem_shared>> -> memref<512xf32, #tpu.memory_space<vmem_shared>>
        tpu.enqueue_dma source(%arg13 : memref<512xf32, #tpu.memory_space<vmem>>) target(%dma_start3A_165 : memref<512xf32, #tpu.memory_space<vmem_shared>>) target_semaphore(%run_scoped3A : memref<!tpu.dma_semaphore, #tpu.memory_space<semaphore_mem>>)
        %dma_wait3A = tpu.memref_slice %arg24[%mul3A_154] : memref<50176xf32, #tpu.memory_space<vmem_shared>> -> memref<512xf32, #tpu.memory_space<vmem_shared>>
        %dma_wait3A_166 = tpu.memref_slice %arg24[%mul3A_154] : memref<50176xf32, #tpu.memory_space<vmem_shared>> -> memref<512xf32, #tpu.memory_space<vmem_shared>>
        tpu.wait_dma2 semaphore(%run_scoped3A : memref<!tpu.dma_semaphore, #tpu.memory_space<semaphore_mem>>) src(%arg13 : memref<512xf32, #tpu.memory_space<vmem>>) dst(%dma_wait3A_166 : memref<512xf32, #tpu.memory_space<vmem_shared>>)
        tpu.yield
      }) : () -> ()
      %mul3A_155 = arith.constant 512 : i32
      %mul3A_156 = arith.muli %add3A_54, %mul3A_155 : i32
      "tpu.region"() ({
        %run_scoped3A = tpu.sem_alloc : memref<!tpu.dma_semaphore, #tpu.memory_space<semaphore_mem>>
        %dma_start3A = tpu.memref_slice %arg25[%mul3A_156] : memref<50176xf32, #tpu.memory_space<vmem_shared>> -> memref<512xf32, #tpu.memory_space<vmem_shared>>
        %dma_start3A_165 = tpu.memref_slice %arg25[%mul3A_156] : memref<50176xf32, #tpu.memory_space<vmem_shared>> -> memref<512xf32, #tpu.memory_space<vmem_shared>>
        tpu.enqueue_dma source(%arg13 : memref<512xf32, #tpu.memory_space<vmem>>) target(%dma_start3A_165 : memref<512xf32, #tpu.memory_space<vmem_shared>>) target_semaphore(%run_scoped3A : memref<!tpu.dma_semaphore, #tpu.memory_space<semaphore_mem>>)
        %dma_wait3A = tpu.memref_slice %arg25[%mul3A_156] : memref<50176xf32, #tpu.memory_space<vmem_shared>> -> memref<512xf32, #tpu.memory_space<vmem_shared>>
        %dma_wait3A_166 = tpu.memref_slice %arg25[%mul3A_156] : memref<50176xf32, #tpu.memory_space<vmem_shared>> -> memref<512xf32, #tpu.memory_space<vmem_shared>>
        tpu.wait_dma2 semaphore(%run_scoped3A : memref<!tpu.dma_semaphore, #tpu.memory_space<semaphore_mem>>) src(%arg13 : memref<512xf32, #tpu.memory_space<vmem>>) dst(%dma_wait3A_166 : memref<512xf32, #tpu.memory_space<vmem_shared>>)
        tpu.yield
      }) : () -> ()
      %mul3A_157 = arith.constant 512 : i32
      %mul3A_158 = arith.muli %add3A_54, %mul3A_157 : i32
      "tpu.region"() ({
        %run_scoped3A = tpu.sem_alloc : memref<!tpu.dma_semaphore, #tpu.memory_space<semaphore_mem>>
        %dma_start3A = tpu.memref_slice %arg26[%mul3A_158] : memref<50176xf32, #tpu.memory_space<vmem_shared>> -> memref<512xf32, #tpu.memory_space<vmem_shared>>
        %dma_start3A_165 = tpu.memref_slice %arg26[%mul3A_158] : memref<50176xf32, #tpu.memory_space<vmem_shared>> -> memref<512xf32, #tpu.memory_space<vmem_shared>>
        tpu.enqueue_dma source(%arg13 : memref<512xf32, #tpu.memory_space<vmem>>) target(%dma_start3A_165 : memref<512xf32, #tpu.memory_space<vmem_shared>>) target_semaphore(%run_scoped3A : memref<!tpu.dma_semaphore, #tpu.memory_space<semaphore_mem>>)
        %dma_wait3A = tpu.memref_slice %arg26[%mul3A_158] : memref<50176xf32, #tpu.memory_space<vmem_shared>> -> memref<512xf32, #tpu.memory_space<vmem_shared>>
        %dma_wait3A_166 = tpu.memref_slice %arg26[%mul3A_158] : memref<50176xf32, #tpu.memory_space<vmem_shared>> -> memref<512xf32, #tpu.memory_space<vmem_shared>>
        tpu.wait_dma2 semaphore(%run_scoped3A : memref<!tpu.dma_semaphore, #tpu.memory_space<semaphore_mem>>) src(%arg13 : memref<512xf32, #tpu.memory_space<vmem>>) dst(%dma_wait3A_166 : memref<512xf32, #tpu.memory_space<vmem_shared>>)
        tpu.yield
      }) : () -> ()
      %mul3A_159 = arith.constant 512 : i32
      %mul3A_160 = arith.muli %add3A_54, %mul3A_159 : i32
      "tpu.region"() ({
        %run_scoped3A = tpu.sem_alloc : memref<!tpu.dma_semaphore, #tpu.memory_space<semaphore_mem>>
        %dma_start3A = tpu.memref_slice %arg27[%mul3A_160] : memref<50176xf32, #tpu.memory_space<vmem_shared>> -> memref<512xf32, #tpu.memory_space<vmem_shared>>
        %dma_start3A_165 = tpu.memref_slice %arg27[%mul3A_160] : memref<50176xf32, #tpu.memory_space<vmem_shared>> -> memref<512xf32, #tpu.memory_space<vmem_shared>>
        tpu.enqueue_dma source(%arg13 : memref<512xf32, #tpu.memory_space<vmem>>) target(%dma_start3A_165 : memref<512xf32, #tpu.memory_space<vmem_shared>>) target_semaphore(%run_scoped3A : memref<!tpu.dma_semaphore, #tpu.memory_space<semaphore_mem>>)
        %dma_wait3A = tpu.memref_slice %arg27[%mul3A_160] : memref<50176xf32, #tpu.memory_space<vmem_shared>> -> memref<512xf32, #tpu.memory_space<vmem_shared>>
        %dma_wait3A_166 = tpu.memref_slice %arg27[%mul3A_160] : memref<50176xf32, #tpu.memory_space<vmem_shared>> -> memref<512xf32, #tpu.memory_space<vmem_shared>>
        tpu.wait_dma2 semaphore(%run_scoped3A : memref<!tpu.dma_semaphore, #tpu.memory_space<semaphore_mem>>) src(%arg13 : memref<512xf32, #tpu.memory_space<vmem>>) dst(%dma_wait3A_166 : memref<512xf32, #tpu.memory_space<vmem_shared>>)
        tpu.yield
      }) : () -> ()
      %mul3A_161 = arith.constant 512 : i32
      %mul3A_162 = arith.muli %add3A_54, %mul3A_161 : i32
      "tpu.region"() ({
        %run_scoped3A = tpu.sem_alloc : memref<!tpu.dma_semaphore, #tpu.memory_space<semaphore_mem>>
        %dma_start3A = tpu.memref_slice %arg28[%mul3A_162] : memref<50176xf32, #tpu.memory_space<vmem_shared>> -> memref<512xf32, #tpu.memory_space<vmem_shared>>
        %dma_start3A_165 = tpu.memref_slice %arg28[%mul3A_162] : memref<50176xf32, #tpu.memory_space<vmem_shared>> -> memref<512xf32, #tpu.memory_space<vmem_shared>>
        tpu.enqueue_dma source(%arg13 : memref<512xf32, #tpu.memory_space<vmem>>) target(%dma_start3A_165 : memref<512xf32, #tpu.memory_space<vmem_shared>>) target_semaphore(%run_scoped3A : memref<!tpu.dma_semaphore, #tpu.memory_space<semaphore_mem>>)
        %dma_wait3A = tpu.memref_slice %arg28[%mul3A_162] : memref<50176xf32, #tpu.memory_space<vmem_shared>> -> memref<512xf32, #tpu.memory_space<vmem_shared>>
        %dma_wait3A_166 = tpu.memref_slice %arg28[%mul3A_162] : memref<50176xf32, #tpu.memory_space<vmem_shared>> -> memref<512xf32, #tpu.memory_space<vmem_shared>>
        tpu.wait_dma2 semaphore(%run_scoped3A : memref<!tpu.dma_semaphore, #tpu.memory_space<semaphore_mem>>) src(%arg13 : memref<512xf32, #tpu.memory_space<vmem>>) dst(%dma_wait3A_166 : memref<512xf32, #tpu.memory_space<vmem_shared>>)
        tpu.yield
      }) : () -> ()
      %mul3A_163 = arith.constant 512 : i32
      %mul3A_164 = arith.muli %add3A_54, %mul3A_163 : i32
      "tpu.region"() ({
        %run_scoped3A = tpu.sem_alloc : memref<!tpu.dma_semaphore, #tpu.memory_space<semaphore_mem>>
        %dma_start3A = tpu.memref_slice %arg29[%mul3A_164] : memref<50176xf32, #tpu.memory_space<vmem_shared>> -> memref<512xf32, #tpu.memory_space<vmem_shared>>
        %dma_start3A_165 = tpu.memref_slice %arg29[%mul3A_164] : memref<50176xf32, #tpu.memory_space<vmem_shared>> -> memref<512xf32, #tpu.memory_space<vmem_shared>>
        tpu.enqueue_dma source(%arg13 : memref<512xf32, #tpu.memory_space<vmem>>) target(%dma_start3A_165 : memref<512xf32, #tpu.memory_space<vmem_shared>>) target_semaphore(%run_scoped3A : memref<!tpu.dma_semaphore, #tpu.memory_space<semaphore_mem>>)
        %dma_wait3A = tpu.memref_slice %arg29[%mul3A_164] : memref<50176xf32, #tpu.memory_space<vmem_shared>> -> memref<512xf32, #tpu.memory_space<vmem_shared>>
        %dma_wait3A_166 = tpu.memref_slice %arg29[%mul3A_164] : memref<50176xf32, #tpu.memory_space<vmem_shared>> -> memref<512xf32, #tpu.memory_space<vmem_shared>>
        tpu.wait_dma2 semaphore(%run_scoped3A : memref<!tpu.dma_semaphore, #tpu.memory_space<semaphore_mem>>) src(%arg13 : memref<512xf32, #tpu.memory_space<vmem>>) dst(%dma_wait3A_166 : memref<512xf32, #tpu.memory_space<vmem_shared>>)
        tpu.yield
      }) : () -> ()
    } else {
    }
    %barrier3A = arith.constant 0 : index
    tpu.barrier barrier_id(%barrier3A)
    %get3A = arith.constant 0 : index
    %get3A_60 = tpu.vector_load %arg7[%get3A] {strides = array<i32>} : memref<192xf32, #tpu.memory_space<vmem>>, vector<16xf32>,
    %get3A_61 = vector.shape_cast %get3A_60 : vector<16xf32> to vector<16xf32>
    %get3A_62 = arith.constant 64 : index
    %get3A_63 = tpu.vector_load %arg7[%get3A_62] {strides = array<i32>} : memref<192xf32, #tpu.memory_space<vmem>>, vector<16xf32>,
    %get3A_64 = vector.shape_cast %get3A_63 : vector<16xf32> to vector<16xf32>
    %get3A_65 = arith.constant 128 : index
    %get3A_66 = tpu.vector_load %arg7[%get3A_65] {strides = array<i32>} : memref<192xf32, #tpu.memory_space<vmem>>, vector<16xf32>,
    %get3A_67 = vector.shape_cast %get3A_66 : vector<16xf32> to vector<16xf32>
    %get3A_68 = arith.constant 16 : index
    %get3A_69 = tpu.vector_load %arg7[%get3A_68] {strides = array<i32>} : memref<192xf32, #tpu.memory_space<vmem>>, vector<16xf32>,
    %get3A_70 = vector.shape_cast %get3A_69 : vector<16xf32> to vector<16xf32>
    %get3A_71 = arith.constant 80 : index
    %get3A_72 = tpu.vector_load %arg7[%get3A_71] {strides = array<i32>} : memref<192xf32, #tpu.memory_space<vmem>>, vector<16xf32>,
    %get3A_73 = vector.shape_cast %get3A_72 : vector<16xf32> to vector<16xf32>
    %get3A_74 = arith.constant 144 : index
    %get3A_75 = tpu.vector_load %arg7[%get3A_74] {strides = array<i32>} : memref<192xf32, #tpu.memory_space<vmem>>, vector<16xf32>,
    %get3A_76 = vector.shape_cast %get3A_75 : vector<16xf32> to vector<16xf32>
    %get3A_77 = arith.constant 32 : index
    %get3A_78 = tpu.vector_load %arg7[%get3A_77] {strides = array<i32>} : memref<192xf32, #tpu.memory_space<vmem>>, vector<16xf32>,
    %get3A_79 = vector.shape_cast %get3A_78 : vector<16xf32> to vector<16xf32>
    %get3A_80 = arith.constant 96 : index
    %get3A_81 = tpu.vector_load %arg7[%get3A_80] {strides = array<i32>} : memref<192xf32, #tpu.memory_space<vmem>>, vector<16xf32>,
    %get3A_82 = vector.shape_cast %get3A_81 : vector<16xf32> to vector<16xf32>
    %get3A_83 = arith.constant 160 : index
    %get3A_84 = tpu.vector_load %arg7[%get3A_83] {strides = array<i32>} : memref<192xf32, #tpu.memory_space<vmem>>, vector<16xf32>,
    %get3A_85 = vector.shape_cast %get3A_84 : vector<16xf32> to vector<16xf32>
    %get3A_86 = arith.constant 48 : index
    %get3A_87 = tpu.vector_load %arg7[%get3A_86] {strides = array<i32>} : memref<192xf32, #tpu.memory_space<vmem>>, vector<16xf32>,
    %get3A_88 = vector.shape_cast %get3A_87 : vector<16xf32> to vector<16xf32>
    %get3A_89 = arith.constant 112 : index
    %get3A_90 = tpu.vector_load %arg7[%get3A_89] {strides = array<i32>} : memref<192xf32, #tpu.memory_space<vmem>>, vector<16xf32>,
    %get3A_91 = vector.shape_cast %get3A_90 : vector<16xf32> to vector<16xf32>
    %get3A_92 = arith.constant 176 : index
    %get3A_93 = tpu.vector_load %arg7[%get3A_92] {strides = array<i32>} : memref<192xf32, #tpu.memory_space<vmem>>, vector<16xf32>,
    %get3A_94 = vector.shape_cast %get3A_93 : vector<16xf32> to vector<16xf32>
    %mul3A = arith.constant 16 : i32
    %mul3A_95 = arith.muli %arg0, %mul3A : i32
    %add3A_96 = arith.addi %mul3A_95, %arg1 : i32
    %mul3A_97 = arith.constant 25088 : i32
    %mul3A_98 = arith.muli %add3A_96, %mul3A_97 : i32
    %scan3A_99 = arith.constant 0 : i32
    %scan3A_100 = arith.constant 0 : i32
    %scan3A_101 = arith.constant 49 : i32
    %scan3A_102 = arith.addi %scan3A_100, %scan3A_101 : i32
    %scan3A_103 = arith.constant 1 : i32
    %scan3A_104 = scf.for %scan3A_149 = %scan3A_100 to %scan3A_102 step %scan3A_103 iter_args(%scan3A_150 = %scan3A_99) -> (i32)  : i32 {
      %mul3A_151 = arith.constant 512 : i32
      %mul3A_152 = arith.muli %scan3A_149, %mul3A_151 : i32
      %add3A_153 = arith.addi %mul3A_98, %mul3A_152 : i32
      "tpu.region"() ({
        %run_scoped3A = tpu.sem_alloc : memref<!tpu.dma_semaphore, #tpu.memory_space<semaphore_mem>>
        %dma_start3A = tpu.memref_slice %arg3[%add3A_153] : memref<802816xi32, #tpu.memory_space<hbm>> -> memref<512xi32, #tpu.memory_space<hbm>>
        %dma_start3A_162 = tpu.memref_slice %arg3[%add3A_153] : memref<802816xi32, #tpu.memory_space<hbm>> -> memref<512xi32, #tpu.memory_space<hbm>>
        tpu.enqueue_dma source(%dma_start3A_162 : memref<512xi32, #tpu.memory_space<hbm>>) target(%arg8 : memref<512xi32, #tpu.memory_space<vmem>>) target_semaphore(%run_scoped3A : memref<!tpu.dma_semaphore, #tpu.memory_space<semaphore_mem>>)
        %dma_wait3A = tpu.memref_slice %arg3[%add3A_153] : memref<802816xi32, #tpu.memory_space<hbm>> -> memref<512xi32, #tpu.memory_space<hbm>>
        %dma_wait3A_163 = tpu.memref_slice %arg3[%add3A_153] : memref<802816xi32, #tpu.memory_space<hbm>> -> memref<512xi32, #tpu.memory_space<hbm>>
        tpu.wait_dma2 semaphore(%run_scoped3A : memref<!tpu.dma_semaphore, #tpu.memory_space<semaphore_mem>>) src(%dma_wait3A_163 : memref<512xi32, #tpu.memory_space<hbm>>) dst(%arg8 : memref<512xi32, #tpu.memory_space<vmem>>)
        tpu.yield
      }) : () -> ()
      "tpu.region"() ({
        %run_scoped3A = tpu.sem_alloc : memref<!tpu.dma_semaphore, #tpu.memory_space<semaphore_mem>>
        %dma_start3A = tpu.memref_slice %arg4[%add3A_153] : memref<802816xi32, #tpu.memory_space<hbm>> -> memref<512xi32, #tpu.memory_space<hbm>>
        %dma_start3A_162 = tpu.memref_slice %arg4[%add3A_153] : memref<802816xi32, #tpu.memory_space<hbm>> -> memref<512xi32, #tpu.memory_space<hbm>>
        tpu.enqueue_dma source(%dma_start3A_162 : memref<512xi32, #tpu.memory_space<hbm>>) target(%arg9 : memref<512xi32, #tpu.memory_space<vmem>>) target_semaphore(%run_scoped3A : memref<!tpu.dma_semaphore, #tpu.memory_space<semaphore_mem>>)
        %dma_wait3A = tpu.memref_slice %arg4[%add3A_153] : memref<802816xi32, #tpu.memory_space<hbm>> -> memref<512xi32, #tpu.memory_space<hbm>>
        %dma_wait3A_163 = tpu.memref_slice %arg4[%add3A_153] : memref<802816xi32, #tpu.memory_space<hbm>> -> memref<512xi32, #tpu.memory_space<hbm>>
        tpu.wait_dma2 semaphore(%run_scoped3A : memref<!tpu.dma_semaphore, #tpu.memory_space<semaphore_mem>>) src(%dma_wait3A_163 : memref<512xi32, #tpu.memory_space<hbm>>) dst(%arg9 : memref<512xi32, #tpu.memory_space<vmem>>)
        tpu.yield
      }) : () -> ()
      "tpu.region"() ({
        %run_scoped3A = tpu.sem_alloc : memref<!tpu.dma_semaphore, #tpu.memory_space<semaphore_mem>>
        %dma_start3A = arith.constant 0 : i32
        %dma_start3A_162 = tpu.memref_slice %arg21[%dma_start3A] : memref<50176xf32, #tpu.memory_space<vmem_shared>> -> memref<50176xf32, #tpu.memory_space<vmem_shared>>
        tpu.enqueue_indirect_dma source(%dma_start3A_162 : memref<50176xf32, #tpu.memory_space<vmem_shared>>) target(%arg10 : memref<512xf32, #tpu.memory_space<vmem>>) offsets(%arg8 : memref<512xi32, #tpu.memory_space<vmem>>) semaphore(%run_scoped3A : memref<!tpu.dma_semaphore, #tpu.memory_space<semaphore_mem>>)
        %dma_wait3A = arith.constant 0 : i32
        %dma_wait3A_163 = tpu.memref_slice %arg21[%dma_wait3A] : memref<50176xf32, #tpu.memory_space<vmem_shared>> -> memref<50176xf32, #tpu.memory_space<vmem_shared>>
        tpu.wait_indirect_dma semaphore(%run_scoped3A : memref<!tpu.dma_semaphore, #tpu.memory_space<semaphore_mem>>) src(%dma_wait3A_163 : memref<50176xf32, #tpu.memory_space<vmem_shared>>) dst(%arg10 : memref<512xf32, #tpu.memory_space<vmem>>)
        tpu.yield
      }) : () -> ()
      "tpu.region"() ({
        %run_scoped3A = tpu.sem_alloc : memref<!tpu.dma_semaphore, #tpu.memory_space<semaphore_mem>>
        %dma_start3A = arith.constant 0 : i32
        %dma_start3A_162 = tpu.memref_slice %arg21[%dma_start3A] : memref<50176xf32, #tpu.memory_space<vmem_shared>> -> memref<50176xf32, #tpu.memory_space<vmem_shared>>
        tpu.enqueue_indirect_dma source(%dma_start3A_162 : memref<50176xf32, #tpu.memory_space<vmem_shared>>) target(%arg11 : memref<512xf32, #tpu.memory_space<vmem>>) offsets(%arg9 : memref<512xi32, #tpu.memory_space<vmem>>) semaphore(%run_scoped3A : memref<!tpu.dma_semaphore, #tpu.memory_space<semaphore_mem>>)
        %dma_wait3A = arith.constant 0 : i32
        %dma_wait3A_163 = tpu.memref_slice %arg21[%dma_wait3A] : memref<50176xf32, #tpu.memory_space<vmem_shared>> -> memref<50176xf32, #tpu.memory_space<vmem_shared>>
        tpu.wait_indirect_dma semaphore(%run_scoped3A : memref<!tpu.dma_semaphore, #tpu.memory_space<semaphore_mem>>) src(%dma_wait3A_163 : memref<50176xf32, #tpu.memory_space<vmem_shared>>) dst(%arg11 : memref<512xf32, #tpu.memory_space<vmem>>)
        tpu.yield
      }) : () -> ()
      %scan3A_154 = arith.constant 0 : i32
      %scan3A_155 = arith.constant 0 : i32
      %scan3A_156 = arith.constant 32 : i32
      %scan3A_157 = arith.addi %scan3A_155, %scan3A_156 : i32
      %scan3A_158 = arith.constant 1 : i32
      %scan3A_159 = scf.for %scan3A_162 = %scan3A_155 to %scan3A_157 step %scan3A_158 iter_args(%scan3A_163 = %scan3A_154) -> (i32)  : i32 {
        %mul3A_164 = arith.constant 16 : i32
        %mul3A_165 = arith.muli %scan3A_162, %mul3A_164 : i32
        %get3A_166 = arith.index_cast %mul3A_165 : i32 to index
        %get3A_167 = tpu.vector_load %arg10[%get3A_166] {strides = array<i32>} : memref<512xf32, #tpu.memory_space<vmem>>, vector<16xf32>,
        %get3A_168 = vector.shape_cast %get3A_167 : vector<16xf32> to vector<16xf32>
        %mul3A_169 = arith.constant 16 : i32
        %mul3A_170 = arith.muli %scan3A_162, %mul3A_169 : i32
        %get3A_171 = arith.index_cast %mul3A_170 : i32 to index
        %get3A_172 = tpu.vector_load %arg11[%get3A_171] {strides = array<i32>} : memref<512xf32, #tpu.memory_space<vmem>>, vector<16xf32>,
        %get3A_173 = vector.shape_cast %get3A_172 : vector<16xf32> to vector<16xf32>
        %mul3A_174 = arith.mulf %get3A_168, %get3A_61 : vector<16xf32>
        %mul3A_175 = arith.mulf %get3A_173, %get3A_64 : vector<16xf32>
        %add3A_176 = arith.addf %mul3A_174, %mul3A_175 : vector<16xf32>
        %gt3A = arith.constant 0.000000e+00 : f32
        %gt3A_177 = vector.broadcast %gt3A : f32 to vector<16xf32>
        %gt3A_178 = arith.cmpf ogt, %add3A_176, %gt3A_177 : vector<16xf32>
        %mul3A_179 = arith.constant 2.000000e-01 : f32
        %mul3A_180 = vector.broadcast %mul3A_179 : f32 to vector<16xf32>
        %mul3A_181 = arith.mulf %add3A_176, %mul3A_180 : vector<16xf32>
        %select_n3A = arith.select %gt3A_178, %add3A_176, %mul3A_181 : vector<16xi1>, vector<16xf32>
        %sub3A = arith.subf %select_n3A, %get3A_67 : vector<16xf32>
        %exp3A = math.exp %sub3A : vector<16xf32>
        %mul3A_182 = arith.constant 16 : i32
        %mul3A_183 = arith.muli %scan3A_162, %mul3A_182 : i32
        %swap3A = arith.index_cast %mul3A_183 : i32 to index
        %swap3A_184 = tpu.vector_load %arg13[%swap3A] {strides = array<i32>} : memref<512xf32, #tpu.memory_space<vmem>>, vector<16xf32>,
        %swap3A_185 = vector.shape_cast %swap3A_184 : vector<16xf32> to vector<16xf32>
        %swap3A_186 = vector.shape_cast %exp3A : vector<16xf32> to vector<16xf32>
        tpu.vector_store %arg13[%swap3A], %swap3A_186 {strides = array<i32>} : memref<512xf32, #tpu.memory_space<vmem>>, vector<16xf32>,
        %mul3A_187 = arith.mulf %exp3A, %get3A_168 : vector<16xf32>
        %mul3A_188 = arith.constant 16 : i32
        %mul3A_189 = arith.muli %scan3A_162, %mul3A_188 : i32
        %swap3A_190 = arith.index_cast %mul3A_189 : i32 to index
        %swap3A_191 = tpu.vector_load %arg17[%swap3A_190] {strides = array<i32>} : memref<512xf32, #tpu.memory_space<vmem>>, vector<16xf32>,
        %swap3A_192 = vector.shape_cast %swap3A_191 : vector<16xf32> to vector<16xf32>
        %swap3A_193 = vector.shape_cast %mul3A_187 : vector<16xf32> to vector<16xf32>
        tpu.vector_store %arg17[%swap3A_190], %swap3A_193 {strides = array<i32>} : memref<512xf32, #tpu.memory_space<vmem>>, vector<16xf32>,
        %mul3A_194 = arith.mulf %get3A_168, %get3A_70 : vector<16xf32>
        %mul3A_195 = arith.mulf %get3A_173, %get3A_73 : vector<16xf32>
        %add3A_196 = arith.addf %mul3A_194, %mul3A_195 : vector<16xf32>
        %gt3A_197 = arith.constant 0.000000e+00 : f32
        %gt3A_198 = vector.broadcast %gt3A_197 : f32 to vector<16xf32>
        %gt3A_199 = arith.cmpf ogt, %add3A_196, %gt3A_198 : vector<16xf32>
        %mul3A_200 = arith.constant 2.000000e-01 : f32
        %mul3A_201 = vector.broadcast %mul3A_200 : f32 to vector<16xf32>
        %mul3A_202 = arith.mulf %add3A_196, %mul3A_201 : vector<16xf32>
        %select_n3A_203 = arith.select %gt3A_199, %add3A_196, %mul3A_202 : vector<16xi1>, vector<16xf32>
        %sub3A_204 = arith.subf %select_n3A_203, %get3A_76 : vector<16xf32>
        %exp3A_205 = math.exp %sub3A_204 : vector<16xf32>
        %mul3A_206 = arith.constant 16 : i32
        %mul3A_207 = arith.muli %scan3A_162, %mul3A_206 : i32
        %swap3A_208 = arith.index_cast %mul3A_207 : i32 to index
        %swap3A_209 = tpu.vector_load %arg14[%swap3A_208] {strides = array<i32>} : memref<512xf32, #tpu.memory_space<vmem>>, vector<16xf32>,
        %swap3A_210 = vector.shape_cast %swap3A_209 : vector<16xf32> to vector<16xf32>
        %swap3A_211 = vector.shape_cast %exp3A_205 : vector<16xf32> to vector<16xf32>
        tpu.vector_store %arg14[%swap3A_208], %swap3A_211 {strides = array<i32>} : memref<512xf32, #tpu.memory_space<vmem>>, vector<16xf32>,
        %mul3A_212 = arith.mulf %exp3A_205, %get3A_168 : vector<16xf32>
        %mul3A_213 = arith.constant 16 : i32
        %mul3A_214 = arith.muli %scan3A_162, %mul3A_213 : i32
        %swap3A_215 = arith.index_cast %mul3A_214 : i32 to index
        %swap3A_216 = tpu.vector_load %arg18[%swap3A_215] {strides = array<i32>} : memref<512xf32, #tpu.memory_space<vmem>>, vector<16xf32>,
        %swap3A_217 = vector.shape_cast %swap3A_216 : vector<16xf32> to vector<16xf32>
        %swap3A_218 = vector.shape_cast %mul3A_212 : vector<16xf32> to vector<16xf32>
        tpu.vector_store %arg18[%swap3A_215], %swap3A_218 {strides = array<i32>} : memref<512xf32, #tpu.memory_space<vmem>>, vector<16xf32>,
        %mul3A_219 = arith.mulf %get3A_168, %get3A_79 : vector<16xf32>
        %mul3A_220 = arith.mulf %get3A_173, %get3A_82 : vector<16xf32>
        %add3A_221 = arith.addf %mul3A_219, %mul3A_220 : vector<16xf32>
        %gt3A_222 = arith.constant 0.000000e+00 : f32
        %gt3A_223 = vector.broadcast %gt3A_222 : f32 to vector<16xf32>
        %gt3A_224 = arith.cmpf ogt, %add3A_221, %gt3A_223 : vector<16xf32>
        %mul3A_225 = arith.constant 2.000000e-01 : f32
        %mul3A_226 = vector.broadcast %mul3A_225 : f32 to vector<16xf32>
        %mul3A_227 = arith.mulf %add3A_221, %mul3A_226 : vector<16xf32>
        %select_n3A_228 = arith.select %gt3A_224, %add3A_221, %mul3A_227 : vector<16xi1>, vector<16xf32>
        %sub3A_229 = arith.subf %select_n3A_228, %get3A_85 : vector<16xf32>
        %exp3A_230 = math.exp %sub3A_229 : vector<16xf32>
        %mul3A_231 = arith.constant 16 : i32
        %mul3A_232 = arith.muli %scan3A_162, %mul3A_231 : i32
        %swap3A_233 = arith.index_cast %mul3A_232 : i32 to index
        %swap3A_234 = tpu.vector_load %arg15[%swap3A_233] {strides = array<i32>} : memref<512xf32, #tpu.memory_space<vmem>>, vector<16xf32>,
        %swap3A_235 = vector.shape_cast %swap3A_234 : vector<16xf32> to vector<16xf32>
        %swap3A_236 = vector.shape_cast %exp3A_230 : vector<16xf32> to vector<16xf32>
        tpu.vector_store %arg15[%swap3A_233], %swap3A_236 {strides = array<i32>} : memref<512xf32, #tpu.memory_space<vmem>>, vector<16xf32>,
        %mul3A_237 = arith.mulf %exp3A_230, %get3A_168 : vector<16xf32>
        %mul3A_238 = arith.constant 16 : i32
        %mul3A_239 = arith.muli %scan3A_162, %mul3A_238 : i32
        %swap3A_240 = arith.index_cast %mul3A_239 : i32 to index
        %swap3A_241 = tpu.vector_load %arg19[%swap3A_240] {strides = array<i32>} : memref<512xf32, #tpu.memory_space<vmem>>, vector<16xf32>,
        %swap3A_242 = vector.shape_cast %swap3A_241 : vector<16xf32> to vector<16xf32>
        %swap3A_243 = vector.shape_cast %mul3A_237 : vector<16xf32> to vector<16xf32>
        tpu.vector_store %arg19[%swap3A_240], %swap3A_243 {strides = array<i32>} : memref<512xf32, #tpu.memory_space<vmem>>, vector<16xf32>,
        %mul3A_244 = arith.mulf %get3A_168, %get3A_88 : vector<16xf32>
        %mul3A_245 = arith.mulf %get3A_173, %get3A_91 : vector<16xf32>
        %add3A_246 = arith.addf %mul3A_244, %mul3A_245 : vector<16xf32>
        %gt3A_247 = arith.constant 0.000000e+00 : f32
        %gt3A_248 = vector.broadcast %gt3A_247 : f32 to vector<16xf32>
        %gt3A_249 = arith.cmpf ogt, %add3A_246, %gt3A_248 : vector<16xf32>
        %mul3A_250 = arith.constant 2.000000e-01 : f32
        %mul3A_251 = vector.broadcast %mul3A_250 : f32 to vector<16xf32>
        %mul3A_252 = arith.mulf %add3A_246, %mul3A_251 : vector<16xf32>
        %select_n3A_253 = arith.select %gt3A_249, %add3A_246, %mul3A_252 : vector<16xi1>, vector<16xf32>
        %sub3A_254 = arith.subf %select_n3A_253, %get3A_94 : vector<16xf32>
        %exp3A_255 = math.exp %sub3A_254 : vector<16xf32>
        %mul3A_256 = arith.constant 16 : i32
        %mul3A_257 = arith.muli %scan3A_162, %mul3A_256 : i32
        %swap3A_258 = arith.index_cast %mul3A_257 : i32 to index
        %swap3A_259 = tpu.vector_load %arg16[%swap3A_258] {strides = array<i32>} : memref<512xf32, #tpu.memory_space<vmem>>, vector<16xf32>,
        %swap3A_260 = vector.shape_cast %swap3A_259 : vector<16xf32> to vector<16xf32>
        %swap3A_261 = vector.shape_cast %exp3A_255 : vector<16xf32> to vector<16xf32>
        tpu.vector_store %arg16[%swap3A_258], %swap3A_261 {strides = array<i32>} : memref<512xf32, #tpu.memory_space<vmem>>, vector<16xf32>,
        %mul3A_262 = arith.mulf %exp3A_255, %get3A_168 : vector<16xf32>
        %mul3A_263 = arith.constant 16 : i32
        %mul3A_264 = arith.muli %scan3A_162, %mul3A_263 : i32
        %swap3A_265 = arith.index_cast %mul3A_264 : i32 to index
        %swap3A_266 = tpu.vector_load %arg20[%swap3A_265] {strides = array<i32>} : memref<512xf32, #tpu.memory_space<vmem>>, vector<16xf32>,
        %swap3A_267 = vector.shape_cast %swap3A_266 : vector<16xf32> to vector<16xf32>
        %swap3A_268 = vector.shape_cast %mul3A_262 : vector<16xf32> to vector<16xf32>
        tpu.vector_store %arg20[%swap3A_265], %swap3A_268 {strides = array<i32>} : memref<512xf32, #tpu.memory_space<vmem>>, vector<16xf32>,
        %scan3A_269 = arith.constant 0 : i32
        scf.yield %scan3A_269 : i32
      }
      %scan3A_160 = arith.constant 32 : i32
      "tpu.region"() ({
        %run_scoped3A = tpu.sem_alloc : memref<!tpu.dma_semaphore, #tpu.memory_space<semaphore_mem>>
        %dma_start3A = arith.constant 0 : i32
        %dma_start3A_162 = tpu.memref_slice %arg22[%dma_start3A] : memref<50176xf32, #tpu.memory_space<vmem_shared>> -> memref<50176xf32, #tpu.memory_space<vmem_shared>>
        tpu.enqueue_indirect_dma source(%arg13 : memref<512xf32, #tpu.memory_space<vmem>>) target(%dma_start3A_162 : memref<50176xf32, #tpu.memory_space<vmem_shared>>) offsets(%arg9 : memref<512xi32, #tpu.memory_space<vmem>>) semaphore(%run_scoped3A : memref<!tpu.dma_semaphore, #tpu.memory_space<semaphore_mem>>) {add = true}
        %dma_wait3A = arith.constant 0 : i32
        %dma_wait3A_163 = tpu.memref_slice %arg22[%dma_wait3A] : memref<50176xf32, #tpu.memory_space<vmem_shared>> -> memref<50176xf32, #tpu.memory_space<vmem_shared>>
        tpu.wait_indirect_dma semaphore(%run_scoped3A : memref<!tpu.dma_semaphore, #tpu.memory_space<semaphore_mem>>) src(%arg13 : memref<512xf32, #tpu.memory_space<vmem>>) dst(%dma_wait3A_163 : memref<50176xf32, #tpu.memory_space<vmem_shared>>)
        tpu.yield
      }) : () -> ()
      "tpu.region"() ({
        %run_scoped3A = tpu.sem_alloc : memref<!tpu.dma_semaphore, #tpu.memory_space<semaphore_mem>>
        %dma_start3A = arith.constant 0 : i32
        %dma_start3A_162 = tpu.memref_slice %arg26[%dma_start3A] : memref<50176xf32, #tpu.memory_space<vmem_shared>> -> memref<50176xf32, #tpu.memory_space<vmem_shared>>
        tpu.enqueue_indirect_dma source(%arg17 : memref<512xf32, #tpu.memory_space<vmem>>) target(%dma_start3A_162 : memref<50176xf32, #tpu.memory_space<vmem_shared>>) offsets(%arg9 : memref<512xi32, #tpu.memory_space<vmem>>) semaphore(%run_scoped3A : memref<!tpu.dma_semaphore, #tpu.memory_space<semaphore_mem>>) {add = true}
        %dma_wait3A = arith.constant 0 : i32
        %dma_wait3A_163 = tpu.memref_slice %arg26[%dma_wait3A] : memref<50176xf32, #tpu.memory_space<vmem_shared>> -> memref<50176xf32, #tpu.memory_space<vmem_shared>>
        tpu.wait_indirect_dma semaphore(%run_scoped3A : memref<!tpu.dma_semaphore, #tpu.memory_space<semaphore_mem>>) src(%arg17 : memref<512xf32, #tpu.memory_space<vmem>>) dst(%dma_wait3A_163 : memref<50176xf32, #tpu.memory_space<vmem_shared>>)
        tpu.yield
      }) : () -> ()
      "tpu.region"() ({
        %run_scoped3A = tpu.sem_alloc : memref<!tpu.dma_semaphore, #tpu.memory_space<semaphore_mem>>
        %dma_start3A = arith.constant 0 : i32
        %dma_start3A_162 = tpu.memref_slice %arg23[%dma_start3A] : memref<50176xf32, #tpu.memory_space<vmem_shared>> -> memref<50176xf32, #tpu.memory_space<vmem_shared>>
        tpu.enqueue_indirect_dma source(%arg14 : memref<512xf32, #tpu.memory_space<vmem>>) target(%dma_start3A_162 : memref<50176xf32, #tpu.memory_space<vmem_shared>>) offsets(%arg9 : memref<512xi32, #tpu.memory_space<vmem>>) semaphore(%run_scoped3A : memref<!tpu.dma_semaphore, #tpu.memory_space<semaphore_mem>>) {add = true}
        %dma_wait3A = arith.constant 0 : i32
        %dma_wait3A_163 = tpu.memref_slice %arg23[%dma_wait3A] : memref<50176xf32, #tpu.memory_space<vmem_shared>> -> memref<50176xf32, #tpu.memory_space<vmem_shared>>
        tpu.wait_indirect_dma semaphore(%run_scoped3A : memref<!tpu.dma_semaphore, #tpu.memory_space<semaphore_mem>>) src(%arg14 : memref<512xf32, #tpu.memory_space<vmem>>) dst(%dma_wait3A_163 : memref<50176xf32, #tpu.memory_space<vmem_shared>>)
        tpu.yield
      }) : () -> ()
      "tpu.region"() ({
        %run_scoped3A = tpu.sem_alloc : memref<!tpu.dma_semaphore, #tpu.memory_space<semaphore_mem>>
        %dma_start3A = arith.constant 0 : i32
        %dma_start3A_162 = tpu.memref_slice %arg27[%dma_start3A] : memref<50176xf32, #tpu.memory_space<vmem_shared>> -> memref<50176xf32, #tpu.memory_space<vmem_shared>>
        tpu.enqueue_indirect_dma source(%arg18 : memref<512xf32, #tpu.memory_space<vmem>>) target(%dma_start3A_162 : memref<50176xf32, #tpu.memory_space<vmem_shared>>) offsets(%arg9 : memref<512xi32, #tpu.memory_space<vmem>>) semaphore(%run_scoped3A : memref<!tpu.dma_semaphore, #tpu.memory_space<semaphore_mem>>) {add = true}
        %dma_wait3A = arith.constant 0 : i32
        %dma_wait3A_163 = tpu.memref_slice %arg27[%dma_wait3A] : memref<50176xf32, #tpu.memory_space<vmem_shared>> -> memref<50176xf32, #tpu.memory_space<vmem_shared>>
        tpu.wait_indirect_dma semaphore(%run_scoped3A : memref<!tpu.dma_semaphore, #tpu.memory_space<semaphore_mem>>) src(%arg18 : memref<512xf32, #tpu.memory_space<vmem>>) dst(%dma_wait3A_163 : memref<50176xf32, #tpu.memory_space<vmem_shared>>)
        tpu.yield
      }) : () -> ()
      "tpu.region"() ({
        %run_scoped3A = tpu.sem_alloc : memref<!tpu.dma_semaphore, #tpu.memory_space<semaphore_mem>>
        %dma_start3A = arith.constant 0 : i32
        %dma_start3A_162 = tpu.memref_slice %arg24[%dma_start3A] : memref<50176xf32, #tpu.memory_space<vmem_shared>> -> memref<50176xf32, #tpu.memory_space<vmem_shared>>
        tpu.enqueue_indirect_dma source(%arg15 : memref<512xf32, #tpu.memory_space<vmem>>) target(%dma_start3A_162 : memref<50176xf32, #tpu.memory_space<vmem_shared>>) offsets(%arg9 : memref<512xi32, #tpu.memory_space<vmem>>) semaphore(%run_scoped3A : memref<!tpu.dma_semaphore, #tpu.memory_space<semaphore_mem>>) {add = true}
        %dma_wait3A = arith.constant 0 : i32
        %dma_wait3A_163 = tpu.memref_slice %arg24[%dma_wait3A] : memref<50176xf32, #tpu.memory_space<vmem_shared>> -> memref<50176xf32, #tpu.memory_space<vmem_shared>>
        tpu.wait_indirect_dma semaphore(%run_scoped3A : memref<!tpu.dma_semaphore, #tpu.memory_space<semaphore_mem>>) src(%arg15 : memref<512xf32, #tpu.memory_space<vmem>>) dst(%dma_wait3A_163 : memref<50176xf32, #tpu.memory_space<vmem_shared>>)
        tpu.yield
      }) : () -> ()
      "tpu.region"() ({
        %run_scoped3A = tpu.sem_alloc : memref<!tpu.dma_semaphore, #tpu.memory_space<semaphore_mem>>
        %dma_start3A = arith.constant 0 : i32
        %dma_start3A_162 = tpu.memref_slice %arg28[%dma_start3A] : memref<50176xf32, #tpu.memory_space<vmem_shared>> -> memref<50176xf32, #tpu.memory_space<vmem_shared>>
        tpu.enqueue_indirect_dma source(%arg19 : memref<512xf32, #tpu.memory_space<vmem>>) target(%dma_start3A_162 : memref<50176xf32, #tpu.memory_space<vmem_shared>>) offsets(%arg9 : memref<512xi32, #tpu.memory_space<vmem>>) semaphore(%run_scoped3A : memref<!tpu.dma_semaphore, #tpu.memory_space<semaphore_mem>>) {add = true}
        %dma_wait3A = arith.constant 0 : i32
        %dma_wait3A_163 = tpu.memref_slice %arg28[%dma_wait3A] : memref<50176xf32, #tpu.memory_space<vmem_shared>> -> memref<50176xf32, #tpu.memory_space<vmem_shared>>
        tpu.wait_indirect_dma semaphore(%run_scoped3A : memref<!tpu.dma_semaphore, #tpu.memory_space<semaphore_mem>>) src(%arg19 : memref<512xf32, #tpu.memory_space<vmem>>) dst(%dma_wait3A_163 : memref<50176xf32, #tpu.memory_space<vmem_shared>>)
        tpu.yield
      }) : () -> ()
      "tpu.region"() ({
        %run_scoped3A = tpu.sem_alloc : memref<!tpu.dma_semaphore, #tpu.memory_space<semaphore_mem>>
        %dma_start3A = arith.constant 0 : i32
        %dma_start3A_162 = tpu.memref_slice %arg25[%dma_start3A] : memref<50176xf32, #tpu.memory_space<vmem_shared>> -> memref<50176xf32, #tpu.memory_space<vmem_shared>>
        tpu.enqueue_indirect_dma source(%arg16 : memref<512xf32, #tpu.memory_space<vmem>>) target(%dma_start3A_162 : memref<50176xf32, #tpu.memory_space<vmem_shared>>) offsets(%arg9 : memref<512xi32, #tpu.memory_space<vmem>>) semaphore(%run_scoped3A : memref<!tpu.dma_semaphore, #tpu.memory_space<semaphore_mem>>) {add = true}
        %dma_wait3A = arith.constant 0 : i32
        %dma_wait3A_163 = tpu.memref_slice %arg25[%dma_wait3A] : memref<50176xf32, #tpu.memory_space<vmem_shared>> -> memref<50176xf32, #tpu.memory_space<vmem_shared>>
        tpu.wait_indirect_dma semaphore(%run_scoped3A : memref<!tpu.dma_semaphore, #tpu.memory_space<semaphore_mem>>) src(%arg16 : memref<512xf32, #tpu.memory_space<vmem>>) dst(%dma_wait3A_163 : memref<50176xf32, #tpu.memory_space<vmem_shared>>)
        tpu.yield
      }) : () -> ()
      "tpu.region"() ({
        %run_scoped3A = tpu.sem_alloc : memref<!tpu.dma_semaphore, #tpu.memory_space<semaphore_mem>>
        %dma_start3A = arith.constant 0 : i32
        %dma_start3A_162 = tpu.memref_slice %arg29[%dma_start3A] : memref<50176xf32, #tpu.memory_space<vmem_shared>> -> memref<50176xf32, #tpu.memory_space<vmem_shared>>
        tpu.enqueue_indirect_dma source(%arg20 : memref<512xf32, #tpu.memory_space<vmem>>) target(%dma_start3A_162 : memref<50176xf32, #tpu.memory_space<vmem_shared>>) offsets(%arg9 : memref<512xi32, #tpu.memory_space<vmem>>) semaphore(%run_scoped3A : memref<!tpu.dma_semaphore, #tpu.memory_space<semaphore_mem>>) {add = true}
        %dma_wait3A = arith.constant 0 : i32
        %dma_wait3A_163 = tpu.memref_slice %arg29[%dma_wait3A] : memref<50176xf32, #tpu.memory_space<vmem_shared>> -> memref<50176xf32, #tpu.memory_space<vmem_shared>>
        tpu.wait_indirect_dma semaphore(%run_scoped3A : memref<!tpu.dma_semaphore, #tpu.memory_space<semaphore_mem>>) src(%arg20 : memref<512xf32, #tpu.memory_space<vmem>>) dst(%dma_wait3A_163 : memref<50176xf32, #tpu.memory_space<vmem_shared>>)
        tpu.yield
      }) : () -> ()
      %scan3A_161 = arith.constant 0 : i32
      scf.yield %scan3A_161 : i32
    }
    %scan3A_105 = arith.constant 49 : i32
    %barrier3A_106 = arith.constant 0 : index
    tpu.barrier barrier_id(%barrier3A_106)
    %mul3A_107 = arith.constant 3136 : i32
    %mul3A_108 = arith.muli %arg1, %mul3A_107 : i32
    "tpu.region"() ({
      %run_scoped3A = tpu.sem_alloc : memref<!tpu.dma_semaphore, #tpu.memory_space<semaphore_mem>>
      %dma_start3A = tpu.memref_slice %arg22[%mul3A_108] : memref<50176xf32, #tpu.memory_space<vmem_shared>> -> memref<3136xf32, #tpu.memory_space<vmem_shared>>
      %dma_start3A_149 = tpu.memref_slice %arg22[%mul3A_108] : memref<50176xf32, #tpu.memory_space<vmem_shared>> -> memref<3136xf32, #tpu.memory_space<vmem_shared>>
      tpu.enqueue_dma source(%dma_start3A_149 : memref<3136xf32, #tpu.memory_space<vmem_shared>>) target(%arg12 : memref<3136xf32, #tpu.memory_space<vmem>>) target_semaphore(%run_scoped3A : memref<!tpu.dma_semaphore, #tpu.memory_space<semaphore_mem>>)
      %dma_wait3A = tpu.memref_slice %arg22[%mul3A_108] : memref<50176xf32, #tpu.memory_space<vmem_shared>> -> memref<3136xf32, #tpu.memory_space<vmem_shared>>
      %dma_wait3A_150 = tpu.memref_slice %arg22[%mul3A_108] : memref<50176xf32, #tpu.memory_space<vmem_shared>> -> memref<3136xf32, #tpu.memory_space<vmem_shared>>
      tpu.wait_dma2 semaphore(%run_scoped3A : memref<!tpu.dma_semaphore, #tpu.memory_space<semaphore_mem>>) src(%dma_wait3A_150 : memref<3136xf32, #tpu.memory_space<vmem_shared>>) dst(%arg12 : memref<3136xf32, #tpu.memory_space<vmem>>)
      tpu.yield
    }) : () -> ()
    %add3A_109 = arith.constant 0 : i32
    %add3A_110 = arith.addi %add3A_109, %arg0 : i32
    %mul3A_111 = arith.constant 50176 : i32
    %mul3A_112 = arith.muli %add3A_110, %mul3A_111 : i32
    %add3A_113 = arith.addi %mul3A_112, %mul3A_108 : i32
    "tpu.region"() ({
      %run_scoped3A = tpu.sem_alloc : memref<!tpu.dma_semaphore, #tpu.memory_space<semaphore_mem>>
      %dma_start3A = tpu.memref_slice %arg6[%add3A_113] : memref<802816xf32, #tpu.memory_space<hbm>> -> memref<3136xf32, #tpu.memory_space<hbm>>
      %dma_start3A_149 = tpu.memref_slice %arg6[%add3A_113] : memref<802816xf32, #tpu.memory_space<hbm>> -> memref<3136xf32, #tpu.memory_space<hbm>>
      tpu.enqueue_dma source(%arg12 : memref<3136xf32, #tpu.memory_space<vmem>>) target(%dma_start3A_149 : memref<3136xf32, #tpu.memory_space<hbm>>) target_semaphore(%run_scoped3A : memref<!tpu.dma_semaphore, #tpu.memory_space<semaphore_mem>>)
      %dma_wait3A = tpu.memref_slice %arg6[%add3A_113] : memref<802816xf32, #tpu.memory_space<hbm>> -> memref<3136xf32, #tpu.memory_space<hbm>>
      %dma_wait3A_150 = tpu.memref_slice %arg6[%add3A_113] : memref<802816xf32, #tpu.memory_space<hbm>> -> memref<3136xf32, #tpu.memory_space<hbm>>
      tpu.wait_dma2 semaphore(%run_scoped3A : memref<!tpu.dma_semaphore, #tpu.memory_space<semaphore_mem>>) src(%arg12 : memref<3136xf32, #tpu.memory_space<vmem>>) dst(%dma_wait3A_150 : memref<3136xf32, #tpu.memory_space<hbm>>)
      tpu.yield
    }) : () -> ()
    "tpu.region"() ({
      %run_scoped3A = tpu.sem_alloc : memref<!tpu.dma_semaphore, #tpu.memory_space<semaphore_mem>>
      %dma_start3A = tpu.memref_slice %arg26[%mul3A_108] : memref<50176xf32, #tpu.memory_space<vmem_shared>> -> memref<3136xf32, #tpu.memory_space<vmem_shared>>
      %dma_start3A_149 = tpu.memref_slice %arg26[%mul3A_108] : memref<50176xf32, #tpu.memory_space<vmem_shared>> -> memref<3136xf32, #tpu.memory_space<vmem_shared>>
      tpu.enqueue_dma source(%dma_start3A_149 : memref<3136xf32, #tpu.memory_space<vmem_shared>>) target(%arg12 : memref<3136xf32, #tpu.memory_space<vmem>>) target_semaphore(%run_scoped3A : memref<!tpu.dma_semaphore, #tpu.memory_space<semaphore_mem>>)
      %dma_wait3A = tpu.memref_slice %arg26[%mul3A_108] : memref<50176xf32, #tpu.memory_space<vmem_shared>> -> memref<3136xf32, #tpu.memory_space<vmem_shared>>
      %dma_wait3A_150 = tpu.memref_slice %arg26[%mul3A_108] : memref<50176xf32, #tpu.memory_space<vmem_shared>> -> memref<3136xf32, #tpu.memory_space<vmem_shared>>
      tpu.wait_dma2 semaphore(%run_scoped3A : memref<!tpu.dma_semaphore, #tpu.memory_space<semaphore_mem>>) src(%dma_wait3A_150 : memref<3136xf32, #tpu.memory_space<vmem_shared>>) dst(%arg12 : memref<3136xf32, #tpu.memory_space<vmem>>)
      tpu.yield
    }) : () -> ()
    %add3A_114 = arith.constant 2 : i32
    %add3A_115 = arith.addi %add3A_114, %arg0 : i32
    %mul3A_116 = arith.constant 50176 : i32
    %mul3A_117 = arith.muli %add3A_115, %mul3A_116 : i32
    %add3A_118 = arith.addi %mul3A_117, %mul3A_108 : i32
    "tpu.region"() ({
      %run_scoped3A = tpu.sem_alloc : memref<!tpu.dma_semaphore, #tpu.memory_space<semaphore_mem>>
      %dma_start3A = tpu.memref_slice %arg6[%add3A_118] : memref<802816xf32, #tpu.memory_space<hbm>> -> memref<3136xf32, #tpu.memory_space<hbm>>
      %dma_start3A_149 = tpu.memref_slice %arg6[%add3A_118] : memref<802816xf32, #tpu.memory_space<hbm>> -> memref<3136xf32, #tpu.memory_space<hbm>>
      tpu.enqueue_dma source(%arg12 : memref<3136xf32, #tpu.memory_space<vmem>>) target(%dma_start3A_149 : memref<3136xf32, #tpu.memory_space<hbm>>) target_semaphore(%run_scoped3A : memref<!tpu.dma_semaphore, #tpu.memory_space<semaphore_mem>>)
      %dma_wait3A = tpu.memref_slice %arg6[%add3A_118] : memref<802816xf32, #tpu.memory_space<hbm>> -> memref<3136xf32, #tpu.memory_space<hbm>>
      %dma_wait3A_150 = tpu.memref_slice %arg6[%add3A_118] : memref<802816xf32, #tpu.memory_space<hbm>> -> memref<3136xf32, #tpu.memory_space<hbm>>
      tpu.wait_dma2 semaphore(%run_scoped3A : memref<!tpu.dma_semaphore, #tpu.memory_space<semaphore_mem>>) src(%arg12 : memref<3136xf32, #tpu.memory_space<vmem>>) dst(%dma_wait3A_150 : memref<3136xf32, #tpu.memory_space<hbm>>)
      tpu.yield
    }) : () -> ()
    "tpu.region"() ({
      %run_scoped3A = tpu.sem_alloc : memref<!tpu.dma_semaphore, #tpu.memory_space<semaphore_mem>>
      %dma_start3A = tpu.memref_slice %arg23[%mul3A_108] : memref<50176xf32, #tpu.memory_space<vmem_shared>> -> memref<3136xf32, #tpu.memory_space<vmem_shared>>
      %dma_start3A_149 = tpu.memref_slice %arg23[%mul3A_108] : memref<50176xf32, #tpu.memory_space<vmem_shared>> -> memref<3136xf32, #tpu.memory_space<vmem_shared>>
      tpu.enqueue_dma source(%dma_start3A_149 : memref<3136xf32, #tpu.memory_space<vmem_shared>>) target(%arg12 : memref<3136xf32, #tpu.memory_space<vmem>>) target_semaphore(%run_scoped3A : memref<!tpu.dma_semaphore, #tpu.memory_space<semaphore_mem>>)
      %dma_wait3A = tpu.memref_slice %arg23[%mul3A_108] : memref<50176xf32, #tpu.memory_space<vmem_shared>> -> memref<3136xf32, #tpu.memory_space<vmem_shared>>
      %dma_wait3A_150 = tpu.memref_slice %arg23[%mul3A_108] : memref<50176xf32, #tpu.memory_space<vmem_shared>> -> memref<3136xf32, #tpu.memory_space<vmem_shared>>
      tpu.wait_dma2 semaphore(%run_scoped3A : memref<!tpu.dma_semaphore, #tpu.memory_space<semaphore_mem>>) src(%dma_wait3A_150 : memref<3136xf32, #tpu.memory_space<vmem_shared>>) dst(%arg12 : memref<3136xf32, #tpu.memory_space<vmem>>)
      tpu.yield
    }) : () -> ()
    %add3A_119 = arith.constant 4 : i32
    %add3A_120 = arith.addi %add3A_119, %arg0 : i32
    %mul3A_121 = arith.constant 50176 : i32
    %mul3A_122 = arith.muli %add3A_120, %mul3A_121 : i32
    %add3A_123 = arith.addi %mul3A_122, %mul3A_108 : i32
    "tpu.region"() ({
      %run_scoped3A = tpu.sem_alloc : memref<!tpu.dma_semaphore, #tpu.memory_space<semaphore_mem>>
      %dma_start3A = tpu.memref_slice %arg6[%add3A_123] : memref<802816xf32, #tpu.memory_space<hbm>> -> memref<3136xf32, #tpu.memory_space<hbm>>
      %dma_start3A_149 = tpu.memref_slice %arg6[%add3A_123] : memref<802816xf32, #tpu.memory_space<hbm>> -> memref<3136xf32, #tpu.memory_space<hbm>>
      tpu.enqueue_dma source(%arg12 : memref<3136xf32, #tpu.memory_space<vmem>>) target(%dma_start3A_149 : memref<3136xf32, #tpu.memory_space<hbm>>) target_semaphore(%run_scoped3A : memref<!tpu.dma_semaphore, #tpu.memory_space<semaphore_mem>>)
      %dma_wait3A = tpu.memref_slice %arg6[%add3A_123] : memref<802816xf32, #tpu.memory_space<hbm>> -> memref<3136xf32, #tpu.memory_space<hbm>>
      %dma_wait3A_150 = tpu.memref_slice %arg6[%add3A_123] : memref<802816xf32, #tpu.memory_space<hbm>> -> memref<3136xf32, #tpu.memory_space<hbm>>
      tpu.wait_dma2 semaphore(%run_scoped3A : memref<!tpu.dma_semaphore, #tpu.memory_space<semaphore_mem>>) src(%arg12 : memref<3136xf32, #tpu.memory_space<vmem>>) dst(%dma_wait3A_150 : memref<3136xf32, #tpu.memory_space<hbm>>)
      tpu.yield
    }) : () -> ()
    "tpu.region"() ({
      %run_scoped3A = tpu.sem_alloc : memref<!tpu.dma_semaphore, #tpu.memory_space<semaphore_mem>>
      %dma_start3A = tpu.memref_slice %arg27[%mul3A_108] : memref<50176xf32, #tpu.memory_space<vmem_shared>> -> memref<3136xf32, #tpu.memory_space<vmem_shared>>
      %dma_start3A_149 = tpu.memref_slice %arg27[%mul3A_108] : memref<50176xf32, #tpu.memory_space<vmem_shared>> -> memref<3136xf32, #tpu.memory_space<vmem_shared>>
      tpu.enqueue_dma source(%dma_start3A_149 : memref<3136xf32, #tpu.memory_space<vmem_shared>>) target(%arg12 : memref<3136xf32, #tpu.memory_space<vmem>>) target_semaphore(%run_scoped3A : memref<!tpu.dma_semaphore, #tpu.memory_space<semaphore_mem>>)
      %dma_wait3A = tpu.memref_slice %arg27[%mul3A_108] : memref<50176xf32, #tpu.memory_space<vmem_shared>> -> memref<3136xf32, #tpu.memory_space<vmem_shared>>
      %dma_wait3A_150 = tpu.memref_slice %arg27[%mul3A_108] : memref<50176xf32, #tpu.memory_space<vmem_shared>> -> memref<3136xf32, #tpu.memory_space<vmem_shared>>
      tpu.wait_dma2 semaphore(%run_scoped3A : memref<!tpu.dma_semaphore, #tpu.memory_space<semaphore_mem>>) src(%dma_wait3A_150 : memref<3136xf32, #tpu.memory_space<vmem_shared>>) dst(%arg12 : memref<3136xf32, #tpu.memory_space<vmem>>)
      tpu.yield
    }) : () -> ()
    %add3A_124 = arith.constant 6 : i32
    %add3A_125 = arith.addi %add3A_124, %arg0 : i32
    %mul3A_126 = arith.constant 50176 : i32
    %mul3A_127 = arith.muli %add3A_125, %mul3A_126 : i32
    %add3A_128 = arith.addi %mul3A_127, %mul3A_108 : i32
    "tpu.region"() ({
      %run_scoped3A = tpu.sem_alloc : memref<!tpu.dma_semaphore, #tpu.memory_space<semaphore_mem>>
      %dma_start3A = tpu.memref_slice %arg6[%add3A_128] : memref<802816xf32, #tpu.memory_space<hbm>> -> memref<3136xf32, #tpu.memory_space<hbm>>
      %dma_start3A_149 = tpu.memref_slice %arg6[%add3A_128] : memref<802816xf32, #tpu.memory_space<hbm>> -> memref<3136xf32, #tpu.memory_space<hbm>>
      tpu.enqueue_dma source(%arg12 : memref<3136xf32, #tpu.memory_space<vmem>>) target(%dma_start3A_149 : memref<3136xf32, #tpu.memory_space<hbm>>) target_semaphore(%run_scoped3A : memref<!tpu.dma_semaphore, #tpu.memory_space<semaphore_mem>>)
      %dma_wait3A = tpu.memref_slice %arg6[%add3A_128] : memref<802816xf32, #tpu.memory_space<hbm>> -> memref<3136xf32, #tpu.memory_space<hbm>>
      %dma_wait3A_150 = tpu.memref_slice %arg6[%add3A_128] : memref<802816xf32, #tpu.memory_space<hbm>> -> memref<3136xf32, #tpu.memory_space<hbm>>
      tpu.wait_dma2 semaphore(%run_scoped3A : memref<!tpu.dma_semaphore, #tpu.memory_space<semaphore_mem>>) src(%arg12 : memref<3136xf32, #tpu.memory_space<vmem>>) dst(%dma_wait3A_150 : memref<3136xf32, #tpu.memory_space<hbm>>)
      tpu.yield
    }) : () -> ()
    "tpu.region"() ({
      %run_scoped3A = tpu.sem_alloc : memref<!tpu.dma_semaphore, #tpu.memory_space<semaphore_mem>>
      %dma_start3A = tpu.memref_slice %arg24[%mul3A_108] : memref<50176xf32, #tpu.memory_space<vmem_shared>> -> memref<3136xf32, #tpu.memory_space<vmem_shared>>
      %dma_start3A_149 = tpu.memref_slice %arg24[%mul3A_108] : memref<50176xf32, #tpu.memory_space<vmem_shared>> -> memref<3136xf32, #tpu.memory_space<vmem_shared>>
      tpu.enqueue_dma source(%dma_start3A_149 : memref<3136xf32, #tpu.memory_space<vmem_shared>>) target(%arg12 : memref<3136xf32, #tpu.memory_space<vmem>>) target_semaphore(%run_scoped3A : memref<!tpu.dma_semaphore, #tpu.memory_space<semaphore_mem>>)
      %dma_wait3A = tpu.memref_slice %arg24[%mul3A_108] : memref<50176xf32, #tpu.memory_space<vmem_shared>> -> memref<3136xf32, #tpu.memory_space<vmem_shared>>
      %dma_wait3A_150 = tpu.memref_slice %arg24[%mul3A_108] : memref<50176xf32, #tpu.memory_space<vmem_shared>> -> memref<3136xf32, #tpu.memory_space<vmem_shared>>
      tpu.wait_dma2 semaphore(%run_scoped3A : memref<!tpu.dma_semaphore, #tpu.memory_space<semaphore_mem>>) src(%dma_wait3A_150 : memref<3136xf32, #tpu.memory_space<vmem_shared>>) dst(%arg12 : memref<3136xf32, #tpu.memory_space<vmem>>)
      tpu.yield
    }) : () -> ()
    %add3A_129 = arith.constant 8 : i32
    %add3A_130 = arith.addi %add3A_129, %arg0 : i32
    %mul3A_131 = arith.constant 50176 : i32
    %mul3A_132 = arith.muli %add3A_130, %mul3A_131 : i32
    %add3A_133 = arith.addi %mul3A_132, %mul3A_108 : i32
    "tpu.region"() ({
      %run_scoped3A = tpu.sem_alloc : memref<!tpu.dma_semaphore, #tpu.memory_space<semaphore_mem>>
      %dma_start3A = tpu.memref_slice %arg6[%add3A_133] : memref<802816xf32, #tpu.memory_space<hbm>> -> memref<3136xf32, #tpu.memory_space<hbm>>
      %dma_start3A_149 = tpu.memref_slice %arg6[%add3A_133] : memref<802816xf32, #tpu.memory_space<hbm>> -> memref<3136xf32, #tpu.memory_space<hbm>>
      tpu.enqueue_dma source(%arg12 : memref<3136xf32, #tpu.memory_space<vmem>>) target(%dma_start3A_149 : memref<3136xf32, #tpu.memory_space<hbm>>) target_semaphore(%run_scoped3A : memref<!tpu.dma_semaphore, #tpu.memory_space<semaphore_mem>>)
      %dma_wait3A = tpu.memref_slice %arg6[%add3A_133] : memref<802816xf32, #tpu.memory_space<hbm>> -> memref<3136xf32, #tpu.memory_space<hbm>>
      %dma_wait3A_150 = tpu.memref_slice %arg6[%add3A_133] : memref<802816xf32, #tpu.memory_space<hbm>> -> memref<3136xf32, #tpu.memory_space<hbm>>
      tpu.wait_dma2 semaphore(%run_scoped3A : memref<!tpu.dma_semaphore, #tpu.memory_space<semaphore_mem>>) src(%arg12 : memref<3136xf32, #tpu.memory_space<vmem>>) dst(%dma_wait3A_150 : memref<3136xf32, #tpu.memory_space<hbm>>)
      tpu.yield
    }) : () -> ()
    "tpu.region"() ({
      %run_scoped3A = tpu.sem_alloc : memref<!tpu.dma_semaphore, #tpu.memory_space<semaphore_mem>>
      %dma_start3A = tpu.memref_slice %arg28[%mul3A_108] : memref<50176xf32, #tpu.memory_space<vmem_shared>> -> memref<3136xf32, #tpu.memory_space<vmem_shared>>
      %dma_start3A_149 = tpu.memref_slice %arg28[%mul3A_108] : memref<50176xf32, #tpu.memory_space<vmem_shared>> -> memref<3136xf32, #tpu.memory_space<vmem_shared>>
      tpu.enqueue_dma source(%dma_start3A_149 : memref<3136xf32, #tpu.memory_space<vmem_shared>>) target(%arg12 : memref<3136xf32, #tpu.memory_space<vmem>>) target_semaphore(%run_scoped3A : memref<!tpu.dma_semaphore, #tpu.memory_space<semaphore_mem>>)
      %dma_wait3A = tpu.memref_slice %arg28[%mul3A_108] : memref<50176xf32, #tpu.memory_space<vmem_shared>> -> memref<3136xf32, #tpu.memory_space<vmem_shared>>
      %dma_wait3A_150 = tpu.memref_slice %arg28[%mul3A_108] : memref<50176xf32, #tpu.memory_space<vmem_shared>> -> memref<3136xf32, #tpu.memory_space<vmem_shared>>
      tpu.wait_dma2 semaphore(%run_scoped3A : memref<!tpu.dma_semaphore, #tpu.memory_space<semaphore_mem>>) src(%dma_wait3A_150 : memref<3136xf32, #tpu.memory_space<vmem_shared>>) dst(%arg12 : memref<3136xf32, #tpu.memory_space<vmem>>)
      tpu.yield
    }) : () -> ()
    %add3A_134 = arith.constant 10 : i32
    %add3A_135 = arith.addi %add3A_134, %arg0 : i32
    %mul3A_136 = arith.constant 50176 : i32
    %mul3A_137 = arith.muli %add3A_135, %mul3A_136 : i32
    %add3A_138 = arith.addi %mul3A_137, %mul3A_108 : i32
    "tpu.region"() ({
      %run_scoped3A = tpu.sem_alloc : memref<!tpu.dma_semaphore, #tpu.memory_space<semaphore_mem>>
      %dma_start3A = tpu.memref_slice %arg6[%add3A_138] : memref<802816xf32, #tpu.memory_space<hbm>> -> memref<3136xf32, #tpu.memory_space<hbm>>
      %dma_start3A_149 = tpu.memref_slice %arg6[%add3A_138] : memref<802816xf32, #tpu.memory_space<hbm>> -> memref<3136xf32, #tpu.memory_space<hbm>>
      tpu.enqueue_dma source(%arg12 : memref<3136xf32, #tpu.memory_space<vmem>>) target(%dma_start3A_149 : memref<3136xf32, #tpu.memory_space<hbm>>) target_semaphore(%run_scoped3A : memref<!tpu.dma_semaphore, #tpu.memory_space<semaphore_mem>>)
      %dma_wait3A = tpu.memref_slice %arg6[%add3A_138] : memref<802816xf32, #tpu.memory_space<hbm>> -> memref<3136xf32, #tpu.memory_space<hbm>>
      %dma_wait3A_150 = tpu.memref_slice %arg6[%add3A_138] : memref<802816xf32, #tpu.memory_space<hbm>> -> memref<3136xf32, #tpu.memory_space<hbm>>
      tpu.wait_dma2 semaphore(%run_scoped3A : memref<!tpu.dma_semaphore, #tpu.memory_space<semaphore_mem>>) src(%arg12 : memref<3136xf32, #tpu.memory_space<vmem>>) dst(%dma_wait3A_150 : memref<3136xf32, #tpu.memory_space<hbm>>)
      tpu.yield
    }) : () -> ()
    "tpu.region"() ({
      %run_scoped3A = tpu.sem_alloc : memref<!tpu.dma_semaphore, #tpu.memory_space<semaphore_mem>>
      %dma_start3A = tpu.memref_slice %arg25[%mul3A_108] : memref<50176xf32, #tpu.memory_space<vmem_shared>> -> memref<3136xf32, #tpu.memory_space<vmem_shared>>
      %dma_start3A_149 = tpu.memref_slice %arg25[%mul3A_108] : memref<50176xf32, #tpu.memory_space<vmem_shared>> -> memref<3136xf32, #tpu.memory_space<vmem_shared>>
      tpu.enqueue_dma source(%dma_start3A_149 : memref<3136xf32, #tpu.memory_space<vmem_shared>>) target(%arg12 : memref<3136xf32, #tpu.memory_space<vmem>>) target_semaphore(%run_scoped3A : memref<!tpu.dma_semaphore, #tpu.memory_space<semaphore_mem>>)
      %dma_wait3A = tpu.memref_slice %arg25[%mul3A_108] : memref<50176xf32, #tpu.memory_space<vmem_shared>> -> memref<3136xf32, #tpu.memory_space<vmem_shared>>
      %dma_wait3A_150 = tpu.memref_slice %arg25[%mul3A_108] : memref<50176xf32, #tpu.memory_space<vmem_shared>> -> memref<3136xf32, #tpu.memory_space<vmem_shared>>
      tpu.wait_dma2 semaphore(%run_scoped3A : memref<!tpu.dma_semaphore, #tpu.memory_space<semaphore_mem>>) src(%dma_wait3A_150 : memref<3136xf32, #tpu.memory_space<vmem_shared>>) dst(%arg12 : memref<3136xf32, #tpu.memory_space<vmem>>)
      tpu.yield
    }) : () -> ()
    %add3A_139 = arith.constant 12 : i32
    %add3A_140 = arith.addi %add3A_139, %arg0 : i32
    %mul3A_141 = arith.constant 50176 : i32
    %mul3A_142 = arith.muli %add3A_140, %mul3A_141 : i32
    %add3A_143 = arith.addi %mul3A_142, %mul3A_108 : i32
    "tpu.region"() ({
      %run_scoped3A = tpu.sem_alloc : memref<!tpu.dma_semaphore, #tpu.memory_space<semaphore_mem>>
      %dma_start3A = tpu.memref_slice %arg6[%add3A_143] : memref<802816xf32, #tpu.memory_space<hbm>> -> memref<3136xf32, #tpu.memory_space<hbm>>
      %dma_start3A_149 = tpu.memref_slice %arg6[%add3A_143] : memref<802816xf32, #tpu.memory_space<hbm>> -> memref<3136xf32, #tpu.memory_space<hbm>>
      tpu.enqueue_dma source(%arg12 : memref<3136xf32, #tpu.memory_space<vmem>>) target(%dma_start3A_149 : memref<3136xf32, #tpu.memory_space<hbm>>) target_semaphore(%run_scoped3A : memref<!tpu.dma_semaphore, #tpu.memory_space<semaphore_mem>>)
      %dma_wait3A = tpu.memref_slice %arg6[%add3A_143] : memref<802816xf32, #tpu.memory_space<hbm>> -> memref<3136xf32, #tpu.memory_space<hbm>>
      %dma_wait3A_150 = tpu.memref_slice %arg6[%add3A_143] : memref<802816xf32, #tpu.memory_space<hbm>> -> memref<3136xf32, #tpu.memory_space<hbm>>
      tpu.wait_dma2 semaphore(%run_scoped3A : memref<!tpu.dma_semaphore, #tpu.memory_space<semaphore_mem>>) src(%arg12 : memref<3136xf32, #tpu.memory_space<vmem>>) dst(%dma_wait3A_150 : memref<3136xf32, #tpu.memory_space<hbm>>)
      tpu.yield
    }) : () -> ()
    "tpu.region"() ({
      %run_scoped3A = tpu.sem_alloc : memref<!tpu.dma_semaphore, #tpu.memory_space<semaphore_mem>>
      %dma_start3A = tpu.memref_slice %arg29[%mul3A_108] : memref<50176xf32, #tpu.memory_space<vmem_shared>> -> memref<3136xf32, #tpu.memory_space<vmem_shared>>
      %dma_start3A_149 = tpu.memref_slice %arg29[%mul3A_108] : memref<50176xf32, #tpu.memory_space<vmem_shared>> -> memref<3136xf32, #tpu.memory_space<vmem_shared>>
      tpu.enqueue_dma source(%dma_start3A_149 : memref<3136xf32, #tpu.memory_space<vmem_shared>>) target(%arg12 : memref<3136xf32, #tpu.memory_space<vmem>>) target_semaphore(%run_scoped3A : memref<!tpu.dma_semaphore, #tpu.memory_space<semaphore_mem>>)
      %dma_wait3A = tpu.memref_slice %arg29[%mul3A_108] : memref<50176xf32, #tpu.memory_space<vmem_shared>> -> memref<3136xf32, #tpu.memory_space<vmem_shared>>
      %dma_wait3A_150 = tpu.memref_slice %arg29[%mul3A_108] : memref<50176xf32, #tpu.memory_space<vmem_shared>> -> memref<3136xf32, #tpu.memory_space<vmem_shared>>
      tpu.wait_dma2 semaphore(%run_scoped3A : memref<!tpu.dma_semaphore, #tpu.memory_space<semaphore_mem>>) src(%dma_wait3A_150 : memref<3136xf32, #tpu.memory_space<vmem_shared>>) dst(%arg12 : memref<3136xf32, #tpu.memory_space<vmem>>)
      tpu.yield
    }) : () -> ()
    %add3A_144 = arith.constant 14 : i32
    %add3A_145 = arith.addi %add3A_144, %arg0 : i32
    %mul3A_146 = arith.constant 50176 : i32
    %mul3A_147 = arith.muli %add3A_145, %mul3A_146 : i32
    %add3A_148 = arith.addi %mul3A_147, %mul3A_108 : i32
    "tpu.region"() ({
      %run_scoped3A = tpu.sem_alloc : memref<!tpu.dma_semaphore, #tpu.memory_space<semaphore_mem>>
      %dma_start3A = tpu.memref_slice %arg6[%add3A_148] : memref<802816xf32, #tpu.memory_space<hbm>> -> memref<3136xf32, #tpu.memory_space<hbm>>
      %dma_start3A_149 = tpu.memref_slice %arg6[%add3A_148] : memref<802816xf32, #tpu.memory_space<hbm>> -> memref<3136xf32, #tpu.memory_space<hbm>>
      tpu.enqueue_dma source(%arg12 : memref<3136xf32, #tpu.memory_space<vmem>>) target(%dma_start3A_149 : memref<3136xf32, #tpu.memory_space<hbm>>) target_semaphore(%run_scoped3A : memref<!tpu.dma_semaphore, #tpu.memory_space<semaphore_mem>>)
      %dma_wait3A = tpu.memref_slice %arg6[%add3A_148] : memref<802816xf32, #tpu.memory_space<hbm>> -> memref<3136xf32, #tpu.memory_space<hbm>>
      %dma_wait3A_150 = tpu.memref_slice %arg6[%add3A_148] : memref<802816xf32, #tpu.memory_space<hbm>> -> memref<3136xf32, #tpu.memory_space<hbm>>
      tpu.wait_dma2 semaphore(%run_scoped3A : memref<!tpu.dma_semaphore, #tpu.memory_space<semaphore_mem>>) src(%arg12 : memref<3136xf32, #tpu.memory_space<vmem>>) dst(%dma_wait3A_150 : memref<3136xf32, #tpu.memory_space<hbm>>)
      tpu.yield
    }) : () -> ()
    return
  }
}

#map = affine_map<(d0, d1) -> (0, 0)>
#map1 = affine_map<(d0, d1) -> (0)>
module attributes {stable_mosaic.version = 14 : i64} {
  func.func @_p2_body(%arg0: i32, %arg1: i32, %arg2: memref<50000x128xf32, #tpu.memory_space<hbm>>, %arg3: memref<50000xf32, #tpu.memory_space<hbm>>, %arg4: memref<50000xf32, #tpu.memory_space<hbm>>, %arg5: memref<802816xi32, #tpu.memory_space<hbm>>, %arg6: memref<802816xi32, #tpu.memory_space<hbm>>, %arg7: memref<16xf32, #tpu.memory_space<hbm>>, %arg8: memref<1622016xf32, #tpu.memory_space<hbm>>, %arg9: memref<50688xf32, #tpu.memory_space<hbm>>, %arg10: memref<256xi32, #tpu.memory_space<vmem>>, %arg11: memref<256xi32, #tpu.memory_space<vmem>>, %arg12: memref<256xi32, #tpu.memory_space<vmem>>, %arg13: memref<256xf32, #tpu.memory_space<vmem>>, %arg14: memref<256xf32, #tpu.memory_space<vmem>>, %arg15: memref<256x128xf32, #tpu.memory_space<vmem>>, %arg16: memref<8192xf32, #tpu.memory_space<vmem>>, %arg17: memref<8192xi32, #tpu.memory_space<vmem>>, %arg18: memref<256xf32, #tpu.memory_space<vmem>>, %arg19: memref<128xf32, #tpu.memory_space<vmem>>, %arg20: memref<1584xf32, #tpu.memory_space<vmem>>, %arg21: memref<50176xf32, #tpu.memory_space<vmem_shared>>, %arg22: memref<50176xf32, #tpu.memory_space<vmem_shared>>, %arg23: memref<811008xf32, #tpu.memory_space<vmem_shared>>, %arg24: memref<25344xf32, #tpu.memory_space<vmem_shared>>) attributes {dimension_semantics = [#tpu.dimension_semantics<core_parallel>, #tpu.dimension_semantics<subcore_parallel>], iteration_bounds = array<i64: 2, 16>, scalar_prefetch = 0 : i64, scratch_operands = 15 : i64, tpu.core_type = #tpu.core_type<sc_vector_subcore>, window_params = [{transform_indices = #map}, {transform_indices = #map1}, {transform_indices = #map1}, {transform_indices = #map1}, {transform_indices = #map1}, {transform_indices = #map1}, {transform_indices = #map1}, {transform_indices = #map1}]} {
    %iota3A = tpu.iota {dimensions = array<i32: 0>} : vector<16xi32>
    "tpu.region"() ({
      %run_scoped3A = tpu.sem_alloc : memref<!tpu.dma_semaphore, #tpu.memory_space<semaphore_mem>>
      %dma_start3A = arith.constant 0 : i32
      %dma_start3A_198 = tpu.memref_slice %arg19[%dma_start3A] : memref<128xf32, #tpu.memory_space<vmem>> -> memref<16xf32, #tpu.memory_space<vmem>>
      %dma_start3A_199 = arith.constant 0 : i32
      %dma_start3A_200 = tpu.memref_slice %arg19[%dma_start3A_199] : memref<128xf32, #tpu.memory_space<vmem>> -> memref<16xf32, #tpu.memory_space<vmem>>
      tpu.enqueue_dma source(%arg7 : memref<16xf32, #tpu.memory_space<hbm>>) target(%dma_start3A_200 : memref<16xf32, #tpu.memory_space<vmem>>) target_semaphore(%run_scoped3A : memref<!tpu.dma_semaphore, #tpu.memory_space<semaphore_mem>>)
      %dma_wait3A = arith.constant 0 : i32
      %dma_wait3A_201 = tpu.memref_slice %arg19[%dma_wait3A] : memref<128xf32, #tpu.memory_space<vmem>> -> memref<16xf32, #tpu.memory_space<vmem>>
      %dma_wait3A_202 = arith.constant 0 : i32
      %dma_wait3A_203 = tpu.memref_slice %arg19[%dma_wait3A_202] : memref<128xf32, #tpu.memory_space<vmem>> -> memref<16xf32, #tpu.memory_space<vmem>>
      tpu.wait_dma2 semaphore(%run_scoped3A : memref<!tpu.dma_semaphore, #tpu.memory_space<semaphore_mem>>) src(%arg7 : memref<16xf32, #tpu.memory_space<hbm>>) dst(%dma_wait3A_203 : memref<16xf32, #tpu.memory_space<vmem>>)
      tpu.yield
    }) : () -> ()
    %scan3A = arith.constant 0 : i32
    %scan3A_0 = arith.constant 0 : i32
    %scan3A_1 = arith.constant 512 : i32
    %scan3A_2 = arith.addi %scan3A_0, %scan3A_1 : i32
    %scan3A_3 = arith.constant 1 : i32
    %scan3A_4 = scf.for %scan3A_198 = %scan3A_0 to %scan3A_2 step %scan3A_3 iter_args(%scan3A_199 = %scan3A) -> (i32)  : i32 {
      %broadcast_in_dim3A = arith.constant 0.000000e+00 : f32
      %broadcast_in_dim3A_200 = vector.broadcast %broadcast_in_dim3A : f32 to vector<16xf32>
      %mul3A_201 = arith.constant 16 : i32
      %mul3A_202 = arith.muli %scan3A_198, %mul3A_201 : i32
      %swap3A = arith.index_cast %mul3A_202 : i32 to index
      %swap3A_203 = tpu.vector_load %arg16[%swap3A] {strides = array<i32>} : memref<8192xf32, #tpu.memory_space<vmem>>, vector<16xf32>,
      %swap3A_204 = vector.shape_cast %swap3A_203 : vector<16xf32> to vector<16xf32>
      %swap3A_205 = vector.shape_cast %broadcast_in_dim3A_200 : vector<16xf32> to vector<16xf32>
      tpu.vector_store %arg16[%swap3A], %swap3A_205 {strides = array<i32>} : memref<8192xf32, #tpu.memory_space<vmem>>, vector<16xf32>,
      %scan3A_206 = arith.constant 0 : i32
      scf.yield %scan3A_206 : i32
    }
    %scan3A_5 = arith.constant 512 : i32
    %scan3A_6 = arith.constant 0 : i32
    %scan3A_7 = arith.constant 0 : i32
    %scan3A_8 = arith.constant 16 : i32
    %scan3A_9 = arith.addi %scan3A_7, %scan3A_8 : i32
    %scan3A_10 = arith.constant 1 : i32
    %scan3A_11 = scf.for %scan3A_198 = %scan3A_7 to %scan3A_9 step %scan3A_10 iter_args(%scan3A_199 = %scan3A_6) -> (i32)  : i32 {
      %broadcast_in_dim3A = arith.constant 0.000000e+00 : f32
      %broadcast_in_dim3A_200 = vector.broadcast %broadcast_in_dim3A : f32 to vector<16xf32>
      %mul3A_201 = arith.constant 16 : i32
      %mul3A_202 = arith.muli %scan3A_198, %mul3A_201 : i32
      %swap3A = arith.index_cast %mul3A_202 : i32 to index
      %swap3A_203 = tpu.vector_load %arg18[%swap3A] {strides = array<i32>} : memref<256xf32, #tpu.memory_space<vmem>>, vector<16xf32>,
      %swap3A_204 = vector.shape_cast %swap3A_203 : vector<16xf32> to vector<16xf32>
      %swap3A_205 = vector.shape_cast %broadcast_in_dim3A_200 : vector<16xf32> to vector<16xf32>
      tpu.vector_store %arg18[%swap3A], %swap3A_205 {strides = array<i32>} : memref<256xf32, #tpu.memory_space<vmem>>, vector<16xf32>,
      %scan3A_206 = arith.constant 0 : i32
      scf.yield %scan3A_206 : i32
    }
    %scan3A_12 = arith.constant 16 : i32
    %mul3A = arith.constant 3136 : i32
    %mul3A_13 = arith.muli %arg1, %mul3A : i32
    %add3A = arith.constant 0 : i32
    %add3A_14 = arith.addi %mul3A_13, %add3A : i32
    %lt3A = arith.constant 15 : i32
    %lt3A_15 = arith.cmpi slt, %arg1, %lt3A : i32
    %convert_element_type3A = arith.extui %lt3A_15 : i1 to i32
    %cond3A = arith.constant 0 : i32
    %cond3A_16 = arith.cmpi ne, %convert_element_type3A, %cond3A : i32
    scf.if %cond3A_16 {
      "tpu.region"() ({
        %run_scoped3A = tpu.sem_alloc : memref<!tpu.dma_semaphore, #tpu.memory_space<semaphore_mem>>
        %dma_start3A = arith.constant 0 : i32
        %dma_start3A_198 = tpu.memref_slice %arg20[%dma_start3A] : memref<1584xf32, #tpu.memory_space<vmem>> -> memref<1568xf32, #tpu.memory_space<vmem>>
        %dma_start3A_199 = tpu.memref_slice %arg3[%add3A_14] : memref<50000xf32, #tpu.memory_space<hbm>> -> memref<1568xf32, #tpu.memory_space<hbm>>
        %dma_start3A_200 = arith.constant 0 : i32
        %dma_start3A_201 = tpu.memref_slice %arg20[%dma_start3A_200] : memref<1584xf32, #tpu.memory_space<vmem>> -> memref<1568xf32, #tpu.memory_space<vmem>>
        %dma_start3A_202 = tpu.memref_slice %arg3[%add3A_14] : memref<50000xf32, #tpu.memory_space<hbm>> -> memref<1568xf32, #tpu.memory_space<hbm>>
        tpu.enqueue_dma source(%dma_start3A_202 : memref<1568xf32, #tpu.memory_space<hbm>>) target(%dma_start3A_201 : memref<1568xf32, #tpu.memory_space<vmem>>) target_semaphore(%run_scoped3A : memref<!tpu.dma_semaphore, #tpu.memory_space<semaphore_mem>>)
        %dma_wait3A = arith.constant 0 : i32
        %dma_wait3A_203 = tpu.memref_slice %arg20[%dma_wait3A] : memref<1584xf32, #tpu.memory_space<vmem>> -> memref<1568xf32, #tpu.memory_space<vmem>>
        %dma_wait3A_204 = tpu.memref_slice %arg3[%add3A_14] : memref<50000xf32, #tpu.memory_space<hbm>> -> memref<1568xf32, #tpu.memory_space<hbm>>
        %dma_wait3A_205 = arith.constant 0 : i32
        %dma_wait3A_206 = tpu.memref_slice %arg20[%dma_wait3A_205] : memref<1584xf32, #tpu.memory_space<vmem>> -> memref<1568xf32, #tpu.memory_space<vmem>>
        %dma_wait3A_207 = tpu.memref_slice %arg3[%add3A_14] : memref<50000xf32, #tpu.memory_space<hbm>> -> memref<1568xf32, #tpu.memory_space<hbm>>
        tpu.wait_dma2 semaphore(%run_scoped3A : memref<!tpu.dma_semaphore, #tpu.memory_space<semaphore_mem>>) src(%dma_wait3A_207 : memref<1568xf32, #tpu.memory_space<hbm>>) dst(%dma_wait3A_206 : memref<1568xf32, #tpu.memory_space<vmem>>)
        tpu.yield
      }) : () -> ()
      "tpu.region"() ({
        %run_scoped3A = tpu.sem_alloc : memref<!tpu.dma_semaphore, #tpu.memory_space<semaphore_mem>>
        %dma_start3A = arith.constant 0 : i32
        %dma_start3A_198 = tpu.memref_slice %arg20[%dma_start3A] : memref<1584xf32, #tpu.memory_space<vmem>> -> memref<1568xf32, #tpu.memory_space<vmem>>
        %dma_start3A_199 = tpu.memref_slice %arg21[%add3A_14] : memref<50176xf32, #tpu.memory_space<vmem_shared>> -> memref<1568xf32, #tpu.memory_space<vmem_shared>>
        %dma_start3A_200 = tpu.memref_slice %arg21[%add3A_14] : memref<50176xf32, #tpu.memory_space<vmem_shared>> -> memref<1568xf32, #tpu.memory_space<vmem_shared>>
        %dma_start3A_201 = arith.constant 0 : i32
        %dma_start3A_202 = tpu.memref_slice %arg20[%dma_start3A_201] : memref<1584xf32, #tpu.memory_space<vmem>> -> memref<1568xf32, #tpu.memory_space<vmem>>
        tpu.enqueue_dma source(%dma_start3A_202 : memref<1568xf32, #tpu.memory_space<vmem>>) target(%dma_start3A_200 : memref<1568xf32, #tpu.memory_space<vmem_shared>>) target_semaphore(%run_scoped3A : memref<!tpu.dma_semaphore, #tpu.memory_space<semaphore_mem>>)
        %dma_wait3A = arith.constant 0 : i32
        %dma_wait3A_203 = tpu.memref_slice %arg20[%dma_wait3A] : memref<1584xf32, #tpu.memory_space<vmem>> -> memref<1568xf32, #tpu.memory_space<vmem>>
        %dma_wait3A_204 = tpu.memref_slice %arg21[%add3A_14] : memref<50176xf32, #tpu.memory_space<vmem_shared>> -> memref<1568xf32, #tpu.memory_space<vmem_shared>>
        %dma_wait3A_205 = tpu.memref_slice %arg21[%add3A_14] : memref<50176xf32, #tpu.memory_space<vmem_shared>> -> memref<1568xf32, #tpu.memory_space<vmem_shared>>
        %dma_wait3A_206 = arith.constant 0 : i32
        %dma_wait3A_207 = tpu.memref_slice %arg20[%dma_wait3A_206] : memref<1584xf32, #tpu.memory_space<vmem>> -> memref<1568xf32, #tpu.memory_space<vmem>>
        tpu.wait_dma2 semaphore(%run_scoped3A : memref<!tpu.dma_semaphore, #tpu.memory_space<semaphore_mem>>) src(%dma_wait3A_207 : memref<1568xf32, #tpu.memory_space<vmem>>) dst(%dma_wait3A_205 : memref<1568xf32, #tpu.memory_space<vmem_shared>>)
        tpu.yield
      }) : () -> ()
    } else {
    }
    %mul3A_17 = arith.constant 3136 : i32
    %mul3A_18 = arith.muli %arg1, %mul3A_17 : i32
    %add3A_19 = arith.constant 1568 : i32
    %add3A_20 = arith.addi %mul3A_18, %add3A_19 : i32
    %lt3A_21 = arith.constant 15 : i32
    %lt3A_22 = arith.cmpi slt, %arg1, %lt3A_21 : i32
    %convert_element_type3A_23 = arith.extui %lt3A_22 : i1 to i32
    %cond3A_24 = arith.constant 0 : i32
    %cond3A_25 = arith.cmpi ne, %convert_element_type3A_23, %cond3A_24 : i32
    scf.if %cond3A_25 {
      "tpu.region"() ({
        %run_scoped3A = tpu.sem_alloc : memref<!tpu.dma_semaphore, #tpu.memory_space<semaphore_mem>>
        %dma_start3A = arith.constant 0 : i32
        %dma_start3A_198 = tpu.memref_slice %arg20[%dma_start3A] : memref<1584xf32, #tpu.memory_space<vmem>> -> memref<1568xf32, #tpu.memory_space<vmem>>
        %dma_start3A_199 = tpu.memref_slice %arg3[%add3A_20] : memref<50000xf32, #tpu.memory_space<hbm>> -> memref<1568xf32, #tpu.memory_space<hbm>>
        %dma_start3A_200 = arith.constant 0 : i32
        %dma_start3A_201 = tpu.memref_slice %arg20[%dma_start3A_200] : memref<1584xf32, #tpu.memory_space<vmem>> -> memref<1568xf32, #tpu.memory_space<vmem>>
        %dma_start3A_202 = tpu.memref_slice %arg3[%add3A_20] : memref<50000xf32, #tpu.memory_space<hbm>> -> memref<1568xf32, #tpu.memory_space<hbm>>
        tpu.enqueue_dma source(%dma_start3A_202 : memref<1568xf32, #tpu.memory_space<hbm>>) target(%dma_start3A_201 : memref<1568xf32, #tpu.memory_space<vmem>>) target_semaphore(%run_scoped3A : memref<!tpu.dma_semaphore, #tpu.memory_space<semaphore_mem>>)
        %dma_wait3A = arith.constant 0 : i32
        %dma_wait3A_203 = tpu.memref_slice %arg20[%dma_wait3A] : memref<1584xf32, #tpu.memory_space<vmem>> -> memref<1568xf32, #tpu.memory_space<vmem>>
        %dma_wait3A_204 = tpu.memref_slice %arg3[%add3A_20] : memref<50000xf32, #tpu.memory_space<hbm>> -> memref<1568xf32, #tpu.memory_space<hbm>>
        %dma_wait3A_205 = arith.constant 0 : i32
        %dma_wait3A_206 = tpu.memref_slice %arg20[%dma_wait3A_205] : memref<1584xf32, #tpu.memory_space<vmem>> -> memref<1568xf32, #tpu.memory_space<vmem>>
        %dma_wait3A_207 = tpu.memref_slice %arg3[%add3A_20] : memref<50000xf32, #tpu.memory_space<hbm>> -> memref<1568xf32, #tpu.memory_space<hbm>>
        tpu.wait_dma2 semaphore(%run_scoped3A : memref<!tpu.dma_semaphore, #tpu.memory_space<semaphore_mem>>) src(%dma_wait3A_207 : memref<1568xf32, #tpu.memory_space<hbm>>) dst(%dma_wait3A_206 : memref<1568xf32, #tpu.memory_space<vmem>>)
        tpu.yield
      }) : () -> ()
      "tpu.region"() ({
        %run_scoped3A = tpu.sem_alloc : memref<!tpu.dma_semaphore, #tpu.memory_space<semaphore_mem>>
        %dma_start3A = arith.constant 0 : i32
        %dma_start3A_198 = tpu.memref_slice %arg20[%dma_start3A] : memref<1584xf32, #tpu.memory_space<vmem>> -> memref<1568xf32, #tpu.memory_space<vmem>>
        %dma_start3A_199 = tpu.memref_slice %arg21[%add3A_20] : memref<50176xf32, #tpu.memory_space<vmem_shared>> -> memref<1568xf32, #tpu.memory_space<vmem_shared>>
        %dma_start3A_200 = tpu.memref_slice %arg21[%add3A_20] : memref<50176xf32, #tpu.memory_space<vmem_shared>> -> memref<1568xf32, #tpu.memory_space<vmem_shared>>
        %dma_start3A_201 = arith.constant 0 : i32
        %dma_start3A_202 = tpu.memref_slice %arg20[%dma_start3A_201] : memref<1584xf32, #tpu.memory_space<vmem>> -> memref<1568xf32, #tpu.memory_space<vmem>>
        tpu.enqueue_dma source(%dma_start3A_202 : memref<1568xf32, #tpu.memory_space<vmem>>) target(%dma_start3A_200 : memref<1568xf32, #tpu.memory_space<vmem_shared>>) target_semaphore(%run_scoped3A : memref<!tpu.dma_semaphore, #tpu.memory_space<semaphore_mem>>)
        %dma_wait3A = arith.constant 0 : i32
        %dma_wait3A_203 = tpu.memref_slice %arg20[%dma_wait3A] : memref<1584xf32, #tpu.memory_space<vmem>> -> memref<1568xf32, #tpu.memory_space<vmem>>
        %dma_wait3A_204 = tpu.memref_slice %arg21[%add3A_20] : memref<50176xf32, #tpu.memory_space<vmem_shared>> -> memref<1568xf32, #tpu.memory_space<vmem_shared>>
        %dma_wait3A_205 = tpu.memref_slice %arg21[%add3A_20] : memref<50176xf32, #tpu.memory_space<vmem_shared>> -> memref<1568xf32, #tpu.memory_space<vmem_shared>>
        %dma_wait3A_206 = arith.constant 0 : i32
        %dma_wait3A_207 = tpu.memref_slice %arg20[%dma_wait3A_206] : memref<1584xf32, #tpu.memory_space<vmem>> -> memref<1568xf32, #tpu.memory_space<vmem>>
        tpu.wait_dma2 semaphore(%run_scoped3A : memref<!tpu.dma_semaphore, #tpu.memory_space<semaphore_mem>>) src(%dma_wait3A_207 : memref<1568xf32, #tpu.memory_space<vmem>>) dst(%dma_wait3A_205 : memref<1568xf32, #tpu.memory_space<vmem_shared>>)
        tpu.yield
      }) : () -> ()
    } else {
    }
    %eq3A = arith.constant 15 : i32
    %eq3A_26 = arith.cmpi eq, %arg1, %eq3A : i32
    %convert_element_type3A_27 = arith.extui %eq3A_26 : i1 to i32
    %cond3A_28 = arith.constant 0 : i32
    %cond3A_29 = arith.cmpi ne, %convert_element_type3A_27, %cond3A_28 : i32
    scf.if %cond3A_29 {
      "tpu.region"() ({
        %run_scoped3A = tpu.sem_alloc : memref<!tpu.dma_semaphore, #tpu.memory_space<semaphore_mem>>
        %dma_start3A = arith.constant 0 : i32
        %dma_start3A_198 = tpu.memref_slice %arg20[%dma_start3A] : memref<1584xf32, #tpu.memory_space<vmem>> -> memref<1568xf32, #tpu.memory_space<vmem>>
        %dma_start3A_199 = arith.constant 47040 : i32
        %dma_start3A_200 = tpu.memref_slice %arg3[%dma_start3A_199] : memref<50000xf32, #tpu.memory_space<hbm>> -> memref<1568xf32, #tpu.memory_space<hbm>>
        %dma_start3A_201 = arith.constant 0 : i32
        %dma_start3A_202 = tpu.memref_slice %arg20[%dma_start3A_201] : memref<1584xf32, #tpu.memory_space<vmem>> -> memref<1568xf32, #tpu.memory_space<vmem>>
        %dma_start3A_203 = arith.constant 47040 : i32
        %dma_start3A_204 = tpu.memref_slice %arg3[%dma_start3A_203] : memref<50000xf32, #tpu.memory_space<hbm>> -> memref<1568xf32, #tpu.memory_space<hbm>>
        tpu.enqueue_dma source(%dma_start3A_204 : memref<1568xf32, #tpu.memory_space<hbm>>) target(%dma_start3A_202 : memref<1568xf32, #tpu.memory_space<vmem>>) target_semaphore(%run_scoped3A : memref<!tpu.dma_semaphore, #tpu.memory_space<semaphore_mem>>)
        %dma_wait3A = arith.constant 0 : i32
        %dma_wait3A_205 = tpu.memref_slice %arg20[%dma_wait3A] : memref<1584xf32, #tpu.memory_space<vmem>> -> memref<1568xf32, #tpu.memory_space<vmem>>
        %dma_wait3A_206 = arith.constant 47040 : i32
        %dma_wait3A_207 = tpu.memref_slice %arg3[%dma_wait3A_206] : memref<50000xf32, #tpu.memory_space<hbm>> -> memref<1568xf32, #tpu.memory_space<hbm>>
        %dma_wait3A_208 = arith.constant 0 : i32
        %dma_wait3A_209 = tpu.memref_slice %arg20[%dma_wait3A_208] : memref<1584xf32, #tpu.memory_space<vmem>> -> memref<1568xf32, #tpu.memory_space<vmem>>
        %dma_wait3A_210 = arith.constant 47040 : i32
        %dma_wait3A_211 = tpu.memref_slice %arg3[%dma_wait3A_210] : memref<50000xf32, #tpu.memory_space<hbm>> -> memref<1568xf32, #tpu.memory_space<hbm>>
        tpu.wait_dma2 semaphore(%run_scoped3A : memref<!tpu.dma_semaphore, #tpu.memory_space<semaphore_mem>>) src(%dma_wait3A_211 : memref<1568xf32, #tpu.memory_space<hbm>>) dst(%dma_wait3A_209 : memref<1568xf32, #tpu.memory_space<vmem>>)
        tpu.yield
      }) : () -> ()
      "tpu.region"() ({
        %run_scoped3A = tpu.sem_alloc : memref<!tpu.dma_semaphore, #tpu.memory_space<semaphore_mem>>
        %dma_start3A = arith.constant 0 : i32
        %dma_start3A_198 = tpu.memref_slice %arg20[%dma_start3A] : memref<1584xf32, #tpu.memory_space<vmem>> -> memref<1568xf32, #tpu.memory_space<vmem>>
        %dma_start3A_199 = arith.constant 47040 : i32
        %dma_start3A_200 = tpu.memref_slice %arg21[%dma_start3A_199] : memref<50176xf32, #tpu.memory_space<vmem_shared>> -> memref<1568xf32, #tpu.memory_space<vmem_shared>>
        %dma_start3A_201 = arith.constant 47040 : i32
        %dma_start3A_202 = tpu.memref_slice %arg21[%dma_start3A_201] : memref<50176xf32, #tpu.memory_space<vmem_shared>> -> memref<1568xf32, #tpu.memory_space<vmem_shared>>
        %dma_start3A_203 = arith.constant 0 : i32
        %dma_start3A_204 = tpu.memref_slice %arg20[%dma_start3A_203] : memref<1584xf32, #tpu.memory_space<vmem>> -> memref<1568xf32, #tpu.memory_space<vmem>>
        tpu.enqueue_dma source(%dma_start3A_204 : memref<1568xf32, #tpu.memory_space<vmem>>) target(%dma_start3A_202 : memref<1568xf32, #tpu.memory_space<vmem_shared>>) target_semaphore(%run_scoped3A : memref<!tpu.dma_semaphore, #tpu.memory_space<semaphore_mem>>)
        %dma_wait3A = arith.constant 0 : i32
        %dma_wait3A_205 = tpu.memref_slice %arg20[%dma_wait3A] : memref<1584xf32, #tpu.memory_space<vmem>> -> memref<1568xf32, #tpu.memory_space<vmem>>
        %dma_wait3A_206 = arith.constant 47040 : i32
        %dma_wait3A_207 = tpu.memref_slice %arg21[%dma_wait3A_206] : memref<50176xf32, #tpu.memory_space<vmem_shared>> -> memref<1568xf32, #tpu.memory_space<vmem_shared>>
        %dma_wait3A_208 = arith.constant 47040 : i32
        %dma_wait3A_209 = tpu.memref_slice %arg21[%dma_wait3A_208] : memref<50176xf32, #tpu.memory_space<vmem_shared>> -> memref<1568xf32, #tpu.memory_space<vmem_shared>>
        %dma_wait3A_210 = arith.constant 0 : i32
        %dma_wait3A_211 = tpu.memref_slice %arg20[%dma_wait3A_210] : memref<1584xf32, #tpu.memory_space<vmem>> -> memref<1568xf32, #tpu.memory_space<vmem>>
        tpu.wait_dma2 semaphore(%run_scoped3A : memref<!tpu.dma_semaphore, #tpu.memory_space<semaphore_mem>>) src(%dma_wait3A_211 : memref<1568xf32, #tpu.memory_space<vmem>>) dst(%dma_wait3A_209 : memref<1568xf32, #tpu.memory_space<vmem_shared>>)
        tpu.yield
      }) : () -> ()
      "tpu.region"() ({
        %run_scoped3A = tpu.sem_alloc : memref<!tpu.dma_semaphore, #tpu.memory_space<semaphore_mem>>
        %dma_start3A = arith.constant 0 : i32
        %dma_start3A_198 = tpu.memref_slice %arg20[%dma_start3A] : memref<1584xf32, #tpu.memory_space<vmem>> -> memref<1392xf32, #tpu.memory_space<vmem>>
        %dma_start3A_199 = arith.constant 48608 : i32
        %dma_start3A_200 = tpu.memref_slice %arg3[%dma_start3A_199] : memref<50000xf32, #tpu.memory_space<hbm>> -> memref<1392xf32, #tpu.memory_space<hbm>>
        %dma_start3A_201 = arith.constant 0 : i32
        %dma_start3A_202 = tpu.memref_slice %arg20[%dma_start3A_201] : memref<1584xf32, #tpu.memory_space<vmem>> -> memref<1392xf32, #tpu.memory_space<vmem>>
        %dma_start3A_203 = arith.constant 48608 : i32
        %dma_start3A_204 = tpu.memref_slice %arg3[%dma_start3A_203] : memref<50000xf32, #tpu.memory_space<hbm>> -> memref<1392xf32, #tpu.memory_space<hbm>>
        tpu.enqueue_dma source(%dma_start3A_204 : memref<1392xf32, #tpu.memory_space<hbm>>) target(%dma_start3A_202 : memref<1392xf32, #tpu.memory_space<vmem>>) target_semaphore(%run_scoped3A : memref<!tpu.dma_semaphore, #tpu.memory_space<semaphore_mem>>)
        %dma_wait3A = arith.constant 0 : i32
        %dma_wait3A_205 = tpu.memref_slice %arg20[%dma_wait3A] : memref<1584xf32, #tpu.memory_space<vmem>> -> memref<1392xf32, #tpu.memory_space<vmem>>
        %dma_wait3A_206 = arith.constant 48608 : i32
        %dma_wait3A_207 = tpu.memref_slice %arg3[%dma_wait3A_206] : memref<50000xf32, #tpu.memory_space<hbm>> -> memref<1392xf32, #tpu.memory_space<hbm>>
        %dma_wait3A_208 = arith.constant 0 : i32
        %dma_wait3A_209 = tpu.memref_slice %arg20[%dma_wait3A_208] : memref<1584xf32, #tpu.memory_space<vmem>> -> memref<1392xf32, #tpu.memory_space<vmem>>
        %dma_wait3A_210 = arith.constant 48608 : i32
        %dma_wait3A_211 = tpu.memref_slice %arg3[%dma_wait3A_210] : memref<50000xf32, #tpu.memory_space<hbm>> -> memref<1392xf32, #tpu.memory_space<hbm>>
        tpu.wait_dma2 semaphore(%run_scoped3A : memref<!tpu.dma_semaphore, #tpu.memory_space<semaphore_mem>>) src(%dma_wait3A_211 : memref<1392xf32, #tpu.memory_space<hbm>>) dst(%dma_wait3A_209 : memref<1392xf32, #tpu.memory_space<vmem>>)
        tpu.yield
      }) : () -> ()
      "tpu.region"() ({
        %run_scoped3A = tpu.sem_alloc : memref<!tpu.dma_semaphore, #tpu.memory_space<semaphore_mem>>
        %dma_start3A = arith.constant 0 : i32
        %dma_start3A_198 = tpu.memref_slice %arg20[%dma_start3A] : memref<1584xf32, #tpu.memory_space<vmem>> -> memref<1392xf32, #tpu.memory_space<vmem>>
        %dma_start3A_199 = arith.constant 48608 : i32
        %dma_start3A_200 = tpu.memref_slice %arg21[%dma_start3A_199] : memref<50176xf32, #tpu.memory_space<vmem_shared>> -> memref<1392xf32, #tpu.memory_space<vmem_shared>>
        %dma_start3A_201 = arith.constant 48608 : i32
        %dma_start3A_202 = tpu.memref_slice %arg21[%dma_start3A_201] : memref<50176xf32, #tpu.memory_space<vmem_shared>> -> memref<1392xf32, #tpu.memory_space<vmem_shared>>
        %dma_start3A_203 = arith.constant 0 : i32
        %dma_start3A_204 = tpu.memref_slice %arg20[%dma_start3A_203] : memref<1584xf32, #tpu.memory_space<vmem>> -> memref<1392xf32, #tpu.memory_space<vmem>>
        tpu.enqueue_dma source(%dma_start3A_204 : memref<1392xf32, #tpu.memory_space<vmem>>) target(%dma_start3A_202 : memref<1392xf32, #tpu.memory_space<vmem_shared>>) target_semaphore(%run_scoped3A : memref<!tpu.dma_semaphore, #tpu.memory_space<semaphore_mem>>)
        %dma_wait3A = arith.constant 0 : i32
        %dma_wait3A_205 = tpu.memref_slice %arg20[%dma_wait3A] : memref<1584xf32, #tpu.memory_space<vmem>> -> memref<1392xf32, #tpu.memory_space<vmem>>
        %dma_wait3A_206 = arith.constant 48608 : i32
        %dma_wait3A_207 = tpu.memref_slice %arg21[%dma_wait3A_206] : memref<50176xf32, #tpu.memory_space<vmem_shared>> -> memref<1392xf32, #tpu.memory_space<vmem_shared>>
        %dma_wait3A_208 = arith.constant 48608 : i32
        %dma_wait3A_209 = tpu.memref_slice %arg21[%dma_wait3A_208] : memref<50176xf32, #tpu.memory_space<vmem_shared>> -> memref<1392xf32, #tpu.memory_space<vmem_shared>>
        %dma_wait3A_210 = arith.constant 0 : i32
        %dma_wait3A_211 = tpu.memref_slice %arg20[%dma_wait3A_210] : memref<1584xf32, #tpu.memory_space<vmem>> -> memref<1392xf32, #tpu.memory_space<vmem>>
        tpu.wait_dma2 semaphore(%run_scoped3A : memref<!tpu.dma_semaphore, #tpu.memory_space<semaphore_mem>>) src(%dma_wait3A_211 : memref<1392xf32, #tpu.memory_space<vmem>>) dst(%dma_wait3A_209 : memref<1392xf32, #tpu.memory_space<vmem_shared>>)
        tpu.yield
      }) : () -> ()
      "tpu.region"() ({
        %run_scoped3A = tpu.sem_alloc : memref<!tpu.dma_semaphore, #tpu.memory_space<semaphore_mem>>
        %dma_start3A = arith.constant 0 : i32
        %dma_start3A_198 = tpu.memref_slice %arg18[%dma_start3A] : memref<256xf32, #tpu.memory_space<vmem>> -> memref<16xf32, #tpu.memory_space<vmem>>
        %dma_start3A_199 = arith.constant 50000 : i32
        %dma_start3A_200 = tpu.memref_slice %arg21[%dma_start3A_199] : memref<50176xf32, #tpu.memory_space<vmem_shared>> -> memref<16xf32, #tpu.memory_space<vmem_shared>>
        %dma_start3A_201 = arith.constant 50000 : i32
        %dma_start3A_202 = tpu.memref_slice %arg21[%dma_start3A_201] : memref<50176xf32, #tpu.memory_space<vmem_shared>> -> memref<16xf32, #tpu.memory_space<vmem_shared>>
        %dma_start3A_203 = arith.constant 0 : i32
        %dma_start3A_204 = tpu.memref_slice %arg18[%dma_start3A_203] : memref<256xf32, #tpu.memory_space<vmem>> -> memref<16xf32, #tpu.memory_space<vmem>>
        tpu.enqueue_dma source(%dma_start3A_204 : memref<16xf32, #tpu.memory_space<vmem>>) target(%dma_start3A_202 : memref<16xf32, #tpu.memory_space<vmem_shared>>) target_semaphore(%run_scoped3A : memref<!tpu.dma_semaphore, #tpu.memory_space<semaphore_mem>>)
        %dma_wait3A = arith.constant 0 : i32
        %dma_wait3A_205 = tpu.memref_slice %arg18[%dma_wait3A] : memref<256xf32, #tpu.memory_space<vmem>> -> memref<16xf32, #tpu.memory_space<vmem>>
        %dma_wait3A_206 = arith.constant 50000 : i32
        %dma_wait3A_207 = tpu.memref_slice %arg21[%dma_wait3A_206] : memref<50176xf32, #tpu.memory_space<vmem_shared>> -> memref<16xf32, #tpu.memory_space<vmem_shared>>
        %dma_wait3A_208 = arith.constant 50000 : i32
        %dma_wait3A_209 = tpu.memref_slice %arg21[%dma_wait3A_208] : memref<50176xf32, #tpu.memory_space<vmem_shared>> -> memref<16xf32, #tpu.memory_space<vmem_shared>>
        %dma_wait3A_210 = arith.constant 0 : i32
        %dma_wait3A_211 = tpu.memref_slice %arg18[%dma_wait3A_210] : memref<256xf32, #tpu.memory_space<vmem>> -> memref<16xf32, #tpu.memory_space<vmem>>
        tpu.wait_dma2 semaphore(%run_scoped3A : memref<!tpu.dma_semaphore, #tpu.memory_space<semaphore_mem>>) src(%dma_wait3A_211 : memref<16xf32, #tpu.memory_space<vmem>>) dst(%dma_wait3A_209 : memref<16xf32, #tpu.memory_space<vmem_shared>>)
        tpu.yield
      }) : () -> ()
    } else {
    }
    %mul3A_30 = arith.constant 3136 : i32
    %mul3A_31 = arith.muli %arg1, %mul3A_30 : i32
    %add3A_32 = arith.constant 0 : i32
    %add3A_33 = arith.addi %mul3A_31, %add3A_32 : i32
    %lt3A_34 = arith.constant 15 : i32
    %lt3A_35 = arith.cmpi slt, %arg1, %lt3A_34 : i32
    %convert_element_type3A_36 = arith.extui %lt3A_35 : i1 to i32
    %cond3A_37 = arith.constant 0 : i32
    %cond3A_38 = arith.cmpi ne, %convert_element_type3A_36, %cond3A_37 : i32
    scf.if %cond3A_38 {
      "tpu.region"() ({
        %run_scoped3A = tpu.sem_alloc : memref<!tpu.dma_semaphore, #tpu.memory_space<semaphore_mem>>
        %dma_start3A = arith.constant 0 : i32
        %dma_start3A_198 = tpu.memref_slice %arg20[%dma_start3A] : memref<1584xf32, #tpu.memory_space<vmem>> -> memref<1568xf32, #tpu.memory_space<vmem>>
        %dma_start3A_199 = tpu.memref_slice %arg4[%add3A_33] : memref<50000xf32, #tpu.memory_space<hbm>> -> memref<1568xf32, #tpu.memory_space<hbm>>
        %dma_start3A_200 = arith.constant 0 : i32
        %dma_start3A_201 = tpu.memref_slice %arg20[%dma_start3A_200] : memref<1584xf32, #tpu.memory_space<vmem>> -> memref<1568xf32, #tpu.memory_space<vmem>>
        %dma_start3A_202 = tpu.memref_slice %arg4[%add3A_33] : memref<50000xf32, #tpu.memory_space<hbm>> -> memref<1568xf32, #tpu.memory_space<hbm>>
        tpu.enqueue_dma source(%dma_start3A_202 : memref<1568xf32, #tpu.memory_space<hbm>>) target(%dma_start3A_201 : memref<1568xf32, #tpu.memory_space<vmem>>) target_semaphore(%run_scoped3A : memref<!tpu.dma_semaphore, #tpu.memory_space<semaphore_mem>>)
        %dma_wait3A = arith.constant 0 : i32
        %dma_wait3A_203 = tpu.memref_slice %arg20[%dma_wait3A] : memref<1584xf32, #tpu.memory_space<vmem>> -> memref<1568xf32, #tpu.memory_space<vmem>>
        %dma_wait3A_204 = tpu.memref_slice %arg4[%add3A_33] : memref<50000xf32, #tpu.memory_space<hbm>> -> memref<1568xf32, #tpu.memory_space<hbm>>
        %dma_wait3A_205 = arith.constant 0 : i32
        %dma_wait3A_206 = tpu.memref_slice %arg20[%dma_wait3A_205] : memref<1584xf32, #tpu.memory_space<vmem>> -> memref<1568xf32, #tpu.memory_space<vmem>>
        %dma_wait3A_207 = tpu.memref_slice %arg4[%add3A_33] : memref<50000xf32, #tpu.memory_space<hbm>> -> memref<1568xf32, #tpu.memory_space<hbm>>
        tpu.wait_dma2 semaphore(%run_scoped3A : memref<!tpu.dma_semaphore, #tpu.memory_space<semaphore_mem>>) src(%dma_wait3A_207 : memref<1568xf32, #tpu.memory_space<hbm>>) dst(%dma_wait3A_206 : memref<1568xf32, #tpu.memory_space<vmem>>)
        tpu.yield
      }) : () -> ()
      "tpu.region"() ({
        %run_scoped3A = tpu.sem_alloc : memref<!tpu.dma_semaphore, #tpu.memory_space<semaphore_mem>>
        %dma_start3A = arith.constant 0 : i32
        %dma_start3A_198 = tpu.memref_slice %arg20[%dma_start3A] : memref<1584xf32, #tpu.memory_space<vmem>> -> memref<1568xf32, #tpu.memory_space<vmem>>
        %dma_start3A_199 = tpu.memref_slice %arg22[%add3A_33] : memref<50176xf32, #tpu.memory_space<vmem_shared>> -> memref<1568xf32, #tpu.memory_space<vmem_shared>>
        %dma_start3A_200 = tpu.memref_slice %arg22[%add3A_33] : memref<50176xf32, #tpu.memory_space<vmem_shared>> -> memref<1568xf32, #tpu.memory_space<vmem_shared>>
        %dma_start3A_201 = arith.constant 0 : i32
        %dma_start3A_202 = tpu.memref_slice %arg20[%dma_start3A_201] : memref<1584xf32, #tpu.memory_space<vmem>> -> memref<1568xf32, #tpu.memory_space<vmem>>
        tpu.enqueue_dma source(%dma_start3A_202 : memref<1568xf32, #tpu.memory_space<vmem>>) target(%dma_start3A_200 : memref<1568xf32, #tpu.memory_space<vmem_shared>>) target_semaphore(%run_scoped3A : memref<!tpu.dma_semaphore, #tpu.memory_space<semaphore_mem>>)
        %dma_wait3A = arith.constant 0 : i32
        %dma_wait3A_203 = tpu.memref_slice %arg20[%dma_wait3A] : memref<1584xf32, #tpu.memory_space<vmem>> -> memref<1568xf32, #tpu.memory_space<vmem>>
        %dma_wait3A_204 = tpu.memref_slice %arg22[%add3A_33] : memref<50176xf32, #tpu.memory_space<vmem_shared>> -> memref<1568xf32, #tpu.memory_space<vmem_shared>>
        %dma_wait3A_205 = tpu.memref_slice %arg22[%add3A_33] : memref<50176xf32, #tpu.memory_space<vmem_shared>> -> memref<1568xf32, #tpu.memory_space<vmem_shared>>
        %dma_wait3A_206 = arith.constant 0 : i32
        %dma_wait3A_207 = tpu.memref_slice %arg20[%dma_wait3A_206] : memref<1584xf32, #tpu.memory_space<vmem>> -> memref<1568xf32, #tpu.memory_space<vmem>>
        tpu.wait_dma2 semaphore(%run_scoped3A : memref<!tpu.dma_semaphore, #tpu.memory_space<semaphore_mem>>) src(%dma_wait3A_207 : memref<1568xf32, #tpu.memory_space<vmem>>) dst(%dma_wait3A_205 : memref<1568xf32, #tpu.memory_space<vmem_shared>>)
        tpu.yield
      }) : () -> ()
    } else {
    }
    %mul3A_39 = arith.constant 3136 : i32
    %mul3A_40 = arith.muli %arg1, %mul3A_39 : i32
    %add3A_41 = arith.constant 1568 : i32
    %add3A_42 = arith.addi %mul3A_40, %add3A_41 : i32
    %lt3A_43 = arith.constant 15 : i32
    %lt3A_44 = arith.cmpi slt, %arg1, %lt3A_43 : i32
    %convert_element_type3A_45 = arith.extui %lt3A_44 : i1 to i32
    %cond3A_46 = arith.constant 0 : i32
    %cond3A_47 = arith.cmpi ne, %convert_element_type3A_45, %cond3A_46 : i32
    scf.if %cond3A_47 {
      "tpu.region"() ({
        %run_scoped3A = tpu.sem_alloc : memref<!tpu.dma_semaphore, #tpu.memory_space<semaphore_mem>>
        %dma_start3A = arith.constant 0 : i32
        %dma_start3A_198 = tpu.memref_slice %arg20[%dma_start3A] : memref<1584xf32, #tpu.memory_space<vmem>> -> memref<1568xf32, #tpu.memory_space<vmem>>
        %dma_start3A_199 = tpu.memref_slice %arg4[%add3A_42] : memref<50000xf32, #tpu.memory_space<hbm>> -> memref<1568xf32, #tpu.memory_space<hbm>>
        %dma_start3A_200 = arith.constant 0 : i32
        %dma_start3A_201 = tpu.memref_slice %arg20[%dma_start3A_200] : memref<1584xf32, #tpu.memory_space<vmem>> -> memref<1568xf32, #tpu.memory_space<vmem>>
        %dma_start3A_202 = tpu.memref_slice %arg4[%add3A_42] : memref<50000xf32, #tpu.memory_space<hbm>> -> memref<1568xf32, #tpu.memory_space<hbm>>
        tpu.enqueue_dma source(%dma_start3A_202 : memref<1568xf32, #tpu.memory_space<hbm>>) target(%dma_start3A_201 : memref<1568xf32, #tpu.memory_space<vmem>>) target_semaphore(%run_scoped3A : memref<!tpu.dma_semaphore, #tpu.memory_space<semaphore_mem>>)
        %dma_wait3A = arith.constant 0 : i32
        %dma_wait3A_203 = tpu.memref_slice %arg20[%dma_wait3A] : memref<1584xf32, #tpu.memory_space<vmem>> -> memref<1568xf32, #tpu.memory_space<vmem>>
        %dma_wait3A_204 = tpu.memref_slice %arg4[%add3A_42] : memref<50000xf32, #tpu.memory_space<hbm>> -> memref<1568xf32, #tpu.memory_space<hbm>>
        %dma_wait3A_205 = arith.constant 0 : i32
        %dma_wait3A_206 = tpu.memref_slice %arg20[%dma_wait3A_205] : memref<1584xf32, #tpu.memory_space<vmem>> -> memref<1568xf32, #tpu.memory_space<vmem>>
        %dma_wait3A_207 = tpu.memref_slice %arg4[%add3A_42] : memref<50000xf32, #tpu.memory_space<hbm>> -> memref<1568xf32, #tpu.memory_space<hbm>>
        tpu.wait_dma2 semaphore(%run_scoped3A : memref<!tpu.dma_semaphore, #tpu.memory_space<semaphore_mem>>) src(%dma_wait3A_207 : memref<1568xf32, #tpu.memory_space<hbm>>) dst(%dma_wait3A_206 : memref<1568xf32, #tpu.memory_space<vmem>>)
        tpu.yield
      }) : () -> ()
      "tpu.region"() ({
        %run_scoped3A = tpu.sem_alloc : memref<!tpu.dma_semaphore, #tpu.memory_space<semaphore_mem>>
        %dma_start3A = arith.constant 0 : i32
        %dma_start3A_198 = tpu.memref_slice %arg20[%dma_start3A] : memref<1584xf32, #tpu.memory_space<vmem>> -> memref<1568xf32, #tpu.memory_space<vmem>>
        %dma_start3A_199 = tpu.memref_slice %arg22[%add3A_42] : memref<50176xf32, #tpu.memory_space<vmem_shared>> -> memref<1568xf32, #tpu.memory_space<vmem_shared>>
        %dma_start3A_200 = tpu.memref_slice %arg22[%add3A_42] : memref<50176xf32, #tpu.memory_space<vmem_shared>> -> memref<1568xf32, #tpu.memory_space<vmem_shared>>
        %dma_start3A_201 = arith.constant 0 : i32
        %dma_start3A_202 = tpu.memref_slice %arg20[%dma_start3A_201] : memref<1584xf32, #tpu.memory_space<vmem>> -> memref<1568xf32, #tpu.memory_space<vmem>>
        tpu.enqueue_dma source(%dma_start3A_202 : memref<1568xf32, #tpu.memory_space<vmem>>) target(%dma_start3A_200 : memref<1568xf32, #tpu.memory_space<vmem_shared>>) target_semaphore(%run_scoped3A : memref<!tpu.dma_semaphore, #tpu.memory_space<semaphore_mem>>)
        %dma_wait3A = arith.constant 0 : i32
        %dma_wait3A_203 = tpu.memref_slice %arg20[%dma_wait3A] : memref<1584xf32, #tpu.memory_space<vmem>> -> memref<1568xf32, #tpu.memory_space<vmem>>
        %dma_wait3A_204 = tpu.memref_slice %arg22[%add3A_42] : memref<50176xf32, #tpu.memory_space<vmem_shared>> -> memref<1568xf32, #tpu.memory_space<vmem_shared>>
        %dma_wait3A_205 = tpu.memref_slice %arg22[%add3A_42] : memref<50176xf32, #tpu.memory_space<vmem_shared>> -> memref<1568xf32, #tpu.memory_space<vmem_shared>>
        %dma_wait3A_206 = arith.constant 0 : i32
        %dma_wait3A_207 = tpu.memref_slice %arg20[%dma_wait3A_206] : memref<1584xf32, #tpu.memory_space<vmem>> -> memref<1568xf32, #tpu.memory_space<vmem>>
        tpu.wait_dma2 semaphore(%run_scoped3A : memref<!tpu.dma_semaphore, #tpu.memory_space<semaphore_mem>>) src(%dma_wait3A_207 : memref<1568xf32, #tpu.memory_space<vmem>>) dst(%dma_wait3A_205 : memref<1568xf32, #tpu.memory_space<vmem_shared>>)
        tpu.yield
      }) : () -> ()
    } else {
    }
    %eq3A_48 = arith.constant 15 : i32
    %eq3A_49 = arith.cmpi eq, %arg1, %eq3A_48 : i32
    %convert_element_type3A_50 = arith.extui %eq3A_49 : i1 to i32
    %cond3A_51 = arith.constant 0 : i32
    %cond3A_52 = arith.cmpi ne, %convert_element_type3A_50, %cond3A_51 : i32
    scf.if %cond3A_52 {
      "tpu.region"() ({
        %run_scoped3A = tpu.sem_alloc : memref<!tpu.dma_semaphore, #tpu.memory_space<semaphore_mem>>
        %dma_start3A = arith.constant 0 : i32
        %dma_start3A_198 = tpu.memref_slice %arg20[%dma_start3A] : memref<1584xf32, #tpu.memory_space<vmem>> -> memref<1568xf32, #tpu.memory_space<vmem>>
        %dma_start3A_199 = arith.constant 47040 : i32
        %dma_start3A_200 = tpu.memref_slice %arg4[%dma_start3A_199] : memref<50000xf32, #tpu.memory_space<hbm>> -> memref<1568xf32, #tpu.memory_space<hbm>>
        %dma_start3A_201 = arith.constant 0 : i32
        %dma_start3A_202 = tpu.memref_slice %arg20[%dma_start3A_201] : memref<1584xf32, #tpu.memory_space<vmem>> -> memref<1568xf32, #tpu.memory_space<vmem>>
        %dma_start3A_203 = arith.constant 47040 : i32
        %dma_start3A_204 = tpu.memref_slice %arg4[%dma_start3A_203] : memref<50000xf32, #tpu.memory_space<hbm>> -> memref<1568xf32, #tpu.memory_space<hbm>>
        tpu.enqueue_dma source(%dma_start3A_204 : memref<1568xf32, #tpu.memory_space<hbm>>) target(%dma_start3A_202 : memref<1568xf32, #tpu.memory_space<vmem>>) target_semaphore(%run_scoped3A : memref<!tpu.dma_semaphore, #tpu.memory_space<semaphore_mem>>)
        %dma_wait3A = arith.constant 0 : i32
        %dma_wait3A_205 = tpu.memref_slice %arg20[%dma_wait3A] : memref<1584xf32, #tpu.memory_space<vmem>> -> memref<1568xf32, #tpu.memory_space<vmem>>
        %dma_wait3A_206 = arith.constant 47040 : i32
        %dma_wait3A_207 = tpu.memref_slice %arg4[%dma_wait3A_206] : memref<50000xf32, #tpu.memory_space<hbm>> -> memref<1568xf32, #tpu.memory_space<hbm>>
        %dma_wait3A_208 = arith.constant 0 : i32
        %dma_wait3A_209 = tpu.memref_slice %arg20[%dma_wait3A_208] : memref<1584xf32, #tpu.memory_space<vmem>> -> memref<1568xf32, #tpu.memory_space<vmem>>
        %dma_wait3A_210 = arith.constant 47040 : i32
        %dma_wait3A_211 = tpu.memref_slice %arg4[%dma_wait3A_210] : memref<50000xf32, #tpu.memory_space<hbm>> -> memref<1568xf32, #tpu.memory_space<hbm>>
        tpu.wait_dma2 semaphore(%run_scoped3A : memref<!tpu.dma_semaphore, #tpu.memory_space<semaphore_mem>>) src(%dma_wait3A_211 : memref<1568xf32, #tpu.memory_space<hbm>>) dst(%dma_wait3A_209 : memref<1568xf32, #tpu.memory_space<vmem>>)
        tpu.yield
      }) : () -> ()
      "tpu.region"() ({
        %run_scoped3A = tpu.sem_alloc : memref<!tpu.dma_semaphore, #tpu.memory_space<semaphore_mem>>
        %dma_start3A = arith.constant 0 : i32
        %dma_start3A_198 = tpu.memref_slice %arg20[%dma_start3A] : memref<1584xf32, #tpu.memory_space<vmem>> -> memref<1568xf32, #tpu.memory_space<vmem>>
        %dma_start3A_199 = arith.constant 47040 : i32
        %dma_start3A_200 = tpu.memref_slice %arg22[%dma_start3A_199] : memref<50176xf32, #tpu.memory_space<vmem_shared>> -> memref<1568xf32, #tpu.memory_space<vmem_shared>>
        %dma_start3A_201 = arith.constant 47040 : i32
        %dma_start3A_202 = tpu.memref_slice %arg22[%dma_start3A_201] : memref<50176xf32, #tpu.memory_space<vmem_shared>> -> memref<1568xf32, #tpu.memory_space<vmem_shared>>
        %dma_start3A_203 = arith.constant 0 : i32
        %dma_start3A_204 = tpu.memref_slice %arg20[%dma_start3A_203] : memref<1584xf32, #tpu.memory_space<vmem>> -> memref<1568xf32, #tpu.memory_space<vmem>>
        tpu.enqueue_dma source(%dma_start3A_204 : memref<1568xf32, #tpu.memory_space<vmem>>) target(%dma_start3A_202 : memref<1568xf32, #tpu.memory_space<vmem_shared>>) target_semaphore(%run_scoped3A : memref<!tpu.dma_semaphore, #tpu.memory_space<semaphore_mem>>)
        %dma_wait3A = arith.constant 0 : i32
        %dma_wait3A_205 = tpu.memref_slice %arg20[%dma_wait3A] : memref<1584xf32, #tpu.memory_space<vmem>> -> memref<1568xf32, #tpu.memory_space<vmem>>
        %dma_wait3A_206 = arith.constant 47040 : i32
        %dma_wait3A_207 = tpu.memref_slice %arg22[%dma_wait3A_206] : memref<50176xf32, #tpu.memory_space<vmem_shared>> -> memref<1568xf32, #tpu.memory_space<vmem_shared>>
        %dma_wait3A_208 = arith.constant 47040 : i32
        %dma_wait3A_209 = tpu.memref_slice %arg22[%dma_wait3A_208] : memref<50176xf32, #tpu.memory_space<vmem_shared>> -> memref<1568xf32, #tpu.memory_space<vmem_shared>>
        %dma_wait3A_210 = arith.constant 0 : i32
        %dma_wait3A_211 = tpu.memref_slice %arg20[%dma_wait3A_210] : memref<1584xf32, #tpu.memory_space<vmem>> -> memref<1568xf32, #tpu.memory_space<vmem>>
        tpu.wait_dma2 semaphore(%run_scoped3A : memref<!tpu.dma_semaphore, #tpu.memory_space<semaphore_mem>>) src(%dma_wait3A_211 : memref<1568xf32, #tpu.memory_space<vmem>>) dst(%dma_wait3A_209 : memref<1568xf32, #tpu.memory_space<vmem_shared>>)
        tpu.yield
      }) : () -> ()
      "tpu.region"() ({
        %run_scoped3A = tpu.sem_alloc : memref<!tpu.dma_semaphore, #tpu.memory_space<semaphore_mem>>
        %dma_start3A = arith.constant 0 : i32
        %dma_start3A_198 = tpu.memref_slice %arg20[%dma_start3A] : memref<1584xf32, #tpu.memory_space<vmem>> -> memref<1392xf32, #tpu.memory_space<vmem>>
        %dma_start3A_199 = arith.constant 48608 : i32
        %dma_start3A_200 = tpu.memref_slice %arg4[%dma_start3A_199] : memref<50000xf32, #tpu.memory_space<hbm>> -> memref<1392xf32, #tpu.memory_space<hbm>>
        %dma_start3A_201 = arith.constant 0 : i32
        %dma_start3A_202 = tpu.memref_slice %arg20[%dma_start3A_201] : memref<1584xf32, #tpu.memory_space<vmem>> -> memref<1392xf32, #tpu.memory_space<vmem>>
        %dma_start3A_203 = arith.constant 48608 : i32
        %dma_start3A_204 = tpu.memref_slice %arg4[%dma_start3A_203] : memref<50000xf32, #tpu.memory_space<hbm>> -> memref<1392xf32, #tpu.memory_space<hbm>>
        tpu.enqueue_dma source(%dma_start3A_204 : memref<1392xf32, #tpu.memory_space<hbm>>) target(%dma_start3A_202 : memref<1392xf32, #tpu.memory_space<vmem>>) target_semaphore(%run_scoped3A : memref<!tpu.dma_semaphore, #tpu.memory_space<semaphore_mem>>)
        %dma_wait3A = arith.constant 0 : i32
        %dma_wait3A_205 = tpu.memref_slice %arg20[%dma_wait3A] : memref<1584xf32, #tpu.memory_space<vmem>> -> memref<1392xf32, #tpu.memory_space<vmem>>
        %dma_wait3A_206 = arith.constant 48608 : i32
        %dma_wait3A_207 = tpu.memref_slice %arg4[%dma_wait3A_206] : memref<50000xf32, #tpu.memory_space<hbm>> -> memref<1392xf32, #tpu.memory_space<hbm>>
        %dma_wait3A_208 = arith.constant 0 : i32
        %dma_wait3A_209 = tpu.memref_slice %arg20[%dma_wait3A_208] : memref<1584xf32, #tpu.memory_space<vmem>> -> memref<1392xf32, #tpu.memory_space<vmem>>
        %dma_wait3A_210 = arith.constant 48608 : i32
        %dma_wait3A_211 = tpu.memref_slice %arg4[%dma_wait3A_210] : memref<50000xf32, #tpu.memory_space<hbm>> -> memref<1392xf32, #tpu.memory_space<hbm>>
        tpu.wait_dma2 semaphore(%run_scoped3A : memref<!tpu.dma_semaphore, #tpu.memory_space<semaphore_mem>>) src(%dma_wait3A_211 : memref<1392xf32, #tpu.memory_space<hbm>>) dst(%dma_wait3A_209 : memref<1392xf32, #tpu.memory_space<vmem>>)
        tpu.yield
      }) : () -> ()
      "tpu.region"() ({
        %run_scoped3A = tpu.sem_alloc : memref<!tpu.dma_semaphore, #tpu.memory_space<semaphore_mem>>
        %dma_start3A = arith.constant 0 : i32
        %dma_start3A_198 = tpu.memref_slice %arg20[%dma_start3A] : memref<1584xf32, #tpu.memory_space<vmem>> -> memref<1392xf32, #tpu.memory_space<vmem>>
        %dma_start3A_199 = arith.constant 48608 : i32
        %dma_start3A_200 = tpu.memref_slice %arg22[%dma_start3A_199] : memref<50176xf32, #tpu.memory_space<vmem_shared>> -> memref<1392xf32, #tpu.memory_space<vmem_shared>>
        %dma_start3A_201 = arith.constant 48608 : i32
        %dma_start3A_202 = tpu.memref_slice %arg22[%dma_start3A_201] : memref<50176xf32, #tpu.memory_space<vmem_shared>> -> memref<1392xf32, #tpu.memory_space<vmem_shared>>
        %dma_start3A_203 = arith.constant 0 : i32
        %dma_start3A_204 = tpu.memref_slice %arg20[%dma_start3A_203] : memref<1584xf32, #tpu.memory_space<vmem>> -> memref<1392xf32, #tpu.memory_space<vmem>>
        tpu.enqueue_dma source(%dma_start3A_204 : memref<1392xf32, #tpu.memory_space<vmem>>) target(%dma_start3A_202 : memref<1392xf32, #tpu.memory_space<vmem_shared>>) target_semaphore(%run_scoped3A : memref<!tpu.dma_semaphore, #tpu.memory_space<semaphore_mem>>)
        %dma_wait3A = arith.constant 0 : i32
        %dma_wait3A_205 = tpu.memref_slice %arg20[%dma_wait3A] : memref<1584xf32, #tpu.memory_space<vmem>> -> memref<1392xf32, #tpu.memory_space<vmem>>
        %dma_wait3A_206 = arith.constant 48608 : i32
        %dma_wait3A_207 = tpu.memref_slice %arg22[%dma_wait3A_206] : memref<50176xf32, #tpu.memory_space<vmem_shared>> -> memref<1392xf32, #tpu.memory_space<vmem_shared>>
        %dma_wait3A_208 = arith.constant 48608 : i32
        %dma_wait3A_209 = tpu.memref_slice %arg22[%dma_wait3A_208] : memref<50176xf32, #tpu.memory_space<vmem_shared>> -> memref<1392xf32, #tpu.memory_space<vmem_shared>>
        %dma_wait3A_210 = arith.constant 0 : i32
        %dma_wait3A_211 = tpu.memref_slice %arg20[%dma_wait3A_210] : memref<1584xf32, #tpu.memory_space<vmem>> -> memref<1392xf32, #tpu.memory_space<vmem>>
        tpu.wait_dma2 semaphore(%run_scoped3A : memref<!tpu.dma_semaphore, #tpu.memory_space<semaphore_mem>>) src(%dma_wait3A_211 : memref<1392xf32, #tpu.memory_space<vmem>>) dst(%dma_wait3A_209 : memref<1392xf32, #tpu.memory_space<vmem_shared>>)
        tpu.yield
      }) : () -> ()
      "tpu.region"() ({
        %run_scoped3A = tpu.sem_alloc : memref<!tpu.dma_semaphore, #tpu.memory_space<semaphore_mem>>
        %dma_start3A = arith.constant 0 : i32
        %dma_start3A_198 = tpu.memref_slice %arg18[%dma_start3A] : memref<256xf32, #tpu.memory_space<vmem>> -> memref<16xf32, #tpu.memory_space<vmem>>
        %dma_start3A_199 = arith.constant 50000 : i32
        %dma_start3A_200 = tpu.memref_slice %arg22[%dma_start3A_199] : memref<50176xf32, #tpu.memory_space<vmem_shared>> -> memref<16xf32, #tpu.memory_space<vmem_shared>>
        %dma_start3A_201 = arith.constant 50000 : i32
        %dma_start3A_202 = tpu.memref_slice %arg22[%dma_start3A_201] : memref<50176xf32, #tpu.memory_space<vmem_shared>> -> memref<16xf32, #tpu.memory_space<vmem_shared>>
        %dma_start3A_203 = arith.constant 0 : i32
        %dma_start3A_204 = tpu.memref_slice %arg18[%dma_start3A_203] : memref<256xf32, #tpu.memory_space<vmem>> -> memref<16xf32, #tpu.memory_space<vmem>>
        tpu.enqueue_dma source(%dma_start3A_204 : memref<16xf32, #tpu.memory_space<vmem>>) target(%dma_start3A_202 : memref<16xf32, #tpu.memory_space<vmem_shared>>) target_semaphore(%run_scoped3A : memref<!tpu.dma_semaphore, #tpu.memory_space<semaphore_mem>>)
        %dma_wait3A = arith.constant 0 : i32
        %dma_wait3A_205 = tpu.memref_slice %arg18[%dma_wait3A] : memref<256xf32, #tpu.memory_space<vmem>> -> memref<16xf32, #tpu.memory_space<vmem>>
        %dma_wait3A_206 = arith.constant 50000 : i32
        %dma_wait3A_207 = tpu.memref_slice %arg22[%dma_wait3A_206] : memref<50176xf32, #tpu.memory_space<vmem_shared>> -> memref<16xf32, #tpu.memory_space<vmem_shared>>
        %dma_wait3A_208 = arith.constant 50000 : i32
        %dma_wait3A_209 = tpu.memref_slice %arg22[%dma_wait3A_208] : memref<50176xf32, #tpu.memory_space<vmem_shared>> -> memref<16xf32, #tpu.memory_space<vmem_shared>>
        %dma_wait3A_210 = arith.constant 0 : i32
        %dma_wait3A_211 = tpu.memref_slice %arg18[%dma_wait3A_210] : memref<256xf32, #tpu.memory_space<vmem>> -> memref<16xf32, #tpu.memory_space<vmem>>
        tpu.wait_dma2 semaphore(%run_scoped3A : memref<!tpu.dma_semaphore, #tpu.memory_space<semaphore_mem>>) src(%dma_wait3A_211 : memref<16xf32, #tpu.memory_space<vmem>>) dst(%dma_wait3A_209 : memref<16xf32, #tpu.memory_space<vmem_shared>>)
        tpu.yield
      }) : () -> ()
    } else {
    }
    %add3A_53 = arith.constant 0 : i32
    %add3A_54 = arith.addi %arg1, %add3A_53 : i32
    %lt3A_55 = arith.constant 99 : i32
    %lt3A_56 = arith.cmpi slt, %add3A_54, %lt3A_55 : i32
    %convert_element_type3A_57 = arith.extui %lt3A_56 : i1 to i32
    %cond3A_58 = arith.constant 0 : i32
    %cond3A_59 = arith.cmpi ne, %convert_element_type3A_57, %cond3A_58 : i32
    scf.if %cond3A_59 {
      %mul3A_198 = arith.constant 256 : i32
      %mul3A_199 = arith.muli %add3A_54, %mul3A_198 : i32
      %mul3A_200 = arith.constant 32 : i32
      %mul3A_201 = arith.muli %mul3A_199, %mul3A_200 : i32
      "tpu.region"() ({
        %run_scoped3A = tpu.sem_alloc : memref<!tpu.dma_semaphore, #tpu.memory_space<semaphore_mem>>
        %dma_start3A = tpu.memref_slice %arg23[%mul3A_201] : memref<811008xf32, #tpu.memory_space<vmem_shared>> -> memref<8192xf32, #tpu.memory_space<vmem_shared>>
        %dma_start3A_204 = tpu.memref_slice %arg23[%mul3A_201] : memref<811008xf32, #tpu.memory_space<vmem_shared>> -> memref<8192xf32, #tpu.memory_space<vmem_shared>>
        tpu.enqueue_dma source(%arg16 : memref<8192xf32, #tpu.memory_space<vmem>>) target(%dma_start3A_204 : memref<8192xf32, #tpu.memory_space<vmem_shared>>) target_semaphore(%run_scoped3A : memref<!tpu.dma_semaphore, #tpu.memory_space<semaphore_mem>>)
        %dma_wait3A = tpu.memref_slice %arg23[%mul3A_201] : memref<811008xf32, #tpu.memory_space<vmem_shared>> -> memref<8192xf32, #tpu.memory_space<vmem_shared>>
        %dma_wait3A_205 = tpu.memref_slice %arg23[%mul3A_201] : memref<811008xf32, #tpu.memory_space<vmem_shared>> -> memref<8192xf32, #tpu.memory_space<vmem_shared>>
        tpu.wait_dma2 semaphore(%run_scoped3A : memref<!tpu.dma_semaphore, #tpu.memory_space<semaphore_mem>>) src(%arg16 : memref<8192xf32, #tpu.memory_space<vmem>>) dst(%dma_wait3A_205 : memref<8192xf32, #tpu.memory_space<vmem_shared>>)
        tpu.yield
      }) : () -> ()
      %mul3A_202 = arith.constant 256 : i32
      %mul3A_203 = arith.muli %add3A_54, %mul3A_202 : i32
      "tpu.region"() ({
        %run_scoped3A = tpu.sem_alloc : memref<!tpu.dma_semaphore, #tpu.memory_space<semaphore_mem>>
        %dma_start3A = tpu.memref_slice %arg24[%mul3A_203] : memref<25344xf32, #tpu.memory_space<vmem_shared>> -> memref<256xf32, #tpu.memory_space<vmem_shared>>
        %dma_start3A_204 = tpu.memref_slice %arg24[%mul3A_203] : memref<25344xf32, #tpu.memory_space<vmem_shared>> -> memref<256xf32, #tpu.memory_space<vmem_shared>>
        tpu.enqueue_dma source(%arg18 : memref<256xf32, #tpu.memory_space<vmem>>) target(%dma_start3A_204 : memref<256xf32, #tpu.memory_space<vmem_shared>>) target_semaphore(%run_scoped3A : memref<!tpu.dma_semaphore, #tpu.memory_space<semaphore_mem>>)
        %dma_wait3A = tpu.memref_slice %arg24[%mul3A_203] : memref<25344xf32, #tpu.memory_space<vmem_shared>> -> memref<256xf32, #tpu.memory_space<vmem_shared>>
        %dma_wait3A_205 = tpu.memref_slice %arg24[%mul3A_203] : memref<25344xf32, #tpu.memory_space<vmem_shared>> -> memref<256xf32, #tpu.memory_space<vmem_shared>>
        tpu.wait_dma2 semaphore(%run_scoped3A : memref<!tpu.dma_semaphore, #tpu.memory_space<semaphore_mem>>) src(%arg18 : memref<256xf32, #tpu.memory_space<vmem>>) dst(%dma_wait3A_205 : memref<256xf32, #tpu.memory_space<vmem_shared>>)
        tpu.yield
      }) : () -> ()
    } else {
    }
    %add3A_60 = arith.constant 16 : i32
    %add3A_61 = arith.addi %arg1, %add3A_60 : i32
    %lt3A_62 = arith.constant 99 : i32
    %lt3A_63 = arith.cmpi slt, %add3A_61, %lt3A_62 : i32
    %convert_element_type3A_64 = arith.extui %lt3A_63 : i1 to i32
    %cond3A_65 = arith.constant 0 : i32
    %cond3A_66 = arith.cmpi ne, %convert_element_type3A_64, %cond3A_65 : i32
    scf.if %cond3A_66 {
      %mul3A_198 = arith.constant 256 : i32
      %mul3A_199 = arith.muli %add3A_61, %mul3A_198 : i32
      %mul3A_200 = arith.constant 32 : i32
      %mul3A_201 = arith.muli %mul3A_199, %mul3A_200 : i32
      "tpu.region"() ({
        %run_scoped3A = tpu.sem_alloc : memref<!tpu.dma_semaphore, #tpu.memory_space<semaphore_mem>>
        %dma_start3A = tpu.memref_slice %arg23[%mul3A_201] : memref<811008xf32, #tpu.memory_space<vmem_shared>> -> memref<8192xf32, #tpu.memory_space<vmem_shared>>
        %dma_start3A_204 = tpu.memref_slice %arg23[%mul3A_201] : memref<811008xf32, #tpu.memory_space<vmem_shared>> -> memref<8192xf32, #tpu.memory_space<vmem_shared>>
        tpu.enqueue_dma source(%arg16 : memref<8192xf32, #tpu.memory_space<vmem>>) target(%dma_start3A_204 : memref<8192xf32, #tpu.memory_space<vmem_shared>>) target_semaphore(%run_scoped3A : memref<!tpu.dma_semaphore, #tpu.memory_space<semaphore_mem>>)
        %dma_wait3A = tpu.memref_slice %arg23[%mul3A_201] : memref<811008xf32, #tpu.memory_space<vmem_shared>> -> memref<8192xf32, #tpu.memory_space<vmem_shared>>
        %dma_wait3A_205 = tpu.memref_slice %arg23[%mul3A_201] : memref<811008xf32, #tpu.memory_space<vmem_shared>> -> memref<8192xf32, #tpu.memory_space<vmem_shared>>
        tpu.wait_dma2 semaphore(%run_scoped3A : memref<!tpu.dma_semaphore, #tpu.memory_space<semaphore_mem>>) src(%arg16 : memref<8192xf32, #tpu.memory_space<vmem>>) dst(%dma_wait3A_205 : memref<8192xf32, #tpu.memory_space<vmem_shared>>)
        tpu.yield
      }) : () -> ()
      %mul3A_202 = arith.constant 256 : i32
      %mul3A_203 = arith.muli %add3A_61, %mul3A_202 : i32
      "tpu.region"() ({
        %run_scoped3A = tpu.sem_alloc : memref<!tpu.dma_semaphore, #tpu.memory_space<semaphore_mem>>
        %dma_start3A = tpu.memref_slice %arg24[%mul3A_203] : memref<25344xf32, #tpu.memory_space<vmem_shared>> -> memref<256xf32, #tpu.memory_space<vmem_shared>>
        %dma_start3A_204 = tpu.memref_slice %arg24[%mul3A_203] : memref<25344xf32, #tpu.memory_space<vmem_shared>> -> memref<256xf32, #tpu.memory_space<vmem_shared>>
        tpu.enqueue_dma source(%arg18 : memref<256xf32, #tpu.memory_space<vmem>>) target(%dma_start3A_204 : memref<256xf32, #tpu.memory_space<vmem_shared>>) target_semaphore(%run_scoped3A : memref<!tpu.dma_semaphore, #tpu.memory_space<semaphore_mem>>)
        %dma_wait3A = tpu.memref_slice %arg24[%mul3A_203] : memref<25344xf32, #tpu.memory_space<vmem_shared>> -> memref<256xf32, #tpu.memory_space<vmem_shared>>
        %dma_wait3A_205 = tpu.memref_slice %arg24[%mul3A_203] : memref<25344xf32, #tpu.memory_space<vmem_shared>> -> memref<256xf32, #tpu.memory_space<vmem_shared>>
        tpu.wait_dma2 semaphore(%run_scoped3A : memref<!tpu.dma_semaphore, #tpu.memory_space<semaphore_mem>>) src(%arg18 : memref<256xf32, #tpu.memory_space<vmem>>) dst(%dma_wait3A_205 : memref<256xf32, #tpu.memory_space<vmem_shared>>)
        tpu.yield
      }) : () -> ()
    } else {
    }
    %add3A_67 = arith.constant 32 : i32
    %add3A_68 = arith.addi %arg1, %add3A_67 : i32
    %lt3A_69 = arith.constant 99 : i32
    %lt3A_70 = arith.cmpi slt, %add3A_68, %lt3A_69 : i32
    %convert_element_type3A_71 = arith.extui %lt3A_70 : i1 to i32
    %cond3A_72 = arith.constant 0 : i32
    %cond3A_73 = arith.cmpi ne, %convert_element_type3A_71, %cond3A_72 : i32
    scf.if %cond3A_73 {
      %mul3A_198 = arith.constant 256 : i32
      %mul3A_199 = arith.muli %add3A_68, %mul3A_198 : i32
      %mul3A_200 = arith.constant 32 : i32
      %mul3A_201 = arith.muli %mul3A_199, %mul3A_200 : i32
      "tpu.region"() ({
        %run_scoped3A = tpu.sem_alloc : memref<!tpu.dma_semaphore, #tpu.memory_space<semaphore_mem>>
        %dma_start3A = tpu.memref_slice %arg23[%mul3A_201] : memref<811008xf32, #tpu.memory_space<vmem_shared>> -> memref<8192xf32, #tpu.memory_space<vmem_shared>>
        %dma_start3A_204 = tpu.memref_slice %arg23[%mul3A_201] : memref<811008xf32, #tpu.memory_space<vmem_shared>> -> memref<8192xf32, #tpu.memory_space<vmem_shared>>
        tpu.enqueue_dma source(%arg16 : memref<8192xf32, #tpu.memory_space<vmem>>) target(%dma_start3A_204 : memref<8192xf32, #tpu.memory_space<vmem_shared>>) target_semaphore(%run_scoped3A : memref<!tpu.dma_semaphore, #tpu.memory_space<semaphore_mem>>)
        %dma_wait3A = tpu.memref_slice %arg23[%mul3A_201] : memref<811008xf32, #tpu.memory_space<vmem_shared>> -> memref<8192xf32, #tpu.memory_space<vmem_shared>>
        %dma_wait3A_205 = tpu.memref_slice %arg23[%mul3A_201] : memref<811008xf32, #tpu.memory_space<vmem_shared>> -> memref<8192xf32, #tpu.memory_space<vmem_shared>>
        tpu.wait_dma2 semaphore(%run_scoped3A : memref<!tpu.dma_semaphore, #tpu.memory_space<semaphore_mem>>) src(%arg16 : memref<8192xf32, #tpu.memory_space<vmem>>) dst(%dma_wait3A_205 : memref<8192xf32, #tpu.memory_space<vmem_shared>>)
        tpu.yield
      }) : () -> ()
      %mul3A_202 = arith.constant 256 : i32
      %mul3A_203 = arith.muli %add3A_68, %mul3A_202 : i32
      "tpu.region"() ({
        %run_scoped3A = tpu.sem_alloc : memref<!tpu.dma_semaphore, #tpu.memory_space<semaphore_mem>>
        %dma_start3A = tpu.memref_slice %arg24[%mul3A_203] : memref<25344xf32, #tpu.memory_space<vmem_shared>> -> memref<256xf32, #tpu.memory_space<vmem_shared>>
        %dma_start3A_204 = tpu.memref_slice %arg24[%mul3A_203] : memref<25344xf32, #tpu.memory_space<vmem_shared>> -> memref<256xf32, #tpu.memory_space<vmem_shared>>
        tpu.enqueue_dma source(%arg18 : memref<256xf32, #tpu.memory_space<vmem>>) target(%dma_start3A_204 : memref<256xf32, #tpu.memory_space<vmem_shared>>) target_semaphore(%run_scoped3A : memref<!tpu.dma_semaphore, #tpu.memory_space<semaphore_mem>>)
        %dma_wait3A = tpu.memref_slice %arg24[%mul3A_203] : memref<25344xf32, #tpu.memory_space<vmem_shared>> -> memref<256xf32, #tpu.memory_space<vmem_shared>>
        %dma_wait3A_205 = tpu.memref_slice %arg24[%mul3A_203] : memref<25344xf32, #tpu.memory_space<vmem_shared>> -> memref<256xf32, #tpu.memory_space<vmem_shared>>
        tpu.wait_dma2 semaphore(%run_scoped3A : memref<!tpu.dma_semaphore, #tpu.memory_space<semaphore_mem>>) src(%arg18 : memref<256xf32, #tpu.memory_space<vmem>>) dst(%dma_wait3A_205 : memref<256xf32, #tpu.memory_space<vmem_shared>>)
        tpu.yield
      }) : () -> ()
    } else {
    }
    %add3A_74 = arith.constant 48 : i32
    %add3A_75 = arith.addi %arg1, %add3A_74 : i32
    %lt3A_76 = arith.constant 99 : i32
    %lt3A_77 = arith.cmpi slt, %add3A_75, %lt3A_76 : i32
    %convert_element_type3A_78 = arith.extui %lt3A_77 : i1 to i32
    %cond3A_79 = arith.constant 0 : i32
    %cond3A_80 = arith.cmpi ne, %convert_element_type3A_78, %cond3A_79 : i32
    scf.if %cond3A_80 {
      %mul3A_198 = arith.constant 256 : i32
      %mul3A_199 = arith.muli %add3A_75, %mul3A_198 : i32
      %mul3A_200 = arith.constant 32 : i32
      %mul3A_201 = arith.muli %mul3A_199, %mul3A_200 : i32
      "tpu.region"() ({
        %run_scoped3A = tpu.sem_alloc : memref<!tpu.dma_semaphore, #tpu.memory_space<semaphore_mem>>
        %dma_start3A = tpu.memref_slice %arg23[%mul3A_201] : memref<811008xf32, #tpu.memory_space<vmem_shared>> -> memref<8192xf32, #tpu.memory_space<vmem_shared>>
        %dma_start3A_204 = tpu.memref_slice %arg23[%mul3A_201] : memref<811008xf32, #tpu.memory_space<vmem_shared>> -> memref<8192xf32, #tpu.memory_space<vmem_shared>>
        tpu.enqueue_dma source(%arg16 : memref<8192xf32, #tpu.memory_space<vmem>>) target(%dma_start3A_204 : memref<8192xf32, #tpu.memory_space<vmem_shared>>) target_semaphore(%run_scoped3A : memref<!tpu.dma_semaphore, #tpu.memory_space<semaphore_mem>>)
        %dma_wait3A = tpu.memref_slice %arg23[%mul3A_201] : memref<811008xf32, #tpu.memory_space<vmem_shared>> -> memref<8192xf32, #tpu.memory_space<vmem_shared>>
        %dma_wait3A_205 = tpu.memref_slice %arg23[%mul3A_201] : memref<811008xf32, #tpu.memory_space<vmem_shared>> -> memref<8192xf32, #tpu.memory_space<vmem_shared>>
        tpu.wait_dma2 semaphore(%run_scoped3A : memref<!tpu.dma_semaphore, #tpu.memory_space<semaphore_mem>>) src(%arg16 : memref<8192xf32, #tpu.memory_space<vmem>>) dst(%dma_wait3A_205 : memref<8192xf32, #tpu.memory_space<vmem_shared>>)
        tpu.yield
      }) : () -> ()
      %mul3A_202 = arith.constant 256 : i32
      %mul3A_203 = arith.muli %add3A_75, %mul3A_202 : i32
      "tpu.region"() ({
        %run_scoped3A = tpu.sem_alloc : memref<!tpu.dma_semaphore, #tpu.memory_space<semaphore_mem>>
        %dma_start3A = tpu.memref_slice %arg24[%mul3A_203] : memref<25344xf32, #tpu.memory_space<vmem_shared>> -> memref<256xf32, #tpu.memory_space<vmem_shared>>
        %dma_start3A_204 = tpu.memref_slice %arg24[%mul3A_203] : memref<25344xf32, #tpu.memory_space<vmem_shared>> -> memref<256xf32, #tpu.memory_space<vmem_shared>>
        tpu.enqueue_dma source(%arg18 : memref<256xf32, #tpu.memory_space<vmem>>) target(%dma_start3A_204 : memref<256xf32, #tpu.memory_space<vmem_shared>>) target_semaphore(%run_scoped3A : memref<!tpu.dma_semaphore, #tpu.memory_space<semaphore_mem>>)
        %dma_wait3A = tpu.memref_slice %arg24[%mul3A_203] : memref<25344xf32, #tpu.memory_space<vmem_shared>> -> memref<256xf32, #tpu.memory_space<vmem_shared>>
        %dma_wait3A_205 = tpu.memref_slice %arg24[%mul3A_203] : memref<25344xf32, #tpu.memory_space<vmem_shared>> -> memref<256xf32, #tpu.memory_space<vmem_shared>>
        tpu.wait_dma2 semaphore(%run_scoped3A : memref<!tpu.dma_semaphore, #tpu.memory_space<semaphore_mem>>) src(%arg18 : memref<256xf32, #tpu.memory_space<vmem>>) dst(%dma_wait3A_205 : memref<256xf32, #tpu.memory_space<vmem_shared>>)
        tpu.yield
      }) : () -> ()
    } else {
    }
    %add3A_81 = arith.constant 64 : i32
    %add3A_82 = arith.addi %arg1, %add3A_81 : i32
    %lt3A_83 = arith.constant 99 : i32
    %lt3A_84 = arith.cmpi slt, %add3A_82, %lt3A_83 : i32
    %convert_element_type3A_85 = arith.extui %lt3A_84 : i1 to i32
    %cond3A_86 = arith.constant 0 : i32
    %cond3A_87 = arith.cmpi ne, %convert_element_type3A_85, %cond3A_86 : i32
    scf.if %cond3A_87 {
      %mul3A_198 = arith.constant 256 : i32
      %mul3A_199 = arith.muli %add3A_82, %mul3A_198 : i32
      %mul3A_200 = arith.constant 32 : i32
      %mul3A_201 = arith.muli %mul3A_199, %mul3A_200 : i32
      "tpu.region"() ({
        %run_scoped3A = tpu.sem_alloc : memref<!tpu.dma_semaphore, #tpu.memory_space<semaphore_mem>>
        %dma_start3A = tpu.memref_slice %arg23[%mul3A_201] : memref<811008xf32, #tpu.memory_space<vmem_shared>> -> memref<8192xf32, #tpu.memory_space<vmem_shared>>
        %dma_start3A_204 = tpu.memref_slice %arg23[%mul3A_201] : memref<811008xf32, #tpu.memory_space<vmem_shared>> -> memref<8192xf32, #tpu.memory_space<vmem_shared>>
        tpu.enqueue_dma source(%arg16 : memref<8192xf32, #tpu.memory_space<vmem>>) target(%dma_start3A_204 : memref<8192xf32, #tpu.memory_space<vmem_shared>>) target_semaphore(%run_scoped3A : memref<!tpu.dma_semaphore, #tpu.memory_space<semaphore_mem>>)
        %dma_wait3A = tpu.memref_slice %arg23[%mul3A_201] : memref<811008xf32, #tpu.memory_space<vmem_shared>> -> memref<8192xf32, #tpu.memory_space<vmem_shared>>
        %dma_wait3A_205 = tpu.memref_slice %arg23[%mul3A_201] : memref<811008xf32, #tpu.memory_space<vmem_shared>> -> memref<8192xf32, #tpu.memory_space<vmem_shared>>
        tpu.wait_dma2 semaphore(%run_scoped3A : memref<!tpu.dma_semaphore, #tpu.memory_space<semaphore_mem>>) src(%arg16 : memref<8192xf32, #tpu.memory_space<vmem>>) dst(%dma_wait3A_205 : memref<8192xf32, #tpu.memory_space<vmem_shared>>)
        tpu.yield
      }) : () -> ()
      %mul3A_202 = arith.constant 256 : i32
      %mul3A_203 = arith.muli %add3A_82, %mul3A_202 : i32
      "tpu.region"() ({
        %run_scoped3A = tpu.sem_alloc : memref<!tpu.dma_semaphore, #tpu.memory_space<semaphore_mem>>
        %dma_start3A = tpu.memref_slice %arg24[%mul3A_203] : memref<25344xf32, #tpu.memory_space<vmem_shared>> -> memref<256xf32, #tpu.memory_space<vmem_shared>>
        %dma_start3A_204 = tpu.memref_slice %arg24[%mul3A_203] : memref<25344xf32, #tpu.memory_space<vmem_shared>> -> memref<256xf32, #tpu.memory_space<vmem_shared>>
        tpu.enqueue_dma source(%arg18 : memref<256xf32, #tpu.memory_space<vmem>>) target(%dma_start3A_204 : memref<256xf32, #tpu.memory_space<vmem_shared>>) target_semaphore(%run_scoped3A : memref<!tpu.dma_semaphore, #tpu.memory_space<semaphore_mem>>)
        %dma_wait3A = tpu.memref_slice %arg24[%mul3A_203] : memref<25344xf32, #tpu.memory_space<vmem_shared>> -> memref<256xf32, #tpu.memory_space<vmem_shared>>
        %dma_wait3A_205 = tpu.memref_slice %arg24[%mul3A_203] : memref<25344xf32, #tpu.memory_space<vmem_shared>> -> memref<256xf32, #tpu.memory_space<vmem_shared>>
        tpu.wait_dma2 semaphore(%run_scoped3A : memref<!tpu.dma_semaphore, #tpu.memory_space<semaphore_mem>>) src(%arg18 : memref<256xf32, #tpu.memory_space<vmem>>) dst(%dma_wait3A_205 : memref<256xf32, #tpu.memory_space<vmem_shared>>)
        tpu.yield
      }) : () -> ()
    } else {
    }
    %add3A_88 = arith.constant 80 : i32
    %add3A_89 = arith.addi %arg1, %add3A_88 : i32
    %lt3A_90 = arith.constant 99 : i32
    %lt3A_91 = arith.cmpi slt, %add3A_89, %lt3A_90 : i32
    %convert_element_type3A_92 = arith.extui %lt3A_91 : i1 to i32
    %cond3A_93 = arith.constant 0 : i32
    %cond3A_94 = arith.cmpi ne, %convert_element_type3A_92, %cond3A_93 : i32
    scf.if %cond3A_94 {
      %mul3A_198 = arith.constant 256 : i32
      %mul3A_199 = arith.muli %add3A_89, %mul3A_198 : i32
      %mul3A_200 = arith.constant 32 : i32
      %mul3A_201 = arith.muli %mul3A_199, %mul3A_200 : i32
      "tpu.region"() ({
        %run_scoped3A = tpu.sem_alloc : memref<!tpu.dma_semaphore, #tpu.memory_space<semaphore_mem>>
        %dma_start3A = tpu.memref_slice %arg23[%mul3A_201] : memref<811008xf32, #tpu.memory_space<vmem_shared>> -> memref<8192xf32, #tpu.memory_space<vmem_shared>>
        %dma_start3A_204 = tpu.memref_slice %arg23[%mul3A_201] : memref<811008xf32, #tpu.memory_space<vmem_shared>> -> memref<8192xf32, #tpu.memory_space<vmem_shared>>
        tpu.enqueue_dma source(%arg16 : memref<8192xf32, #tpu.memory_space<vmem>>) target(%dma_start3A_204 : memref<8192xf32, #tpu.memory_space<vmem_shared>>) target_semaphore(%run_scoped3A : memref<!tpu.dma_semaphore, #tpu.memory_space<semaphore_mem>>)
        %dma_wait3A = tpu.memref_slice %arg23[%mul3A_201] : memref<811008xf32, #tpu.memory_space<vmem_shared>> -> memref<8192xf32, #tpu.memory_space<vmem_shared>>
        %dma_wait3A_205 = tpu.memref_slice %arg23[%mul3A_201] : memref<811008xf32, #tpu.memory_space<vmem_shared>> -> memref<8192xf32, #tpu.memory_space<vmem_shared>>
        tpu.wait_dma2 semaphore(%run_scoped3A : memref<!tpu.dma_semaphore, #tpu.memory_space<semaphore_mem>>) src(%arg16 : memref<8192xf32, #tpu.memory_space<vmem>>) dst(%dma_wait3A_205 : memref<8192xf32, #tpu.memory_space<vmem_shared>>)
        tpu.yield
      }) : () -> ()
      %mul3A_202 = arith.constant 256 : i32
      %mul3A_203 = arith.muli %add3A_89, %mul3A_202 : i32
      "tpu.region"() ({
        %run_scoped3A = tpu.sem_alloc : memref<!tpu.dma_semaphore, #tpu.memory_space<semaphore_mem>>
        %dma_start3A = tpu.memref_slice %arg24[%mul3A_203] : memref<25344xf32, #tpu.memory_space<vmem_shared>> -> memref<256xf32, #tpu.memory_space<vmem_shared>>
        %dma_start3A_204 = tpu.memref_slice %arg24[%mul3A_203] : memref<25344xf32, #tpu.memory_space<vmem_shared>> -> memref<256xf32, #tpu.memory_space<vmem_shared>>
        tpu.enqueue_dma source(%arg18 : memref<256xf32, #tpu.memory_space<vmem>>) target(%dma_start3A_204 : memref<256xf32, #tpu.memory_space<vmem_shared>>) target_semaphore(%run_scoped3A : memref<!tpu.dma_semaphore, #tpu.memory_space<semaphore_mem>>)
        %dma_wait3A = tpu.memref_slice %arg24[%mul3A_203] : memref<25344xf32, #tpu.memory_space<vmem_shared>> -> memref<256xf32, #tpu.memory_space<vmem_shared>>
        %dma_wait3A_205 = tpu.memref_slice %arg24[%mul3A_203] : memref<25344xf32, #tpu.memory_space<vmem_shared>> -> memref<256xf32, #tpu.memory_space<vmem_shared>>
        tpu.wait_dma2 semaphore(%run_scoped3A : memref<!tpu.dma_semaphore, #tpu.memory_space<semaphore_mem>>) src(%arg18 : memref<256xf32, #tpu.memory_space<vmem>>) dst(%dma_wait3A_205 : memref<256xf32, #tpu.memory_space<vmem_shared>>)
        tpu.yield
      }) : () -> ()
    } else {
    }
    %add3A_95 = arith.constant 96 : i32
    %add3A_96 = arith.addi %arg1, %add3A_95 : i32
    %lt3A_97 = arith.constant 99 : i32
    %lt3A_98 = arith.cmpi slt, %add3A_96, %lt3A_97 : i32
    %convert_element_type3A_99 = arith.extui %lt3A_98 : i1 to i32
    %cond3A_100 = arith.constant 0 : i32
    %cond3A_101 = arith.cmpi ne, %convert_element_type3A_99, %cond3A_100 : i32
    scf.if %cond3A_101 {
      %mul3A_198 = arith.constant 256 : i32
      %mul3A_199 = arith.muli %add3A_96, %mul3A_198 : i32
      %mul3A_200 = arith.constant 32 : i32
      %mul3A_201 = arith.muli %mul3A_199, %mul3A_200 : i32
      "tpu.region"() ({
        %run_scoped3A = tpu.sem_alloc : memref<!tpu.dma_semaphore, #tpu.memory_space<semaphore_mem>>
        %dma_start3A = tpu.memref_slice %arg23[%mul3A_201] : memref<811008xf32, #tpu.memory_space<vmem_shared>> -> memref<8192xf32, #tpu.memory_space<vmem_shared>>
        %dma_start3A_204 = tpu.memref_slice %arg23[%mul3A_201] : memref<811008xf32, #tpu.memory_space<vmem_shared>> -> memref<8192xf32, #tpu.memory_space<vmem_shared>>
        tpu.enqueue_dma source(%arg16 : memref<8192xf32, #tpu.memory_space<vmem>>) target(%dma_start3A_204 : memref<8192xf32, #tpu.memory_space<vmem_shared>>) target_semaphore(%run_scoped3A : memref<!tpu.dma_semaphore, #tpu.memory_space<semaphore_mem>>)
        %dma_wait3A = tpu.memref_slice %arg23[%mul3A_201] : memref<811008xf32, #tpu.memory_space<vmem_shared>> -> memref<8192xf32, #tpu.memory_space<vmem_shared>>
        %dma_wait3A_205 = tpu.memref_slice %arg23[%mul3A_201] : memref<811008xf32, #tpu.memory_space<vmem_shared>> -> memref<8192xf32, #tpu.memory_space<vmem_shared>>
        tpu.wait_dma2 semaphore(%run_scoped3A : memref<!tpu.dma_semaphore, #tpu.memory_space<semaphore_mem>>) src(%arg16 : memref<8192xf32, #tpu.memory_space<vmem>>) dst(%dma_wait3A_205 : memref<8192xf32, #tpu.memory_space<vmem_shared>>)
        tpu.yield
      }) : () -> ()
      %mul3A_202 = arith.constant 256 : i32
      %mul3A_203 = arith.muli %add3A_96, %mul3A_202 : i32
      "tpu.region"() ({
        %run_scoped3A = tpu.sem_alloc : memref<!tpu.dma_semaphore, #tpu.memory_space<semaphore_mem>>
        %dma_start3A = tpu.memref_slice %arg24[%mul3A_203] : memref<25344xf32, #tpu.memory_space<vmem_shared>> -> memref<256xf32, #tpu.memory_space<vmem_shared>>
        %dma_start3A_204 = tpu.memref_slice %arg24[%mul3A_203] : memref<25344xf32, #tpu.memory_space<vmem_shared>> -> memref<256xf32, #tpu.memory_space<vmem_shared>>
        tpu.enqueue_dma source(%arg18 : memref<256xf32, #tpu.memory_space<vmem>>) target(%dma_start3A_204 : memref<256xf32, #tpu.memory_space<vmem_shared>>) target_semaphore(%run_scoped3A : memref<!tpu.dma_semaphore, #tpu.memory_space<semaphore_mem>>)
        %dma_wait3A = tpu.memref_slice %arg24[%mul3A_203] : memref<25344xf32, #tpu.memory_space<vmem_shared>> -> memref<256xf32, #tpu.memory_space<vmem_shared>>
        %dma_wait3A_205 = tpu.memref_slice %arg24[%mul3A_203] : memref<25344xf32, #tpu.memory_space<vmem_shared>> -> memref<256xf32, #tpu.memory_space<vmem_shared>>
        tpu.wait_dma2 semaphore(%run_scoped3A : memref<!tpu.dma_semaphore, #tpu.memory_space<semaphore_mem>>) src(%arg18 : memref<256xf32, #tpu.memory_space<vmem>>) dst(%dma_wait3A_205 : memref<256xf32, #tpu.memory_space<vmem_shared>>)
        tpu.yield
      }) : () -> ()
    } else {
    }
    %barrier3A = arith.constant 0 : index
    tpu.barrier barrier_id(%barrier3A)
    %get3A = arith.constant 0 : index
    %get3A_102 = tpu.vector_load %arg19[%get3A] {strides = array<i32>} : memref<128xf32, #tpu.memory_space<vmem>>, vector<16xf32>,
    %get3A_103 = vector.shape_cast %get3A_102 : vector<16xf32> to vector<16xf32>
    %mul3A_104 = arith.constant 25088 : i32
    %mul3A_105 = arith.muli %arg0, %mul3A_104 : i32
    %scan3A_106 = arith.constant 0 : i32
    %scan3A_107 = arith.constant 0 : i32
    %scan3A_108 = arith.constant 196 : i32
    %scan3A_109 = arith.addi %scan3A_107, %scan3A_108 : i32
    %scan3A_110 = arith.constant 1 : i32
    %scan3A_111 = scf.for %scan3A_198 = %scan3A_107 to %scan3A_109 step %scan3A_110 iter_args(%scan3A_199 = %scan3A_106) -> (i32)  : i32 {
      %mul3A_200 = arith.constant 50176 : i32
      %mul3A_201 = arith.muli %arg1, %mul3A_200 : i32
      %mul3A_202 = arith.constant 256 : i32
      %mul3A_203 = arith.muli %scan3A_198, %mul3A_202 : i32
      %add3A_204 = arith.addi %mul3A_201, %mul3A_203 : i32
      "tpu.region"() ({
        %run_scoped3A = tpu.sem_alloc : memref<!tpu.dma_semaphore, #tpu.memory_space<semaphore_mem>>
        %dma_start3A = tpu.memref_slice %arg5[%add3A_204] : memref<802816xi32, #tpu.memory_space<hbm>> -> memref<256xi32, #tpu.memory_space<hbm>>
        %dma_start3A_220 = tpu.memref_slice %arg5[%add3A_204] : memref<802816xi32, #tpu.memory_space<hbm>> -> memref<256xi32, #tpu.memory_space<hbm>>
        tpu.enqueue_dma source(%dma_start3A_220 : memref<256xi32, #tpu.memory_space<hbm>>) target(%arg10 : memref<256xi32, #tpu.memory_space<vmem>>) target_semaphore(%run_scoped3A : memref<!tpu.dma_semaphore, #tpu.memory_space<semaphore_mem>>)
        %dma_wait3A = tpu.memref_slice %arg5[%add3A_204] : memref<802816xi32, #tpu.memory_space<hbm>> -> memref<256xi32, #tpu.memory_space<hbm>>
        %dma_wait3A_221 = tpu.memref_slice %arg5[%add3A_204] : memref<802816xi32, #tpu.memory_space<hbm>> -> memref<256xi32, #tpu.memory_space<hbm>>
        tpu.wait_dma2 semaphore(%run_scoped3A : memref<!tpu.dma_semaphore, #tpu.memory_space<semaphore_mem>>) src(%dma_wait3A_221 : memref<256xi32, #tpu.memory_space<hbm>>) dst(%arg10 : memref<256xi32, #tpu.memory_space<vmem>>)
        tpu.yield
      }) : () -> ()
      "tpu.region"() ({
        %run_scoped3A = tpu.sem_alloc : memref<!tpu.dma_semaphore, #tpu.memory_space<semaphore_mem>>
        %dma_start3A = tpu.memref_slice %arg6[%add3A_204] : memref<802816xi32, #tpu.memory_space<hbm>> -> memref<256xi32, #tpu.memory_space<hbm>>
        %dma_start3A_220 = tpu.memref_slice %arg6[%add3A_204] : memref<802816xi32, #tpu.memory_space<hbm>> -> memref<256xi32, #tpu.memory_space<hbm>>
        tpu.enqueue_dma source(%dma_start3A_220 : memref<256xi32, #tpu.memory_space<hbm>>) target(%arg11 : memref<256xi32, #tpu.memory_space<vmem>>) target_semaphore(%run_scoped3A : memref<!tpu.dma_semaphore, #tpu.memory_space<semaphore_mem>>)
        %dma_wait3A = tpu.memref_slice %arg6[%add3A_204] : memref<802816xi32, #tpu.memory_space<hbm>> -> memref<256xi32, #tpu.memory_space<hbm>>
        %dma_wait3A_221 = tpu.memref_slice %arg6[%add3A_204] : memref<802816xi32, #tpu.memory_space<hbm>> -> memref<256xi32, #tpu.memory_space<hbm>>
        tpu.wait_dma2 semaphore(%run_scoped3A : memref<!tpu.dma_semaphore, #tpu.memory_space<semaphore_mem>>) src(%dma_wait3A_221 : memref<256xi32, #tpu.memory_space<hbm>>) dst(%arg11 : memref<256xi32, #tpu.memory_space<vmem>>)
        tpu.yield
      }) : () -> ()
      "tpu.region"() ({
        %run_scoped3A = tpu.sem_alloc : memref<!tpu.dma_semaphore, #tpu.memory_space<semaphore_mem>>
        %dma_start3A = arith.constant 0 : i32
        %dma_start3A_220 = tpu.memref_slice %arg21[%dma_start3A] : memref<50176xf32, #tpu.memory_space<vmem_shared>> -> memref<50176xf32, #tpu.memory_space<vmem_shared>>
        tpu.enqueue_indirect_dma source(%dma_start3A_220 : memref<50176xf32, #tpu.memory_space<vmem_shared>>) target(%arg13 : memref<256xf32, #tpu.memory_space<vmem>>) offsets(%arg10 : memref<256xi32, #tpu.memory_space<vmem>>) semaphore(%run_scoped3A : memref<!tpu.dma_semaphore, #tpu.memory_space<semaphore_mem>>)
        %dma_wait3A = arith.constant 0 : i32
        %dma_wait3A_221 = tpu.memref_slice %arg21[%dma_wait3A] : memref<50176xf32, #tpu.memory_space<vmem_shared>> -> memref<50176xf32, #tpu.memory_space<vmem_shared>>
        tpu.wait_indirect_dma semaphore(%run_scoped3A : memref<!tpu.dma_semaphore, #tpu.memory_space<semaphore_mem>>) src(%dma_wait3A_221 : memref<50176xf32, #tpu.memory_space<vmem_shared>>) dst(%arg13 : memref<256xf32, #tpu.memory_space<vmem>>)
        tpu.yield
      }) : () -> ()
      "tpu.region"() ({
        %run_scoped3A = tpu.sem_alloc : memref<!tpu.dma_semaphore, #tpu.memory_space<semaphore_mem>>
        %dma_start3A = arith.constant 0 : i32
        %dma_start3A_220 = tpu.memref_slice %arg22[%dma_start3A] : memref<50176xf32, #tpu.memory_space<vmem_shared>> -> memref<50176xf32, #tpu.memory_space<vmem_shared>>
        tpu.enqueue_indirect_dma source(%dma_start3A_220 : memref<50176xf32, #tpu.memory_space<vmem_shared>>) target(%arg14 : memref<256xf32, #tpu.memory_space<vmem>>) offsets(%arg11 : memref<256xi32, #tpu.memory_space<vmem>>) semaphore(%run_scoped3A : memref<!tpu.dma_semaphore, #tpu.memory_space<semaphore_mem>>)
        %dma_wait3A = arith.constant 0 : i32
        %dma_wait3A_221 = tpu.memref_slice %arg22[%dma_wait3A] : memref<50176xf32, #tpu.memory_space<vmem_shared>> -> memref<50176xf32, #tpu.memory_space<vmem_shared>>
        tpu.wait_indirect_dma semaphore(%run_scoped3A : memref<!tpu.dma_semaphore, #tpu.memory_space<semaphore_mem>>) src(%dma_wait3A_221 : memref<50176xf32, #tpu.memory_space<vmem_shared>>) dst(%arg14 : memref<256xf32, #tpu.memory_space<vmem>>)
        tpu.yield
      }) : () -> ()
      "tpu.region"() ({
        %run_scoped3A = tpu.sem_alloc : memref<!tpu.dma_semaphore, #tpu.memory_space<semaphore_mem>>
        %dma_start3A = arith.constant 0 : i32
        %dma_start3A_220 = arith.constant 0 : i32
        %dma_start3A_221 = tpu.memref_slice %arg2[%dma_start3A, %dma_start3A_220] : memref<50000x128xf32, #tpu.memory_space<hbm>> -> memref<50000x128xf32, #tpu.memory_space<hbm>>
        tpu.enqueue_indirect_dma source(%dma_start3A_221 : memref<50000x128xf32, #tpu.memory_space<hbm>>) target(%arg15 : memref<256x128xf32, #tpu.memory_space<vmem>>) offsets(%arg10 : memref<256xi32, #tpu.memory_space<vmem>>) semaphore(%run_scoped3A : memref<!tpu.dma_semaphore, #tpu.memory_space<semaphore_mem>>)
        %dma_wait3A = arith.constant 0 : i32
        %dma_wait3A_222 = arith.constant 0 : i32
        %dma_wait3A_223 = tpu.memref_slice %arg2[%dma_wait3A, %dma_wait3A_222] : memref<50000x128xf32, #tpu.memory_space<hbm>> -> memref<50000x128xf32, #tpu.memory_space<hbm>>
        tpu.wait_indirect_dma semaphore(%run_scoped3A : memref<!tpu.dma_semaphore, #tpu.memory_space<semaphore_mem>>) src(%dma_wait3A_223 : memref<50000x128xf32, #tpu.memory_space<hbm>>) dst(%arg15 : memref<256x128xf32, #tpu.memory_space<vmem>>)
        tpu.yield
      }) : () -> ()
      %scan3A_205 = arith.constant 0 : i32
      %scan3A_206 = arith.constant 0 : i32
      %scan3A_207 = arith.constant 16 : i32
      %scan3A_208 = arith.addi %scan3A_206, %scan3A_207 : i32
      %scan3A_209 = arith.constant 1 : i32
      %scan3A_210 = scf.for %scan3A_220 = %scan3A_206 to %scan3A_208 step %scan3A_209 iter_args(%scan3A_221 = %scan3A_205) -> (i32)  : i32 {
        %mul3A_222 = arith.constant 16 : i32
        %mul3A_223 = arith.muli %scan3A_220, %mul3A_222 : i32
        %get3A_224 = arith.index_cast %mul3A_223 : i32 to index
        %get3A_225 = tpu.vector_load %arg11[%get3A_224] {strides = array<i32>} : memref<256xi32, #tpu.memory_space<vmem>>, vector<16xi32>,
        %get3A_226 = vector.shape_cast %get3A_225 : vector<16xi32> to vector<16xi32>
        %sub3A = vector.broadcast %mul3A_105 : i32 to vector<16xi32>
        %sub3A_227 = arith.subi %get3A_226, %sub3A : vector<16xi32>
        %ge3A = arith.constant 0 : i32
        %ge3A_228 = vector.broadcast %ge3A : i32 to vector<16xi32>
        %ge3A_229 = arith.cmpi sge, %sub3A_227, %ge3A_228 : vector<16xi32>
        %lt3A_230 = arith.constant 25088 : i32
        %lt3A_231 = vector.broadcast %lt3A_230 : i32 to vector<16xi32>
        %lt3A_232 = arith.cmpi slt, %sub3A_227, %lt3A_231 : vector<16xi32>
        %and3A = arith.andi %ge3A_229, %lt3A_232 : vector<16xi1>
        %jit3A = arith.constant 25088 : i32
        %broadcast_in_dim3A = vector.broadcast %jit3A : i32 to vector<16xi32>
        %select_n3A = arith.select %and3A, %sub3A_227, %broadcast_in_dim3A : vector<16xi1>, vector<16xi32>
        %mul3A_233 = arith.constant 16 : i32
        %mul3A_234 = arith.muli %scan3A_220, %mul3A_233 : i32
        %swap3A = arith.index_cast %mul3A_234 : i32 to index
        %swap3A_235 = tpu.vector_load %arg12[%swap3A] {strides = array<i32>} : memref<256xi32, #tpu.memory_space<vmem>>, vector<16xi32>,
        %swap3A_236 = vector.shape_cast %swap3A_235 : vector<16xi32> to vector<16xi32>
        %swap3A_237 = vector.shape_cast %select_n3A : vector<16xi32> to vector<16xi32>
        tpu.vector_store %arg12[%swap3A], %swap3A_237 {strides = array<i32>} : memref<256xi32, #tpu.memory_space<vmem>>, vector<16xi32>,
        %mul3A_238 = arith.constant 16 : i32
        %mul3A_239 = arith.muli %scan3A_220, %mul3A_238 : i32
        %get3A_240 = arith.index_cast %mul3A_239 : i32 to index
        %get3A_241 = tpu.vector_load %arg13[%get3A_240] {strides = array<i32>} : memref<256xf32, #tpu.memory_space<vmem>>, vector<16xf32>,
        %get3A_242 = vector.shape_cast %get3A_241 : vector<16xf32> to vector<16xf32>
        %mul3A_243 = arith.constant 16 : i32
        %mul3A_244 = arith.muli %scan3A_220, %mul3A_243 : i32
        %get3A_245 = arith.index_cast %mul3A_244 : i32 to index
        %get3A_246 = tpu.vector_load %arg14[%get3A_245] {strides = array<i32>} : memref<256xf32, #tpu.memory_space<vmem>>, vector<16xf32>,
        %get3A_247 = vector.shape_cast %get3A_246 : vector<16xf32> to vector<16xf32>
        %add3A_248 = arith.addf %get3A_242, %get3A_247 : vector<16xf32>
        %gt3A = arith.constant 0.000000e+00 : f32
        %gt3A_249 = vector.broadcast %gt3A : f32 to vector<16xf32>
        %gt3A_250 = arith.cmpf ogt, %add3A_248, %gt3A_249 : vector<16xf32>
        %mul3A_251 = arith.constant 2.000000e-01 : f32
        %mul3A_252 = vector.broadcast %mul3A_251 : f32 to vector<16xf32>
        %mul3A_253 = arith.mulf %add3A_248, %mul3A_252 : vector<16xf32>
        %select_n3A_254 = arith.select %gt3A_250, %add3A_248, %mul3A_253 : vector<16xi1>, vector<16xf32>
        %sub3A_255 = arith.subf %select_n3A_254, %get3A_103 : vector<16xf32>
        %exp3A = math.exp %sub3A_255 : vector<16xf32>
        %mul3A_256 = arith.constant 16 : i32
        %mul3A_257 = arith.muli %scan3A_220, %mul3A_256 : i32
        %swap3A_258 = arith.index_cast %mul3A_257 : i32 to index
        %swap3A_259 = tpu.vector_load %arg18[%swap3A_258] {strides = array<i32>} : memref<256xf32, #tpu.memory_space<vmem>>, vector<16xf32>,
        %swap3A_260 = vector.shape_cast %swap3A_259 : vector<16xf32> to vector<16xf32>
        %swap3A_261 = vector.shape_cast %exp3A : vector<16xf32> to vector<16xf32>
        tpu.vector_store %arg18[%swap3A_258], %swap3A_261 {strides = array<i32>} : memref<256xf32, #tpu.memory_space<vmem>>, vector<16xf32>,
        %scan3A_262 = arith.constant 0 : i32
        scf.yield %scan3A_262 : i32
      }
      %scan3A_211 = arith.constant 16 : i32
      %scan3A_212 = arith.constant 0 : i32
      %scan3A_213 = arith.constant 0 : i32
      %scan3A_214 = arith.constant 16 : i32
      %scan3A_215 = arith.addi %scan3A_213, %scan3A_214 : i32
      %scan3A_216 = arith.constant 1 : i32
      %scan3A_217 = scf.for %scan3A_220 = %scan3A_213 to %scan3A_215 step %scan3A_216 iter_args(%scan3A_221 = %scan3A_212) -> (i32)  : i32 {
        %mul3A_222 = arith.constant 16 : i32
        %mul3A_223 = arith.muli %scan3A_220, %mul3A_222 : i32
        %get3A_224 = arith.index_cast %mul3A_223 : i32 to index
        %get3A_225 = tpu.vector_load %arg18[%get3A_224] {strides = array<i32>} : memref<256xf32, #tpu.memory_space<vmem>>, vector<16xf32>,
        %get3A_226 = vector.shape_cast %get3A_225 : vector<16xf32> to vector<16xf32>
        %mul3A_227 = arith.constant 16 : i32
        %mul3A_228 = arith.muli %scan3A_220, %mul3A_227 : i32
        %get3A_229 = arith.index_cast %mul3A_228 : i32 to index
        %get3A_230 = tpu.vector_load %arg12[%get3A_229] {strides = array<i32>} : memref<256xi32, #tpu.memory_space<vmem>>, vector<16xi32>,
        %get3A_231 = vector.shape_cast %get3A_230 : vector<16xi32> to vector<16xi32>
        %slice3A = vector.extract_strided_slice %get3A_226 {offsets = [0], sizes = [1], strides = [1]} : vector<16xf32> to vector<1xf32>
        %squeeze3A = vector.extract %slice3A[0] : f32 from vector<1xf32>
        %broadcast_in_dim3A = vector.broadcast %squeeze3A : f32 to vector<16xf32>
        %slice3A_232 = vector.extract_strided_slice %get3A_231 {offsets = [0], sizes = [1], strides = [1]} : vector<16xi32> to vector<1xi32>
        %squeeze3A_233 = vector.extract %slice3A_232[0] : i32 from vector<1xi32>
        %broadcast_in_dim3A_234 = vector.broadcast %squeeze3A_233 : i32 to vector<16xi32>
        %mul3A_235 = arith.constant 32 : i32
        %mul3A_236 = vector.broadcast %mul3A_235 : i32 to vector<16xi32>
        %mul3A_237 = arith.muli %broadcast_in_dim3A_234, %mul3A_236 : vector<16xi32>
        %add3A_238 = arith.addi %mul3A_237, %iota3A : vector<16xi32>
        %mul3A_239 = arith.constant 16 : i32
        %mul3A_240 = arith.muli %scan3A_220, %mul3A_239 : i32
        %add3A_241 = arith.constant 0 : i32
        %add3A_242 = arith.addi %mul3A_240, %add3A_241 : i32
        %get3A_243 = arith.index_cast %add3A_242 : i32 to index
        %get3A_244 = arith.constant 0 : index
        %get3A_245 = tpu.vector_load %arg15[%get3A_243, %get3A_244] {strides = array<i32>} : memref<256x128xf32, #tpu.memory_space<vmem>>, vector<1x16xf32>,
        %get3A_246 = vector.shape_cast %get3A_245 : vector<1x16xf32> to vector<16xf32>
        %mul3A_247 = arith.mulf %get3A_246, %broadcast_in_dim3A : vector<16xf32>
        %mul3A_248 = arith.constant 32 : i32
        %mul3A_249 = arith.muli %add3A_242, %mul3A_248 : i32
        %swap3A = arith.index_cast %mul3A_249 : i32 to index
        %swap3A_250 = tpu.vector_load %arg16[%swap3A] {strides = array<i32>} : memref<8192xf32, #tpu.memory_space<vmem>>, vector<16xf32>,
        %swap3A_251 = vector.shape_cast %swap3A_250 : vector<16xf32> to vector<16xf32>
        %swap3A_252 = vector.shape_cast %mul3A_247 : vector<16xf32> to vector<16xf32>
        tpu.vector_store %arg16[%swap3A], %swap3A_252 {strides = array<i32>} : memref<8192xf32, #tpu.memory_space<vmem>>, vector<16xf32>,
        %get3A_253 = arith.index_cast %add3A_242 : i32 to index
        %get3A_254 = arith.constant 16 : index
        %get3A_255 = tpu.vector_load %arg15[%get3A_253, %get3A_254] {strides = array<i32>} : memref<256x128xf32, #tpu.memory_space<vmem>>, vector<1x16xf32>,
        %get3A_256 = vector.shape_cast %get3A_255 : vector<1x16xf32> to vector<16xf32>
        %mul3A_257 = arith.mulf %get3A_256, %broadcast_in_dim3A : vector<16xf32>
        %mul3A_258 = arith.constant 32 : i32
        %mul3A_259 = arith.muli %add3A_242, %mul3A_258 : i32
        %add3A_260 = arith.constant 16 : i32
        %add3A_261 = arith.addi %mul3A_259, %add3A_260 : i32
        %swap3A_262 = arith.index_cast %add3A_261 : i32 to index
        %swap3A_263 = tpu.vector_load %arg16[%swap3A_262] {strides = array<i32>} : memref<8192xf32, #tpu.memory_space<vmem>>, vector<16xf32>,
        %swap3A_264 = vector.shape_cast %swap3A_263 : vector<16xf32> to vector<16xf32>
        %swap3A_265 = vector.shape_cast %mul3A_257 : vector<16xf32> to vector<16xf32>
        tpu.vector_store %arg16[%swap3A_262], %swap3A_265 {strides = array<i32>} : memref<8192xf32, #tpu.memory_space<vmem>>, vector<16xf32>,
        %mul3A_266 = arith.constant 32 : i32
        %mul3A_267 = arith.muli %add3A_242, %mul3A_266 : i32
        %swap3A_268 = arith.index_cast %mul3A_267 : i32 to index
        %swap3A_269 = tpu.vector_load %arg17[%swap3A_268] {strides = array<i32>} : memref<8192xi32, #tpu.memory_space<vmem>>, vector<16xi32>,
        %swap3A_270 = vector.shape_cast %swap3A_269 : vector<16xi32> to vector<16xi32>
        %swap3A_271 = vector.shape_cast %add3A_238 : vector<16xi32> to vector<16xi32>
        tpu.vector_store %arg17[%swap3A_268], %swap3A_271 {strides = array<i32>} : memref<8192xi32, #tpu.memory_space<vmem>>, vector<16xi32>,
        %add3A_272 = arith.constant 16 : i32
        %add3A_273 = vector.broadcast %add3A_272 : i32 to vector<16xi32>
        %add3A_274 = arith.addi %add3A_238, %add3A_273 : vector<16xi32>
        %mul3A_275 = arith.constant 32 : i32
        %mul3A_276 = arith.muli %add3A_242, %mul3A_275 : i32
        %add3A_277 = arith.constant 16 : i32
        %add3A_278 = arith.addi %mul3A_276, %add3A_277 : i32
        %swap3A_279 = arith.index_cast %add3A_278 : i32 to index
        %swap3A_280 = tpu.vector_load %arg17[%swap3A_279] {strides = array<i32>} : memref<8192xi32, #tpu.memory_space<vmem>>, vector<16xi32>,
        %swap3A_281 = vector.shape_cast %swap3A_280 : vector<16xi32> to vector<16xi32>
        %swap3A_282 = vector.shape_cast %add3A_274 : vector<16xi32> to vector<16xi32>
        tpu.vector_store %arg17[%swap3A_279], %swap3A_282 {strides = array<i32>} : memref<8192xi32, #tpu.memory_space<vmem>>, vector<16xi32>,
        %slice3A_283 = vector.extract_strided_slice %get3A_226 {offsets = [1], sizes = [1], strides = [1]} : vector<16xf32> to vector<1xf32>
        %squeeze3A_284 = vector.extract %slice3A_283[0] : f32 from vector<1xf32>
        %broadcast_in_dim3A_285 = vector.broadcast %squeeze3A_284 : f32 to vector<16xf32>
        %slice3A_286 = vector.extract_strided_slice %get3A_231 {offsets = [1], sizes = [1], strides = [1]} : vector<16xi32> to vector<1xi32>
        %squeeze3A_287 = vector.extract %slice3A_286[0] : i32 from vector<1xi32>
        %broadcast_in_dim3A_288 = vector.broadcast %squeeze3A_287 : i32 to vector<16xi32>
        %mul3A_289 = arith.constant 32 : i32
        %mul3A_290 = vector.broadcast %mul3A_289 : i32 to vector<16xi32>
        %mul3A_291 = arith.muli %broadcast_in_dim3A_288, %mul3A_290 : vector<16xi32>
        %add3A_292 = arith.addi %mul3A_291, %iota3A : vector<16xi32>
        %mul3A_293 = arith.constant 16 : i32
        %mul3A_294 = arith.muli %scan3A_220, %mul3A_293 : i32
        %add3A_295 = arith.constant 1 : i32
        %add3A_296 = arith.addi %mul3A_294, %add3A_295 : i32
        %get3A_297 = arith.index_cast %add3A_296 : i32 to index
        %get3A_298 = arith.constant 0 : index
        %get3A_299 = tpu.vector_load %arg15[%get3A_297, %get3A_298] {strides = array<i32>} : memref<256x128xf32, #tpu.memory_space<vmem>>, vector<1x16xf32>,
        %get3A_300 = vector.shape_cast %get3A_299 : vector<1x16xf32> to vector<16xf32>
        %mul3A_301 = arith.mulf %get3A_300, %broadcast_in_dim3A_285 : vector<16xf32>
        %mul3A_302 = arith.constant 32 : i32
        %mul3A_303 = arith.muli %add3A_296, %mul3A_302 : i32
        %swap3A_304 = arith.index_cast %mul3A_303 : i32 to index
        %swap3A_305 = tpu.vector_load %arg16[%swap3A_304] {strides = array<i32>} : memref<8192xf32, #tpu.memory_space<vmem>>, vector<16xf32>,
        %swap3A_306 = vector.shape_cast %swap3A_305 : vector<16xf32> to vector<16xf32>
        %swap3A_307 = vector.shape_cast %mul3A_301 : vector<16xf32> to vector<16xf32>
        tpu.vector_store %arg16[%swap3A_304], %swap3A_307 {strides = array<i32>} : memref<8192xf32, #tpu.memory_space<vmem>>, vector<16xf32>,
        %get3A_308 = arith.index_cast %add3A_296 : i32 to index
        %get3A_309 = arith.constant 16 : index
        %get3A_310 = tpu.vector_load %arg15[%get3A_308, %get3A_309] {strides = array<i32>} : memref<256x128xf32, #tpu.memory_space<vmem>>, vector<1x16xf32>,
        %get3A_311 = vector.shape_cast %get3A_310 : vector<1x16xf32> to vector<16xf32>
        %mul3A_312 = arith.mulf %get3A_311, %broadcast_in_dim3A_285 : vector<16xf32>
        %mul3A_313 = arith.constant 32 : i32
        %mul3A_314 = arith.muli %add3A_296, %mul3A_313 : i32
        %add3A_315 = arith.constant 16 : i32
        %add3A_316 = arith.addi %mul3A_314, %add3A_315 : i32
        %swap3A_317 = arith.index_cast %add3A_316 : i32 to index
        %swap3A_318 = tpu.vector_load %arg16[%swap3A_317] {strides = array<i32>} : memref<8192xf32, #tpu.memory_space<vmem>>, vector<16xf32>,
        %swap3A_319 = vector.shape_cast %swap3A_318 : vector<16xf32> to vector<16xf32>
        %swap3A_320 = vector.shape_cast %mul3A_312 : vector<16xf32> to vector<16xf32>
        tpu.vector_store %arg16[%swap3A_317], %swap3A_320 {strides = array<i32>} : memref<8192xf32, #tpu.memory_space<vmem>>, vector<16xf32>,
        %mul3A_321 = arith.constant 32 : i32
        %mul3A_322 = arith.muli %add3A_296, %mul3A_321 : i32
        %swap3A_323 = arith.index_cast %mul3A_322 : i32 to index
        %swap3A_324 = tpu.vector_load %arg17[%swap3A_323] {strides = array<i32>} : memref<8192xi32, #tpu.memory_space<vmem>>, vector<16xi32>,
        %swap3A_325 = vector.shape_cast %swap3A_324 : vector<16xi32> to vector<16xi32>
        %swap3A_326 = vector.shape_cast %add3A_292 : vector<16xi32> to vector<16xi32>
        tpu.vector_store %arg17[%swap3A_323], %swap3A_326 {strides = array<i32>} : memref<8192xi32, #tpu.memory_space<vmem>>, vector<16xi32>,
        %add3A_327 = arith.constant 16 : i32
        %add3A_328 = vector.broadcast %add3A_327 : i32 to vector<16xi32>
        %add3A_329 = arith.addi %add3A_292, %add3A_328 : vector<16xi32>
        %mul3A_330 = arith.constant 32 : i32
        %mul3A_331 = arith.muli %add3A_296, %mul3A_330 : i32
        %add3A_332 = arith.constant 16 : i32
        %add3A_333 = arith.addi %mul3A_331, %add3A_332 : i32
        %swap3A_334 = arith.index_cast %add3A_333 : i32 to index
        %swap3A_335 = tpu.vector_load %arg17[%swap3A_334] {strides = array<i32>} : memref<8192xi32, #tpu.memory_space<vmem>>, vector<16xi32>,
        %swap3A_336 = vector.shape_cast %swap3A_335 : vector<16xi32> to vector<16xi32>
        %swap3A_337 = vector.shape_cast %add3A_329 : vector<16xi32> to vector<16xi32>
        tpu.vector_store %arg17[%swap3A_334], %swap3A_337 {strides = array<i32>} : memref<8192xi32, #tpu.memory_space<vmem>>, vector<16xi32>,
        %slice3A_338 = vector.extract_strided_slice %get3A_226 {offsets = [2], sizes = [1], strides = [1]} : vector<16xf32> to vector<1xf32>
        %squeeze3A_339 = vector.extract %slice3A_338[0] : f32 from vector<1xf32>
        %broadcast_in_dim3A_340 = vector.broadcast %squeeze3A_339 : f32 to vector<16xf32>
        %slice3A_341 = vector.extract_strided_slice %get3A_231 {offsets = [2], sizes = [1], strides = [1]} : vector<16xi32> to vector<1xi32>
        %squeeze3A_342 = vector.extract %slice3A_341[0] : i32 from vector<1xi32>
        %broadcast_in_dim3A_343 = vector.broadcast %squeeze3A_342 : i32 to vector<16xi32>
        %mul3A_344 = arith.constant 32 : i32
        %mul3A_345 = vector.broadcast %mul3A_344 : i32 to vector<16xi32>
        %mul3A_346 = arith.muli %broadcast_in_dim3A_343, %mul3A_345 : vector<16xi32>
        %add3A_347 = arith.addi %mul3A_346, %iota3A : vector<16xi32>
        %mul3A_348 = arith.constant 16 : i32
        %mul3A_349 = arith.muli %scan3A_220, %mul3A_348 : i32
        %add3A_350 = arith.constant 2 : i32
        %add3A_351 = arith.addi %mul3A_349, %add3A_350 : i32
        %get3A_352 = arith.index_cast %add3A_351 : i32 to index
        %get3A_353 = arith.constant 0 : index
        %get3A_354 = tpu.vector_load %arg15[%get3A_352, %get3A_353] {strides = array<i32>} : memref<256x128xf32, #tpu.memory_space<vmem>>, vector<1x16xf32>,
        %get3A_355 = vector.shape_cast %get3A_354 : vector<1x16xf32> to vector<16xf32>
        %mul3A_356 = arith.mulf %get3A_355, %broadcast_in_dim3A_340 : vector<16xf32>
        %mul3A_357 = arith.constant 32 : i32
        %mul3A_358 = arith.muli %add3A_351, %mul3A_357 : i32
        %swap3A_359 = arith.index_cast %mul3A_358 : i32 to index
        %swap3A_360 = tpu.vector_load %arg16[%swap3A_359] {strides = array<i32>} : memref<8192xf32, #tpu.memory_space<vmem>>, vector<16xf32>,
        %swap3A_361 = vector.shape_cast %swap3A_360 : vector<16xf32> to vector<16xf32>
        %swap3A_362 = vector.shape_cast %mul3A_356 : vector<16xf32> to vector<16xf32>
        tpu.vector_store %arg16[%swap3A_359], %swap3A_362 {strides = array<i32>} : memref<8192xf32, #tpu.memory_space<vmem>>, vector<16xf32>,
        %get3A_363 = arith.index_cast %add3A_351 : i32 to index
        %get3A_364 = arith.constant 16 : index
        %get3A_365 = tpu.vector_load %arg15[%get3A_363, %get3A_364] {strides = array<i32>} : memref<256x128xf32, #tpu.memory_space<vmem>>, vector<1x16xf32>,
        %get3A_366 = vector.shape_cast %get3A_365 : vector<1x16xf32> to vector<16xf32>
        %mul3A_367 = arith.mulf %get3A_366, %broadcast_in_dim3A_340 : vector<16xf32>
        %mul3A_368 = arith.constant 32 : i32
        %mul3A_369 = arith.muli %add3A_351, %mul3A_368 : i32
        %add3A_370 = arith.constant 16 : i32
        %add3A_371 = arith.addi %mul3A_369, %add3A_370 : i32
        %swap3A_372 = arith.index_cast %add3A_371 : i32 to index
        %swap3A_373 = tpu.vector_load %arg16[%swap3A_372] {strides = array<i32>} : memref<8192xf32, #tpu.memory_space<vmem>>, vector<16xf32>,
        %swap3A_374 = vector.shape_cast %swap3A_373 : vector<16xf32> to vector<16xf32>
        %swap3A_375 = vector.shape_cast %mul3A_367 : vector<16xf32> to vector<16xf32>
        tpu.vector_store %arg16[%swap3A_372], %swap3A_375 {strides = array<i32>} : memref<8192xf32, #tpu.memory_space<vmem>>, vector<16xf32>,
        %mul3A_376 = arith.constant 32 : i32
        %mul3A_377 = arith.muli %add3A_351, %mul3A_376 : i32
        %swap3A_378 = arith.index_cast %mul3A_377 : i32 to index
        %swap3A_379 = tpu.vector_load %arg17[%swap3A_378] {strides = array<i32>} : memref<8192xi32, #tpu.memory_space<vmem>>, vector<16xi32>,
        %swap3A_380 = vector.shape_cast %swap3A_379 : vector<16xi32> to vector<16xi32>
        %swap3A_381 = vector.shape_cast %add3A_347 : vector<16xi32> to vector<16xi32>
        tpu.vector_store %arg17[%swap3A_378], %swap3A_381 {strides = array<i32>} : memref<8192xi32, #tpu.memory_space<vmem>>, vector<16xi32>,
        %add3A_382 = arith.constant 16 : i32
        %add3A_383 = vector.broadcast %add3A_382 : i32 to vector<16xi32>
        %add3A_384 = arith.addi %add3A_347, %add3A_383 : vector<16xi32>
        %mul3A_385 = arith.constant 32 : i32
        %mul3A_386 = arith.muli %add3A_351, %mul3A_385 : i32
        %add3A_387 = arith.constant 16 : i32
        %add3A_388 = arith.addi %mul3A_386, %add3A_387 : i32
        %swap3A_389 = arith.index_cast %add3A_388 : i32 to index
        %swap3A_390 = tpu.vector_load %arg17[%swap3A_389] {strides = array<i32>} : memref<8192xi32, #tpu.memory_space<vmem>>, vector<16xi32>,
        %swap3A_391 = vector.shape_cast %swap3A_390 : vector<16xi32> to vector<16xi32>
        %swap3A_392 = vector.shape_cast %add3A_384 : vector<16xi32> to vector<16xi32>
        tpu.vector_store %arg17[%swap3A_389], %swap3A_392 {strides = array<i32>} : memref<8192xi32, #tpu.memory_space<vmem>>, vector<16xi32>,
        %slice3A_393 = vector.extract_strided_slice %get3A_226 {offsets = [3], sizes = [1], strides = [1]} : vector<16xf32> to vector<1xf32>
        %squeeze3A_394 = vector.extract %slice3A_393[0] : f32 from vector<1xf32>
        %broadcast_in_dim3A_395 = vector.broadcast %squeeze3A_394 : f32 to vector<16xf32>
        %slice3A_396 = vector.extract_strided_slice %get3A_231 {offsets = [3], sizes = [1], strides = [1]} : vector<16xi32> to vector<1xi32>
        %squeeze3A_397 = vector.extract %slice3A_396[0] : i32 from vector<1xi32>
        %broadcast_in_dim3A_398 = vector.broadcast %squeeze3A_397 : i32 to vector<16xi32>
        %mul3A_399 = arith.constant 32 : i32
        %mul3A_400 = vector.broadcast %mul3A_399 : i32 to vector<16xi32>
        %mul3A_401 = arith.muli %broadcast_in_dim3A_398, %mul3A_400 : vector<16xi32>
        %add3A_402 = arith.addi %mul3A_401, %iota3A : vector<16xi32>
        %mul3A_403 = arith.constant 16 : i32
        %mul3A_404 = arith.muli %scan3A_220, %mul3A_403 : i32
        %add3A_405 = arith.constant 3 : i32
        %add3A_406 = arith.addi %mul3A_404, %add3A_405 : i32
        %get3A_407 = arith.index_cast %add3A_406 : i32 to index
        %get3A_408 = arith.constant 0 : index
        %get3A_409 = tpu.vector_load %arg15[%get3A_407, %get3A_408] {strides = array<i32>} : memref<256x128xf32, #tpu.memory_space<vmem>>, vector<1x16xf32>,
        %get3A_410 = vector.shape_cast %get3A_409 : vector<1x16xf32> to vector<16xf32>
        %mul3A_411 = arith.mulf %get3A_410, %broadcast_in_dim3A_395 : vector<16xf32>
        %mul3A_412 = arith.constant 32 : i32
        %mul3A_413 = arith.muli %add3A_406, %mul3A_412 : i32
        %swap3A_414 = arith.index_cast %mul3A_413 : i32 to index
        %swap3A_415 = tpu.vector_load %arg16[%swap3A_414] {strides = array<i32>} : memref<8192xf32, #tpu.memory_space<vmem>>, vector<16xf32>,
        %swap3A_416 = vector.shape_cast %swap3A_415 : vector<16xf32> to vector<16xf32>
        %swap3A_417 = vector.shape_cast %mul3A_411 : vector<16xf32> to vector<16xf32>
        tpu.vector_store %arg16[%swap3A_414], %swap3A_417 {strides = array<i32>} : memref<8192xf32, #tpu.memory_space<vmem>>, vector<16xf32>,
        %get3A_418 = arith.index_cast %add3A_406 : i32 to index
        %get3A_419 = arith.constant 16 : index
        %get3A_420 = tpu.vector_load %arg15[%get3A_418, %get3A_419] {strides = array<i32>} : memref<256x128xf32, #tpu.memory_space<vmem>>, vector<1x16xf32>,
        %get3A_421 = vector.shape_cast %get3A_420 : vector<1x16xf32> to vector<16xf32>
        %mul3A_422 = arith.mulf %get3A_421, %broadcast_in_dim3A_395 : vector<16xf32>
        %mul3A_423 = arith.constant 32 : i32
        %mul3A_424 = arith.muli %add3A_406, %mul3A_423 : i32
        %add3A_425 = arith.constant 16 : i32
        %add3A_426 = arith.addi %mul3A_424, %add3A_425 : i32
        %swap3A_427 = arith.index_cast %add3A_426 : i32 to index
        %swap3A_428 = tpu.vector_load %arg16[%swap3A_427] {strides = array<i32>} : memref<8192xf32, #tpu.memory_space<vmem>>, vector<16xf32>,
        %swap3A_429 = vector.shape_cast %swap3A_428 : vector<16xf32> to vector<16xf32>
        %swap3A_430 = vector.shape_cast %mul3A_422 : vector<16xf32> to vector<16xf32>
        tpu.vector_store %arg16[%swap3A_427], %swap3A_430 {strides = array<i32>} : memref<8192xf32, #tpu.memory_space<vmem>>, vector<16xf32>,
        %mul3A_431 = arith.constant 32 : i32
        %mul3A_432 = arith.muli %add3A_406, %mul3A_431 : i32
        %swap3A_433 = arith.index_cast %mul3A_432 : i32 to index
        %swap3A_434 = tpu.vector_load %arg17[%swap3A_433] {strides = array<i32>} : memref<8192xi32, #tpu.memory_space<vmem>>, vector<16xi32>,
        %swap3A_435 = vector.shape_cast %swap3A_434 : vector<16xi32> to vector<16xi32>
        %swap3A_436 = vector.shape_cast %add3A_402 : vector<16xi32> to vector<16xi32>
        tpu.vector_store %arg17[%swap3A_433], %swap3A_436 {strides = array<i32>} : memref<8192xi32, #tpu.memory_space<vmem>>, vector<16xi32>,
        %add3A_437 = arith.constant 16 : i32
        %add3A_438 = vector.broadcast %add3A_437 : i32 to vector<16xi32>
        %add3A_439 = arith.addi %add3A_402, %add3A_438 : vector<16xi32>
        %mul3A_440 = arith.constant 32 : i32
        %mul3A_441 = arith.muli %add3A_406, %mul3A_440 : i32
        %add3A_442 = arith.constant 16 : i32
        %add3A_443 = arith.addi %mul3A_441, %add3A_442 : i32
        %swap3A_444 = arith.index_cast %add3A_443 : i32 to index
        %swap3A_445 = tpu.vector_load %arg17[%swap3A_444] {strides = array<i32>} : memref<8192xi32, #tpu.memory_space<vmem>>, vector<16xi32>,
        %swap3A_446 = vector.shape_cast %swap3A_445 : vector<16xi32> to vector<16xi32>
        %swap3A_447 = vector.shape_cast %add3A_439 : vector<16xi32> to vector<16xi32>
        tpu.vector_store %arg17[%swap3A_444], %swap3A_447 {strides = array<i32>} : memref<8192xi32, #tpu.memory_space<vmem>>, vector<16xi32>,
        %slice3A_448 = vector.extract_strided_slice %get3A_226 {offsets = [4], sizes = [1], strides = [1]} : vector<16xf32> to vector<1xf32>
        %squeeze3A_449 = vector.extract %slice3A_448[0] : f32 from vector<1xf32>
        %broadcast_in_dim3A_450 = vector.broadcast %squeeze3A_449 : f32 to vector<16xf32>
        %slice3A_451 = vector.extract_strided_slice %get3A_231 {offsets = [4], sizes = [1], strides = [1]} : vector<16xi32> to vector<1xi32>
        %squeeze3A_452 = vector.extract %slice3A_451[0] : i32 from vector<1xi32>
        %broadcast_in_dim3A_453 = vector.broadcast %squeeze3A_452 : i32 to vector<16xi32>
        %mul3A_454 = arith.constant 32 : i32
        %mul3A_455 = vector.broadcast %mul3A_454 : i32 to vector<16xi32>
        %mul3A_456 = arith.muli %broadcast_in_dim3A_453, %mul3A_455 : vector<16xi32>
        %add3A_457 = arith.addi %mul3A_456, %iota3A : vector<16xi32>
        %mul3A_458 = arith.constant 16 : i32
        %mul3A_459 = arith.muli %scan3A_220, %mul3A_458 : i32
        %add3A_460 = arith.constant 4 : i32
        %add3A_461 = arith.addi %mul3A_459, %add3A_460 : i32
        %get3A_462 = arith.index_cast %add3A_461 : i32 to index
        %get3A_463 = arith.constant 0 : index
        %get3A_464 = tpu.vector_load %arg15[%get3A_462, %get3A_463] {strides = array<i32>} : memref<256x128xf32, #tpu.memory_space<vmem>>, vector<1x16xf32>,
        %get3A_465 = vector.shape_cast %get3A_464 : vector<1x16xf32> to vector<16xf32>
        %mul3A_466 = arith.mulf %get3A_465, %broadcast_in_dim3A_450 : vector<16xf32>
        %mul3A_467 = arith.constant 32 : i32
        %mul3A_468 = arith.muli %add3A_461, %mul3A_467 : i32
        %swap3A_469 = arith.index_cast %mul3A_468 : i32 to index
        %swap3A_470 = tpu.vector_load %arg16[%swap3A_469] {strides = array<i32>} : memref<8192xf32, #tpu.memory_space<vmem>>, vector<16xf32>,
        %swap3A_471 = vector.shape_cast %swap3A_470 : vector<16xf32> to vector<16xf32>
        %swap3A_472 = vector.shape_cast %mul3A_466 : vector<16xf32> to vector<16xf32>
        tpu.vector_store %arg16[%swap3A_469], %swap3A_472 {strides = array<i32>} : memref<8192xf32, #tpu.memory_space<vmem>>, vector<16xf32>,
        %get3A_473 = arith.index_cast %add3A_461 : i32 to index
        %get3A_474 = arith.constant 16 : index
        %get3A_475 = tpu.vector_load %arg15[%get3A_473, %get3A_474] {strides = array<i32>} : memref<256x128xf32, #tpu.memory_space<vmem>>, vector<1x16xf32>,
        %get3A_476 = vector.shape_cast %get3A_475 : vector<1x16xf32> to vector<16xf32>
        %mul3A_477 = arith.mulf %get3A_476, %broadcast_in_dim3A_450 : vector<16xf32>
        %mul3A_478 = arith.constant 32 : i32
        %mul3A_479 = arith.muli %add3A_461, %mul3A_478 : i32
        %add3A_480 = arith.constant 16 : i32
        %add3A_481 = arith.addi %mul3A_479, %add3A_480 : i32
        %swap3A_482 = arith.index_cast %add3A_481 : i32 to index
        %swap3A_483 = tpu.vector_load %arg16[%swap3A_482] {strides = array<i32>} : memref<8192xf32, #tpu.memory_space<vmem>>, vector<16xf32>,
        %swap3A_484 = vector.shape_cast %swap3A_483 : vector<16xf32> to vector<16xf32>
        %swap3A_485 = vector.shape_cast %mul3A_477 : vector<16xf32> to vector<16xf32>
        tpu.vector_store %arg16[%swap3A_482], %swap3A_485 {strides = array<i32>} : memref<8192xf32, #tpu.memory_space<vmem>>, vector<16xf32>,
        %mul3A_486 = arith.constant 32 : i32
        %mul3A_487 = arith.muli %add3A_461, %mul3A_486 : i32
        %swap3A_488 = arith.index_cast %mul3A_487 : i32 to index
        %swap3A_489 = tpu.vector_load %arg17[%swap3A_488] {strides = array<i32>} : memref<8192xi32, #tpu.memory_space<vmem>>, vector<16xi32>,
        %swap3A_490 = vector.shape_cast %swap3A_489 : vector<16xi32> to vector<16xi32>
        %swap3A_491 = vector.shape_cast %add3A_457 : vector<16xi32> to vector<16xi32>
        tpu.vector_store %arg17[%swap3A_488], %swap3A_491 {strides = array<i32>} : memref<8192xi32, #tpu.memory_space<vmem>>, vector<16xi32>,
        %add3A_492 = arith.constant 16 : i32
        %add3A_493 = vector.broadcast %add3A_492 : i32 to vector<16xi32>
        %add3A_494 = arith.addi %add3A_457, %add3A_493 : vector<16xi32>
        %mul3A_495 = arith.constant 32 : i32
        %mul3A_496 = arith.muli %add3A_461, %mul3A_495 : i32
        %add3A_497 = arith.constant 16 : i32
        %add3A_498 = arith.addi %mul3A_496, %add3A_497 : i32
        %swap3A_499 = arith.index_cast %add3A_498 : i32 to index
        %swap3A_500 = tpu.vector_load %arg17[%swap3A_499] {strides = array<i32>} : memref<8192xi32, #tpu.memory_space<vmem>>, vector<16xi32>,
        %swap3A_501 = vector.shape_cast %swap3A_500 : vector<16xi32> to vector<16xi32>
        %swap3A_502 = vector.shape_cast %add3A_494 : vector<16xi32> to vector<16xi32>
        tpu.vector_store %arg17[%swap3A_499], %swap3A_502 {strides = array<i32>} : memref<8192xi32, #tpu.memory_space<vmem>>, vector<16xi32>,
        %slice3A_503 = vector.extract_strided_slice %get3A_226 {offsets = [5], sizes = [1], strides = [1]} : vector<16xf32> to vector<1xf32>
        %squeeze3A_504 = vector.extract %slice3A_503[0] : f32 from vector<1xf32>
        %broadcast_in_dim3A_505 = vector.broadcast %squeeze3A_504 : f32 to vector<16xf32>
        %slice3A_506 = vector.extract_strided_slice %get3A_231 {offsets = [5], sizes = [1], strides = [1]} : vector<16xi32> to vector<1xi32>
        %squeeze3A_507 = vector.extract %slice3A_506[0] : i32 from vector<1xi32>
        %broadcast_in_dim3A_508 = vector.broadcast %squeeze3A_507 : i32 to vector<16xi32>
        %mul3A_509 = arith.constant 32 : i32
        %mul3A_510 = vector.broadcast %mul3A_509 : i32 to vector<16xi32>
        %mul3A_511 = arith.muli %broadcast_in_dim3A_508, %mul3A_510 : vector<16xi32>
        %add3A_512 = arith.addi %mul3A_511, %iota3A : vector<16xi32>
        %mul3A_513 = arith.constant 16 : i32
        %mul3A_514 = arith.muli %scan3A_220, %mul3A_513 : i32
        %add3A_515 = arith.constant 5 : i32
        %add3A_516 = arith.addi %mul3A_514, %add3A_515 : i32
        %get3A_517 = arith.index_cast %add3A_516 : i32 to index
        %get3A_518 = arith.constant 0 : index
        %get3A_519 = tpu.vector_load %arg15[%get3A_517, %get3A_518] {strides = array<i32>} : memref<256x128xf32, #tpu.memory_space<vmem>>, vector<1x16xf32>,
        %get3A_520 = vector.shape_cast %get3A_519 : vector<1x16xf32> to vector<16xf32>
        %mul3A_521 = arith.mulf %get3A_520, %broadcast_in_dim3A_505 : vector<16xf32>
        %mul3A_522 = arith.constant 32 : i32
        %mul3A_523 = arith.muli %add3A_516, %mul3A_522 : i32
        %swap3A_524 = arith.index_cast %mul3A_523 : i32 to index
        %swap3A_525 = tpu.vector_load %arg16[%swap3A_524] {strides = array<i32>} : memref<8192xf32, #tpu.memory_space<vmem>>, vector<16xf32>,
        %swap3A_526 = vector.shape_cast %swap3A_525 : vector<16xf32> to vector<16xf32>
        %swap3A_527 = vector.shape_cast %mul3A_521 : vector<16xf32> to vector<16xf32>
        tpu.vector_store %arg16[%swap3A_524], %swap3A_527 {strides = array<i32>} : memref<8192xf32, #tpu.memory_space<vmem>>, vector<16xf32>,
        %get3A_528 = arith.index_cast %add3A_516 : i32 to index
        %get3A_529 = arith.constant 16 : index
        %get3A_530 = tpu.vector_load %arg15[%get3A_528, %get3A_529] {strides = array<i32>} : memref<256x128xf32, #tpu.memory_space<vmem>>, vector<1x16xf32>,
        %get3A_531 = vector.shape_cast %get3A_530 : vector<1x16xf32> to vector<16xf32>
        %mul3A_532 = arith.mulf %get3A_531, %broadcast_in_dim3A_505 : vector<16xf32>
        %mul3A_533 = arith.constant 32 : i32
        %mul3A_534 = arith.muli %add3A_516, %mul3A_533 : i32
        %add3A_535 = arith.constant 16 : i32
        %add3A_536 = arith.addi %mul3A_534, %add3A_535 : i32
        %swap3A_537 = arith.index_cast %add3A_536 : i32 to index
        %swap3A_538 = tpu.vector_load %arg16[%swap3A_537] {strides = array<i32>} : memref<8192xf32, #tpu.memory_space<vmem>>, vector<16xf32>,
        %swap3A_539 = vector.shape_cast %swap3A_538 : vector<16xf32> to vector<16xf32>
        %swap3A_540 = vector.shape_cast %mul3A_532 : vector<16xf32> to vector<16xf32>
        tpu.vector_store %arg16[%swap3A_537], %swap3A_540 {strides = array<i32>} : memref<8192xf32, #tpu.memory_space<vmem>>, vector<16xf32>,
        %mul3A_541 = arith.constant 32 : i32
        %mul3A_542 = arith.muli %add3A_516, %mul3A_541 : i32
        %swap3A_543 = arith.index_cast %mul3A_542 : i32 to index
        %swap3A_544 = tpu.vector_load %arg17[%swap3A_543] {strides = array<i32>} : memref<8192xi32, #tpu.memory_space<vmem>>, vector<16xi32>,
        %swap3A_545 = vector.shape_cast %swap3A_544 : vector<16xi32> to vector<16xi32>
        %swap3A_546 = vector.shape_cast %add3A_512 : vector<16xi32> to vector<16xi32>
        tpu.vector_store %arg17[%swap3A_543], %swap3A_546 {strides = array<i32>} : memref<8192xi32, #tpu.memory_space<vmem>>, vector<16xi32>,
        %add3A_547 = arith.constant 16 : i32
        %add3A_548 = vector.broadcast %add3A_547 : i32 to vector<16xi32>
        %add3A_549 = arith.addi %add3A_512, %add3A_548 : vector<16xi32>
        %mul3A_550 = arith.constant 32 : i32
        %mul3A_551 = arith.muli %add3A_516, %mul3A_550 : i32
        %add3A_552 = arith.constant 16 : i32
        %add3A_553 = arith.addi %mul3A_551, %add3A_552 : i32
        %swap3A_554 = arith.index_cast %add3A_553 : i32 to index
        %swap3A_555 = tpu.vector_load %arg17[%swap3A_554] {strides = array<i32>} : memref<8192xi32, #tpu.memory_space<vmem>>, vector<16xi32>,
        %swap3A_556 = vector.shape_cast %swap3A_555 : vector<16xi32> to vector<16xi32>
        %swap3A_557 = vector.shape_cast %add3A_549 : vector<16xi32> to vector<16xi32>
        tpu.vector_store %arg17[%swap3A_554], %swap3A_557 {strides = array<i32>} : memref<8192xi32, #tpu.memory_space<vmem>>, vector<16xi32>,
        %slice3A_558 = vector.extract_strided_slice %get3A_226 {offsets = [6], sizes = [1], strides = [1]} : vector<16xf32> to vector<1xf32>
        %squeeze3A_559 = vector.extract %slice3A_558[0] : f32 from vector<1xf32>
        %broadcast_in_dim3A_560 = vector.broadcast %squeeze3A_559 : f32 to vector<16xf32>
        %slice3A_561 = vector.extract_strided_slice %get3A_231 {offsets = [6], sizes = [1], strides = [1]} : vector<16xi32> to vector<1xi32>
        %squeeze3A_562 = vector.extract %slice3A_561[0] : i32 from vector<1xi32>
        %broadcast_in_dim3A_563 = vector.broadcast %squeeze3A_562 : i32 to vector<16xi32>
        %mul3A_564 = arith.constant 32 : i32
        %mul3A_565 = vector.broadcast %mul3A_564 : i32 to vector<16xi32>
        %mul3A_566 = arith.muli %broadcast_in_dim3A_563, %mul3A_565 : vector<16xi32>
        %add3A_567 = arith.addi %mul3A_566, %iota3A : vector<16xi32>
        %mul3A_568 = arith.constant 16 : i32
        %mul3A_569 = arith.muli %scan3A_220, %mul3A_568 : i32
        %add3A_570 = arith.constant 6 : i32
        %add3A_571 = arith.addi %mul3A_569, %add3A_570 : i32
        %get3A_572 = arith.index_cast %add3A_571 : i32 to index
        %get3A_573 = arith.constant 0 : index
        %get3A_574 = tpu.vector_load %arg15[%get3A_572, %get3A_573] {strides = array<i32>} : memref<256x128xf32, #tpu.memory_space<vmem>>, vector<1x16xf32>,
        %get3A_575 = vector.shape_cast %get3A_574 : vector<1x16xf32> to vector<16xf32>
        %mul3A_576 = arith.mulf %get3A_575, %broadcast_in_dim3A_560 : vector<16xf32>
        %mul3A_577 = arith.constant 32 : i32
        %mul3A_578 = arith.muli %add3A_571, %mul3A_577 : i32
        %swap3A_579 = arith.index_cast %mul3A_578 : i32 to index
        %swap3A_580 = tpu.vector_load %arg16[%swap3A_579] {strides = array<i32>} : memref<8192xf32, #tpu.memory_space<vmem>>, vector<16xf32>,
        %swap3A_581 = vector.shape_cast %swap3A_580 : vector<16xf32> to vector<16xf32>
        %swap3A_582 = vector.shape_cast %mul3A_576 : vector<16xf32> to vector<16xf32>
        tpu.vector_store %arg16[%swap3A_579], %swap3A_582 {strides = array<i32>} : memref<8192xf32, #tpu.memory_space<vmem>>, vector<16xf32>,
        %get3A_583 = arith.index_cast %add3A_571 : i32 to index
        %get3A_584 = arith.constant 16 : index
        %get3A_585 = tpu.vector_load %arg15[%get3A_583, %get3A_584] {strides = array<i32>} : memref<256x128xf32, #tpu.memory_space<vmem>>, vector<1x16xf32>,
        %get3A_586 = vector.shape_cast %get3A_585 : vector<1x16xf32> to vector<16xf32>
        %mul3A_587 = arith.mulf %get3A_586, %broadcast_in_dim3A_560 : vector<16xf32>
        %mul3A_588 = arith.constant 32 : i32
        %mul3A_589 = arith.muli %add3A_571, %mul3A_588 : i32
        %add3A_590 = arith.constant 16 : i32
        %add3A_591 = arith.addi %mul3A_589, %add3A_590 : i32
        %swap3A_592 = arith.index_cast %add3A_591 : i32 to index
        %swap3A_593 = tpu.vector_load %arg16[%swap3A_592] {strides = array<i32>} : memref<8192xf32, #tpu.memory_space<vmem>>, vector<16xf32>,
        %swap3A_594 = vector.shape_cast %swap3A_593 : vector<16xf32> to vector<16xf32>
        %swap3A_595 = vector.shape_cast %mul3A_587 : vector<16xf32> to vector<16xf32>
        tpu.vector_store %arg16[%swap3A_592], %swap3A_595 {strides = array<i32>} : memref<8192xf32, #tpu.memory_space<vmem>>, vector<16xf32>,
        %mul3A_596 = arith.constant 32 : i32
        %mul3A_597 = arith.muli %add3A_571, %mul3A_596 : i32
        %swap3A_598 = arith.index_cast %mul3A_597 : i32 to index
        %swap3A_599 = tpu.vector_load %arg17[%swap3A_598] {strides = array<i32>} : memref<8192xi32, #tpu.memory_space<vmem>>, vector<16xi32>,
        %swap3A_600 = vector.shape_cast %swap3A_599 : vector<16xi32> to vector<16xi32>
        %swap3A_601 = vector.shape_cast %add3A_567 : vector<16xi32> to vector<16xi32>
        tpu.vector_store %arg17[%swap3A_598], %swap3A_601 {strides = array<i32>} : memref<8192xi32, #tpu.memory_space<vmem>>, vector<16xi32>,
        %add3A_602 = arith.constant 16 : i32
        %add3A_603 = vector.broadcast %add3A_602 : i32 to vector<16xi32>
        %add3A_604 = arith.addi %add3A_567, %add3A_603 : vector<16xi32>
        %mul3A_605 = arith.constant 32 : i32
        %mul3A_606 = arith.muli %add3A_571, %mul3A_605 : i32
        %add3A_607 = arith.constant 16 : i32
        %add3A_608 = arith.addi %mul3A_606, %add3A_607 : i32
        %swap3A_609 = arith.index_cast %add3A_608 : i32 to index
        %swap3A_610 = tpu.vector_load %arg17[%swap3A_609] {strides = array<i32>} : memref<8192xi32, #tpu.memory_space<vmem>>, vector<16xi32>,
        %swap3A_611 = vector.shape_cast %swap3A_610 : vector<16xi32> to vector<16xi32>
        %swap3A_612 = vector.shape_cast %add3A_604 : vector<16xi32> to vector<16xi32>
        tpu.vector_store %arg17[%swap3A_609], %swap3A_612 {strides = array<i32>} : memref<8192xi32, #tpu.memory_space<vmem>>, vector<16xi32>,
        %slice3A_613 = vector.extract_strided_slice %get3A_226 {offsets = [7], sizes = [1], strides = [1]} : vector<16xf32> to vector<1xf32>
        %squeeze3A_614 = vector.extract %slice3A_613[0] : f32 from vector<1xf32>
        %broadcast_in_dim3A_615 = vector.broadcast %squeeze3A_614 : f32 to vector<16xf32>
        %slice3A_616 = vector.extract_strided_slice %get3A_231 {offsets = [7], sizes = [1], strides = [1]} : vector<16xi32> to vector<1xi32>
        %squeeze3A_617 = vector.extract %slice3A_616[0] : i32 from vector<1xi32>
        %broadcast_in_dim3A_618 = vector.broadcast %squeeze3A_617 : i32 to vector<16xi32>
        %mul3A_619 = arith.constant 32 : i32
        %mul3A_620 = vector.broadcast %mul3A_619 : i32 to vector<16xi32>
        %mul3A_621 = arith.muli %broadcast_in_dim3A_618, %mul3A_620 : vector<16xi32>
        %add3A_622 = arith.addi %mul3A_621, %iota3A : vector<16xi32>
        %mul3A_623 = arith.constant 16 : i32
        %mul3A_624 = arith.muli %scan3A_220, %mul3A_623 : i32
        %add3A_625 = arith.constant 7 : i32
        %add3A_626 = arith.addi %mul3A_624, %add3A_625 : i32
        %get3A_627 = arith.index_cast %add3A_626 : i32 to index
        %get3A_628 = arith.constant 0 : index
        %get3A_629 = tpu.vector_load %arg15[%get3A_627, %get3A_628] {strides = array<i32>} : memref<256x128xf32, #tpu.memory_space<vmem>>, vector<1x16xf32>,
        %get3A_630 = vector.shape_cast %get3A_629 : vector<1x16xf32> to vector<16xf32>
        %mul3A_631 = arith.mulf %get3A_630, %broadcast_in_dim3A_615 : vector<16xf32>
        %mul3A_632 = arith.constant 32 : i32
        %mul3A_633 = arith.muli %add3A_626, %mul3A_632 : i32
        %swap3A_634 = arith.index_cast %mul3A_633 : i32 to index
        %swap3A_635 = tpu.vector_load %arg16[%swap3A_634] {strides = array<i32>} : memref<8192xf32, #tpu.memory_space<vmem>>, vector<16xf32>,
        %swap3A_636 = vector.shape_cast %swap3A_635 : vector<16xf32> to vector<16xf32>
        %swap3A_637 = vector.shape_cast %mul3A_631 : vector<16xf32> to vector<16xf32>
        tpu.vector_store %arg16[%swap3A_634], %swap3A_637 {strides = array<i32>} : memref<8192xf32, #tpu.memory_space<vmem>>, vector<16xf32>,
        %get3A_638 = arith.index_cast %add3A_626 : i32 to index
        %get3A_639 = arith.constant 16 : index
        %get3A_640 = tpu.vector_load %arg15[%get3A_638, %get3A_639] {strides = array<i32>} : memref<256x128xf32, #tpu.memory_space<vmem>>, vector<1x16xf32>,
        %get3A_641 = vector.shape_cast %get3A_640 : vector<1x16xf32> to vector<16xf32>
        %mul3A_642 = arith.mulf %get3A_641, %broadcast_in_dim3A_615 : vector<16xf32>
        %mul3A_643 = arith.constant 32 : i32
        %mul3A_644 = arith.muli %add3A_626, %mul3A_643 : i32
        %add3A_645 = arith.constant 16 : i32
        %add3A_646 = arith.addi %mul3A_644, %add3A_645 : i32
        %swap3A_647 = arith.index_cast %add3A_646 : i32 to index
        %swap3A_648 = tpu.vector_load %arg16[%swap3A_647] {strides = array<i32>} : memref<8192xf32, #tpu.memory_space<vmem>>, vector<16xf32>,
        %swap3A_649 = vector.shape_cast %swap3A_648 : vector<16xf32> to vector<16xf32>
        %swap3A_650 = vector.shape_cast %mul3A_642 : vector<16xf32> to vector<16xf32>
        tpu.vector_store %arg16[%swap3A_647], %swap3A_650 {strides = array<i32>} : memref<8192xf32, #tpu.memory_space<vmem>>, vector<16xf32>,
        %mul3A_651 = arith.constant 32 : i32
        %mul3A_652 = arith.muli %add3A_626, %mul3A_651 : i32
        %swap3A_653 = arith.index_cast %mul3A_652 : i32 to index
        %swap3A_654 = tpu.vector_load %arg17[%swap3A_653] {strides = array<i32>} : memref<8192xi32, #tpu.memory_space<vmem>>, vector<16xi32>,
        %swap3A_655 = vector.shape_cast %swap3A_654 : vector<16xi32> to vector<16xi32>
        %swap3A_656 = vector.shape_cast %add3A_622 : vector<16xi32> to vector<16xi32>
        tpu.vector_store %arg17[%swap3A_653], %swap3A_656 {strides = array<i32>} : memref<8192xi32, #tpu.memory_space<vmem>>, vector<16xi32>,
        %add3A_657 = arith.constant 16 : i32
        %add3A_658 = vector.broadcast %add3A_657 : i32 to vector<16xi32>
        %add3A_659 = arith.addi %add3A_622, %add3A_658 : vector<16xi32>
        %mul3A_660 = arith.constant 32 : i32
        %mul3A_661 = arith.muli %add3A_626, %mul3A_660 : i32
        %add3A_662 = arith.constant 16 : i32
        %add3A_663 = arith.addi %mul3A_661, %add3A_662 : i32
        %swap3A_664 = arith.index_cast %add3A_663 : i32 to index
        %swap3A_665 = tpu.vector_load %arg17[%swap3A_664] {strides = array<i32>} : memref<8192xi32, #tpu.memory_space<vmem>>, vector<16xi32>,
        %swap3A_666 = vector.shape_cast %swap3A_665 : vector<16xi32> to vector<16xi32>
        %swap3A_667 = vector.shape_cast %add3A_659 : vector<16xi32> to vector<16xi32>
        tpu.vector_store %arg17[%swap3A_664], %swap3A_667 {strides = array<i32>} : memref<8192xi32, #tpu.memory_space<vmem>>, vector<16xi32>,
        %slice3A_668 = vector.extract_strided_slice %get3A_226 {offsets = [8], sizes = [1], strides = [1]} : vector<16xf32> to vector<1xf32>
        %squeeze3A_669 = vector.extract %slice3A_668[0] : f32 from vector<1xf32>
        %broadcast_in_dim3A_670 = vector.broadcast %squeeze3A_669 : f32 to vector<16xf32>
        %slice3A_671 = vector.extract_strided_slice %get3A_231 {offsets = [8], sizes = [1], strides = [1]} : vector<16xi32> to vector<1xi32>
        %squeeze3A_672 = vector.extract %slice3A_671[0] : i32 from vector<1xi32>
        %broadcast_in_dim3A_673 = vector.broadcast %squeeze3A_672 : i32 to vector<16xi32>
        %mul3A_674 = arith.constant 32 : i32
        %mul3A_675 = vector.broadcast %mul3A_674 : i32 to vector<16xi32>
        %mul3A_676 = arith.muli %broadcast_in_dim3A_673, %mul3A_675 : vector<16xi32>
        %add3A_677 = arith.addi %mul3A_676, %iota3A : vector<16xi32>
        %mul3A_678 = arith.constant 16 : i32
        %mul3A_679 = arith.muli %scan3A_220, %mul3A_678 : i32
        %add3A_680 = arith.constant 8 : i32
        %add3A_681 = arith.addi %mul3A_679, %add3A_680 : i32
        %get3A_682 = arith.index_cast %add3A_681 : i32 to index
        %get3A_683 = arith.constant 0 : index
        %get3A_684 = tpu.vector_load %arg15[%get3A_682, %get3A_683] {strides = array<i32>} : memref<256x128xf32, #tpu.memory_space<vmem>>, vector<1x16xf32>,
        %get3A_685 = vector.shape_cast %get3A_684 : vector<1x16xf32> to vector<16xf32>
        %mul3A_686 = arith.mulf %get3A_685, %broadcast_in_dim3A_670 : vector<16xf32>
        %mul3A_687 = arith.constant 32 : i32
        %mul3A_688 = arith.muli %add3A_681, %mul3A_687 : i32
        %swap3A_689 = arith.index_cast %mul3A_688 : i32 to index
        %swap3A_690 = tpu.vector_load %arg16[%swap3A_689] {strides = array<i32>} : memref<8192xf32, #tpu.memory_space<vmem>>, vector<16xf32>,
        %swap3A_691 = vector.shape_cast %swap3A_690 : vector<16xf32> to vector<16xf32>
        %swap3A_692 = vector.shape_cast %mul3A_686 : vector<16xf32> to vector<16xf32>
        tpu.vector_store %arg16[%swap3A_689], %swap3A_692 {strides = array<i32>} : memref<8192xf32, #tpu.memory_space<vmem>>, vector<16xf32>,
        %get3A_693 = arith.index_cast %add3A_681 : i32 to index
        %get3A_694 = arith.constant 16 : index
        %get3A_695 = tpu.vector_load %arg15[%get3A_693, %get3A_694] {strides = array<i32>} : memref<256x128xf32, #tpu.memory_space<vmem>>, vector<1x16xf32>,
        %get3A_696 = vector.shape_cast %get3A_695 : vector<1x16xf32> to vector<16xf32>
        %mul3A_697 = arith.mulf %get3A_696, %broadcast_in_dim3A_670 : vector<16xf32>
        %mul3A_698 = arith.constant 32 : i32
        %mul3A_699 = arith.muli %add3A_681, %mul3A_698 : i32
        %add3A_700 = arith.constant 16 : i32
        %add3A_701 = arith.addi %mul3A_699, %add3A_700 : i32
        %swap3A_702 = arith.index_cast %add3A_701 : i32 to index
        %swap3A_703 = tpu.vector_load %arg16[%swap3A_702] {strides = array<i32>} : memref<8192xf32, #tpu.memory_space<vmem>>, vector<16xf32>,
        %swap3A_704 = vector.shape_cast %swap3A_703 : vector<16xf32> to vector<16xf32>
        %swap3A_705 = vector.shape_cast %mul3A_697 : vector<16xf32> to vector<16xf32>
        tpu.vector_store %arg16[%swap3A_702], %swap3A_705 {strides = array<i32>} : memref<8192xf32, #tpu.memory_space<vmem>>, vector<16xf32>,
        %mul3A_706 = arith.constant 32 : i32
        %mul3A_707 = arith.muli %add3A_681, %mul3A_706 : i32
        %swap3A_708 = arith.index_cast %mul3A_707 : i32 to index
        %swap3A_709 = tpu.vector_load %arg17[%swap3A_708] {strides = array<i32>} : memref<8192xi32, #tpu.memory_space<vmem>>, vector<16xi32>,
        %swap3A_710 = vector.shape_cast %swap3A_709 : vector<16xi32> to vector<16xi32>
        %swap3A_711 = vector.shape_cast %add3A_677 : vector<16xi32> to vector<16xi32>
        tpu.vector_store %arg17[%swap3A_708], %swap3A_711 {strides = array<i32>} : memref<8192xi32, #tpu.memory_space<vmem>>, vector<16xi32>,
        %add3A_712 = arith.constant 16 : i32
        %add3A_713 = vector.broadcast %add3A_712 : i32 to vector<16xi32>
        %add3A_714 = arith.addi %add3A_677, %add3A_713 : vector<16xi32>
        %mul3A_715 = arith.constant 32 : i32
        %mul3A_716 = arith.muli %add3A_681, %mul3A_715 : i32
        %add3A_717 = arith.constant 16 : i32
        %add3A_718 = arith.addi %mul3A_716, %add3A_717 : i32
        %swap3A_719 = arith.index_cast %add3A_718 : i32 to index
        %swap3A_720 = tpu.vector_load %arg17[%swap3A_719] {strides = array<i32>} : memref<8192xi32, #tpu.memory_space<vmem>>, vector<16xi32>,
        %swap3A_721 = vector.shape_cast %swap3A_720 : vector<16xi32> to vector<16xi32>
        %swap3A_722 = vector.shape_cast %add3A_714 : vector<16xi32> to vector<16xi32>
        tpu.vector_store %arg17[%swap3A_719], %swap3A_722 {strides = array<i32>} : memref<8192xi32, #tpu.memory_space<vmem>>, vector<16xi32>,
        %slice3A_723 = vector.extract_strided_slice %get3A_226 {offsets = [9], sizes = [1], strides = [1]} : vector<16xf32> to vector<1xf32>
        %squeeze3A_724 = vector.extract %slice3A_723[0] : f32 from vector<1xf32>
        %broadcast_in_dim3A_725 = vector.broadcast %squeeze3A_724 : f32 to vector<16xf32>
        %slice3A_726 = vector.extract_strided_slice %get3A_231 {offsets = [9], sizes = [1], strides = [1]} : vector<16xi32> to vector<1xi32>
        %squeeze3A_727 = vector.extract %slice3A_726[0] : i32 from vector<1xi32>
        %broadcast_in_dim3A_728 = vector.broadcast %squeeze3A_727 : i32 to vector<16xi32>
        %mul3A_729 = arith.constant 32 : i32
        %mul3A_730 = vector.broadcast %mul3A_729 : i32 to vector<16xi32>
        %mul3A_731 = arith.muli %broadcast_in_dim3A_728, %mul3A_730 : vector<16xi32>
        %add3A_732 = arith.addi %mul3A_731, %iota3A : vector<16xi32>
        %mul3A_733 = arith.constant 16 : i32
        %mul3A_734 = arith.muli %scan3A_220, %mul3A_733 : i32
        %add3A_735 = arith.constant 9 : i32
        %add3A_736 = arith.addi %mul3A_734, %add3A_735 : i32
        %get3A_737 = arith.index_cast %add3A_736 : i32 to index
        %get3A_738 = arith.constant 0 : index
        %get3A_739 = tpu.vector_load %arg15[%get3A_737, %get3A_738] {strides = array<i32>} : memref<256x128xf32, #tpu.memory_space<vmem>>, vector<1x16xf32>,
        %get3A_740 = vector.shape_cast %get3A_739 : vector<1x16xf32> to vector<16xf32>
        %mul3A_741 = arith.mulf %get3A_740, %broadcast_in_dim3A_725 : vector<16xf32>
        %mul3A_742 = arith.constant 32 : i32
        %mul3A_743 = arith.muli %add3A_736, %mul3A_742 : i32
        %swap3A_744 = arith.index_cast %mul3A_743 : i32 to index
        %swap3A_745 = tpu.vector_load %arg16[%swap3A_744] {strides = array<i32>} : memref<8192xf32, #tpu.memory_space<vmem>>, vector<16xf32>,
        %swap3A_746 = vector.shape_cast %swap3A_745 : vector<16xf32> to vector<16xf32>
        %swap3A_747 = vector.shape_cast %mul3A_741 : vector<16xf32> to vector<16xf32>
        tpu.vector_store %arg16[%swap3A_744], %swap3A_747 {strides = array<i32>} : memref<8192xf32, #tpu.memory_space<vmem>>, vector<16xf32>,
        %get3A_748 = arith.index_cast %add3A_736 : i32 to index
        %get3A_749 = arith.constant 16 : index
        %get3A_750 = tpu.vector_load %arg15[%get3A_748, %get3A_749] {strides = array<i32>} : memref<256x128xf32, #tpu.memory_space<vmem>>, vector<1x16xf32>,
        %get3A_751 = vector.shape_cast %get3A_750 : vector<1x16xf32> to vector<16xf32>
        %mul3A_752 = arith.mulf %get3A_751, %broadcast_in_dim3A_725 : vector<16xf32>
        %mul3A_753 = arith.constant 32 : i32
        %mul3A_754 = arith.muli %add3A_736, %mul3A_753 : i32
        %add3A_755 = arith.constant 16 : i32
        %add3A_756 = arith.addi %mul3A_754, %add3A_755 : i32
        %swap3A_757 = arith.index_cast %add3A_756 : i32 to index
        %swap3A_758 = tpu.vector_load %arg16[%swap3A_757] {strides = array<i32>} : memref<8192xf32, #tpu.memory_space<vmem>>, vector<16xf32>,
        %swap3A_759 = vector.shape_cast %swap3A_758 : vector<16xf32> to vector<16xf32>
        %swap3A_760 = vector.shape_cast %mul3A_752 : vector<16xf32> to vector<16xf32>
        tpu.vector_store %arg16[%swap3A_757], %swap3A_760 {strides = array<i32>} : memref<8192xf32, #tpu.memory_space<vmem>>, vector<16xf32>,
        %mul3A_761 = arith.constant 32 : i32
        %mul3A_762 = arith.muli %add3A_736, %mul3A_761 : i32
        %swap3A_763 = arith.index_cast %mul3A_762 : i32 to index
        %swap3A_764 = tpu.vector_load %arg17[%swap3A_763] {strides = array<i32>} : memref<8192xi32, #tpu.memory_space<vmem>>, vector<16xi32>,
        %swap3A_765 = vector.shape_cast %swap3A_764 : vector<16xi32> to vector<16xi32>
        %swap3A_766 = vector.shape_cast %add3A_732 : vector<16xi32> to vector<16xi32>
        tpu.vector_store %arg17[%swap3A_763], %swap3A_766 {strides = array<i32>} : memref<8192xi32, #tpu.memory_space<vmem>>, vector<16xi32>,
        %add3A_767 = arith.constant 16 : i32
        %add3A_768 = vector.broadcast %add3A_767 : i32 to vector<16xi32>
        %add3A_769 = arith.addi %add3A_732, %add3A_768 : vector<16xi32>
        %mul3A_770 = arith.constant 32 : i32
        %mul3A_771 = arith.muli %add3A_736, %mul3A_770 : i32
        %add3A_772 = arith.constant 16 : i32
        %add3A_773 = arith.addi %mul3A_771, %add3A_772 : i32
        %swap3A_774 = arith.index_cast %add3A_773 : i32 to index
        %swap3A_775 = tpu.vector_load %arg17[%swap3A_774] {strides = array<i32>} : memref<8192xi32, #tpu.memory_space<vmem>>, vector<16xi32>,
        %swap3A_776 = vector.shape_cast %swap3A_775 : vector<16xi32> to vector<16xi32>
        %swap3A_777 = vector.shape_cast %add3A_769 : vector<16xi32> to vector<16xi32>
        tpu.vector_store %arg17[%swap3A_774], %swap3A_777 {strides = array<i32>} : memref<8192xi32, #tpu.memory_space<vmem>>, vector<16xi32>,
        %slice3A_778 = vector.extract_strided_slice %get3A_226 {offsets = [10], sizes = [1], strides = [1]} : vector<16xf32> to vector<1xf32>
        %squeeze3A_779 = vector.extract %slice3A_778[0] : f32 from vector<1xf32>
        %broadcast_in_dim3A_780 = vector.broadcast %squeeze3A_779 : f32 to vector<16xf32>
        %slice3A_781 = vector.extract_strided_slice %get3A_231 {offsets = [10], sizes = [1], strides = [1]} : vector<16xi32> to vector<1xi32>
        %squeeze3A_782 = vector.extract %slice3A_781[0] : i32 from vector<1xi32>
        %broadcast_in_dim3A_783 = vector.broadcast %squeeze3A_782 : i32 to vector<16xi32>
        %mul3A_784 = arith.constant 32 : i32
        %mul3A_785 = vector.broadcast %mul3A_784 : i32 to vector<16xi32>
        %mul3A_786 = arith.muli %broadcast_in_dim3A_783, %mul3A_785 : vector<16xi32>
        %add3A_787 = arith.addi %mul3A_786, %iota3A : vector<16xi32>
        %mul3A_788 = arith.constant 16 : i32
        %mul3A_789 = arith.muli %scan3A_220, %mul3A_788 : i32
        %add3A_790 = arith.constant 10 : i32
        %add3A_791 = arith.addi %mul3A_789, %add3A_790 : i32
        %get3A_792 = arith.index_cast %add3A_791 : i32 to index
        %get3A_793 = arith.constant 0 : index
        %get3A_794 = tpu.vector_load %arg15[%get3A_792, %get3A_793] {strides = array<i32>} : memref<256x128xf32, #tpu.memory_space<vmem>>, vector<1x16xf32>,
        %get3A_795 = vector.shape_cast %get3A_794 : vector<1x16xf32> to vector<16xf32>
        %mul3A_796 = arith.mulf %get3A_795, %broadcast_in_dim3A_780 : vector<16xf32>
        %mul3A_797 = arith.constant 32 : i32
        %mul3A_798 = arith.muli %add3A_791, %mul3A_797 : i32
        %swap3A_799 = arith.index_cast %mul3A_798 : i32 to index
        %swap3A_800 = tpu.vector_load %arg16[%swap3A_799] {strides = array<i32>} : memref<8192xf32, #tpu.memory_space<vmem>>, vector<16xf32>,
        %swap3A_801 = vector.shape_cast %swap3A_800 : vector<16xf32> to vector<16xf32>
        %swap3A_802 = vector.shape_cast %mul3A_796 : vector<16xf32> to vector<16xf32>
        tpu.vector_store %arg16[%swap3A_799], %swap3A_802 {strides = array<i32>} : memref<8192xf32, #tpu.memory_space<vmem>>, vector<16xf32>,
        %get3A_803 = arith.index_cast %add3A_791 : i32 to index
        %get3A_804 = arith.constant 16 : index
        %get3A_805 = tpu.vector_load %arg15[%get3A_803, %get3A_804] {strides = array<i32>} : memref<256x128xf32, #tpu.memory_space<vmem>>, vector<1x16xf32>,
        %get3A_806 = vector.shape_cast %get3A_805 : vector<1x16xf32> to vector<16xf32>
        %mul3A_807 = arith.mulf %get3A_806, %broadcast_in_dim3A_780 : vector<16xf32>
        %mul3A_808 = arith.constant 32 : i32
        %mul3A_809 = arith.muli %add3A_791, %mul3A_808 : i32
        %add3A_810 = arith.constant 16 : i32
        %add3A_811 = arith.addi %mul3A_809, %add3A_810 : i32
        %swap3A_812 = arith.index_cast %add3A_811 : i32 to index
        %swap3A_813 = tpu.vector_load %arg16[%swap3A_812] {strides = array<i32>} : memref<8192xf32, #tpu.memory_space<vmem>>, vector<16xf32>,
        %swap3A_814 = vector.shape_cast %swap3A_813 : vector<16xf32> to vector<16xf32>
        %swap3A_815 = vector.shape_cast %mul3A_807 : vector<16xf32> to vector<16xf32>
        tpu.vector_store %arg16[%swap3A_812], %swap3A_815 {strides = array<i32>} : memref<8192xf32, #tpu.memory_space<vmem>>, vector<16xf32>,
        %mul3A_816 = arith.constant 32 : i32
        %mul3A_817 = arith.muli %add3A_791, %mul3A_816 : i32
        %swap3A_818 = arith.index_cast %mul3A_817 : i32 to index
        %swap3A_819 = tpu.vector_load %arg17[%swap3A_818] {strides = array<i32>} : memref<8192xi32, #tpu.memory_space<vmem>>, vector<16xi32>,
        %swap3A_820 = vector.shape_cast %swap3A_819 : vector<16xi32> to vector<16xi32>
        %swap3A_821 = vector.shape_cast %add3A_787 : vector<16xi32> to vector<16xi32>
        tpu.vector_store %arg17[%swap3A_818], %swap3A_821 {strides = array<i32>} : memref<8192xi32, #tpu.memory_space<vmem>>, vector<16xi32>,
        %add3A_822 = arith.constant 16 : i32
        %add3A_823 = vector.broadcast %add3A_822 : i32 to vector<16xi32>
        %add3A_824 = arith.addi %add3A_787, %add3A_823 : vector<16xi32>
        %mul3A_825 = arith.constant 32 : i32
        %mul3A_826 = arith.muli %add3A_791, %mul3A_825 : i32
        %add3A_827 = arith.constant 16 : i32
        %add3A_828 = arith.addi %mul3A_826, %add3A_827 : i32
        %swap3A_829 = arith.index_cast %add3A_828 : i32 to index
        %swap3A_830 = tpu.vector_load %arg17[%swap3A_829] {strides = array<i32>} : memref<8192xi32, #tpu.memory_space<vmem>>, vector<16xi32>,
        %swap3A_831 = vector.shape_cast %swap3A_830 : vector<16xi32> to vector<16xi32>
        %swap3A_832 = vector.shape_cast %add3A_824 : vector<16xi32> to vector<16xi32>
        tpu.vector_store %arg17[%swap3A_829], %swap3A_832 {strides = array<i32>} : memref<8192xi32, #tpu.memory_space<vmem>>, vector<16xi32>,
        %slice3A_833 = vector.extract_strided_slice %get3A_226 {offsets = [11], sizes = [1], strides = [1]} : vector<16xf32> to vector<1xf32>
        %squeeze3A_834 = vector.extract %slice3A_833[0] : f32 from vector<1xf32>
        %broadcast_in_dim3A_835 = vector.broadcast %squeeze3A_834 : f32 to vector<16xf32>
        %slice3A_836 = vector.extract_strided_slice %get3A_231 {offsets = [11], sizes = [1], strides = [1]} : vector<16xi32> to vector<1xi32>
        %squeeze3A_837 = vector.extract %slice3A_836[0] : i32 from vector<1xi32>
        %broadcast_in_dim3A_838 = vector.broadcast %squeeze3A_837 : i32 to vector<16xi32>
        %mul3A_839 = arith.constant 32 : i32
        %mul3A_840 = vector.broadcast %mul3A_839 : i32 to vector<16xi32>
        %mul3A_841 = arith.muli %broadcast_in_dim3A_838, %mul3A_840 : vector<16xi32>
        %add3A_842 = arith.addi %mul3A_841, %iota3A : vector<16xi32>
        %mul3A_843 = arith.constant 16 : i32
        %mul3A_844 = arith.muli %scan3A_220, %mul3A_843 : i32
        %add3A_845 = arith.constant 11 : i32
        %add3A_846 = arith.addi %mul3A_844, %add3A_845 : i32
        %get3A_847 = arith.index_cast %add3A_846 : i32 to index
        %get3A_848 = arith.constant 0 : index
        %get3A_849 = tpu.vector_load %arg15[%get3A_847, %get3A_848] {strides = array<i32>} : memref<256x128xf32, #tpu.memory_space<vmem>>, vector<1x16xf32>,
        %get3A_850 = vector.shape_cast %get3A_849 : vector<1x16xf32> to vector<16xf32>
        %mul3A_851 = arith.mulf %get3A_850, %broadcast_in_dim3A_835 : vector<16xf32>
        %mul3A_852 = arith.constant 32 : i32
        %mul3A_853 = arith.muli %add3A_846, %mul3A_852 : i32
        %swap3A_854 = arith.index_cast %mul3A_853 : i32 to index
        %swap3A_855 = tpu.vector_load %arg16[%swap3A_854] {strides = array<i32>} : memref<8192xf32, #tpu.memory_space<vmem>>, vector<16xf32>,
        %swap3A_856 = vector.shape_cast %swap3A_855 : vector<16xf32> to vector<16xf32>
        %swap3A_857 = vector.shape_cast %mul3A_851 : vector<16xf32> to vector<16xf32>
        tpu.vector_store %arg16[%swap3A_854], %swap3A_857 {strides = array<i32>} : memref<8192xf32, #tpu.memory_space<vmem>>, vector<16xf32>,
        %get3A_858 = arith.index_cast %add3A_846 : i32 to index
        %get3A_859 = arith.constant 16 : index
        %get3A_860 = tpu.vector_load %arg15[%get3A_858, %get3A_859] {strides = array<i32>} : memref<256x128xf32, #tpu.memory_space<vmem>>, vector<1x16xf32>,
        %get3A_861 = vector.shape_cast %get3A_860 : vector<1x16xf32> to vector<16xf32>
        %mul3A_862 = arith.mulf %get3A_861, %broadcast_in_dim3A_835 : vector<16xf32>
        %mul3A_863 = arith.constant 32 : i32
        %mul3A_864 = arith.muli %add3A_846, %mul3A_863 : i32
        %add3A_865 = arith.constant 16 : i32
        %add3A_866 = arith.addi %mul3A_864, %add3A_865 : i32
        %swap3A_867 = arith.index_cast %add3A_866 : i32 to index
        %swap3A_868 = tpu.vector_load %arg16[%swap3A_867] {strides = array<i32>} : memref<8192xf32, #tpu.memory_space<vmem>>, vector<16xf32>,
        %swap3A_869 = vector.shape_cast %swap3A_868 : vector<16xf32> to vector<16xf32>
        %swap3A_870 = vector.shape_cast %mul3A_862 : vector<16xf32> to vector<16xf32>
        tpu.vector_store %arg16[%swap3A_867], %swap3A_870 {strides = array<i32>} : memref<8192xf32, #tpu.memory_space<vmem>>, vector<16xf32>,
        %mul3A_871 = arith.constant 32 : i32
        %mul3A_872 = arith.muli %add3A_846, %mul3A_871 : i32
        %swap3A_873 = arith.index_cast %mul3A_872 : i32 to index
        %swap3A_874 = tpu.vector_load %arg17[%swap3A_873] {strides = array<i32>} : memref<8192xi32, #tpu.memory_space<vmem>>, vector<16xi32>,
        %swap3A_875 = vector.shape_cast %swap3A_874 : vector<16xi32> to vector<16xi32>
        %swap3A_876 = vector.shape_cast %add3A_842 : vector<16xi32> to vector<16xi32>
        tpu.vector_store %arg17[%swap3A_873], %swap3A_876 {strides = array<i32>} : memref<8192xi32, #tpu.memory_space<vmem>>, vector<16xi32>,
        %add3A_877 = arith.constant 16 : i32
        %add3A_878 = vector.broadcast %add3A_877 : i32 to vector<16xi32>
        %add3A_879 = arith.addi %add3A_842, %add3A_878 : vector<16xi32>
        %mul3A_880 = arith.constant 32 : i32
        %mul3A_881 = arith.muli %add3A_846, %mul3A_880 : i32
        %add3A_882 = arith.constant 16 : i32
        %add3A_883 = arith.addi %mul3A_881, %add3A_882 : i32
        %swap3A_884 = arith.index_cast %add3A_883 : i32 to index
        %swap3A_885 = tpu.vector_load %arg17[%swap3A_884] {strides = array<i32>} : memref<8192xi32, #tpu.memory_space<vmem>>, vector<16xi32>,
        %swap3A_886 = vector.shape_cast %swap3A_885 : vector<16xi32> to vector<16xi32>
        %swap3A_887 = vector.shape_cast %add3A_879 : vector<16xi32> to vector<16xi32>
        tpu.vector_store %arg17[%swap3A_884], %swap3A_887 {strides = array<i32>} : memref<8192xi32, #tpu.memory_space<vmem>>, vector<16xi32>,
        %slice3A_888 = vector.extract_strided_slice %get3A_226 {offsets = [12], sizes = [1], strides = [1]} : vector<16xf32> to vector<1xf32>
        %squeeze3A_889 = vector.extract %slice3A_888[0] : f32 from vector<1xf32>
        %broadcast_in_dim3A_890 = vector.broadcast %squeeze3A_889 : f32 to vector<16xf32>
        %slice3A_891 = vector.extract_strided_slice %get3A_231 {offsets = [12], sizes = [1], strides = [1]} : vector<16xi32> to vector<1xi32>
        %squeeze3A_892 = vector.extract %slice3A_891[0] : i32 from vector<1xi32>
        %broadcast_in_dim3A_893 = vector.broadcast %squeeze3A_892 : i32 to vector<16xi32>
        %mul3A_894 = arith.constant 32 : i32
        %mul3A_895 = vector.broadcast %mul3A_894 : i32 to vector<16xi32>
        %mul3A_896 = arith.muli %broadcast_in_dim3A_893, %mul3A_895 : vector<16xi32>
        %add3A_897 = arith.addi %mul3A_896, %iota3A : vector<16xi32>
        %mul3A_898 = arith.constant 16 : i32
        %mul3A_899 = arith.muli %scan3A_220, %mul3A_898 : i32
        %add3A_900 = arith.constant 12 : i32
        %add3A_901 = arith.addi %mul3A_899, %add3A_900 : i32
        %get3A_902 = arith.index_cast %add3A_901 : i32 to index
        %get3A_903 = arith.constant 0 : index
        %get3A_904 = tpu.vector_load %arg15[%get3A_902, %get3A_903] {strides = array<i32>} : memref<256x128xf32, #tpu.memory_space<vmem>>, vector<1x16xf32>,
        %get3A_905 = vector.shape_cast %get3A_904 : vector<1x16xf32> to vector<16xf32>
        %mul3A_906 = arith.mulf %get3A_905, %broadcast_in_dim3A_890 : vector<16xf32>
        %mul3A_907 = arith.constant 32 : i32
        %mul3A_908 = arith.muli %add3A_901, %mul3A_907 : i32
        %swap3A_909 = arith.index_cast %mul3A_908 : i32 to index
        %swap3A_910 = tpu.vector_load %arg16[%swap3A_909] {strides = array<i32>} : memref<8192xf32, #tpu.memory_space<vmem>>, vector<16xf32>,
        %swap3A_911 = vector.shape_cast %swap3A_910 : vector<16xf32> to vector<16xf32>
        %swap3A_912 = vector.shape_cast %mul3A_906 : vector<16xf32> to vector<16xf32>
        tpu.vector_store %arg16[%swap3A_909], %swap3A_912 {strides = array<i32>} : memref<8192xf32, #tpu.memory_space<vmem>>, vector<16xf32>,
        %get3A_913 = arith.index_cast %add3A_901 : i32 to index
        %get3A_914 = arith.constant 16 : index
        %get3A_915 = tpu.vector_load %arg15[%get3A_913, %get3A_914] {strides = array<i32>} : memref<256x128xf32, #tpu.memory_space<vmem>>, vector<1x16xf32>,
        %get3A_916 = vector.shape_cast %get3A_915 : vector<1x16xf32> to vector<16xf32>
        %mul3A_917 = arith.mulf %get3A_916, %broadcast_in_dim3A_890 : vector<16xf32>
        %mul3A_918 = arith.constant 32 : i32
        %mul3A_919 = arith.muli %add3A_901, %mul3A_918 : i32
        %add3A_920 = arith.constant 16 : i32
        %add3A_921 = arith.addi %mul3A_919, %add3A_920 : i32
        %swap3A_922 = arith.index_cast %add3A_921 : i32 to index
        %swap3A_923 = tpu.vector_load %arg16[%swap3A_922] {strides = array<i32>} : memref<8192xf32, #tpu.memory_space<vmem>>, vector<16xf32>,
        %swap3A_924 = vector.shape_cast %swap3A_923 : vector<16xf32> to vector<16xf32>
        %swap3A_925 = vector.shape_cast %mul3A_917 : vector<16xf32> to vector<16xf32>
        tpu.vector_store %arg16[%swap3A_922], %swap3A_925 {strides = array<i32>} : memref<8192xf32, #tpu.memory_space<vmem>>, vector<16xf32>,
        %mul3A_926 = arith.constant 32 : i32
        %mul3A_927 = arith.muli %add3A_901, %mul3A_926 : i32
        %swap3A_928 = arith.index_cast %mul3A_927 : i32 to index
        %swap3A_929 = tpu.vector_load %arg17[%swap3A_928] {strides = array<i32>} : memref<8192xi32, #tpu.memory_space<vmem>>, vector<16xi32>,
        %swap3A_930 = vector.shape_cast %swap3A_929 : vector<16xi32> to vector<16xi32>
        %swap3A_931 = vector.shape_cast %add3A_897 : vector<16xi32> to vector<16xi32>
        tpu.vector_store %arg17[%swap3A_928], %swap3A_931 {strides = array<i32>} : memref<8192xi32, #tpu.memory_space<vmem>>, vector<16xi32>,
        %add3A_932 = arith.constant 16 : i32
        %add3A_933 = vector.broadcast %add3A_932 : i32 to vector<16xi32>
        %add3A_934 = arith.addi %add3A_897, %add3A_933 : vector<16xi32>
        %mul3A_935 = arith.constant 32 : i32
        %mul3A_936 = arith.muli %add3A_901, %mul3A_935 : i32
        %add3A_937 = arith.constant 16 : i32
        %add3A_938 = arith.addi %mul3A_936, %add3A_937 : i32
        %swap3A_939 = arith.index_cast %add3A_938 : i32 to index
        %swap3A_940 = tpu.vector_load %arg17[%swap3A_939] {strides = array<i32>} : memref<8192xi32, #tpu.memory_space<vmem>>, vector<16xi32>,
        %swap3A_941 = vector.shape_cast %swap3A_940 : vector<16xi32> to vector<16xi32>
        %swap3A_942 = vector.shape_cast %add3A_934 : vector<16xi32> to vector<16xi32>
        tpu.vector_store %arg17[%swap3A_939], %swap3A_942 {strides = array<i32>} : memref<8192xi32, #tpu.memory_space<vmem>>, vector<16xi32>,
        %slice3A_943 = vector.extract_strided_slice %get3A_226 {offsets = [13], sizes = [1], strides = [1]} : vector<16xf32> to vector<1xf32>
        %squeeze3A_944 = vector.extract %slice3A_943[0] : f32 from vector<1xf32>
        %broadcast_in_dim3A_945 = vector.broadcast %squeeze3A_944 : f32 to vector<16xf32>
        %slice3A_946 = vector.extract_strided_slice %get3A_231 {offsets = [13], sizes = [1], strides = [1]} : vector<16xi32> to vector<1xi32>
        %squeeze3A_947 = vector.extract %slice3A_946[0] : i32 from vector<1xi32>
        %broadcast_in_dim3A_948 = vector.broadcast %squeeze3A_947 : i32 to vector<16xi32>
        %mul3A_949 = arith.constant 32 : i32
        %mul3A_950 = vector.broadcast %mul3A_949 : i32 to vector<16xi32>
        %mul3A_951 = arith.muli %broadcast_in_dim3A_948, %mul3A_950 : vector<16xi32>
        %add3A_952 = arith.addi %mul3A_951, %iota3A : vector<16xi32>
        %mul3A_953 = arith.constant 16 : i32
        %mul3A_954 = arith.muli %scan3A_220, %mul3A_953 : i32
        %add3A_955 = arith.constant 13 : i32
        %add3A_956 = arith.addi %mul3A_954, %add3A_955 : i32
        %get3A_957 = arith.index_cast %add3A_956 : i32 to index
        %get3A_958 = arith.constant 0 : index
        %get3A_959 = tpu.vector_load %arg15[%get3A_957, %get3A_958] {strides = array<i32>} : memref<256x128xf32, #tpu.memory_space<vmem>>, vector<1x16xf32>,
        %get3A_960 = vector.shape_cast %get3A_959 : vector<1x16xf32> to vector<16xf32>
        %mul3A_961 = arith.mulf %get3A_960, %broadcast_in_dim3A_945 : vector<16xf32>
        %mul3A_962 = arith.constant 32 : i32
        %mul3A_963 = arith.muli %add3A_956, %mul3A_962 : i32
        %swap3A_964 = arith.index_cast %mul3A_963 : i32 to index
        %swap3A_965 = tpu.vector_load %arg16[%swap3A_964] {strides = array<i32>} : memref<8192xf32, #tpu.memory_space<vmem>>, vector<16xf32>,
        %swap3A_966 = vector.shape_cast %swap3A_965 : vector<16xf32> to vector<16xf32>
        %swap3A_967 = vector.shape_cast %mul3A_961 : vector<16xf32> to vector<16xf32>
        tpu.vector_store %arg16[%swap3A_964], %swap3A_967 {strides = array<i32>} : memref<8192xf32, #tpu.memory_space<vmem>>, vector<16xf32>,
        %get3A_968 = arith.index_cast %add3A_956 : i32 to index
        %get3A_969 = arith.constant 16 : index
        %get3A_970 = tpu.vector_load %arg15[%get3A_968, %get3A_969] {strides = array<i32>} : memref<256x128xf32, #tpu.memory_space<vmem>>, vector<1x16xf32>,
        %get3A_971 = vector.shape_cast %get3A_970 : vector<1x16xf32> to vector<16xf32>
        %mul3A_972 = arith.mulf %get3A_971, %broadcast_in_dim3A_945 : vector<16xf32>
        %mul3A_973 = arith.constant 32 : i32
        %mul3A_974 = arith.muli %add3A_956, %mul3A_973 : i32
        %add3A_975 = arith.constant 16 : i32
        %add3A_976 = arith.addi %mul3A_974, %add3A_975 : i32
        %swap3A_977 = arith.index_cast %add3A_976 : i32 to index
        %swap3A_978 = tpu.vector_load %arg16[%swap3A_977] {strides = array<i32>} : memref<8192xf32, #tpu.memory_space<vmem>>, vector<16xf32>,
        %swap3A_979 = vector.shape_cast %swap3A_978 : vector<16xf32> to vector<16xf32>
        %swap3A_980 = vector.shape_cast %mul3A_972 : vector<16xf32> to vector<16xf32>
        tpu.vector_store %arg16[%swap3A_977], %swap3A_980 {strides = array<i32>} : memref<8192xf32, #tpu.memory_space<vmem>>, vector<16xf32>,
        %mul3A_981 = arith.constant 32 : i32
        %mul3A_982 = arith.muli %add3A_956, %mul3A_981 : i32
        %swap3A_983 = arith.index_cast %mul3A_982 : i32 to index
        %swap3A_984 = tpu.vector_load %arg17[%swap3A_983] {strides = array<i32>} : memref<8192xi32, #tpu.memory_space<vmem>>, vector<16xi32>,
        %swap3A_985 = vector.shape_cast %swap3A_984 : vector<16xi32> to vector<16xi32>
        %swap3A_986 = vector.shape_cast %add3A_952 : vector<16xi32> to vector<16xi32>
        tpu.vector_store %arg17[%swap3A_983], %swap3A_986 {strides = array<i32>} : memref<8192xi32, #tpu.memory_space<vmem>>, vector<16xi32>,
        %add3A_987 = arith.constant 16 : i32
        %add3A_988 = vector.broadcast %add3A_987 : i32 to vector<16xi32>
        %add3A_989 = arith.addi %add3A_952, %add3A_988 : vector<16xi32>
        %mul3A_990 = arith.constant 32 : i32
        %mul3A_991 = arith.muli %add3A_956, %mul3A_990 : i32
        %add3A_992 = arith.constant 16 : i32
        %add3A_993 = arith.addi %mul3A_991, %add3A_992 : i32
        %swap3A_994 = arith.index_cast %add3A_993 : i32 to index
        %swap3A_995 = tpu.vector_load %arg17[%swap3A_994] {strides = array<i32>} : memref<8192xi32, #tpu.memory_space<vmem>>, vector<16xi32>,
        %swap3A_996 = vector.shape_cast %swap3A_995 : vector<16xi32> to vector<16xi32>
        %swap3A_997 = vector.shape_cast %add3A_989 : vector<16xi32> to vector<16xi32>
        tpu.vector_store %arg17[%swap3A_994], %swap3A_997 {strides = array<i32>} : memref<8192xi32, #tpu.memory_space<vmem>>, vector<16xi32>,
        %slice3A_998 = vector.extract_strided_slice %get3A_226 {offsets = [14], sizes = [1], strides = [1]} : vector<16xf32> to vector<1xf32>
        %squeeze3A_999 = vector.extract %slice3A_998[0] : f32 from vector<1xf32>
        %broadcast_in_dim3A_1000 = vector.broadcast %squeeze3A_999 : f32 to vector<16xf32>
        %slice3A_1001 = vector.extract_strided_slice %get3A_231 {offsets = [14], sizes = [1], strides = [1]} : vector<16xi32> to vector<1xi32>
        %squeeze3A_1002 = vector.extract %slice3A_1001[0] : i32 from vector<1xi32>
        %broadcast_in_dim3A_1003 = vector.broadcast %squeeze3A_1002 : i32 to vector<16xi32>
        %mul3A_1004 = arith.constant 32 : i32
        %mul3A_1005 = vector.broadcast %mul3A_1004 : i32 to vector<16xi32>
        %mul3A_1006 = arith.muli %broadcast_in_dim3A_1003, %mul3A_1005 : vector<16xi32>
        %add3A_1007 = arith.addi %mul3A_1006, %iota3A : vector<16xi32>
        %mul3A_1008 = arith.constant 16 : i32
        %mul3A_1009 = arith.muli %scan3A_220, %mul3A_1008 : i32
        %add3A_1010 = arith.constant 14 : i32
        %add3A_1011 = arith.addi %mul3A_1009, %add3A_1010 : i32
        %get3A_1012 = arith.index_cast %add3A_1011 : i32 to index
        %get3A_1013 = arith.constant 0 : index
        %get3A_1014 = tpu.vector_load %arg15[%get3A_1012, %get3A_1013] {strides = array<i32>} : memref<256x128xf32, #tpu.memory_space<vmem>>, vector<1x16xf32>,
        %get3A_1015 = vector.shape_cast %get3A_1014 : vector<1x16xf32> to vector<16xf32>
        %mul3A_1016 = arith.mulf %get3A_1015, %broadcast_in_dim3A_1000 : vector<16xf32>
        %mul3A_1017 = arith.constant 32 : i32
        %mul3A_1018 = arith.muli %add3A_1011, %mul3A_1017 : i32
        %swap3A_1019 = arith.index_cast %mul3A_1018 : i32 to index
        %swap3A_1020 = tpu.vector_load %arg16[%swap3A_1019] {strides = array<i32>} : memref<8192xf32, #tpu.memory_space<vmem>>, vector<16xf32>,
        %swap3A_1021 = vector.shape_cast %swap3A_1020 : vector<16xf32> to vector<16xf32>
        %swap3A_1022 = vector.shape_cast %mul3A_1016 : vector<16xf32> to vector<16xf32>
        tpu.vector_store %arg16[%swap3A_1019], %swap3A_1022 {strides = array<i32>} : memref<8192xf32, #tpu.memory_space<vmem>>, vector<16xf32>,
        %get3A_1023 = arith.index_cast %add3A_1011 : i32 to index
        %get3A_1024 = arith.constant 16 : index
        %get3A_1025 = tpu.vector_load %arg15[%get3A_1023, %get3A_1024] {strides = array<i32>} : memref<256x128xf32, #tpu.memory_space<vmem>>, vector<1x16xf32>,
        %get3A_1026 = vector.shape_cast %get3A_1025 : vector<1x16xf32> to vector<16xf32>
        %mul3A_1027 = arith.mulf %get3A_1026, %broadcast_in_dim3A_1000 : vector<16xf32>
        %mul3A_1028 = arith.constant 32 : i32
        %mul3A_1029 = arith.muli %add3A_1011, %mul3A_1028 : i32
        %add3A_1030 = arith.constant 16 : i32
        %add3A_1031 = arith.addi %mul3A_1029, %add3A_1030 : i32
        %swap3A_1032 = arith.index_cast %add3A_1031 : i32 to index
        %swap3A_1033 = tpu.vector_load %arg16[%swap3A_1032] {strides = array<i32>} : memref<8192xf32, #tpu.memory_space<vmem>>, vector<16xf32>,
        %swap3A_1034 = vector.shape_cast %swap3A_1033 : vector<16xf32> to vector<16xf32>
        %swap3A_1035 = vector.shape_cast %mul3A_1027 : vector<16xf32> to vector<16xf32>
        tpu.vector_store %arg16[%swap3A_1032], %swap3A_1035 {strides = array<i32>} : memref<8192xf32, #tpu.memory_space<vmem>>, vector<16xf32>,
        %mul3A_1036 = arith.constant 32 : i32
        %mul3A_1037 = arith.muli %add3A_1011, %mul3A_1036 : i32
        %swap3A_1038 = arith.index_cast %mul3A_1037 : i32 to index
        %swap3A_1039 = tpu.vector_load %arg17[%swap3A_1038] {strides = array<i32>} : memref<8192xi32, #tpu.memory_space<vmem>>, vector<16xi32>,
        %swap3A_1040 = vector.shape_cast %swap3A_1039 : vector<16xi32> to vector<16xi32>
        %swap3A_1041 = vector.shape_cast %add3A_1007 : vector<16xi32> to vector<16xi32>
        tpu.vector_store %arg17[%swap3A_1038], %swap3A_1041 {strides = array<i32>} : memref<8192xi32, #tpu.memory_space<vmem>>, vector<16xi32>,
        %add3A_1042 = arith.constant 16 : i32
        %add3A_1043 = vector.broadcast %add3A_1042 : i32 to vector<16xi32>
        %add3A_1044 = arith.addi %add3A_1007, %add3A_1043 : vector<16xi32>
        %mul3A_1045 = arith.constant 32 : i32
        %mul3A_1046 = arith.muli %add3A_1011, %mul3A_1045 : i32
        %add3A_1047 = arith.constant 16 : i32
        %add3A_1048 = arith.addi %mul3A_1046, %add3A_1047 : i32
        %swap3A_1049 = arith.index_cast %add3A_1048 : i32 to index
        %swap3A_1050 = tpu.vector_load %arg17[%swap3A_1049] {strides = array<i32>} : memref<8192xi32, #tpu.memory_space<vmem>>, vector<16xi32>,
        %swap3A_1051 = vector.shape_cast %swap3A_1050 : vector<16xi32> to vector<16xi32>
        %swap3A_1052 = vector.shape_cast %add3A_1044 : vector<16xi32> to vector<16xi32>
        tpu.vector_store %arg17[%swap3A_1049], %swap3A_1052 {strides = array<i32>} : memref<8192xi32, #tpu.memory_space<vmem>>, vector<16xi32>,
        %slice3A_1053 = vector.extract_strided_slice %get3A_226 {offsets = [15], sizes = [1], strides = [1]} : vector<16xf32> to vector<1xf32>
        %squeeze3A_1054 = vector.extract %slice3A_1053[0] : f32 from vector<1xf32>
        %broadcast_in_dim3A_1055 = vector.broadcast %squeeze3A_1054 : f32 to vector<16xf32>
        %slice3A_1056 = vector.extract_strided_slice %get3A_231 {offsets = [15], sizes = [1], strides = [1]} : vector<16xi32> to vector<1xi32>
        %squeeze3A_1057 = vector.extract %slice3A_1056[0] : i32 from vector<1xi32>
        %broadcast_in_dim3A_1058 = vector.broadcast %squeeze3A_1057 : i32 to vector<16xi32>
        %mul3A_1059 = arith.constant 32 : i32
        %mul3A_1060 = vector.broadcast %mul3A_1059 : i32 to vector<16xi32>
        %mul3A_1061 = arith.muli %broadcast_in_dim3A_1058, %mul3A_1060 : vector<16xi32>
        %add3A_1062 = arith.addi %mul3A_1061, %iota3A : vector<16xi32>
        %mul3A_1063 = arith.constant 16 : i32
        %mul3A_1064 = arith.muli %scan3A_220, %mul3A_1063 : i32
        %add3A_1065 = arith.constant 15 : i32
        %add3A_1066 = arith.addi %mul3A_1064, %add3A_1065 : i32
        %get3A_1067 = arith.index_cast %add3A_1066 : i32 to index
        %get3A_1068 = arith.constant 0 : index
        %get3A_1069 = tpu.vector_load %arg15[%get3A_1067, %get3A_1068] {strides = array<i32>} : memref<256x128xf32, #tpu.memory_space<vmem>>, vector<1x16xf32>,
        %get3A_1070 = vector.shape_cast %get3A_1069 : vector<1x16xf32> to vector<16xf32>
        %mul3A_1071 = arith.mulf %get3A_1070, %broadcast_in_dim3A_1055 : vector<16xf32>
        %mul3A_1072 = arith.constant 32 : i32
        %mul3A_1073 = arith.muli %add3A_1066, %mul3A_1072 : i32
        %swap3A_1074 = arith.index_cast %mul3A_1073 : i32 to index
        %swap3A_1075 = tpu.vector_load %arg16[%swap3A_1074] {strides = array<i32>} : memref<8192xf32, #tpu.memory_space<vmem>>, vector<16xf32>,
        %swap3A_1076 = vector.shape_cast %swap3A_1075 : vector<16xf32> to vector<16xf32>
        %swap3A_1077 = vector.shape_cast %mul3A_1071 : vector<16xf32> to vector<16xf32>
        tpu.vector_store %arg16[%swap3A_1074], %swap3A_1077 {strides = array<i32>} : memref<8192xf32, #tpu.memory_space<vmem>>, vector<16xf32>,
        %get3A_1078 = arith.index_cast %add3A_1066 : i32 to index
        %get3A_1079 = arith.constant 16 : index
        %get3A_1080 = tpu.vector_load %arg15[%get3A_1078, %get3A_1079] {strides = array<i32>} : memref<256x128xf32, #tpu.memory_space<vmem>>, vector<1x16xf32>,
        %get3A_1081 = vector.shape_cast %get3A_1080 : vector<1x16xf32> to vector<16xf32>
        %mul3A_1082 = arith.mulf %get3A_1081, %broadcast_in_dim3A_1055 : vector<16xf32>
        %mul3A_1083 = arith.constant 32 : i32
        %mul3A_1084 = arith.muli %add3A_1066, %mul3A_1083 : i32
        %add3A_1085 = arith.constant 16 : i32
        %add3A_1086 = arith.addi %mul3A_1084, %add3A_1085 : i32
        %swap3A_1087 = arith.index_cast %add3A_1086 : i32 to index
        %swap3A_1088 = tpu.vector_load %arg16[%swap3A_1087] {strides = array<i32>} : memref<8192xf32, #tpu.memory_space<vmem>>, vector<16xf32>,
        %swap3A_1089 = vector.shape_cast %swap3A_1088 : vector<16xf32> to vector<16xf32>
        %swap3A_1090 = vector.shape_cast %mul3A_1082 : vector<16xf32> to vector<16xf32>
        tpu.vector_store %arg16[%swap3A_1087], %swap3A_1090 {strides = array<i32>} : memref<8192xf32, #tpu.memory_space<vmem>>, vector<16xf32>,
        %mul3A_1091 = arith.constant 32 : i32
        %mul3A_1092 = arith.muli %add3A_1066, %mul3A_1091 : i32
        %swap3A_1093 = arith.index_cast %mul3A_1092 : i32 to index
        %swap3A_1094 = tpu.vector_load %arg17[%swap3A_1093] {strides = array<i32>} : memref<8192xi32, #tpu.memory_space<vmem>>, vector<16xi32>,
        %swap3A_1095 = vector.shape_cast %swap3A_1094 : vector<16xi32> to vector<16xi32>
        %swap3A_1096 = vector.shape_cast %add3A_1062 : vector<16xi32> to vector<16xi32>
        tpu.vector_store %arg17[%swap3A_1093], %swap3A_1096 {strides = array<i32>} : memref<8192xi32, #tpu.memory_space<vmem>>, vector<16xi32>,
        %add3A_1097 = arith.constant 16 : i32
        %add3A_1098 = vector.broadcast %add3A_1097 : i32 to vector<16xi32>
        %add3A_1099 = arith.addi %add3A_1062, %add3A_1098 : vector<16xi32>
        %mul3A_1100 = arith.constant 32 : i32
        %mul3A_1101 = arith.muli %add3A_1066, %mul3A_1100 : i32
        %add3A_1102 = arith.constant 16 : i32
        %add3A_1103 = arith.addi %mul3A_1101, %add3A_1102 : i32
        %swap3A_1104 = arith.index_cast %add3A_1103 : i32 to index
        %swap3A_1105 = tpu.vector_load %arg17[%swap3A_1104] {strides = array<i32>} : memref<8192xi32, #tpu.memory_space<vmem>>, vector<16xi32>,
        %swap3A_1106 = vector.shape_cast %swap3A_1105 : vector<16xi32> to vector<16xi32>
        %swap3A_1107 = vector.shape_cast %add3A_1099 : vector<16xi32> to vector<16xi32>
        tpu.vector_store %arg17[%swap3A_1104], %swap3A_1107 {strides = array<i32>} : memref<8192xi32, #tpu.memory_space<vmem>>, vector<16xi32>,
        %scan3A_1108 = arith.constant 0 : i32
        scf.yield %scan3A_1108 : i32
      }
      %scan3A_218 = arith.constant 16 : i32
      "tpu.region"() ({
        %run_scoped3A = tpu.sem_alloc : memref<!tpu.dma_semaphore, #tpu.memory_space<semaphore_mem>>
        %dma_start3A = arith.constant 0 : i32
        %dma_start3A_220 = tpu.memref_slice %arg23[%dma_start3A] : memref<811008xf32, #tpu.memory_space<vmem_shared>> -> memref<811008xf32, #tpu.memory_space<vmem_shared>>
        tpu.enqueue_indirect_dma source(%arg16 : memref<8192xf32, #tpu.memory_space<vmem>>) target(%dma_start3A_220 : memref<811008xf32, #tpu.memory_space<vmem_shared>>) offsets(%arg17 : memref<8192xi32, #tpu.memory_space<vmem>>) semaphore(%run_scoped3A : memref<!tpu.dma_semaphore, #tpu.memory_space<semaphore_mem>>) {add = true}
        %dma_wait3A = arith.constant 0 : i32
        %dma_wait3A_221 = tpu.memref_slice %arg23[%dma_wait3A] : memref<811008xf32, #tpu.memory_space<vmem_shared>> -> memref<811008xf32, #tpu.memory_space<vmem_shared>>
        tpu.wait_indirect_dma semaphore(%run_scoped3A : memref<!tpu.dma_semaphore, #tpu.memory_space<semaphore_mem>>) src(%arg16 : memref<8192xf32, #tpu.memory_space<vmem>>) dst(%dma_wait3A_221 : memref<811008xf32, #tpu.memory_space<vmem_shared>>)
        tpu.yield
      }) : () -> ()
      "tpu.region"() ({
        %run_scoped3A = tpu.sem_alloc : memref<!tpu.dma_semaphore, #tpu.memory_space<semaphore_mem>>
        %dma_start3A = arith.constant 0 : i32
        %dma_start3A_220 = tpu.memref_slice %arg24[%dma_start3A] : memref<25344xf32, #tpu.memory_space<vmem_shared>> -> memref<25344xf32, #tpu.memory_space<vmem_shared>>
        tpu.enqueue_indirect_dma source(%arg18 : memref<256xf32, #tpu.memory_space<vmem>>) target(%dma_start3A_220 : memref<25344xf32, #tpu.memory_space<vmem_shared>>) offsets(%arg12 : memref<256xi32, #tpu.memory_space<vmem>>) semaphore(%run_scoped3A : memref<!tpu.dma_semaphore, #tpu.memory_space<semaphore_mem>>) {add = true}
        %dma_wait3A = arith.constant 0 : i32
        %dma_wait3A_221 = tpu.memref_slice %arg24[%dma_wait3A] : memref<25344xf32, #tpu.memory_space<vmem_shared>> -> memref<25344xf32, #tpu.memory_space<vmem_shared>>
        tpu.wait_indirect_dma semaphore(%run_scoped3A : memref<!tpu.dma_semaphore, #tpu.memory_space<semaphore_mem>>) src(%arg18 : memref<256xf32, #tpu.memory_space<vmem>>) dst(%dma_wait3A_221 : memref<25344xf32, #tpu.memory_space<vmem_shared>>)
        tpu.yield
      }) : () -> ()
      %scan3A_219 = arith.constant 0 : i32
      scf.yield %scan3A_219 : i32
    }
    %scan3A_112 = arith.constant 196 : i32
    %barrier3A_113 = arith.constant 0 : index
    tpu.barrier barrier_id(%barrier3A_113)
    %mul3A_114 = arith.constant 1584 : i32
    %mul3A_115 = arith.muli %arg1, %mul3A_114 : i32
    %mul3A_116 = arith.constant 50688 : i32
    %mul3A_117 = arith.muli %arg1, %mul3A_116 : i32
    %add3A_118 = arith.constant 0 : i32
    %add3A_119 = arith.addi %mul3A_117, %add3A_118 : i32
    "tpu.region"() ({
      %run_scoped3A = tpu.sem_alloc : memref<!tpu.dma_semaphore, #tpu.memory_space<semaphore_mem>>
      %dma_start3A = arith.constant 0 : i32
      %dma_start3A_198 = tpu.memref_slice %arg16[%dma_start3A] : memref<8192xf32, #tpu.memory_space<vmem>> -> memref<4608xf32, #tpu.memory_space<vmem>>
      %dma_start3A_199 = tpu.memref_slice %arg23[%add3A_119] : memref<811008xf32, #tpu.memory_space<vmem_shared>> -> memref<4608xf32, #tpu.memory_space<vmem_shared>>
      %dma_start3A_200 = arith.constant 0 : i32
      %dma_start3A_201 = tpu.memref_slice %arg16[%dma_start3A_200] : memref<8192xf32, #tpu.memory_space<vmem>> -> memref<4608xf32, #tpu.memory_space<vmem>>
      %dma_start3A_202 = tpu.memref_slice %arg23[%add3A_119] : memref<811008xf32, #tpu.memory_space<vmem_shared>> -> memref<4608xf32, #tpu.memory_space<vmem_shared>>
      tpu.enqueue_dma source(%dma_start3A_202 : memref<4608xf32, #tpu.memory_space<vmem_shared>>) target(%dma_start3A_201 : memref<4608xf32, #tpu.memory_space<vmem>>) target_semaphore(%run_scoped3A : memref<!tpu.dma_semaphore, #tpu.memory_space<semaphore_mem>>)
      %dma_wait3A = arith.constant 0 : i32
      %dma_wait3A_203 = tpu.memref_slice %arg16[%dma_wait3A] : memref<8192xf32, #tpu.memory_space<vmem>> -> memref<4608xf32, #tpu.memory_space<vmem>>
      %dma_wait3A_204 = tpu.memref_slice %arg23[%add3A_119] : memref<811008xf32, #tpu.memory_space<vmem_shared>> -> memref<4608xf32, #tpu.memory_space<vmem_shared>>
      %dma_wait3A_205 = arith.constant 0 : i32
      %dma_wait3A_206 = tpu.memref_slice %arg16[%dma_wait3A_205] : memref<8192xf32, #tpu.memory_space<vmem>> -> memref<4608xf32, #tpu.memory_space<vmem>>
      %dma_wait3A_207 = tpu.memref_slice %arg23[%add3A_119] : memref<811008xf32, #tpu.memory_space<vmem_shared>> -> memref<4608xf32, #tpu.memory_space<vmem_shared>>
      tpu.wait_dma2 semaphore(%run_scoped3A : memref<!tpu.dma_semaphore, #tpu.memory_space<semaphore_mem>>) src(%dma_wait3A_207 : memref<4608xf32, #tpu.memory_space<vmem_shared>>) dst(%dma_wait3A_206 : memref<4608xf32, #tpu.memory_space<vmem>>)
      tpu.yield
    }) : () -> ()
    %mul3A_120 = arith.constant 25344 : i32
    %mul3A_121 = arith.muli %arg0, %mul3A_120 : i32
    %mul3A_122 = arith.constant 32 : i32
    %mul3A_123 = arith.muli %mul3A_121, %mul3A_122 : i32
    %add3A_124 = arith.addi %mul3A_123, %add3A_119 : i32
    "tpu.region"() ({
      %run_scoped3A = tpu.sem_alloc : memref<!tpu.dma_semaphore, #tpu.memory_space<semaphore_mem>>
      %dma_start3A = arith.constant 0 : i32
      %dma_start3A_198 = tpu.memref_slice %arg16[%dma_start3A] : memref<8192xf32, #tpu.memory_space<vmem>> -> memref<4608xf32, #tpu.memory_space<vmem>>
      %dma_start3A_199 = tpu.memref_slice %arg8[%add3A_124] : memref<1622016xf32, #tpu.memory_space<hbm>> -> memref<4608xf32, #tpu.memory_space<hbm>>
      %dma_start3A_200 = tpu.memref_slice %arg8[%add3A_124] : memref<1622016xf32, #tpu.memory_space<hbm>> -> memref<4608xf32, #tpu.memory_space<hbm>>
      %dma_start3A_201 = arith.constant 0 : i32
      %dma_start3A_202 = tpu.memref_slice %arg16[%dma_start3A_201] : memref<8192xf32, #tpu.memory_space<vmem>> -> memref<4608xf32, #tpu.memory_space<vmem>>
      tpu.enqueue_dma source(%dma_start3A_202 : memref<4608xf32, #tpu.memory_space<vmem>>) target(%dma_start3A_200 : memref<4608xf32, #tpu.memory_space<hbm>>) target_semaphore(%run_scoped3A : memref<!tpu.dma_semaphore, #tpu.memory_space<semaphore_mem>>)
      %dma_wait3A = arith.constant 0 : i32
      %dma_wait3A_203 = tpu.memref_slice %arg16[%dma_wait3A] : memref<8192xf32, #tpu.memory_space<vmem>> -> memref<4608xf32, #tpu.memory_space<vmem>>
      %dma_wait3A_204 = tpu.memref_slice %arg8[%add3A_124] : memref<1622016xf32, #tpu.memory_space<hbm>> -> memref<4608xf32, #tpu.memory_space<hbm>>
      %dma_wait3A_205 = tpu.memref_slice %arg8[%add3A_124] : memref<1622016xf32, #tpu.memory_space<hbm>> -> memref<4608xf32, #tpu.memory_space<hbm>>
      %dma_wait3A_206 = arith.constant 0 : i32
      %dma_wait3A_207 = tpu.memref_slice %arg16[%dma_wait3A_206] : memref<8192xf32, #tpu.memory_space<vmem>> -> memref<4608xf32, #tpu.memory_space<vmem>>
      tpu.wait_dma2 semaphore(%run_scoped3A : memref<!tpu.dma_semaphore, #tpu.memory_space<semaphore_mem>>) src(%dma_wait3A_207 : memref<4608xf32, #tpu.memory_space<vmem>>) dst(%dma_wait3A_205 : memref<4608xf32, #tpu.memory_space<hbm>>)
      tpu.yield
    }) : () -> ()
    %add3A_125 = arith.constant 4608 : i32
    %add3A_126 = arith.addi %mul3A_117, %add3A_125 : i32
    "tpu.region"() ({
      %run_scoped3A = tpu.sem_alloc : memref<!tpu.dma_semaphore, #tpu.memory_space<semaphore_mem>>
      %dma_start3A = arith.constant 0 : i32
      %dma_start3A_198 = tpu.memref_slice %arg16[%dma_start3A] : memref<8192xf32, #tpu.memory_space<vmem>> -> memref<4608xf32, #tpu.memory_space<vmem>>
      %dma_start3A_199 = tpu.memref_slice %arg23[%add3A_126] : memref<811008xf32, #tpu.memory_space<vmem_shared>> -> memref<4608xf32, #tpu.memory_space<vmem_shared>>
      %dma_start3A_200 = arith.constant 0 : i32
      %dma_start3A_201 = tpu.memref_slice %arg16[%dma_start3A_200] : memref<8192xf32, #tpu.memory_space<vmem>> -> memref<4608xf32, #tpu.memory_space<vmem>>
      %dma_start3A_202 = tpu.memref_slice %arg23[%add3A_126] : memref<811008xf32, #tpu.memory_space<vmem_shared>> -> memref<4608xf32, #tpu.memory_space<vmem_shared>>
      tpu.enqueue_dma source(%dma_start3A_202 : memref<4608xf32, #tpu.memory_space<vmem_shared>>) target(%dma_start3A_201 : memref<4608xf32, #tpu.memory_space<vmem>>) target_semaphore(%run_scoped3A : memref<!tpu.dma_semaphore, #tpu.memory_space<semaphore_mem>>)
      %dma_wait3A = arith.constant 0 : i32
      %dma_wait3A_203 = tpu.memref_slice %arg16[%dma_wait3A] : memref<8192xf32, #tpu.memory_space<vmem>> -> memref<4608xf32, #tpu.memory_space<vmem>>
      %dma_wait3A_204 = tpu.memref_slice %arg23[%add3A_126] : memref<811008xf32, #tpu.memory_space<vmem_shared>> -> memref<4608xf32, #tpu.memory_space<vmem_shared>>
      %dma_wait3A_205 = arith.constant 0 : i32
      %dma_wait3A_206 = tpu.memref_slice %arg16[%dma_wait3A_205] : memref<8192xf32, #tpu.memory_space<vmem>> -> memref<4608xf32, #tpu.memory_space<vmem>>
      %dma_wait3A_207 = tpu.memref_slice %arg23[%add3A_126] : memref<811008xf32, #tpu.memory_space<vmem_shared>> -> memref<4608xf32, #tpu.memory_space<vmem_shared>>
      tpu.wait_dma2 semaphore(%run_scoped3A : memref<!tpu.dma_semaphore, #tpu.memory_space<semaphore_mem>>) src(%dma_wait3A_207 : memref<4608xf32, #tpu.memory_space<vmem_shared>>) dst(%dma_wait3A_206 : memref<4608xf32, #tpu.memory_space<vmem>>)
      tpu.yield
    }) : () -> ()
    %mul3A_127 = arith.constant 25344 : i32
    %mul3A_128 = arith.muli %arg0, %mul3A_127 : i32
    %mul3A_129 = arith.constant 32 : i32
    %mul3A_130 = arith.muli %mul3A_128, %mul3A_129 : i32
    %add3A_131 = arith.addi %mul3A_130, %add3A_126 : i32
    "tpu.region"() ({
      %run_scoped3A = tpu.sem_alloc : memref<!tpu.dma_semaphore, #tpu.memory_space<semaphore_mem>>
      %dma_start3A = arith.constant 0 : i32
      %dma_start3A_198 = tpu.memref_slice %arg16[%dma_start3A] : memref<8192xf32, #tpu.memory_space<vmem>> -> memref<4608xf32, #tpu.memory_space<vmem>>
      %dma_start3A_199 = tpu.memref_slice %arg8[%add3A_131] : memref<1622016xf32, #tpu.memory_space<hbm>> -> memref<4608xf32, #tpu.memory_space<hbm>>
      %dma_start3A_200 = tpu.memref_slice %arg8[%add3A_131] : memref<1622016xf32, #tpu.memory_space<hbm>> -> memref<4608xf32, #tpu.memory_space<hbm>>
      %dma_start3A_201 = arith.constant 0 : i32
      %dma_start3A_202 = tpu.memref_slice %arg16[%dma_start3A_201] : memref<8192xf32, #tpu.memory_space<vmem>> -> memref<4608xf32, #tpu.memory_space<vmem>>
      tpu.enqueue_dma source(%dma_start3A_202 : memref<4608xf32, #tpu.memory_space<vmem>>) target(%dma_start3A_200 : memref<4608xf32, #tpu.memory_space<hbm>>) target_semaphore(%run_scoped3A : memref<!tpu.dma_semaphore, #tpu.memory_space<semaphore_mem>>)
      %dma_wait3A = arith.constant 0 : i32
      %dma_wait3A_203 = tpu.memref_slice %arg16[%dma_wait3A] : memref<8192xf32, #tpu.memory_space<vmem>> -> memref<4608xf32, #tpu.memory_space<vmem>>
      %dma_wait3A_204 = tpu.memref_slice %arg8[%add3A_131] : memref<1622016xf32, #tpu.memory_space<hbm>> -> memref<4608xf32, #tpu.memory_space<hbm>>
      %dma_wait3A_205 = tpu.memref_slice %arg8[%add3A_131] : memref<1622016xf32, #tpu.memory_space<hbm>> -> memref<4608xf32, #tpu.memory_space<hbm>>
      %dma_wait3A_206 = arith.constant 0 : i32
      %dma_wait3A_207 = tpu.memref_slice %arg16[%dma_wait3A_206] : memref<8192xf32, #tpu.memory_space<vmem>> -> memref<4608xf32, #tpu.memory_space<vmem>>
      tpu.wait_dma2 semaphore(%run_scoped3A : memref<!tpu.dma_semaphore, #tpu.memory_space<semaphore_mem>>) src(%dma_wait3A_207 : memref<4608xf32, #tpu.memory_space<vmem>>) dst(%dma_wait3A_205 : memref<4608xf32, #tpu.memory_space<hbm>>)
      tpu.yield
    }) : () -> ()
    %add3A_132 = arith.constant 9216 : i32
    %add3A_133 = arith.addi %mul3A_117, %add3A_132 : i32
    "tpu.region"() ({
      %run_scoped3A = tpu.sem_alloc : memref<!tpu.dma_semaphore, #tpu.memory_space<semaphore_mem>>
      %dma_start3A = arith.constant 0 : i32
      %dma_start3A_198 = tpu.memref_slice %arg16[%dma_start3A] : memref<8192xf32, #tpu.memory_space<vmem>> -> memref<4608xf32, #tpu.memory_space<vmem>>
      %dma_start3A_199 = tpu.memref_slice %arg23[%add3A_133] : memref<811008xf32, #tpu.memory_space<vmem_shared>> -> memref<4608xf32, #tpu.memory_space<vmem_shared>>
      %dma_start3A_200 = arith.constant 0 : i32
      %dma_start3A_201 = tpu.memref_slice %arg16[%dma_start3A_200] : memref<8192xf32, #tpu.memory_space<vmem>> -> memref<4608xf32, #tpu.memory_space<vmem>>
      %dma_start3A_202 = tpu.memref_slice %arg23[%add3A_133] : memref<811008xf32, #tpu.memory_space<vmem_shared>> -> memref<4608xf32, #tpu.memory_space<vmem_shared>>
      tpu.enqueue_dma source(%dma_start3A_202 : memref<4608xf32, #tpu.memory_space<vmem_shared>>) target(%dma_start3A_201 : memref<4608xf32, #tpu.memory_space<vmem>>) target_semaphore(%run_scoped3A : memref<!tpu.dma_semaphore, #tpu.memory_space<semaphore_mem>>)
      %dma_wait3A = arith.constant 0 : i32
      %dma_wait3A_203 = tpu.memref_slice %arg16[%dma_wait3A] : memref<8192xf32, #tpu.memory_space<vmem>> -> memref<4608xf32, #tpu.memory_space<vmem>>
      %dma_wait3A_204 = tpu.memref_slice %arg23[%add3A_133] : memref<811008xf32, #tpu.memory_space<vmem_shared>> -> memref<4608xf32, #tpu.memory_space<vmem_shared>>
      %dma_wait3A_205 = arith.constant 0 : i32
      %dma_wait3A_206 = tpu.memref_slice %arg16[%dma_wait3A_205] : memref<8192xf32, #tpu.memory_space<vmem>> -> memref<4608xf32, #tpu.memory_space<vmem>>
      %dma_wait3A_207 = tpu.memref_slice %arg23[%add3A_133] : memref<811008xf32, #tpu.memory_space<vmem_shared>> -> memref<4608xf32, #tpu.memory_space<vmem_shared>>
      tpu.wait_dma2 semaphore(%run_scoped3A : memref<!tpu.dma_semaphore, #tpu.memory_space<semaphore_mem>>) src(%dma_wait3A_207 : memref<4608xf32, #tpu.memory_space<vmem_shared>>) dst(%dma_wait3A_206 : memref<4608xf32, #tpu.memory_space<vmem>>)
      tpu.yield
    }) : () -> ()
    %mul3A_134 = arith.constant 25344 : i32
    %mul3A_135 = arith.muli %arg0, %mul3A_134 : i32
    %mul3A_136 = arith.constant 32 : i32
    %mul3A_137 = arith.muli %mul3A_135, %mul3A_136 : i32
    %add3A_138 = arith.addi %mul3A_137, %add3A_133 : i32
    "tpu.region"() ({
      %run_scoped3A = tpu.sem_alloc : memref<!tpu.dma_semaphore, #tpu.memory_space<semaphore_mem>>
      %dma_start3A = arith.constant 0 : i32
      %dma_start3A_198 = tpu.memref_slice %arg16[%dma_start3A] : memref<8192xf32, #tpu.memory_space<vmem>> -> memref<4608xf32, #tpu.memory_space<vmem>>
      %dma_start3A_199 = tpu.memref_slice %arg8[%add3A_138] : memref<1622016xf32, #tpu.memory_space<hbm>> -> memref<4608xf32, #tpu.memory_space<hbm>>
      %dma_start3A_200 = tpu.memref_slice %arg8[%add3A_138] : memref<1622016xf32, #tpu.memory_space<hbm>> -> memref<4608xf32, #tpu.memory_space<hbm>>
      %dma_start3A_201 = arith.constant 0 : i32
      %dma_start3A_202 = tpu.memref_slice %arg16[%dma_start3A_201] : memref<8192xf32, #tpu.memory_space<vmem>> -> memref<4608xf32, #tpu.memory_space<vmem>>
      tpu.enqueue_dma source(%dma_start3A_202 : memref<4608xf32, #tpu.memory_space<vmem>>) target(%dma_start3A_200 : memref<4608xf32, #tpu.memory_space<hbm>>) target_semaphore(%run_scoped3A : memref<!tpu.dma_semaphore, #tpu.memory_space<semaphore_mem>>)
      %dma_wait3A = arith.constant 0 : i32
      %dma_wait3A_203 = tpu.memref_slice %arg16[%dma_wait3A] : memref<8192xf32, #tpu.memory_space<vmem>> -> memref<4608xf32, #tpu.memory_space<vmem>>
      %dma_wait3A_204 = tpu.memref_slice %arg8[%add3A_138] : memref<1622016xf32, #tpu.memory_space<hbm>> -> memref<4608xf32, #tpu.memory_space<hbm>>
      %dma_wait3A_205 = tpu.memref_slice %arg8[%add3A_138] : memref<1622016xf32, #tpu.memory_space<hbm>> -> memref<4608xf32, #tpu.memory_space<hbm>>
      %dma_wait3A_206 = arith.constant 0 : i32
      %dma_wait3A_207 = tpu.memref_slice %arg16[%dma_wait3A_206] : memref<8192xf32, #tpu.memory_space<vmem>> -> memref<4608xf32, #tpu.memory_space<vmem>>
      tpu.wait_dma2 semaphore(%run_scoped3A : memref<!tpu.dma_semaphore, #tpu.memory_space<semaphore_mem>>) src(%dma_wait3A_207 : memref<4608xf32, #tpu.memory_space<vmem>>) dst(%dma_wait3A_205 : memref<4608xf32, #tpu.memory_space<hbm>>)
      tpu.yield
    }) : () -> ()
    %add3A_139 = arith.constant 13824 : i32
    %add3A_140 = arith.addi %mul3A_117, %add3A_139 : i32
    "tpu.region"() ({
      %run_scoped3A = tpu.sem_alloc : memref<!tpu.dma_semaphore, #tpu.memory_space<semaphore_mem>>
      %dma_start3A = arith.constant 0 : i32
      %dma_start3A_198 = tpu.memref_slice %arg16[%dma_start3A] : memref<8192xf32, #tpu.memory_space<vmem>> -> memref<4608xf32, #tpu.memory_space<vmem>>
      %dma_start3A_199 = tpu.memref_slice %arg23[%add3A_140] : memref<811008xf32, #tpu.memory_space<vmem_shared>> -> memref<4608xf32, #tpu.memory_space<vmem_shared>>
      %dma_start3A_200 = arith.constant 0 : i32
      %dma_start3A_201 = tpu.memref_slice %arg16[%dma_start3A_200] : memref<8192xf32, #tpu.memory_space<vmem>> -> memref<4608xf32, #tpu.memory_space<vmem>>
      %dma_start3A_202 = tpu.memref_slice %arg23[%add3A_140] : memref<811008xf32, #tpu.memory_space<vmem_shared>> -> memref<4608xf32, #tpu.memory_space<vmem_shared>>
      tpu.enqueue_dma source(%dma_start3A_202 : memref<4608xf32, #tpu.memory_space<vmem_shared>>) target(%dma_start3A_201 : memref<4608xf32, #tpu.memory_space<vmem>>) target_semaphore(%run_scoped3A : memref<!tpu.dma_semaphore, #tpu.memory_space<semaphore_mem>>)
      %dma_wait3A = arith.constant 0 : i32
      %dma_wait3A_203 = tpu.memref_slice %arg16[%dma_wait3A] : memref<8192xf32, #tpu.memory_space<vmem>> -> memref<4608xf32, #tpu.memory_space<vmem>>
      %dma_wait3A_204 = tpu.memref_slice %arg23[%add3A_140] : memref<811008xf32, #tpu.memory_space<vmem_shared>> -> memref<4608xf32, #tpu.memory_space<vmem_shared>>
      %dma_wait3A_205 = arith.constant 0 : i32
      %dma_wait3A_206 = tpu.memref_slice %arg16[%dma_wait3A_205] : memref<8192xf32, #tpu.memory_space<vmem>> -> memref<4608xf32, #tpu.memory_space<vmem>>
      %dma_wait3A_207 = tpu.memref_slice %arg23[%add3A_140] : memref<811008xf32, #tpu.memory_space<vmem_shared>> -> memref<4608xf32, #tpu.memory_space<vmem_shared>>
      tpu.wait_dma2 semaphore(%run_scoped3A : memref<!tpu.dma_semaphore, #tpu.memory_space<semaphore_mem>>) src(%dma_wait3A_207 : memref<4608xf32, #tpu.memory_space<vmem_shared>>) dst(%dma_wait3A_206 : memref<4608xf32, #tpu.memory_space<vmem>>)
      tpu.yield
    }) : () -> ()
    %mul3A_141 = arith.constant 25344 : i32
    %mul3A_142 = arith.muli %arg0, %mul3A_141 : i32
    %mul3A_143 = arith.constant 32 : i32
    %mul3A_144 = arith.muli %mul3A_142, %mul3A_143 : i32
    %add3A_145 = arith.addi %mul3A_144, %add3A_140 : i32
    "tpu.region"() ({
      %run_scoped3A = tpu.sem_alloc : memref<!tpu.dma_semaphore, #tpu.memory_space<semaphore_mem>>
      %dma_start3A = arith.constant 0 : i32
      %dma_start3A_198 = tpu.memref_slice %arg16[%dma_start3A] : memref<8192xf32, #tpu.memory_space<vmem>> -> memref<4608xf32, #tpu.memory_space<vmem>>
      %dma_start3A_199 = tpu.memref_slice %arg8[%add3A_145] : memref<1622016xf32, #tpu.memory_space<hbm>> -> memref<4608xf32, #tpu.memory_space<hbm>>
      %dma_start3A_200 = tpu.memref_slice %arg8[%add3A_145] : memref<1622016xf32, #tpu.memory_space<hbm>> -> memref<4608xf32, #tpu.memory_space<hbm>>
      %dma_start3A_201 = arith.constant 0 : i32
      %dma_start3A_202 = tpu.memref_slice %arg16[%dma_start3A_201] : memref<8192xf32, #tpu.memory_space<vmem>> -> memref<4608xf32, #tpu.memory_space<vmem>>
      tpu.enqueue_dma source(%dma_start3A_202 : memref<4608xf32, #tpu.memory_space<vmem>>) target(%dma_start3A_200 : memref<4608xf32, #tpu.memory_space<hbm>>) target_semaphore(%run_scoped3A : memref<!tpu.dma_semaphore, #tpu.memory_space<semaphore_mem>>)
      %dma_wait3A = arith.constant 0 : i32
      %dma_wait3A_203 = tpu.memref_slice %arg16[%dma_wait3A] : memref<8192xf32, #tpu.memory_space<vmem>> -> memref<4608xf32, #tpu.memory_space<vmem>>
      %dma_wait3A_204 = tpu.memref_slice %arg8[%add3A_145] : memref<1622016xf32, #tpu.memory_space<hbm>> -> memref<4608xf32, #tpu.memory_space<hbm>>
      %dma_wait3A_205 = tpu.memref_slice %arg8[%add3A_145] : memref<1622016xf32, #tpu.memory_space<hbm>> -> memref<4608xf32, #tpu.memory_space<hbm>>
      %dma_wait3A_206 = arith.constant 0 : i32
      %dma_wait3A_207 = tpu.memref_slice %arg16[%dma_wait3A_206] : memref<8192xf32, #tpu.memory_space<vmem>> -> memref<4608xf32, #tpu.memory_space<vmem>>
      tpu.wait_dma2 semaphore(%run_scoped3A : memref<!tpu.dma_semaphore, #tpu.memory_space<semaphore_mem>>) src(%dma_wait3A_207 : memref<4608xf32, #tpu.memory_space<vmem>>) dst(%dma_wait3A_205 : memref<4608xf32, #tpu.memory_space<hbm>>)
      tpu.yield
    }) : () -> ()
    %add3A_146 = arith.constant 18432 : i32
    %add3A_147 = arith.addi %mul3A_117, %add3A_146 : i32
    "tpu.region"() ({
      %run_scoped3A = tpu.sem_alloc : memref<!tpu.dma_semaphore, #tpu.memory_space<semaphore_mem>>
      %dma_start3A = arith.constant 0 : i32
      %dma_start3A_198 = tpu.memref_slice %arg16[%dma_start3A] : memref<8192xf32, #tpu.memory_space<vmem>> -> memref<4608xf32, #tpu.memory_space<vmem>>
      %dma_start3A_199 = tpu.memref_slice %arg23[%add3A_147] : memref<811008xf32, #tpu.memory_space<vmem_shared>> -> memref<4608xf32, #tpu.memory_space<vmem_shared>>
      %dma_start3A_200 = arith.constant 0 : i32
      %dma_start3A_201 = tpu.memref_slice %arg16[%dma_start3A_200] : memref<8192xf32, #tpu.memory_space<vmem>> -> memref<4608xf32, #tpu.memory_space<vmem>>
      %dma_start3A_202 = tpu.memref_slice %arg23[%add3A_147] : memref<811008xf32, #tpu.memory_space<vmem_shared>> -> memref<4608xf32, #tpu.memory_space<vmem_shared>>
      tpu.enqueue_dma source(%dma_start3A_202 : memref<4608xf32, #tpu.memory_space<vmem_shared>>) target(%dma_start3A_201 : memref<4608xf32, #tpu.memory_space<vmem>>) target_semaphore(%run_scoped3A : memref<!tpu.dma_semaphore, #tpu.memory_space<semaphore_mem>>)
      %dma_wait3A = arith.constant 0 : i32
      %dma_wait3A_203 = tpu.memref_slice %arg16[%dma_wait3A] : memref<8192xf32, #tpu.memory_space<vmem>> -> memref<4608xf32, #tpu.memory_space<vmem>>
      %dma_wait3A_204 = tpu.memref_slice %arg23[%add3A_147] : memref<811008xf32, #tpu.memory_space<vmem_shared>> -> memref<4608xf32, #tpu.memory_space<vmem_shared>>
      %dma_wait3A_205 = arith.constant 0 : i32
      %dma_wait3A_206 = tpu.memref_slice %arg16[%dma_wait3A_205] : memref<8192xf32, #tpu.memory_space<vmem>> -> memref<4608xf32, #tpu.memory_space<vmem>>
      %dma_wait3A_207 = tpu.memref_slice %arg23[%add3A_147] : memref<811008xf32, #tpu.memory_space<vmem_shared>> -> memref<4608xf32, #tpu.memory_space<vmem_shared>>
      tpu.wait_dma2 semaphore(%run_scoped3A : memref<!tpu.dma_semaphore, #tpu.memory_space<semaphore_mem>>) src(%dma_wait3A_207 : memref<4608xf32, #tpu.memory_space<vmem_shared>>) dst(%dma_wait3A_206 : memref<4608xf32, #tpu.memory_space<vmem>>)
      tpu.yield
    }) : () -> ()
    %mul3A_148 = arith.constant 25344 : i32
    %mul3A_149 = arith.muli %arg0, %mul3A_148 : i32
    %mul3A_150 = arith.constant 32 : i32
    %mul3A_151 = arith.muli %mul3A_149, %mul3A_150 : i32
    %add3A_152 = arith.addi %mul3A_151, %add3A_147 : i32
    "tpu.region"() ({
      %run_scoped3A = tpu.sem_alloc : memref<!tpu.dma_semaphore, #tpu.memory_space<semaphore_mem>>
      %dma_start3A = arith.constant 0 : i32
      %dma_start3A_198 = tpu.memref_slice %arg16[%dma_start3A] : memref<8192xf32, #tpu.memory_space<vmem>> -> memref<4608xf32, #tpu.memory_space<vmem>>
      %dma_start3A_199 = tpu.memref_slice %arg8[%add3A_152] : memref<1622016xf32, #tpu.memory_space<hbm>> -> memref<4608xf32, #tpu.memory_space<hbm>>
      %dma_start3A_200 = tpu.memref_slice %arg8[%add3A_152] : memref<1622016xf32, #tpu.memory_space<hbm>> -> memref<4608xf32, #tpu.memory_space<hbm>>
      %dma_start3A_201 = arith.constant 0 : i32
      %dma_start3A_202 = tpu.memref_slice %arg16[%dma_start3A_201] : memref<8192xf32, #tpu.memory_space<vmem>> -> memref<4608xf32, #tpu.memory_space<vmem>>
      tpu.enqueue_dma source(%dma_start3A_202 : memref<4608xf32, #tpu.memory_space<vmem>>) target(%dma_start3A_200 : memref<4608xf32, #tpu.memory_space<hbm>>) target_semaphore(%run_scoped3A : memref<!tpu.dma_semaphore, #tpu.memory_space<semaphore_mem>>)
      %dma_wait3A = arith.constant 0 : i32
      %dma_wait3A_203 = tpu.memref_slice %arg16[%dma_wait3A] : memref<8192xf32, #tpu.memory_space<vmem>> -> memref<4608xf32, #tpu.memory_space<vmem>>
      %dma_wait3A_204 = tpu.memref_slice %arg8[%add3A_152] : memref<1622016xf32, #tpu.memory_space<hbm>> -> memref<4608xf32, #tpu.memory_space<hbm>>
      %dma_wait3A_205 = tpu.memref_slice %arg8[%add3A_152] : memref<1622016xf32, #tpu.memory_space<hbm>> -> memref<4608xf32, #tpu.memory_space<hbm>>
      %dma_wait3A_206 = arith.constant 0 : i32
      %dma_wait3A_207 = tpu.memref_slice %arg16[%dma_wait3A_206] : memref<8192xf32, #tpu.memory_space<vmem>> -> memref<4608xf32, #tpu.memory_space<vmem>>
      tpu.wait_dma2 semaphore(%run_scoped3A : memref<!tpu.dma_semaphore, #tpu.memory_space<semaphore_mem>>) src(%dma_wait3A_207 : memref<4608xf32, #tpu.memory_space<vmem>>) dst(%dma_wait3A_205 : memref<4608xf32, #tpu.memory_space<hbm>>)
      tpu.yield
    }) : () -> ()
    %add3A_153 = arith.constant 23040 : i32
    %add3A_154 = arith.addi %mul3A_117, %add3A_153 : i32
    "tpu.region"() ({
      %run_scoped3A = tpu.sem_alloc : memref<!tpu.dma_semaphore, #tpu.memory_space<semaphore_mem>>
      %dma_start3A = arith.constant 0 : i32
      %dma_start3A_198 = tpu.memref_slice %arg16[%dma_start3A] : memref<8192xf32, #tpu.memory_space<vmem>> -> memref<4608xf32, #tpu.memory_space<vmem>>
      %dma_start3A_199 = tpu.memref_slice %arg23[%add3A_154] : memref<811008xf32, #tpu.memory_space<vmem_shared>> -> memref<4608xf32, #tpu.memory_space<vmem_shared>>
      %dma_start3A_200 = arith.constant 0 : i32
      %dma_start3A_201 = tpu.memref_slice %arg16[%dma_start3A_200] : memref<8192xf32, #tpu.memory_space<vmem>> -> memref<4608xf32, #tpu.memory_space<vmem>>
      %dma_start3A_202 = tpu.memref_slice %arg23[%add3A_154] : memref<811008xf32, #tpu.memory_space<vmem_shared>> -> memref<4608xf32, #tpu.memory_space<vmem_shared>>
      tpu.enqueue_dma source(%dma_start3A_202 : memref<4608xf32, #tpu.memory_space<vmem_shared>>) target(%dma_start3A_201 : memref<4608xf32, #tpu.memory_space<vmem>>) target_semaphore(%run_scoped3A : memref<!tpu.dma_semaphore, #tpu.memory_space<semaphore_mem>>)
      %dma_wait3A = arith.constant 0 : i32
      %dma_wait3A_203 = tpu.memref_slice %arg16[%dma_wait3A] : memref<8192xf32, #tpu.memory_space<vmem>> -> memref<4608xf32, #tpu.memory_space<vmem>>
      %dma_wait3A_204 = tpu.memref_slice %arg23[%add3A_154] : memref<811008xf32, #tpu.memory_space<vmem_shared>> -> memref<4608xf32, #tpu.memory_space<vmem_shared>>
      %dma_wait3A_205 = arith.constant 0 : i32
      %dma_wait3A_206 = tpu.memref_slice %arg16[%dma_wait3A_205] : memref<8192xf32, #tpu.memory_space<vmem>> -> memref<4608xf32, #tpu.memory_space<vmem>>
      %dma_wait3A_207 = tpu.memref_slice %arg23[%add3A_154] : memref<811008xf32, #tpu.memory_space<vmem_shared>> -> memref<4608xf32, #tpu.memory_space<vmem_shared>>
      tpu.wait_dma2 semaphore(%run_scoped3A : memref<!tpu.dma_semaphore, #tpu.memory_space<semaphore_mem>>) src(%dma_wait3A_207 : memref<4608xf32, #tpu.memory_space<vmem_shared>>) dst(%dma_wait3A_206 : memref<4608xf32, #tpu.memory_space<vmem>>)
      tpu.yield
    }) : () -> ()
    %mul3A_155 = arith.constant 25344 : i32
    %mul3A_156 = arith.muli %arg0, %mul3A_155 : i32
    %mul3A_157 = arith.constant 32 : i32
    %mul3A_158 = arith.muli %mul3A_156, %mul3A_157 : i32
    %add3A_159 = arith.addi %mul3A_158, %add3A_154 : i32
    "tpu.region"() ({
      %run_scoped3A = tpu.sem_alloc : memref<!tpu.dma_semaphore, #tpu.memory_space<semaphore_mem>>
      %dma_start3A = arith.constant 0 : i32
      %dma_start3A_198 = tpu.memref_slice %arg16[%dma_start3A] : memref<8192xf32, #tpu.memory_space<vmem>> -> memref<4608xf32, #tpu.memory_space<vmem>>
      %dma_start3A_199 = tpu.memref_slice %arg8[%add3A_159] : memref<1622016xf32, #tpu.memory_space<hbm>> -> memref<4608xf32, #tpu.memory_space<hbm>>
      %dma_start3A_200 = tpu.memref_slice %arg8[%add3A_159] : memref<1622016xf32, #tpu.memory_space<hbm>> -> memref<4608xf32, #tpu.memory_space<hbm>>
      %dma_start3A_201 = arith.constant 0 : i32
      %dma_start3A_202 = tpu.memref_slice %arg16[%dma_start3A_201] : memref<8192xf32, #tpu.memory_space<vmem>> -> memref<4608xf32, #tpu.memory_space<vmem>>
      tpu.enqueue_dma source(%dma_start3A_202 : memref<4608xf32, #tpu.memory_space<vmem>>) target(%dma_start3A_200 : memref<4608xf32, #tpu.memory_space<hbm>>) target_semaphore(%run_scoped3A : memref<!tpu.dma_semaphore, #tpu.memory_space<semaphore_mem>>)
      %dma_wait3A = arith.constant 0 : i32
      %dma_wait3A_203 = tpu.memref_slice %arg16[%dma_wait3A] : memref<8192xf32, #tpu.memory_space<vmem>> -> memref<4608xf32, #tpu.memory_space<vmem>>
      %dma_wait3A_204 = tpu.memref_slice %arg8[%add3A_159] : memref<1622016xf32, #tpu.memory_space<hbm>> -> memref<4608xf32, #tpu.memory_space<hbm>>
      %dma_wait3A_205 = tpu.memref_slice %arg8[%add3A_159] : memref<1622016xf32, #tpu.memory_space<hbm>> -> memref<4608xf32, #tpu.memory_space<hbm>>
      %dma_wait3A_206 = arith.constant 0 : i32
      %dma_wait3A_207 = tpu.memref_slice %arg16[%dma_wait3A_206] : memref<8192xf32, #tpu.memory_space<vmem>> -> memref<4608xf32, #tpu.memory_space<vmem>>
      tpu.wait_dma2 semaphore(%run_scoped3A : memref<!tpu.dma_semaphore, #tpu.memory_space<semaphore_mem>>) src(%dma_wait3A_207 : memref<4608xf32, #tpu.memory_space<vmem>>) dst(%dma_wait3A_205 : memref<4608xf32, #tpu.memory_space<hbm>>)
      tpu.yield
    }) : () -> ()
    %add3A_160 = arith.constant 27648 : i32
    %add3A_161 = arith.addi %mul3A_117, %add3A_160 : i32
    "tpu.region"() ({
      %run_scoped3A = tpu.sem_alloc : memref<!tpu.dma_semaphore, #tpu.memory_space<semaphore_mem>>
      %dma_start3A = arith.constant 0 : i32
      %dma_start3A_198 = tpu.memref_slice %arg16[%dma_start3A] : memref<8192xf32, #tpu.memory_space<vmem>> -> memref<4608xf32, #tpu.memory_space<vmem>>
      %dma_start3A_199 = tpu.memref_slice %arg23[%add3A_161] : memref<811008xf32, #tpu.memory_space<vmem_shared>> -> memref<4608xf32, #tpu.memory_space<vmem_shared>>
      %dma_start3A_200 = arith.constant 0 : i32
      %dma_start3A_201 = tpu.memref_slice %arg16[%dma_start3A_200] : memref<8192xf32, #tpu.memory_space<vmem>> -> memref<4608xf32, #tpu.memory_space<vmem>>
      %dma_start3A_202 = tpu.memref_slice %arg23[%add3A_161] : memref<811008xf32, #tpu.memory_space<vmem_shared>> -> memref<4608xf32, #tpu.memory_space<vmem_shared>>
      tpu.enqueue_dma source(%dma_start3A_202 : memref<4608xf32, #tpu.memory_space<vmem_shared>>) target(%dma_start3A_201 : memref<4608xf32, #tpu.memory_space<vmem>>) target_semaphore(%run_scoped3A : memref<!tpu.dma_semaphore, #tpu.memory_space<semaphore_mem>>)
      %dma_wait3A = arith.constant 0 : i32
      %dma_wait3A_203 = tpu.memref_slice %arg16[%dma_wait3A] : memref<8192xf32, #tpu.memory_space<vmem>> -> memref<4608xf32, #tpu.memory_space<vmem>>
      %dma_wait3A_204 = tpu.memref_slice %arg23[%add3A_161] : memref<811008xf32, #tpu.memory_space<vmem_shared>> -> memref<4608xf32, #tpu.memory_space<vmem_shared>>
      %dma_wait3A_205 = arith.constant 0 : i32
      %dma_wait3A_206 = tpu.memref_slice %arg16[%dma_wait3A_205] : memref<8192xf32, #tpu.memory_space<vmem>> -> memref<4608xf32, #tpu.memory_space<vmem>>
      %dma_wait3A_207 = tpu.memref_slice %arg23[%add3A_161] : memref<811008xf32, #tpu.memory_space<vmem_shared>> -> memref<4608xf32, #tpu.memory_space<vmem_shared>>
      tpu.wait_dma2 semaphore(%run_scoped3A : memref<!tpu.dma_semaphore, #tpu.memory_space<semaphore_mem>>) src(%dma_wait3A_207 : memref<4608xf32, #tpu.memory_space<vmem_shared>>) dst(%dma_wait3A_206 : memref<4608xf32, #tpu.memory_space<vmem>>)
      tpu.yield
    }) : () -> ()
    %mul3A_162 = arith.constant 25344 : i32
    %mul3A_163 = arith.muli %arg0, %mul3A_162 : i32
    %mul3A_164 = arith.constant 32 : i32
    %mul3A_165 = arith.muli %mul3A_163, %mul3A_164 : i32
    %add3A_166 = arith.addi %mul3A_165, %add3A_161 : i32
    "tpu.region"() ({
      %run_scoped3A = tpu.sem_alloc : memref<!tpu.dma_semaphore, #tpu.memory_space<semaphore_mem>>
      %dma_start3A = arith.constant 0 : i32
      %dma_start3A_198 = tpu.memref_slice %arg16[%dma_start3A] : memref<8192xf32, #tpu.memory_space<vmem>> -> memref<4608xf32, #tpu.memory_space<vmem>>
      %dma_start3A_199 = tpu.memref_slice %arg8[%add3A_166] : memref<1622016xf32, #tpu.memory_space<hbm>> -> memref<4608xf32, #tpu.memory_space<hbm>>
      %dma_start3A_200 = tpu.memref_slice %arg8[%add3A_166] : memref<1622016xf32, #tpu.memory_space<hbm>> -> memref<4608xf32, #tpu.memory_space<hbm>>
      %dma_start3A_201 = arith.constant 0 : i32
      %dma_start3A_202 = tpu.memref_slice %arg16[%dma_start3A_201] : memref<8192xf32, #tpu.memory_space<vmem>> -> memref<4608xf32, #tpu.memory_space<vmem>>
      tpu.enqueue_dma source(%dma_start3A_202 : memref<4608xf32, #tpu.memory_space<vmem>>) target(%dma_start3A_200 : memref<4608xf32, #tpu.memory_space<hbm>>) target_semaphore(%run_scoped3A : memref<!tpu.dma_semaphore, #tpu.memory_space<semaphore_mem>>)
      %dma_wait3A = arith.constant 0 : i32
      %dma_wait3A_203 = tpu.memref_slice %arg16[%dma_wait3A] : memref<8192xf32, #tpu.memory_space<vmem>> -> memref<4608xf32, #tpu.memory_space<vmem>>
      %dma_wait3A_204 = tpu.memref_slice %arg8[%add3A_166] : memref<1622016xf32, #tpu.memory_space<hbm>> -> memref<4608xf32, #tpu.memory_space<hbm>>
      %dma_wait3A_205 = tpu.memref_slice %arg8[%add3A_166] : memref<1622016xf32, #tpu.memory_space<hbm>> -> memref<4608xf32, #tpu.memory_space<hbm>>
      %dma_wait3A_206 = arith.constant 0 : i32
      %dma_wait3A_207 = tpu.memref_slice %arg16[%dma_wait3A_206] : memref<8192xf32, #tpu.memory_space<vmem>> -> memref<4608xf32, #tpu.memory_space<vmem>>
      tpu.wait_dma2 semaphore(%run_scoped3A : memref<!tpu.dma_semaphore, #tpu.memory_space<semaphore_mem>>) src(%dma_wait3A_207 : memref<4608xf32, #tpu.memory_space<vmem>>) dst(%dma_wait3A_205 : memref<4608xf32, #tpu.memory_space<hbm>>)
      tpu.yield
    }) : () -> ()
    %add3A_167 = arith.constant 32256 : i32
    %add3A_168 = arith.addi %mul3A_117, %add3A_167 : i32
    "tpu.region"() ({
      %run_scoped3A = tpu.sem_alloc : memref<!tpu.dma_semaphore, #tpu.memory_space<semaphore_mem>>
      %dma_start3A = arith.constant 0 : i32
      %dma_start3A_198 = tpu.memref_slice %arg16[%dma_start3A] : memref<8192xf32, #tpu.memory_space<vmem>> -> memref<4608xf32, #tpu.memory_space<vmem>>
      %dma_start3A_199 = tpu.memref_slice %arg23[%add3A_168] : memref<811008xf32, #tpu.memory_space<vmem_shared>> -> memref<4608xf32, #tpu.memory_space<vmem_shared>>
      %dma_start3A_200 = arith.constant 0 : i32
      %dma_start3A_201 = tpu.memref_slice %arg16[%dma_start3A_200] : memref<8192xf32, #tpu.memory_space<vmem>> -> memref<4608xf32, #tpu.memory_space<vmem>>
      %dma_start3A_202 = tpu.memref_slice %arg23[%add3A_168] : memref<811008xf32, #tpu.memory_space<vmem_shared>> -> memref<4608xf32, #tpu.memory_space<vmem_shared>>
      tpu.enqueue_dma source(%dma_start3A_202 : memref<4608xf32, #tpu.memory_space<vmem_shared>>) target(%dma_start3A_201 : memref<4608xf32, #tpu.memory_space<vmem>>) target_semaphore(%run_scoped3A : memref<!tpu.dma_semaphore, #tpu.memory_space<semaphore_mem>>)
      %dma_wait3A = arith.constant 0 : i32
      %dma_wait3A_203 = tpu.memref_slice %arg16[%dma_wait3A] : memref<8192xf32, #tpu.memory_space<vmem>> -> memref<4608xf32, #tpu.memory_space<vmem>>
      %dma_wait3A_204 = tpu.memref_slice %arg23[%add3A_168] : memref<811008xf32, #tpu.memory_space<vmem_shared>> -> memref<4608xf32, #tpu.memory_space<vmem_shared>>
      %dma_wait3A_205 = arith.constant 0 : i32
      %dma_wait3A_206 = tpu.memref_slice %arg16[%dma_wait3A_205] : memref<8192xf32, #tpu.memory_space<vmem>> -> memref<4608xf32, #tpu.memory_space<vmem>>
      %dma_wait3A_207 = tpu.memref_slice %arg23[%add3A_168] : memref<811008xf32, #tpu.memory_space<vmem_shared>> -> memref<4608xf32, #tpu.memory_space<vmem_shared>>
      tpu.wait_dma2 semaphore(%run_scoped3A : memref<!tpu.dma_semaphore, #tpu.memory_space<semaphore_mem>>) src(%dma_wait3A_207 : memref<4608xf32, #tpu.memory_space<vmem_shared>>) dst(%dma_wait3A_206 : memref<4608xf32, #tpu.memory_space<vmem>>)
      tpu.yield
    }) : () -> ()
    %mul3A_169 = arith.constant 25344 : i32
    %mul3A_170 = arith.muli %arg0, %mul3A_169 : i32
    %mul3A_171 = arith.constant 32 : i32
    %mul3A_172 = arith.muli %mul3A_170, %mul3A_171 : i32
    %add3A_173 = arith.addi %mul3A_172, %add3A_168 : i32
    "tpu.region"() ({
      %run_scoped3A = tpu.sem_alloc : memref<!tpu.dma_semaphore, #tpu.memory_space<semaphore_mem>>
      %dma_start3A = arith.constant 0 : i32
      %dma_start3A_198 = tpu.memref_slice %arg16[%dma_start3A] : memref<8192xf32, #tpu.memory_space<vmem>> -> memref<4608xf32, #tpu.memory_space<vmem>>
      %dma_start3A_199 = tpu.memref_slice %arg8[%add3A_173] : memref<1622016xf32, #tpu.memory_space<hbm>> -> memref<4608xf32, #tpu.memory_space<hbm>>
      %dma_start3A_200 = tpu.memref_slice %arg8[%add3A_173] : memref<1622016xf32, #tpu.memory_space<hbm>> -> memref<4608xf32, #tpu.memory_space<hbm>>
      %dma_start3A_201 = arith.constant 0 : i32
      %dma_start3A_202 = tpu.memref_slice %arg16[%dma_start3A_201] : memref<8192xf32, #tpu.memory_space<vmem>> -> memref<4608xf32, #tpu.memory_space<vmem>>
      tpu.enqueue_dma source(%dma_start3A_202 : memref<4608xf32, #tpu.memory_space<vmem>>) target(%dma_start3A_200 : memref<4608xf32, #tpu.memory_space<hbm>>) target_semaphore(%run_scoped3A : memref<!tpu.dma_semaphore, #tpu.memory_space<semaphore_mem>>)
      %dma_wait3A = arith.constant 0 : i32
      %dma_wait3A_203 = tpu.memref_slice %arg16[%dma_wait3A] : memref<8192xf32, #tpu.memory_space<vmem>> -> memref<4608xf32, #tpu.memory_space<vmem>>
      %dma_wait3A_204 = tpu.memref_slice %arg8[%add3A_173] : memref<1622016xf32, #tpu.memory_space<hbm>> -> memref<4608xf32, #tpu.memory_space<hbm>>
      %dma_wait3A_205 = tpu.memref_slice %arg8[%add3A_173] : memref<1622016xf32, #tpu.memory_space<hbm>> -> memref<4608xf32, #tpu.memory_space<hbm>>
      %dma_wait3A_206 = arith.constant 0 : i32
      %dma_wait3A_207 = tpu.memref_slice %arg16[%dma_wait3A_206] : memref<8192xf32, #tpu.memory_space<vmem>> -> memref<4608xf32, #tpu.memory_space<vmem>>
      tpu.wait_dma2 semaphore(%run_scoped3A : memref<!tpu.dma_semaphore, #tpu.memory_space<semaphore_mem>>) src(%dma_wait3A_207 : memref<4608xf32, #tpu.memory_space<vmem>>) dst(%dma_wait3A_205 : memref<4608xf32, #tpu.memory_space<hbm>>)
      tpu.yield
    }) : () -> ()
    %add3A_174 = arith.constant 36864 : i32
    %add3A_175 = arith.addi %mul3A_117, %add3A_174 : i32
    "tpu.region"() ({
      %run_scoped3A = tpu.sem_alloc : memref<!tpu.dma_semaphore, #tpu.memory_space<semaphore_mem>>
      %dma_start3A = arith.constant 0 : i32
      %dma_start3A_198 = tpu.memref_slice %arg16[%dma_start3A] : memref<8192xf32, #tpu.memory_space<vmem>> -> memref<4608xf32, #tpu.memory_space<vmem>>
      %dma_start3A_199 = tpu.memref_slice %arg23[%add3A_175] : memref<811008xf32, #tpu.memory_space<vmem_shared>> -> memref<4608xf32, #tpu.memory_space<vmem_shared>>
      %dma_start3A_200 = arith.constant 0 : i32
      %dma_start3A_201 = tpu.memref_slice %arg16[%dma_start3A_200] : memref<8192xf32, #tpu.memory_space<vmem>> -> memref<4608xf32, #tpu.memory_space<vmem>>
      %dma_start3A_202 = tpu.memref_slice %arg23[%add3A_175] : memref<811008xf32, #tpu.memory_space<vmem_shared>> -> memref<4608xf32, #tpu.memory_space<vmem_shared>>
      tpu.enqueue_dma source(%dma_start3A_202 : memref<4608xf32, #tpu.memory_space<vmem_shared>>) target(%dma_start3A_201 : memref<4608xf32, #tpu.memory_space<vmem>>) target_semaphore(%run_scoped3A : memref<!tpu.dma_semaphore, #tpu.memory_space<semaphore_mem>>)
      %dma_wait3A = arith.constant 0 : i32
      %dma_wait3A_203 = tpu.memref_slice %arg16[%dma_wait3A] : memref<8192xf32, #tpu.memory_space<vmem>> -> memref<4608xf32, #tpu.memory_space<vmem>>
      %dma_wait3A_204 = tpu.memref_slice %arg23[%add3A_175] : memref<811008xf32, #tpu.memory_space<vmem_shared>> -> memref<4608xf32, #tpu.memory_space<vmem_shared>>
      %dma_wait3A_205 = arith.constant 0 : i32
      %dma_wait3A_206 = tpu.memref_slice %arg16[%dma_wait3A_205] : memref<8192xf32, #tpu.memory_space<vmem>> -> memref<4608xf32, #tpu.memory_space<vmem>>
      %dma_wait3A_207 = tpu.memref_slice %arg23[%add3A_175] : memref<811008xf32, #tpu.memory_space<vmem_shared>> -> memref<4608xf32, #tpu.memory_space<vmem_shared>>
      tpu.wait_dma2 semaphore(%run_scoped3A : memref<!tpu.dma_semaphore, #tpu.memory_space<semaphore_mem>>) src(%dma_wait3A_207 : memref<4608xf32, #tpu.memory_space<vmem_shared>>) dst(%dma_wait3A_206 : memref<4608xf32, #tpu.memory_space<vmem>>)
      tpu.yield
    }) : () -> ()
    %mul3A_176 = arith.constant 25344 : i32
    %mul3A_177 = arith.muli %arg0, %mul3A_176 : i32
    %mul3A_178 = arith.constant 32 : i32
    %mul3A_179 = arith.muli %mul3A_177, %mul3A_178 : i32
    %add3A_180 = arith.addi %mul3A_179, %add3A_175 : i32
    "tpu.region"() ({
      %run_scoped3A = tpu.sem_alloc : memref<!tpu.dma_semaphore, #tpu.memory_space<semaphore_mem>>
      %dma_start3A = arith.constant 0 : i32
      %dma_start3A_198 = tpu.memref_slice %arg16[%dma_start3A] : memref<8192xf32, #tpu.memory_space<vmem>> -> memref<4608xf32, #tpu.memory_space<vmem>>
      %dma_start3A_199 = tpu.memref_slice %arg8[%add3A_180] : memref<1622016xf32, #tpu.memory_space<hbm>> -> memref<4608xf32, #tpu.memory_space<hbm>>
      %dma_start3A_200 = tpu.memref_slice %arg8[%add3A_180] : memref<1622016xf32, #tpu.memory_space<hbm>> -> memref<4608xf32, #tpu.memory_space<hbm>>
      %dma_start3A_201 = arith.constant 0 : i32
      %dma_start3A_202 = tpu.memref_slice %arg16[%dma_start3A_201] : memref<8192xf32, #tpu.memory_space<vmem>> -> memref<4608xf32, #tpu.memory_space<vmem>>
      tpu.enqueue_dma source(%dma_start3A_202 : memref<4608xf32, #tpu.memory_space<vmem>>) target(%dma_start3A_200 : memref<4608xf32, #tpu.memory_space<hbm>>) target_semaphore(%run_scoped3A : memref<!tpu.dma_semaphore, #tpu.memory_space<semaphore_mem>>)
      %dma_wait3A = arith.constant 0 : i32
      %dma_wait3A_203 = tpu.memref_slice %arg16[%dma_wait3A] : memref<8192xf32, #tpu.memory_space<vmem>> -> memref<4608xf32, #tpu.memory_space<vmem>>
      %dma_wait3A_204 = tpu.memref_slice %arg8[%add3A_180] : memref<1622016xf32, #tpu.memory_space<hbm>> -> memref<4608xf32, #tpu.memory_space<hbm>>
      %dma_wait3A_205 = tpu.memref_slice %arg8[%add3A_180] : memref<1622016xf32, #tpu.memory_space<hbm>> -> memref<4608xf32, #tpu.memory_space<hbm>>
      %dma_wait3A_206 = arith.constant 0 : i32
      %dma_wait3A_207 = tpu.memref_slice %arg16[%dma_wait3A_206] : memref<8192xf32, #tpu.memory_space<vmem>> -> memref<4608xf32, #tpu.memory_space<vmem>>
      tpu.wait_dma2 semaphore(%run_scoped3A : memref<!tpu.dma_semaphore, #tpu.memory_space<semaphore_mem>>) src(%dma_wait3A_207 : memref<4608xf32, #tpu.memory_space<vmem>>) dst(%dma_wait3A_205 : memref<4608xf32, #tpu.memory_space<hbm>>)
      tpu.yield
    }) : () -> ()
    %add3A_181 = arith.constant 41472 : i32
    %add3A_182 = arith.addi %mul3A_117, %add3A_181 : i32
    "tpu.region"() ({
      %run_scoped3A = tpu.sem_alloc : memref<!tpu.dma_semaphore, #tpu.memory_space<semaphore_mem>>
      %dma_start3A = arith.constant 0 : i32
      %dma_start3A_198 = tpu.memref_slice %arg16[%dma_start3A] : memref<8192xf32, #tpu.memory_space<vmem>> -> memref<4608xf32, #tpu.memory_space<vmem>>
      %dma_start3A_199 = tpu.memref_slice %arg23[%add3A_182] : memref<811008xf32, #tpu.memory_space<vmem_shared>> -> memref<4608xf32, #tpu.memory_space<vmem_shared>>
      %dma_start3A_200 = arith.constant 0 : i32
      %dma_start3A_201 = tpu.memref_slice %arg16[%dma_start3A_200] : memref<8192xf32, #tpu.memory_space<vmem>> -> memref<4608xf32, #tpu.memory_space<vmem>>
      %dma_start3A_202 = tpu.memref_slice %arg23[%add3A_182] : memref<811008xf32, #tpu.memory_space<vmem_shared>> -> memref<4608xf32, #tpu.memory_space<vmem_shared>>
      tpu.enqueue_dma source(%dma_start3A_202 : memref<4608xf32, #tpu.memory_space<vmem_shared>>) target(%dma_start3A_201 : memref<4608xf32, #tpu.memory_space<vmem>>) target_semaphore(%run_scoped3A : memref<!tpu.dma_semaphore, #tpu.memory_space<semaphore_mem>>)
      %dma_wait3A = arith.constant 0 : i32
      %dma_wait3A_203 = tpu.memref_slice %arg16[%dma_wait3A] : memref<8192xf32, #tpu.memory_space<vmem>> -> memref<4608xf32, #tpu.memory_space<vmem>>
      %dma_wait3A_204 = tpu.memref_slice %arg23[%add3A_182] : memref<811008xf32, #tpu.memory_space<vmem_shared>> -> memref<4608xf32, #tpu.memory_space<vmem_shared>>
      %dma_wait3A_205 = arith.constant 0 : i32
      %dma_wait3A_206 = tpu.memref_slice %arg16[%dma_wait3A_205] : memref<8192xf32, #tpu.memory_space<vmem>> -> memref<4608xf32, #tpu.memory_space<vmem>>
      %dma_wait3A_207 = tpu.memref_slice %arg23[%add3A_182] : memref<811008xf32, #tpu.memory_space<vmem_shared>> -> memref<4608xf32, #tpu.memory_space<vmem_shared>>
      tpu.wait_dma2 semaphore(%run_scoped3A : memref<!tpu.dma_semaphore, #tpu.memory_space<semaphore_mem>>) src(%dma_wait3A_207 : memref<4608xf32, #tpu.memory_space<vmem_shared>>) dst(%dma_wait3A_206 : memref<4608xf32, #tpu.memory_space<vmem>>)
      tpu.yield
    }) : () -> ()
    %mul3A_183 = arith.constant 25344 : i32
    %mul3A_184 = arith.muli %arg0, %mul3A_183 : i32
    %mul3A_185 = arith.constant 32 : i32
    %mul3A_186 = arith.muli %mul3A_184, %mul3A_185 : i32
    %add3A_187 = arith.addi %mul3A_186, %add3A_182 : i32
    "tpu.region"() ({
      %run_scoped3A = tpu.sem_alloc : memref<!tpu.dma_semaphore, #tpu.memory_space<semaphore_mem>>
      %dma_start3A = arith.constant 0 : i32
      %dma_start3A_198 = tpu.memref_slice %arg16[%dma_start3A] : memref<8192xf32, #tpu.memory_space<vmem>> -> memref<4608xf32, #tpu.memory_space<vmem>>
      %dma_start3A_199 = tpu.memref_slice %arg8[%add3A_187] : memref<1622016xf32, #tpu.memory_space<hbm>> -> memref<4608xf32, #tpu.memory_space<hbm>>
      %dma_start3A_200 = tpu.memref_slice %arg8[%add3A_187] : memref<1622016xf32, #tpu.memory_space<hbm>> -> memref<4608xf32, #tpu.memory_space<hbm>>
      %dma_start3A_201 = arith.constant 0 : i32
      %dma_start3A_202 = tpu.memref_slice %arg16[%dma_start3A_201] : memref<8192xf32, #tpu.memory_space<vmem>> -> memref<4608xf32, #tpu.memory_space<vmem>>
      tpu.enqueue_dma source(%dma_start3A_202 : memref<4608xf32, #tpu.memory_space<vmem>>) target(%dma_start3A_200 : memref<4608xf32, #tpu.memory_space<hbm>>) target_semaphore(%run_scoped3A : memref<!tpu.dma_semaphore, #tpu.memory_space<semaphore_mem>>)
      %dma_wait3A = arith.constant 0 : i32
      %dma_wait3A_203 = tpu.memref_slice %arg16[%dma_wait3A] : memref<8192xf32, #tpu.memory_space<vmem>> -> memref<4608xf32, #tpu.memory_space<vmem>>
      %dma_wait3A_204 = tpu.memref_slice %arg8[%add3A_187] : memref<1622016xf32, #tpu.memory_space<hbm>> -> memref<4608xf32, #tpu.memory_space<hbm>>
      %dma_wait3A_205 = tpu.memref_slice %arg8[%add3A_187] : memref<1622016xf32, #tpu.memory_space<hbm>> -> memref<4608xf32, #tpu.memory_space<hbm>>
      %dma_wait3A_206 = arith.constant 0 : i32
      %dma_wait3A_207 = tpu.memref_slice %arg16[%dma_wait3A_206] : memref<8192xf32, #tpu.memory_space<vmem>> -> memref<4608xf32, #tpu.memory_space<vmem>>
      tpu.wait_dma2 semaphore(%run_scoped3A : memref<!tpu.dma_semaphore, #tpu.memory_space<semaphore_mem>>) src(%dma_wait3A_207 : memref<4608xf32, #tpu.memory_space<vmem>>) dst(%dma_wait3A_205 : memref<4608xf32, #tpu.memory_space<hbm>>)
      tpu.yield
    }) : () -> ()
    %add3A_188 = arith.constant 46080 : i32
    %add3A_189 = arith.addi %mul3A_117, %add3A_188 : i32
    "tpu.region"() ({
      %run_scoped3A = tpu.sem_alloc : memref<!tpu.dma_semaphore, #tpu.memory_space<semaphore_mem>>
      %dma_start3A = arith.constant 0 : i32
      %dma_start3A_198 = tpu.memref_slice %arg16[%dma_start3A] : memref<8192xf32, #tpu.memory_space<vmem>> -> memref<4608xf32, #tpu.memory_space<vmem>>
      %dma_start3A_199 = tpu.memref_slice %arg23[%add3A_189] : memref<811008xf32, #tpu.memory_space<vmem_shared>> -> memref<4608xf32, #tpu.memory_space<vmem_shared>>
      %dma_start3A_200 = arith.constant 0 : i32
      %dma_start3A_201 = tpu.memref_slice %arg16[%dma_start3A_200] : memref<8192xf32, #tpu.memory_space<vmem>> -> memref<4608xf32, #tpu.memory_space<vmem>>
      %dma_start3A_202 = tpu.memref_slice %arg23[%add3A_189] : memref<811008xf32, #tpu.memory_space<vmem_shared>> -> memref<4608xf32, #tpu.memory_space<vmem_shared>>
      tpu.enqueue_dma source(%dma_start3A_202 : memref<4608xf32, #tpu.memory_space<vmem_shared>>) target(%dma_start3A_201 : memref<4608xf32, #tpu.memory_space<vmem>>) target_semaphore(%run_scoped3A : memref<!tpu.dma_semaphore, #tpu.memory_space<semaphore_mem>>)
      %dma_wait3A = arith.constant 0 : i32
      %dma_wait3A_203 = tpu.memref_slice %arg16[%dma_wait3A] : memref<8192xf32, #tpu.memory_space<vmem>> -> memref<4608xf32, #tpu.memory_space<vmem>>
      %dma_wait3A_204 = tpu.memref_slice %arg23[%add3A_189] : memref<811008xf32, #tpu.memory_space<vmem_shared>> -> memref<4608xf32, #tpu.memory_space<vmem_shared>>
      %dma_wait3A_205 = arith.constant 0 : i32
      %dma_wait3A_206 = tpu.memref_slice %arg16[%dma_wait3A_205] : memref<8192xf32, #tpu.memory_space<vmem>> -> memref<4608xf32, #tpu.memory_space<vmem>>
      %dma_wait3A_207 = tpu.memref_slice %arg23[%add3A_189] : memref<811008xf32, #tpu.memory_space<vmem_shared>> -> memref<4608xf32, #tpu.memory_space<vmem_shared>>
      tpu.wait_dma2 semaphore(%run_scoped3A : memref<!tpu.dma_semaphore, #tpu.memory_space<semaphore_mem>>) src(%dma_wait3A_207 : memref<4608xf32, #tpu.memory_space<vmem_shared>>) dst(%dma_wait3A_206 : memref<4608xf32, #tpu.memory_space<vmem>>)
      tpu.yield
    }) : () -> ()
    %mul3A_190 = arith.constant 25344 : i32
    %mul3A_191 = arith.muli %arg0, %mul3A_190 : i32
    %mul3A_192 = arith.constant 32 : i32
    %mul3A_193 = arith.muli %mul3A_191, %mul3A_192 : i32
    %add3A_194 = arith.addi %mul3A_193, %add3A_189 : i32
    "tpu.region"() ({
      %run_scoped3A = tpu.sem_alloc : memref<!tpu.dma_semaphore, #tpu.memory_space<semaphore_mem>>
      %dma_start3A = arith.constant 0 : i32
      %dma_start3A_198 = tpu.memref_slice %arg16[%dma_start3A] : memref<8192xf32, #tpu.memory_space<vmem>> -> memref<4608xf32, #tpu.memory_space<vmem>>
      %dma_start3A_199 = tpu.memref_slice %arg8[%add3A_194] : memref<1622016xf32, #tpu.memory_space<hbm>> -> memref<4608xf32, #tpu.memory_space<hbm>>
      %dma_start3A_200 = tpu.memref_slice %arg8[%add3A_194] : memref<1622016xf32, #tpu.memory_space<hbm>> -> memref<4608xf32, #tpu.memory_space<hbm>>
      %dma_start3A_201 = arith.constant 0 : i32
      %dma_start3A_202 = tpu.memref_slice %arg16[%dma_start3A_201] : memref<8192xf32, #tpu.memory_space<vmem>> -> memref<4608xf32, #tpu.memory_space<vmem>>
      tpu.enqueue_dma source(%dma_start3A_202 : memref<4608xf32, #tpu.memory_space<vmem>>) target(%dma_start3A_200 : memref<4608xf32, #tpu.memory_space<hbm>>) target_semaphore(%run_scoped3A : memref<!tpu.dma_semaphore, #tpu.memory_space<semaphore_mem>>)
      %dma_wait3A = arith.constant 0 : i32
      %dma_wait3A_203 = tpu.memref_slice %arg16[%dma_wait3A] : memref<8192xf32, #tpu.memory_space<vmem>> -> memref<4608xf32, #tpu.memory_space<vmem>>
      %dma_wait3A_204 = tpu.memref_slice %arg8[%add3A_194] : memref<1622016xf32, #tpu.memory_space<hbm>> -> memref<4608xf32, #tpu.memory_space<hbm>>
      %dma_wait3A_205 = tpu.memref_slice %arg8[%add3A_194] : memref<1622016xf32, #tpu.memory_space<hbm>> -> memref<4608xf32, #tpu.memory_space<hbm>>
      %dma_wait3A_206 = arith.constant 0 : i32
      %dma_wait3A_207 = tpu.memref_slice %arg16[%dma_wait3A_206] : memref<8192xf32, #tpu.memory_space<vmem>> -> memref<4608xf32, #tpu.memory_space<vmem>>
      tpu.wait_dma2 semaphore(%run_scoped3A : memref<!tpu.dma_semaphore, #tpu.memory_space<semaphore_mem>>) src(%dma_wait3A_207 : memref<4608xf32, #tpu.memory_space<vmem>>) dst(%dma_wait3A_205 : memref<4608xf32, #tpu.memory_space<hbm>>)
      tpu.yield
    }) : () -> ()
    "tpu.region"() ({
      %run_scoped3A = tpu.sem_alloc : memref<!tpu.dma_semaphore, #tpu.memory_space<semaphore_mem>>
      %dma_start3A = arith.constant 0 : i32
      %dma_start3A_198 = tpu.memref_slice %arg20[%dma_start3A] : memref<1584xf32, #tpu.memory_space<vmem>> -> memref<1584xf32, #tpu.memory_space<vmem>>
      %dma_start3A_199 = tpu.memref_slice %arg24[%mul3A_115] : memref<25344xf32, #tpu.memory_space<vmem_shared>> -> memref<1584xf32, #tpu.memory_space<vmem_shared>>
      %dma_start3A_200 = arith.constant 0 : i32
      %dma_start3A_201 = tpu.memref_slice %arg20[%dma_start3A_200] : memref<1584xf32, #tpu.memory_space<vmem>> -> memref<1584xf32, #tpu.memory_space<vmem>>
      %dma_start3A_202 = tpu.memref_slice %arg24[%mul3A_115] : memref<25344xf32, #tpu.memory_space<vmem_shared>> -> memref<1584xf32, #tpu.memory_space<vmem_shared>>
      tpu.enqueue_dma source(%dma_start3A_202 : memref<1584xf32, #tpu.memory_space<vmem_shared>>) target(%dma_start3A_201 : memref<1584xf32, #tpu.memory_space<vmem>>) target_semaphore(%run_scoped3A : memref<!tpu.dma_semaphore, #tpu.memory_space<semaphore_mem>>)
      %dma_wait3A = arith.constant 0 : i32
      %dma_wait3A_203 = tpu.memref_slice %arg20[%dma_wait3A] : memref<1584xf32, #tpu.memory_space<vmem>> -> memref<1584xf32, #tpu.memory_space<vmem>>
      %dma_wait3A_204 = tpu.memref_slice %arg24[%mul3A_115] : memref<25344xf32, #tpu.memory_space<vmem_shared>> -> memref<1584xf32, #tpu.memory_space<vmem_shared>>
      %dma_wait3A_205 = arith.constant 0 : i32
      %dma_wait3A_206 = tpu.memref_slice %arg20[%dma_wait3A_205] : memref<1584xf32, #tpu.memory_space<vmem>> -> memref<1584xf32, #tpu.memory_space<vmem>>
      %dma_wait3A_207 = tpu.memref_slice %arg24[%mul3A_115] : memref<25344xf32, #tpu.memory_space<vmem_shared>> -> memref<1584xf32, #tpu.memory_space<vmem_shared>>
      tpu.wait_dma2 semaphore(%run_scoped3A : memref<!tpu.dma_semaphore, #tpu.memory_space<semaphore_mem>>) src(%dma_wait3A_207 : memref<1584xf32, #tpu.memory_space<vmem_shared>>) dst(%dma_wait3A_206 : memref<1584xf32, #tpu.memory_space<vmem>>)
      tpu.yield
    }) : () -> ()
    %mul3A_195 = arith.constant 25344 : i32
    %mul3A_196 = arith.muli %arg0, %mul3A_195 : i32
    %add3A_197 = arith.addi %mul3A_196, %mul3A_115 : i32
    "tpu.region"() ({
      %run_scoped3A = tpu.sem_alloc : memref<!tpu.dma_semaphore, #tpu.memory_space<semaphore_mem>>
      %dma_start3A = arith.constant 0 : i32
      %dma_start3A_198 = tpu.memref_slice %arg20[%dma_start3A] : memref<1584xf32, #tpu.memory_space<vmem>> -> memref<1584xf32, #tpu.memory_space<vmem>>
      %dma_start3A_199 = tpu.memref_slice %arg9[%add3A_197] : memref<50688xf32, #tpu.memory_space<hbm>> -> memref<1584xf32, #tpu.memory_space<hbm>>
      %dma_start3A_200 = tpu.memref_slice %arg9[%add3A_197] : memref<50688xf32, #tpu.memory_space<hbm>> -> memref<1584xf32, #tpu.memory_space<hbm>>
      %dma_start3A_201 = arith.constant 0 : i32
      %dma_start3A_202 = tpu.memref_slice %arg20[%dma_start3A_201] : memref<1584xf32, #tpu.memory_space<vmem>> -> memref<1584xf32, #tpu.memory_space<vmem>>
      tpu.enqueue_dma source(%dma_start3A_202 : memref<1584xf32, #tpu.memory_space<vmem>>) target(%dma_start3A_200 : memref<1584xf32, #tpu.memory_space<hbm>>) target_semaphore(%run_scoped3A : memref<!tpu.dma_semaphore, #tpu.memory_space<semaphore_mem>>)
      %dma_wait3A = arith.constant 0 : i32
      %dma_wait3A_203 = tpu.memref_slice %arg20[%dma_wait3A] : memref<1584xf32, #tpu.memory_space<vmem>> -> memref<1584xf32, #tpu.memory_space<vmem>>
      %dma_wait3A_204 = tpu.memref_slice %arg9[%add3A_197] : memref<50688xf32, #tpu.memory_space<hbm>> -> memref<1584xf32, #tpu.memory_space<hbm>>
      %dma_wait3A_205 = tpu.memref_slice %arg9[%add3A_197] : memref<50688xf32, #tpu.memory_space<hbm>> -> memref<1584xf32, #tpu.memory_space<hbm>>
      %dma_wait3A_206 = arith.constant 0 : i32
      %dma_wait3A_207 = tpu.memref_slice %arg20[%dma_wait3A_206] : memref<1584xf32, #tpu.memory_space<vmem>> -> memref<1584xf32, #tpu.memory_space<vmem>>
      tpu.wait_dma2 semaphore(%run_scoped3A : memref<!tpu.dma_semaphore, #tpu.memory_space<semaphore_mem>>) src(%dma_wait3A_207 : memref<1584xf32, #tpu.memory_space<vmem>>) dst(%dma_wait3A_205 : memref<1584xf32, #tpu.memory_space<hbm>>)
      tpu.yield
    }) : () -> ()
    return
  }
}

module attributes {stable_mosaic.version = 14 : i64} {
  func.func @_a_body(%arg0: i32, %arg1: memref<2000x1xf32, #tpu.memory_space<vmem>>, %arg2: memref<2x128xf32, #tpu.memory_space<vmem>>, %arg3: memref<1x128xf32, #tpu.memory_space<vmem>>, %arg4: memref<1x128xf32, #tpu.memory_space<vmem>>) attributes {dimension_semantics = [#tpu.dimension_semantics<arbitrary>], iteration_bounds = array<i64: 25>, scalar_prefetch = 0 : i64, scratch_operands = 2 : i64, tpu.core_type = #tpu.core_type<tc>, window_params = [{transform_indices = @transform_0, window_bounds = array<i64: 2000, 1>}, {pipeline_mode = #tpu.pipeline_mode<synchronous>, transform_indices = @transform_1, window_bounds = array<i64: 2, 128>}]} {
    %eq3A = arith.constant 0 : i32
    %eq3A_0 = arith.cmpi eq, %arg0, %eq3A : i32
    %convert_element_type3A = arith.extui %eq3A_0 : i1 to i32
    %cond3A = arith.constant 0 : i32
    %cond3A_1 = arith.cmpi ne, %convert_element_type3A, %cond3A : i32
    scf.if %cond3A_1 {
      %broadcast_in_dim3A = arith.constant 0xFF800000 : f32
      %broadcast_in_dim3A_33 = vector.broadcast %broadcast_in_dim3A : f32 to vector<1x128xf32>
      %swap3A_34 = arith.constant 0 : index
      %swap3A_35 = arith.constant 0 : index
      %swap3A_36 = vector.load %arg3[%swap3A_34, %swap3A_35] : memref<1x128xf32, #tpu.memory_space<vmem>>, vector<1x128xf32>
      tpu.vector_store %arg3[%swap3A_34, %swap3A_35], %broadcast_in_dim3A_33 {strides = array<i32>} : memref<1x128xf32, #tpu.memory_space<vmem>>, vector<1x128xf32>,
      %broadcast_in_dim3A_37 = arith.constant 0x7F800000 : f32
      %broadcast_in_dim3A_38 = vector.broadcast %broadcast_in_dim3A_37 : f32 to vector<1x128xf32>
      %swap3A_39 = arith.constant 0 : index
      %swap3A_40 = arith.constant 0 : index
      %swap3A_41 = vector.load %arg4[%swap3A_39, %swap3A_40] : memref<1x128xf32, #tpu.memory_space<vmem>>, vector<1x128xf32>
      tpu.vector_store %arg4[%swap3A_39, %swap3A_40], %broadcast_in_dim3A_38 {strides = array<i32>} : memref<1x128xf32, #tpu.memory_space<vmem>>, vector<1x128xf32>,
    } else {
    }
    %get3A = arith.constant 0 : index
    %get3A_2 = arith.constant 0 : index
    %get3A_3 = vector.load %arg3[%get3A, %get3A_2] : memref<1x128xf32, #tpu.memory_space<vmem>>, vector<1x128xf32>
    %get3A_4 = arith.constant 0 : index
    %get3A_5 = arith.constant 0 : index
    %get3A_6 = vector.load %arg1[%get3A_4, %get3A_5] : memref<2000x1xf32, #tpu.memory_space<vmem>>, vector<2000x1xf32>
    %reduce_max3A = vector.shape_cast %get3A_6 : vector<2000x1xf32> to vector<1x2000x1xf32>
    %reduce_max3A_7 = arith.constant dense<0xFF800000> : vector<1xf32>
    %reduce_max3A_8 = vector.multi_reduction <maximumf>, %reduce_max3A, %reduce_max3A_7 [1, 2] : vector<1x2000x1xf32> to vector<1xf32>
    %reduce_max3A_9 = vector.shape_cast %reduce_max3A_8 : vector<1xf32> to vector<1x1x1xf32>
    %reduce_max3A_10 = vector.extract %reduce_max3A_9[0, 0, 0] : f32 from vector<1x1x1xf32>
    %max3A = vector.broadcast %reduce_max3A_10 : f32 to vector<1x128xf32>
    %max3A_11 = arith.maximumf %get3A_3, %max3A : vector<1x128xf32>
    %swap3A = arith.constant 0 : index
    %swap3A_12 = arith.constant 0 : index
    %swap3A_13 = vector.load %arg3[%swap3A, %swap3A_12] : memref<1x128xf32, #tpu.memory_space<vmem>>, vector<1x128xf32>
    tpu.vector_store %arg3[%swap3A, %swap3A_12], %max3A_11 {strides = array<i32>} : memref<1x128xf32, #tpu.memory_space<vmem>>, vector<1x128xf32>,
    %get3A_14 = arith.constant 0 : index
    %get3A_15 = arith.constant 0 : index
    %get3A_16 = vector.load %arg4[%get3A_14, %get3A_15] : memref<1x128xf32, #tpu.memory_space<vmem>>, vector<1x128xf32>
    %get3A_17 = arith.constant 0 : index
    %get3A_18 = arith.constant 0 : index
    %get3A_19 = vector.load %arg1[%get3A_17, %get3A_18] : memref<2000x1xf32, #tpu.memory_space<vmem>>, vector<2000x1xf32>
    %reduce_min3A = vector.shape_cast %get3A_19 : vector<2000x1xf32> to vector<1x2000x1xf32>
    %reduce_min3A_20 = arith.constant dense<0x7F800000> : vector<1xf32>
    %reduce_min3A_21 = vector.multi_reduction <minimumf>, %reduce_min3A, %reduce_min3A_20 [1, 2] : vector<1x2000x1xf32> to vector<1xf32>
    %reduce_min3A_22 = vector.shape_cast %reduce_min3A_21 : vector<1xf32> to vector<1x1x1xf32>
    %reduce_min3A_23 = vector.extract %reduce_min3A_22[0, 0, 0] : f32 from vector<1x1x1xf32>
    %min3A = vector.broadcast %reduce_min3A_23 : f32 to vector<1x128xf32>
    %min3A_24 = arith.minimumf %get3A_16, %min3A : vector<1x128xf32>
    %swap3A_25 = arith.constant 0 : index
    %swap3A_26 = arith.constant 0 : index
    %swap3A_27 = vector.load %arg4[%swap3A_25, %swap3A_26] : memref<1x128xf32, #tpu.memory_space<vmem>>, vector<1x128xf32>
    tpu.vector_store %arg4[%swap3A_25, %swap3A_26], %min3A_24 {strides = array<i32>} : memref<1x128xf32, #tpu.memory_space<vmem>>, vector<1x128xf32>,
    %eq3A_28 = arith.constant 24 : i32
    %eq3A_29 = arith.cmpi eq, %arg0, %eq3A_28 : i32
    %convert_element_type3A_30 = arith.extui %eq3A_29 : i1 to i32
    %cond3A_31 = arith.constant 0 : i32
    %cond3A_32 = arith.cmpi ne, %convert_element_type3A_30, %cond3A_31 : i32
    scf.if %cond3A_32 {
      %get3A_33 = arith.constant 0 : index
      %get3A_34 = arith.constant 0 : index
      %get3A_35 = vector.load %arg3[%get3A_33, %get3A_34] : memref<1x128xf32, #tpu.memory_space<vmem>>, vector<1x128xf32>
      %swap3A_36 = arith.constant 0 : index
      %swap3A_37 = arith.constant 0 : index
      %swap3A_38 = vector.load %arg2[%swap3A_36, %swap3A_37] : memref<2x128xf32, #tpu.memory_space<vmem>>, vector<1x128xf32>
      tpu.vector_store %arg2[%swap3A_36, %swap3A_37], %get3A_35 {strides = array<i32>} : memref<2x128xf32, #tpu.memory_space<vmem>>, vector<1x128xf32>,
      %get3A_39 = arith.constant 0 : index
      %get3A_40 = arith.constant 0 : index
      %get3A_41 = vector.load %arg4[%get3A_39, %get3A_40] : memref<1x128xf32, #tpu.memory_space<vmem>>, vector<1x128xf32>
      %swap3A_42 = arith.constant 1 : index
      %swap3A_43 = arith.constant 0 : index
      %swap3A_44 = vector.load %arg2[%swap3A_42, %swap3A_43] : memref<2x128xf32, #tpu.memory_space<vmem>>, vector<1x128xf32>
      tpu.vector_store %arg2[%swap3A_42, %swap3A_43], %get3A_41 {strides = array<i32>} : memref<2x128xf32, #tpu.memory_space<vmem>>, vector<1x128xf32>,
    } else {
    }
    return
  }
  func.func @transform_0(%arg0: i32) -> (i32, i32) {
    %c0_i32 = arith.constant 0 : i32
    %c0_i32_0 = arith.constant 0 : i32
    return %arg0, %c0_i32 : i32, i32
  }
  func.func @transform_1(%arg0: i32) -> (i32, i32) {
    %c0_i32 = arith.constant 0 : i32
    %c0_i32_0 = arith.constant 0 : i32
    %c0_i32_1 = arith.constant 0 : i32
    return %c0_i32, %c0_i32_0 : i32, i32
  }
}

module attributes {stable_mosaic.version = 14 : i64} {
  func.func @_b_body(%arg0: i32, %arg1: memref<2x2000x4xf32, #tpu.memory_space<vmem>>, %arg2: memref<2x2000x4xf32, #tpu.memory_space<vmem>>, %arg3: memref<4x128xf32, #tpu.memory_space<vmem>>, %arg4: memref<1x128xf32, #tpu.memory_space<vmem>>, %arg5: memref<128x32xf32, #tpu.memory_space<vmem>>, %arg6: memref<32x1xf32, #tpu.memory_space<vmem>>, %arg7: memref<32x1xf32, #tpu.memory_space<vmem>>, %arg8: memref<2000x128xf32, #tpu.memory_space<vmem>>, %arg9: memref<2000x1xf32, #tpu.memory_space<vmem>>, %arg10: memref<2000x1xf32, #tpu.memory_space<vmem>>, %arg11: memref<1x16xf32, #tpu.memory_space<vmem>>, %arg12: memref<1x16xf32, #tpu.memory_space<vmem>>, %arg13: memref<1x16xf32, #tpu.memory_space<vmem>>) attributes {dimension_semantics = [#tpu.dimension_semantics<arbitrary>], iteration_bounds = array<i64: 25>, scalar_prefetch = 0 : i64, scratch_operands = 2 : i64, tpu.core_type = #tpu.core_type<tc>, window_params = [{transform_indices = @transform_0, window_bounds = array<i64: 2, 2000, 4>}, {transform_indices = @transform_1, window_bounds = array<i64: 2, 2000, 4>}, {pipeline_mode = #tpu.pipeline_mode<synchronous>, transform_indices = @transform_2, window_bounds = array<i64: 4, 128>}, {pipeline_mode = #tpu.pipeline_mode<synchronous>, transform_indices = @transform_3, window_bounds = array<i64: 1, 128>}, {pipeline_mode = #tpu.pipeline_mode<synchronous>, transform_indices = @transform_4, window_bounds = array<i64: 128, 32>}, {pipeline_mode = #tpu.pipeline_mode<synchronous>, transform_indices = @transform_5, window_bounds = array<i64: 32, 1>}, {pipeline_mode = #tpu.pipeline_mode<synchronous>, transform_indices = @transform_6, window_bounds = array<i64: 32, 1>}, {transform_indices = @transform_7, window_bounds = array<i64: 2000, 128>}, {transform_indices = @transform_8, window_bounds = array<i64: 2000, 1>}, {transform_indices = @transform_9, window_bounds = array<i64: 2000, 1>}, {pipeline_mode = #tpu.pipeline_mode<synchronous>, transform_indices = @transform_10, window_bounds = array<i64: 1, 16>}]} {
    %eq3A = arith.constant 0 : i32
    %eq3A_0 = arith.cmpi eq, %arg0, %eq3A : i32
    %convert_element_type3A = arith.extui %eq3A_0 : i1 to i32
    %cond3A = arith.constant 0 : i32
    %cond3A_1 = arith.cmpi ne, %convert_element_type3A, %cond3A : i32
    scf.if %cond3A_1 {
      %broadcast_in_dim3A_90 = arith.constant 0xFF800000 : f32
      %broadcast_in_dim3A_91 = vector.broadcast %broadcast_in_dim3A_90 : f32 to vector<1x16xf32>
      %swap3A_92 = arith.constant 0 : index
      %swap3A_93 = arith.constant 0 : index
      %swap3A_94 = vector.load %arg12[%swap3A_92, %swap3A_93] : memref<1x16xf32, #tpu.memory_space<vmem>>, vector<1x16xf32>
      tpu.vector_store %arg12[%swap3A_92, %swap3A_93], %broadcast_in_dim3A_91 {strides = array<i32>} : memref<1x16xf32, #tpu.memory_space<vmem>>, vector<1x16xf32>,
      %broadcast_in_dim3A_95 = arith.constant 0xFF800000 : f32
      %broadcast_in_dim3A_96 = vector.broadcast %broadcast_in_dim3A_95 : f32 to vector<1x16xf32>
      %swap3A_97 = arith.constant 0 : index
      %swap3A_98 = arith.constant 0 : index
      %swap3A_99 = vector.load %arg13[%swap3A_97, %swap3A_98] : memref<1x16xf32, #tpu.memory_space<vmem>>, vector<1x16xf32>
      tpu.vector_store %arg13[%swap3A_97, %swap3A_98], %broadcast_in_dim3A_96 {strides = array<i32>} : memref<1x16xf32, #tpu.memory_space<vmem>>, vector<1x16xf32>,
    } else {
    }
    %get3A = arith.constant 0 : index
    %get3A_2 = arith.constant 0 : index
    %get3A_3 = arith.constant 0 : index
    %get3A_4 = vector.load %arg1[%get3A, %get3A_2, %get3A_3] : memref<2x2000x4xf32, #tpu.memory_space<vmem>>, vector<1x2000x4xf32>
    %get3A_5 = vector.shape_cast %get3A_4 : vector<1x2000x4xf32> to vector<2000x4xf32>
    %get3A_6 = arith.constant 1 : index
    %get3A_7 = arith.constant 0 : index
    %get3A_8 = arith.constant 0 : index
    %get3A_9 = vector.load %arg1[%get3A_6, %get3A_7, %get3A_8] : memref<2x2000x4xf32, #tpu.memory_space<vmem>>, vector<1x2000x4xf32>
    %get3A_10 = vector.shape_cast %get3A_9 : vector<1x2000x4xf32> to vector<2000x4xf32>
    %add3A = arith.addf %get3A_5, %get3A_10 : vector<2000x4xf32>
    %add3A_11 = arith.constant 1.000000e-16 : f32
    %add3A_12 = vector.broadcast %add3A_11 : f32 to vector<2000x4xf32>
    %add3A_13 = arith.addf %add3A, %add3A_12 : vector<2000x4xf32>
    %get3A_14 = arith.constant 0 : index
    %get3A_15 = arith.constant 0 : index
    %get3A_16 = arith.constant 0 : index
    %get3A_17 = vector.load %arg2[%get3A_14, %get3A_15, %get3A_16] : memref<2x2000x4xf32, #tpu.memory_space<vmem>>, vector<1x2000x4xf32>
    %get3A_18 = vector.shape_cast %get3A_17 : vector<1x2000x4xf32> to vector<2000x4xf32>
    %get3A_19 = arith.constant 1 : index
    %get3A_20 = arith.constant 0 : index
    %get3A_21 = arith.constant 0 : index
    %get3A_22 = vector.load %arg2[%get3A_19, %get3A_20, %get3A_21] : memref<2x2000x4xf32, #tpu.memory_space<vmem>>, vector<1x2000x4xf32>
    %get3A_23 = vector.shape_cast %get3A_22 : vector<1x2000x4xf32> to vector<2000x4xf32>
    %add3A_24 = arith.addf %get3A_18, %get3A_23 : vector<2000x4xf32>
    %div3A = arith.divf %add3A_24, %add3A_13 : vector<2000x4xf32>
    %get3A_25 = arith.constant 0 : index
    %get3A_26 = arith.constant 0 : index
    %get3A_27 = vector.load %arg3[%get3A_25, %get3A_26] : memref<4x128xf32, #tpu.memory_space<vmem>>, vector<4x128xf32>
    %dot_general3A = arith.constant dense<0.000000e+00> : vector<2000x128xf32>
    %dot_general3A_28 = tpu.matmul %div3A, %get3A_27, %dot_general3A {dimension_numbers = #tpu.dot_dimension_numbers<[1], [0], [0], [1], [0, 0, 1, 1], [], []>, transpose_lhs_hint = false} : vector<2000x4xf32>, vector<4x128xf32>, vector<2000x128xf32> -> vector<2000x128xf32>
    %get3A_29 = arith.constant 0 : index
    %get3A_30 = arith.constant 0 : index
    %get3A_31 = vector.load %arg4[%get3A_29, %get3A_30] : memref<1x128xf32, #tpu.memory_space<vmem>>, vector<1x128xf32>
    %add3A_32 = vector.broadcast %get3A_31 : vector<1x128xf32> to vector<2000x128xf32>
    %add3A_33 = arith.addf %dot_general3A_28, %add3A_32 : vector<2000x128xf32>
    %max3A = arith.constant 0.000000e+00 : f32
    %max3A_34 = vector.broadcast %max3A : f32 to vector<2000x128xf32>
    %max3A_35 = arith.maximumf %add3A_33, %max3A_34 : vector<2000x128xf32>
    %get3A_36 = arith.constant 0 : index
    %get3A_37 = arith.constant 0 : index
    %get3A_38 = vector.load %arg5[%get3A_36, %get3A_37] : memref<128x32xf32, #tpu.memory_space<vmem>>, vector<128x32xf32>
    %dot_general3A_39 = arith.constant dense<0.000000e+00> : vector<2000x32xf32>
    %dot_general3A_40 = tpu.matmul %max3A_35, %get3A_38, %dot_general3A_39 {dimension_numbers = #tpu.dot_dimension_numbers<[1], [0], [0], [1], [0, 0, 1, 1], [], []>, transpose_lhs_hint = false} : vector<2000x128xf32>, vector<128x32xf32>, vector<2000x32xf32> -> vector<2000x32xf32>
    %broadcast_in_dim3A = arith.constant 0.000000e+00 : f32
    %broadcast_in_dim3A_41 = vector.broadcast %broadcast_in_dim3A : f32 to vector<2000x96xf32>
    %concatenate3A = tpu.concatenate %dot_general3A_40, %broadcast_in_dim3A_41 in 1 : vector<2000x32xf32>, vector<2000x96xf32> -> vector<2000x128xf32>
    %swap3A = arith.constant 0 : index
    %swap3A_42 = arith.constant 0 : index
    %swap3A_43 = vector.load %arg8[%swap3A, %swap3A_42] : memref<2000x128xf32, #tpu.memory_space<vmem>>, vector<2000x128xf32>
    tpu.vector_store %arg8[%swap3A, %swap3A_42], %concatenate3A {strides = array<i32>} : memref<2000x128xf32, #tpu.memory_space<vmem>>, vector<2000x128xf32>,
    %get3A_44 = arith.constant 0 : index
    %get3A_45 = arith.constant 0 : index
    %get3A_46 = vector.load %arg6[%get3A_44, %get3A_45] : memref<32x1xf32, #tpu.memory_space<vmem>>, vector<32x1xf32>
    %dot_general3A_47 = arith.constant dense<0.000000e+00> : vector<2000x1xf32>
    %dot_general3A_48 = tpu.matmul %dot_general3A_40, %get3A_46, %dot_general3A_47 {dimension_numbers = #tpu.dot_dimension_numbers<[1], [0], [0], [1], [0, 0, 1, 1], [], []>, transpose_lhs_hint = false} : vector<2000x32xf32>, vector<32x1xf32>, vector<2000x1xf32> -> vector<2000x1xf32>
    %get3A_49 = arith.constant 0 : index
    %get3A_50 = arith.constant 0 : index
    %get3A_51 = vector.load %arg7[%get3A_49, %get3A_50] : memref<32x1xf32, #tpu.memory_space<vmem>>, vector<32x1xf32>
    %dot_general3A_52 = arith.constant dense<0.000000e+00> : vector<2000x1xf32>
    %dot_general3A_53 = tpu.matmul %dot_general3A_40, %get3A_51, %dot_general3A_52 {dimension_numbers = #tpu.dot_dimension_numbers<[1], [0], [0], [1], [0, 0, 1, 1], [], []>, transpose_lhs_hint = false} : vector<2000x32xf32>, vector<32x1xf32>, vector<2000x1xf32> -> vector<2000x1xf32>
    %swap3A_54 = arith.constant 0 : index
    %swap3A_55 = arith.constant 0 : index
    %swap3A_56 = vector.load %arg9[%swap3A_54, %swap3A_55] : memref<2000x1xf32, #tpu.memory_space<vmem>>, vector<2000x1xf32>
    tpu.vector_store %arg9[%swap3A_54, %swap3A_55], %dot_general3A_48 {strides = array<i32>} : memref<2000x1xf32, #tpu.memory_space<vmem>>, vector<2000x1xf32>,
    %swap3A_57 = arith.constant 0 : index
    %swap3A_58 = arith.constant 0 : index
    %swap3A_59 = vector.load %arg10[%swap3A_57, %swap3A_58] : memref<2000x1xf32, #tpu.memory_space<vmem>>, vector<2000x1xf32>
    tpu.vector_store %arg10[%swap3A_57, %swap3A_58], %dot_general3A_53 {strides = array<i32>} : memref<2000x1xf32, #tpu.memory_space<vmem>>, vector<2000x1xf32>,
    %get3A_60 = arith.constant 0 : index
    %get3A_61 = arith.constant 0 : index
    %get3A_62 = vector.load %arg12[%get3A_60, %get3A_61] : memref<1x16xf32, #tpu.memory_space<vmem>>, vector<1x16xf32>
    %reduce_max3A = vector.shape_cast %dot_general3A_48 : vector<2000x1xf32> to vector<1x2000x1xf32>
    %reduce_max3A_63 = arith.constant dense<0xFF800000> : vector<1xf32>
    %reduce_max3A_64 = vector.multi_reduction <maximumf>, %reduce_max3A, %reduce_max3A_63 [1, 2] : vector<1x2000x1xf32> to vector<1xf32>
    %reduce_max3A_65 = vector.shape_cast %reduce_max3A_64 : vector<1xf32> to vector<1x1x1xf32>
    %reduce_max3A_66 = vector.extract %reduce_max3A_65[0, 0, 0] : f32 from vector<1x1x1xf32>
    %max3A_67 = vector.broadcast %reduce_max3A_66 : f32 to vector<1x16xf32>
    %max3A_68 = arith.maximumf %get3A_62, %max3A_67 : vector<1x16xf32>
    %swap3A_69 = arith.constant 0 : index
    %swap3A_70 = arith.constant 0 : index
    %swap3A_71 = vector.load %arg12[%swap3A_69, %swap3A_70] : memref<1x16xf32, #tpu.memory_space<vmem>>, vector<1x16xf32>
    tpu.vector_store %arg12[%swap3A_69, %swap3A_70], %max3A_68 {strides = array<i32>} : memref<1x16xf32, #tpu.memory_space<vmem>>, vector<1x16xf32>,
    %get3A_72 = arith.constant 0 : index
    %get3A_73 = arith.constant 0 : index
    %get3A_74 = vector.load %arg13[%get3A_72, %get3A_73] : memref<1x16xf32, #tpu.memory_space<vmem>>, vector<1x16xf32>
    %reduce_max3A_75 = vector.shape_cast %dot_general3A_53 : vector<2000x1xf32> to vector<1x2000x1xf32>
    %reduce_max3A_76 = arith.constant dense<0xFF800000> : vector<1xf32>
    %reduce_max3A_77 = vector.multi_reduction <maximumf>, %reduce_max3A_75, %reduce_max3A_76 [1, 2] : vector<1x2000x1xf32> to vector<1xf32>
    %reduce_max3A_78 = vector.shape_cast %reduce_max3A_77 : vector<1xf32> to vector<1x1x1xf32>
    %reduce_max3A_79 = vector.extract %reduce_max3A_78[0, 0, 0] : f32 from vector<1x1x1xf32>
    %max3A_80 = vector.broadcast %reduce_max3A_79 : f32 to vector<1x16xf32>
    %max3A_81 = arith.maximumf %get3A_74, %max3A_80 : vector<1x16xf32>
    %swap3A_82 = arith.constant 0 : index
    %swap3A_83 = arith.constant 0 : index
    %swap3A_84 = vector.load %arg13[%swap3A_82, %swap3A_83] : memref<1x16xf32, #tpu.memory_space<vmem>>, vector<1x16xf32>
    tpu.vector_store %arg13[%swap3A_82, %swap3A_83], %max3A_81 {strides = array<i32>} : memref<1x16xf32, #tpu.memory_space<vmem>>, vector<1x16xf32>,
    %eq3A_85 = arith.constant 24 : i32
    %eq3A_86 = arith.cmpi eq, %arg0, %eq3A_85 : i32
    %convert_element_type3A_87 = arith.extui %eq3A_86 : i1 to i32
    %cond3A_88 = arith.constant 0 : i32
    %cond3A_89 = arith.cmpi ne, %convert_element_type3A_87, %cond3A_88 : i32
    scf.if %cond3A_89 {
      %get3A_90 = arith.constant 0 : index
      %get3A_91 = arith.constant 0 : index
      %get3A_92 = vector.load %arg12[%get3A_90, %get3A_91] : memref<1x16xf32, #tpu.memory_space<vmem>>, vector<1x16xf32>
      %get3A_93 = arith.constant 0 : index
      %get3A_94 = arith.constant 0 : index
      %get3A_95 = vector.load %arg13[%get3A_93, %get3A_94] : memref<1x16xf32, #tpu.memory_space<vmem>>, vector<1x16xf32>
      %add3A_96 = arith.addf %get3A_92, %get3A_95 : vector<1x16xf32>
      %mul3A = arith.constant 2.000000e-01 : f32
      %mul3A_97 = vector.broadcast %mul3A : f32 to vector<1x16xf32>
      %mul3A_98 = arith.mulf %mul3A_97, %add3A_96 : vector<1x16xf32>
      %max3A_99 = arith.maximumf %add3A_96, %mul3A_98 : vector<1x16xf32>
      %swap3A_100 = arith.constant 0 : index
      %swap3A_101 = arith.constant 0 : index
      %swap3A_102 = vector.load %arg11[%swap3A_100, %swap3A_101] : memref<1x16xf32, #tpu.memory_space<vmem>>, vector<1x16xf32>
      tpu.vector_store %arg11[%swap3A_100, %swap3A_101], %max3A_99 {strides = array<i32>} : memref<1x16xf32, #tpu.memory_space<vmem>>, vector<1x16xf32>,
    } else {
    }
    return
  }
  func.func @transform_0(%arg0: i32) -> (i32, i32, i32) {
    %c0_i32 = arith.constant 0 : i32
    %c0_i32_0 = arith.constant 0 : i32
    %c0_i32_1 = arith.constant 0 : i32
    return %c0_i32, %arg0, %c0_i32_0 : i32, i32, i32
  }
  func.func @transform_1(%arg0: i32) -> (i32, i32, i32) {
    %c0_i32 = arith.constant 0 : i32
    %c0_i32_0 = arith.constant 0 : i32
    %c0_i32_1 = arith.constant 0 : i32
    return %c0_i32, %arg0, %c0_i32_0 : i32, i32, i32
  }
  func.func @transform_2(%arg0: i32) -> (i32, i32) {
    %c0_i32 = arith.constant 0 : i32
    %c0_i32_0 = arith.constant 0 : i32
    %c0_i32_1 = arith.constant 0 : i32
    return %c0_i32, %c0_i32_0 : i32, i32
  }
  func.func @transform_3(%arg0: i32) -> (i32, i32) {
    %c0_i32 = arith.constant 0 : i32
    %c0_i32_0 = arith.constant 0 : i32
    %c0_i32_1 = arith.constant 0 : i32
    return %c0_i32, %c0_i32_0 : i32, i32
  }
  func.func @transform_4(%arg0: i32) -> (i32, i32) {
    %c0_i32 = arith.constant 0 : i32
    %c0_i32_0 = arith.constant 0 : i32
    %c0_i32_1 = arith.constant 0 : i32
    return %c0_i32, %c0_i32_0 : i32, i32
  }
  func.func @transform_5(%arg0: i32) -> (i32, i32) {
    %c0_i32 = arith.constant 0 : i32
    %c0_i32_0 = arith.constant 0 : i32
    %c0_i32_1 = arith.constant 0 : i32
    return %c0_i32, %c0_i32_0 : i32, i32
  }
  func.func @transform_6(%arg0: i32) -> (i32, i32) {
    %c0_i32 = arith.constant 0 : i32
    %c0_i32_0 = arith.constant 0 : i32
    %c0_i32_1 = arith.constant 0 : i32
    return %c0_i32, %c0_i32_0 : i32, i32
  }
  func.func @transform_7(%arg0: i32) -> (i32, i32) {
    %c0_i32 = arith.constant 0 : i32
    %c0_i32_0 = arith.constant 0 : i32
    return %arg0, %c0_i32 : i32, i32
  }
  func.func @transform_8(%arg0: i32) -> (i32, i32) {
    %c0_i32 = arith.constant 0 : i32
    %c0_i32_0 = arith.constant 0 : i32
    return %arg0, %c0_i32 : i32, i32
  }
  func.func @transform_9(%arg0: i32) -> (i32, i32) {
    %c0_i32 = arith.constant 0 : i32
    %c0_i32_0 = arith.constant 0 : i32
    return %arg0, %c0_i32 : i32, i32
  }
  func.func @transform_10(%arg0: i32) -> (i32, i32) {
    %c0_i32 = arith.constant 0 : i32
    %c0_i32_0 = arith.constant 0 : i32
    %c0_i32_1 = arith.constant 0 : i32
    return %c0_i32, %c0_i32_0 : i32, i32
  }
}

module attributes {stable_mosaic.version = 14 : i64} {
  func.func @_c_body(%arg0: i32, %arg1: memref<2000x32xf32, #tpu.memory_space<vmem>>, %arg2: memref<2000x1xf32, #tpu.memory_space<vmem>>, %arg3: memref<2000x1xi32, #tpu.memory_space<vmem>>, %arg4: memref<1x32xf32, #tpu.memory_space<vmem>>, %arg5: memref<32x1xf32, #tpu.memory_space<vmem>>, %arg6: memref<1x1xf32, #tpu.memory_space<vmem>>, %arg7: memref<64x1xf32, #tpu.memory_space<vmem>>, %arg8: memref<64x32xf32, #tpu.memory_space<vmem>>, %arg9: memref<64x32xf32, #tpu.memory_space<vmem>>) attributes {dimension_semantics = [#tpu.dimension_semantics<arbitrary>], iteration_bounds = array<i64: 25>, scalar_prefetch = 0 : i64, scratch_operands = 2 : i64, tpu.core_type = #tpu.core_type<tc>, window_params = [{transform_indices = @transform_0, window_bounds = array<i64: 2000, 32>}, {transform_indices = @transform_1, window_bounds = array<i64: 2000, 1>}, {transform_indices = @transform_2, window_bounds = array<i64: 2000, 1>}, {pipeline_mode = #tpu.pipeline_mode<synchronous>, transform_indices = @transform_3, window_bounds = array<i64: 1, 32>}, {pipeline_mode = #tpu.pipeline_mode<synchronous>, transform_indices = @transform_4, window_bounds = array<i64: 32, 1>}, {pipeline_mode = #tpu.pipeline_mode<synchronous>, transform_indices = @transform_5, window_bounds = array<i64: 1, 1>}, {pipeline_mode = #tpu.pipeline_mode<synchronous>, transform_indices = @transform_6, window_bounds = array<i64: 64, 1>}]} {
    %eq3A = arith.constant 0 : i32
    %eq3A_0 = arith.cmpi eq, %arg0, %eq3A : i32
    %convert_element_type3A = arith.extui %eq3A_0 : i1 to i32
    %cond3A = arith.constant 0 : i32
    %cond3A_1 = arith.cmpi ne, %convert_element_type3A, %cond3A : i32
    scf.if %cond3A_1 {
      %broadcast_in_dim3A_46 = arith.constant 0.000000e+00 : f32
      %broadcast_in_dim3A_47 = vector.broadcast %broadcast_in_dim3A_46 : f32 to vector<64x32xf32>
      %swap3A_48 = arith.constant 0 : index
      %swap3A_49 = arith.constant 0 : index
      %swap3A_50 = vector.load %arg8[%swap3A_48, %swap3A_49] : memref<64x32xf32, #tpu.memory_space<vmem>>, vector<64x32xf32>
      tpu.vector_store %arg8[%swap3A_48, %swap3A_49], %broadcast_in_dim3A_47 {strides = array<i32>} : memref<64x32xf32, #tpu.memory_space<vmem>>, vector<64x32xf32>,
      %broadcast_in_dim3A_51 = arith.constant 0.000000e+00 : f32
      %broadcast_in_dim3A_52 = vector.broadcast %broadcast_in_dim3A_51 : f32 to vector<64x32xf32>
      %swap3A_53 = arith.constant 0 : index
      %swap3A_54 = arith.constant 0 : index
      %swap3A_55 = vector.load %arg9[%swap3A_53, %swap3A_54] : memref<64x32xf32, #tpu.memory_space<vmem>>, vector<64x32xf32>
      tpu.vector_store %arg9[%swap3A_53, %swap3A_54], %broadcast_in_dim3A_52 {strides = array<i32>} : memref<64x32xf32, #tpu.memory_space<vmem>>, vector<64x32xf32>,
    } else {
    }
    %get3A = arith.constant 0 : index
    %get3A_2 = arith.constant 0 : index
    %get3A_3 = vector.load %arg2[%get3A, %get3A_2] : memref<2000x1xf32, #tpu.memory_space<vmem>>, vector<2000x1xf32>
    %add3A = arith.constant 1.000000e-16 : f32
    %add3A_4 = vector.broadcast %add3A : f32 to vector<2000x1xf32>
    %add3A_5 = arith.addf %get3A_3, %add3A_4 : vector<2000x1xf32>
    %get3A_6 = arith.constant 0 : index
    %get3A_7 = arith.constant 0 : index
    %get3A_8 = vector.load %arg1[%get3A_6, %get3A_7] : memref<2000x32xf32, #tpu.memory_space<vmem>>, vector<2000x32xf32>
    %div3A = vector.broadcast %add3A_5 : vector<2000x1xf32> to vector<2000x32xf32>
    %div3A_9 = arith.divf %get3A_8, %div3A : vector<2000x32xf32>
    %get3A_10 = arith.constant 0 : index
    %get3A_11 = arith.constant 0 : index
    %get3A_12 = vector.load %arg4[%get3A_10, %get3A_11] : memref<1x32xf32, #tpu.memory_space<vmem>>, vector<1x32xf32>
    %add3A_13 = vector.broadcast %get3A_12 : vector<1x32xf32> to vector<2000x32xf32>
    %add3A_14 = arith.addf %div3A_9, %add3A_13 : vector<2000x32xf32>
    %max3A = arith.constant 0.000000e+00 : f32
    %max3A_15 = vector.broadcast %max3A : f32 to vector<2000x32xf32>
    %max3A_16 = arith.maximumf %add3A_14, %max3A_15 : vector<2000x32xf32>
    %iota3A = tpu.iota {dimensions = array<i32: 1>} : vector<2000x64xi32>
    %get3A_17 = arith.constant 0 : index
    %get3A_18 = arith.constant 0 : index
    %get3A_19 = vector.load %arg3[%get3A_17, %get3A_18] : memref<2000x1xi32, #tpu.memory_space<vmem>>, vector<2000x1xi32>
    %eq3A_20 = vector.broadcast %get3A_19 : vector<2000x1xi32> to vector<2000x64xi32>
    %eq3A_21 = arith.cmpi eq, %eq3A_20, %iota3A : vector<2000x64xi32>
    %convert_element_type3A_22 = arith.extui %eq3A_21 : vector<2000x64xi1> to vector<2000x64xi32>
    %convert_element_type3A_23 = arith.sitofp %convert_element_type3A_22 : vector<2000x64xi32> to vector<2000x64xf32>
    %get3A_24 = arith.constant 0 : index
    %get3A_25 = arith.constant 0 : index
    %get3A_26 = vector.load %arg8[%get3A_24, %get3A_25] : memref<64x32xf32, #tpu.memory_space<vmem>>, vector<64x32xf32>
    %dot_general3A = arith.constant dense<0.000000e+00> : vector<64x32xf32>
    %dot_general3A_27 = tpu.matmul %convert_element_type3A_23, %max3A_16, %dot_general3A {dimension_numbers = #tpu.dot_dimension_numbers<[0], [0], [1], [1], [0, 1, 1, 1], [], []>, transpose_lhs_hint = false} : vector<2000x64xf32>, vector<2000x32xf32>, vector<64x32xf32> -> vector<64x32xf32>
    %add3A_28 = arith.addf %get3A_26, %dot_general3A_27 : vector<64x32xf32>
    %swap3A = arith.constant 0 : index
    %swap3A_29 = arith.constant 0 : index
    %swap3A_30 = vector.load %arg8[%swap3A, %swap3A_29] : memref<64x32xf32, #tpu.memory_space<vmem>>, vector<64x32xf32>
    tpu.vector_store %arg8[%swap3A, %swap3A_29], %add3A_28 {strides = array<i32>} : memref<64x32xf32, #tpu.memory_space<vmem>>, vector<64x32xf32>,
    %get3A_31 = arith.constant 0 : index
    %get3A_32 = arith.constant 0 : index
    %get3A_33 = vector.load %arg9[%get3A_31, %get3A_32] : memref<64x32xf32, #tpu.memory_space<vmem>>, vector<64x32xf32>
    %broadcast_in_dim3A = arith.constant 1.000000e+00 : f32
    %broadcast_in_dim3A_34 = vector.broadcast %broadcast_in_dim3A : f32 to vector<2000x32xf32>
    %dot_general3A_35 = arith.constant dense<0.000000e+00> : vector<64x32xf32>
    %dot_general3A_36 = tpu.matmul %convert_element_type3A_23, %broadcast_in_dim3A_34, %dot_general3A_35 {dimension_numbers = #tpu.dot_dimension_numbers<[0], [0], [1], [1], [0, 1, 1, 1], [], []>, transpose_lhs_hint = false} : vector<2000x64xf32>, vector<2000x32xf32>, vector<64x32xf32> -> vector<64x32xf32>
    %add3A_37 = arith.addf %get3A_33, %dot_general3A_36 : vector<64x32xf32>
    %swap3A_38 = arith.constant 0 : index
    %swap3A_39 = arith.constant 0 : index
    %swap3A_40 = vector.load %arg9[%swap3A_38, %swap3A_39] : memref<64x32xf32, #tpu.memory_space<vmem>>, vector<64x32xf32>
    tpu.vector_store %arg9[%swap3A_38, %swap3A_39], %add3A_37 {strides = array<i32>} : memref<64x32xf32, #tpu.memory_space<vmem>>, vector<64x32xf32>,
    %eq3A_41 = arith.constant 24 : i32
    %eq3A_42 = arith.cmpi eq, %arg0, %eq3A_41 : i32
    %convert_element_type3A_43 = arith.extui %eq3A_42 : i1 to i32
    %cond3A_44 = arith.constant 0 : i32
    %cond3A_45 = arith.cmpi ne, %convert_element_type3A_43, %cond3A_44 : i32
    scf.if %cond3A_45 {
      %get3A_46 = arith.constant 0 : index
      %get3A_47 = arith.constant 0 : index
      %get3A_48 = vector.load %arg8[%get3A_46, %get3A_47] : memref<64x32xf32, #tpu.memory_space<vmem>>, vector<64x32xf32>
      %get3A_49 = arith.constant 0 : index
      %get3A_50 = arith.constant 0 : index
      %get3A_51 = vector.load %arg9[%get3A_49, %get3A_50] : memref<64x32xf32, #tpu.memory_space<vmem>>, vector<64x32xf32>
      %max3A_52 = arith.constant 1.000000e+00 : f32
      %max3A_53 = vector.broadcast %max3A_52 : f32 to vector<64x32xf32>
      %max3A_54 = arith.maximumf %get3A_51, %max3A_53 : vector<64x32xf32>
      %div3A_55 = arith.divf %get3A_48, %max3A_54 : vector<64x32xf32>
      %get3A_56 = arith.constant 0 : index
      %get3A_57 = arith.constant 0 : index
      %get3A_58 = vector.load %arg5[%get3A_56, %get3A_57] : memref<32x1xf32, #tpu.memory_space<vmem>>, vector<32x1xf32>
      %dot_general3A_59 = arith.constant dense<0.000000e+00> : vector<64x1xf32>
      %dot_general3A_60 = tpu.matmul %div3A_55, %get3A_58, %dot_general3A_59 {dimension_numbers = #tpu.dot_dimension_numbers<[1], [0], [0], [1], [0, 0, 1, 1], [], []>, transpose_lhs_hint = false} : vector<64x32xf32>, vector<32x1xf32>, vector<64x1xf32> -> vector<64x1xf32>
      %get3A_61 = arith.constant 0 : index
      %get3A_62 = arith.constant 0 : index
      %get3A_63 = vector.load %arg6[%get3A_61, %get3A_62] : memref<1x1xf32, #tpu.memory_space<vmem>>, vector<1x1xf32>
      %add3A_64 = vector.broadcast %get3A_63 : vector<1x1xf32> to vector<64x1xf32>
      %add3A_65 = arith.addf %dot_general3A_60, %add3A_64 : vector<64x1xf32>
      %logistic3A = arith.negf %add3A_65 : vector<64x1xf32>
      %logistic3A_66 = math.exp %logistic3A : vector<64x1xf32>
      %logistic3A_67 = arith.constant 1.000000e+00 : f32
      %logistic3A_68 = vector.broadcast %logistic3A_67 : f32 to vector<64x1xf32>
      %logistic3A_69 = arith.addf %logistic3A_68, %logistic3A_66 : vector<64x1xf32>
      %logistic3A_70 = arith.divf %logistic3A_68, %logistic3A_69 : vector<64x1xf32>
      %swap3A_71 = arith.constant 0 : index
      %swap3A_72 = arith.constant 0 : index
      %swap3A_73 = vector.load %arg7[%swap3A_71, %swap3A_72] : memref<64x1xf32, #tpu.memory_space<vmem>>, vector<64x1xf32>
      tpu.vector_store %arg7[%swap3A_71, %swap3A_72], %logistic3A_70 {strides = array<i32>} : memref<64x1xf32, #tpu.memory_space<vmem>>, vector<64x1xf32>,
    } else {
    }
    return
  }
  func.func @transform_0(%arg0: i32) -> (i32, i32) {
    %c0_i32 = arith.constant 0 : i32
    %c0_i32_0 = arith.constant 0 : i32
    return %arg0, %c0_i32 : i32, i32
  }
  func.func @transform_1(%arg0: i32) -> (i32, i32) {
    %c0_i32 = arith.constant 0 : i32
    %c0_i32_0 = arith.constant 0 : i32
    return %arg0, %c0_i32 : i32, i32
  }
  func.func @transform_2(%arg0: i32) -> (i32, i32) {
    %c0_i32 = arith.constant 0 : i32
    %c0_i32_0 = arith.constant 0 : i32
    return %arg0, %c0_i32 : i32, i32
  }
  func.func @transform_3(%arg0: i32) -> (i32, i32) {
    %c0_i32 = arith.constant 0 : i32
    %c0_i32_0 = arith.constant 0 : i32
    %c0_i32_1 = arith.constant 0 : i32
    return %c0_i32, %c0_i32_0 : i32, i32
  }
  func.func @transform_4(%arg0: i32) -> (i32, i32) {
    %c0_i32 = arith.constant 0 : i32
    %c0_i32_0 = arith.constant 0 : i32
    %c0_i32_1 = arith.constant 0 : i32
    return %c0_i32, %c0_i32_0 : i32, i32
  }
  func.func @transform_5(%arg0: i32) -> (i32, i32) {
    %c0_i32 = arith.constant 0 : i32
    %c0_i32_0 = arith.constant 0 : i32
    %c0_i32_1 = arith.constant 0 : i32
    return %c0_i32, %c0_i32_0 : i32, i32
  }
  func.func @transform_6(%arg0: i32) -> (i32, i32) {
    %c0_i32 = arith.constant 0 : i32
    %c0_i32_0 = arith.constant 0 : i32
    %c0_i32_1 = arith.constant 0 : i32
    return %c0_i32, %c0_i32_0 : i32, i32
  }
}

</mosaic_0001>

<sc_bundles>
// kernel: kernel.10.cloned.1.call-start
scs
__scs_entry_jumppad:
0x0: {  	(pc) =	sbr.rel $0x88, $3  }
0x1: {  	(tag) =	ssettag $0x0;
	lr =	simm.s32 $0x1  }
0x2: {  	[smem:$0x3F94] =	sst lr;
	_ =	strace $0xD0000000  }
0x3: {  	_ = 	snop  }
0x4: {  	_ = 	snop  }
0x5: {  	_ = 	snop  }
0x6: {  	_ = 	snop  }
0x7: {  	_ = 	snop  }
__scs_overlays_trampoline_lowered:
0x8: {  	[smem:$0x3FA3] =	sst s0  }
0x9: {  	[smem:$0x3FA4] =	sst s1  }
0xa: {  	[smem:$0x3FA5] =	sst s2  }
0xb: {  	[smem:$0x3FA6] =	sst s3  }
0xc: {  	[smem:$0x3FA7] =	sst s4  }
0xd: {  	[smem:$0x3FA8] =	sst s5  }
0xe: {  	[smem:$0x3FA9] =	sst s6  }
0xf: {  	[smem:$0x3FAA] =	sst s7  }
0x10: {  	[smem:$0x3FAB] =	sst s8  }
0x11: {  	[smem:$0x3FAC] =	sst s9;
	s0 =	simm.s32 @!p0 $0x0  }
0x12: {  	s1 =	sld [smem:$0x3F92];
	s0 =	simm.s32 @p0 $0x1  }
0x13: {  	[smem:$0x3FAD] =	sst s0;
	s0 =	simm.s32 @!p1 $0x0  }
0x14: {  	s2 =	sld [smem:$0x3F91];
	s0 =	simm.s32 @p1 $0x1  }
0x15: {  	[smem:$0x3FAE] =	sst s0;
	s0 =	simm.s32 @!p2 $0x0  }
0x16: {  	s3 =	sld [smem:$0x3FDB];
	s0 =	simm.s32 @p2 $0x1  }
0x17: {  	s4 =	simm.s32 $0x1BF5;
	[smem:$0x3FB0] =	sst s0  }
0x18: {  	s0 =	sld [smem:$0x3F93];
	_ =	swait.ge [sflag:s4], $0x0  }
0x19: {  	s7 =	sld [smem:$0x3F94]  }
0x1a: {  	s8 =	sadd.s32 $0xFFFFE003, lr  }
0x1b: {  	s9 =	sadd.s32 $0xFFFFFEF7, lr;
	s5 =	simm.s32 $0xFFFFFFFF;
	p2 =	slt.u32 s8, $0xFFFFF086  }
0x1c: {  	p1 =	slt.u32 s9, $0xF7A;
	s5 =	simm.s32 @!p2 $0x0  }
0x1d: {  	s5 =	simm.s32 @p1 $0x1;
	p0 =	seq.s32 s7, s2  }
0x1e: {  	s7 =	smul.u32 @!p0 $0xF7A, s2;
	p2 =	seq.s32 @!p0 s5, $0x0  }
0x1f: {  	s9 =	smul.u32 $0xF7A, s1;
	s8 =	simm.s32 @!p0 $0x1BF5;
	p2 =	por !p2, p0  }
0x20: {  	[sflag:s8] =	ssyncset.s32 @!p0 $0xFFFFF086;
	s6 =	sadd.s32 @!p0 s3, s7;
	s7 =	simm.s32 @!p0 $0x108  }
0x21: {  	s3 =	sadd.s32 s3, s9;
	s6 =	sadd.s32 @!p0 $0x88, s6;
	s7 =	simm.s32 @p2 $0x1082  }
0x22: {  	[simem:s7], [sflag:s8] =	dma.local @!p0 [hbm:s6], $0xF7A  }
0x23: {  	s9 =	sor.u32 $0xD0000000, s2;
	s6 =	simm.s32 $0x108;
	_ =	swait.ge @!p0 [sflag:s8], $0x0  }
0x24: {  	s3 =	sadd.s32 $0x88, s3;
	s6 =	simm.s32 @!p1 $0x1082;
	[sflag:s4] =	ssyncset.s32 $0xFFFFF086  }
0x25: {  	[simem:s6], [sflag:s4] =	dma.local [hbm:s3], $0xF7A  }
0x26: {  	[smem:$0x3F94] =	sst s1;
	(tag) =	ssettag s2;
	_ =	strace s9  }
0x27: {  	s1 =	sld [smem:$0x3FA4]  }
0x28: {  	s2 =	sld [smem:$0x3FA5]  }
0x29: {  	s4 =	sld [smem:$0x3FA7]  }
0x2a: {  	p0 =	seq.s32 s5, $0x0;
	s5 =	sld [smem:$0x3FA8]  }
0x2b: {  	s6 =	sld [smem:$0x3FA9]  }
0x2c: {  	s7 =	sld [smem:$0x3FAA]  }
0x2d: {  	s3 =	simm.s32 $0x108;
	s8 =	sld [smem:$0x3FAB]  }
0x2e: {  	s3 =	simm.s32 @!p0 $0x1082;
	s9 =	sld [smem:$0x3FAC]  }
0x2f: {  	lr =	sadd.s32 s0, s3;
	s0 =	sld [smem:$0x3FA3]  }
0x30: {  	s3 =	sld [smem:$0x3FA6]  }
0x31: {  	[smem:$0x3FAF] =	sst s10  }
0x32: {  	s10 =	sld [smem:$0x3FAD];
	_ =	sdelay $0x3  }
0x33: {  	p0 =	seq.s32 s10, $0x1;
	s10 =	sld [smem:$0x3FAF];
	_ =	sdelay $0x3  }
0x34: {  	[smem:$0x3FAF] =	sst s10  }
0x35: {  	s10 =	sld [smem:$0x3FAE];
	_ =	sdelay $0x3  }
0x36: {  	p1 =	seq.s32 s10, $0x1;
	s10 =	sld [smem:$0x3FAF];
	_ =	sdelay $0x3  }
0x37: {  	[smem:$0x3FAF] =	sst s10  }
0x38: {  	s10 =	sld [smem:$0x3FB0]  }
0x39: {  	_ = 	snop;
	(pc) =	sbr.ind lr, $3  }
0x3a: {  	_ = 	snop  }
0x3b: {  	_ = 	snop  }
0x3c: {  	p2 =	seq.s32 s10, $0x1;
	s10 =	sld [smem:$0x3FAF]  }
0x3d: {  	_ =	shalt  }
0x3e: {  	_ =	shalt  }
0x3f: {  	_ =	shalt  }
0x40: {  	_ =	shalt  }
0x41: {  	_ =	shalt  }
0x42: {  	_ =	shalt  }
0x43: {  	_ =	shalt  }
0x44: {  	_ =	shalt  }
0x45: {  	_ =	shalt  }
0x46: {  	_ =	shalt  }
0x47: {  	_ =	shalt  }
0x48: {  	_ =	shalt  }
0x49: {  	_ =	shalt  }
0x4a: {  	_ =	shalt  }
0x4b: {  	_ =	shalt  }
0x4c: {  	_ =	shalt  }
0x4d: {  	_ =	shalt  }
0x4e: {  	_ =	shalt  }
0x4f: {  	_ =	shalt  }
0x50: {  	_ =	shalt  }
0x51: {  	_ =	shalt  }
0x52: {  	_ =	shalt  }
0x53: {  	_ =	shalt  }
0x54: {  	_ =	shalt  }
0x55: {  	_ =	shalt  }
0x56: {  	_ =	shalt  }
0x57: {  	_ =	shalt  }
0x58: {  	_ =	shalt  }
0x59: {  	_ =	shalt  }
0x5a: {  	_ =	shalt  }
0x5b: {  	_ =	shalt  }
0x5c: {  	_ =	shalt  }
0x5d: {  	_ =	shalt  }
0x5e: {  	_ =	shalt  }
0x5f: {  	_ =	shalt  }
0x60: {  	_ =	shalt  }
0x61: {  	_ =	shalt  }
0x62: {  	_ =	shalt  }
0x63: {  	_ =	shalt  }
0x64: {  	_ =	shalt  }
0x65: {  	_ =	shalt  }
0x66: {  	_ =	shalt  }
0x67: {  	_ =	shalt  }
0x68: {  	_ =	shalt  }
0x69: {  	_ =	shalt  }
0x6a: {  	_ =	shalt  }
0x6b: {  	_ =	shalt  }
0x6c: {  	_ =	shalt  }
0x6d: {  	_ =	shalt  }
0x6e: {  	_ =	shalt  }
0x6f: {  	_ =	shalt  }
0x70: {  	_ =	shalt  }
0x71: {  	_ =	shalt  }
0x72: {  	_ =	shalt  }
0x73: {  	_ =	shalt  }
0x74: {  	_ =	shalt  }
0x75: {  	_ =	shalt  }
0x76: {  	_ =	shalt  }
0x77: {  	_ =	shalt  }
0x78: {  	_ =	shalt  }
0x79: {  	_ =	shalt  }
0x7a: {  	_ =	shalt  }
0x7b: {  	_ =	shalt  }
0x7c: {  	_ =	shalt  }
0x7d: {  	_ =	shalt  }
0x7e: {  	_ =	shalt  }
0x7f: {  	_ =	shalt  }
0x80: {  	_ =	shalt  }
0x81: {  	_ =	shalt  }
0x82: {  	_ =	shalt  }
0x83: {  	_ =	shalt  }
0x84: {  	_ =	shalt  }
0x85: {  	_ =	shalt  }
0x86: {  	_ =	shalt  }
0x87: {  	_ =	shalt  }
.Lfunc_end0:
.L_simem_size_0:
called_computation.1_lowered:
.L_overlay_start_0:
0x88: {  	s2 =	sld [smem:$0x3FD9]  }
0x89: {  	s3 =	sld [smem:$0x3FFE];
	_ =	sdelay $0x1  }
0x8a: {  	s1 =	srdreg.scid  }
0x8b: {  	s0 =	sand.u32 $0x1, s1  }
0x8c: {  	s17 =	sshll.u32 s0, $0xA;
	s2 =	sadd.s32 s3, s2  }
0x8d: {  	s2 =	sadd.s32 s2, s17  }
0x8e: {  	[smem:$0x3FBB] =	sst s2  }
0x8f: {  	_ = 	snop  }
0x90: {  	s2 =	sld [smem:$0x3FD0];
	(tm) =	ssettm $0x1  }
0x91: {  	s18 =	sld [smem:$0x3FFB];
	_ =	sdelay $0x3  }
0x92: {  	_ =	strace s18  }
0x93: {  	s3 =	sld [smem:$0x3FFC];
	_ =	sdelay $0x3  }
0x94: {  	_ =	strace s3  }
0x95: {  	s3 =	sld [smem:$0x3FFD];
	_ =	sdelay $0x3  }
0x96: {  	_ =	strace s3  }
0x97: {  	_ =	strace $0x8FFFFFFF  }
0x98: {  	s19 =	sld [smem:$0x3FDB];
	_ =	sdelay $0x1  }
0x99: {  	s4 =	simm.s32 $_scs_section_size  }
0x9a: {  	s5 =	simm.s32 $_size__tile_overlayer_lowered;
	s6 =	simm.s32 $_tile_overlayer_lowered  }
0x9b: {  	s22 =	simm.s32 $0x1BFF;
	s21 =	sshll.u32 s6, $0x1;
	s3 =	sadd.s32 s4, s19  }
0x9c: {  	s7 =	simm.s32 $0x0;
	s20 =	sshll.u32 s5, $0x1;
	s5 =	sadd.s32 s21, s3  }
0x9d: {  	[timem:s7], [sflag:s22] =	dma.local [hbm:s5], s20  }
0x9e: {  	_ =	swait.ge [sflag:s22], s20  }
0x9f: {  	s4 =	ssub.s32 $0x0, s20;
	[sflag:s22] =	ssyncset.done $0x0  }
0xa0: {  	[sflag:s22] =	ssyncadd.s32 s4;
	_ =	sdelay $0x1  }
0xa1: {  	s23 =	simm.s32 $0x1B8B  }
0xa2: {  	_ =	swait.ge [sflag:s23], $0x1  }
0xa3: {  	[sflag:s23] =	ssyncset.done $0x0  }
0xa4: {  	s25 =	simm.s32 $0x1B8E;
	s24 =	sld [smem:$0x3FFE];
	[sflag:s23] =	ssyncadd.s32 $0xFFFFFFFF  }
0xa5: {  	s26 =	simm.s32 $execute0_lowered;
	[smem:$0x3FD2] =	sst s25  }
0xa6: {  	s5 =	sshll.u32 s26, $0x1;
	_ =	strace $0x80000049;
	[dreg:$0x1] =	wrdreg $0xFFFFFFFF  }
0xa7: {  	s28 =	simm.s32 $_size_execute0_lowered;
	s3 =	sadd.s32 s3, s5;
	[dreg:$0x0] =	wrdreg $0x0  }
0xa8: {  	s5 =	sshll.u32 s28, $0x1;
	[dreg:$0x2] =	wrdreg s3  }
0xa9: {  	[dreg:$0x3] =	wrdreg s5  }
0xaa: {  	[dreg:$0x4] =	wrdreg $0xC0  }
0xab: {  	_ =	task [dreg:s7], $0x5FFFF  }
0xac: {  	[dreg:$0x1] =	wrdreg $0xFFFFFFFF  }
0xad: {  	[dreg:$0x0] =	wrdreg $0x60  }
0xae: {  	[dreg:$0x2] =	wrdreg s24  }
0xaf: {  	[dreg:$0x3] =	wrdreg s2  }
0xb0: {  	[dreg:$0x4] =	wrdreg $0xCD000  }
0xb1: {  	[dreg:$0x5] =	wrdreg $0xD9400  }
0xb2: {  	[dreg:$0x6] =	wrdreg $0xE5800  }
0xb3: {  	[dreg:$0x7] =	wrdreg $0x1AB800  }
0xb4: {  	[dreg:$0x8] =	wrdreg $0x9  }
0xb5: {  	_ =	task.clear_ibuf [dreg:s7], $0x9FFFF;
	_ =	strace $0x90000049  }
0xb6: {  	s29 =	simm.s32 $0x9;
	_ =	strace $0x8000004B  }
0xb7: {  	_ =	swait.ge [sflag:s29], $0x1  }
0xb8: {  	[sflag:s29] =	ssyncadd.s32 $0xFFFFFFFF  }
0xb9: {  	_ =	strace $0x9000004B  }
0xba: {  	_ =	sfence  }
0xbb: {  	s30 =	sld [smem:$0x0];
	_ =	sdelay $0x2  }
0xbc: {  	s31 =	sshll.u32 s1, $0xD;
	s1 =	sshrl.u32 s1, $0x2  }
0xbd: {  	s3 =	sand.u32 $0x4000, s31;
	s1 =	sadd.s32 s1, s30  }
0xbe: {  	s0 =	sor.u32 s3, s0;
	s1 =	sshll.u32 s1, $0x11  }
0xbf: {  	s0 =	sor.u32 s1, s0  }
0xc0: {  	s0 =	sadd.s32 $0x8F2B, s0  }
0xc1: {  	[sflag:s0] =	ssyncadd.remote.s32 $0x1  }
0xc2: {  	_ =	sfence.sel $0xFFFF  }
0xc3: {  	[dreg:$0x0] =	wrdreg $0xFFFFFFFF;
	(pc) =	sbr.abs _section_cstart, $3  }
0xc4: {  	[dreg:$0x1] =	wrdreg $0xFFFFFFFF  }
0xc5: {  	_ =	task.clear_ibuf [dreg:s7], $0x2FFFF;
	_ =	strace $0x9FFFFFFF  }
0xc6: {  	(tm) =	ssettm $0x7FFFFFFF  }
0xc7: {  	_ =	shalt  }
tec
execute0_lowered:
.L_overlay_start_1:
0x0: {  	(tag) =	ssettag $0x1  }
0x1: {  	s0 =	srdreg.scid;
	s25 =	stileid.u32  }
0x2: {  	s3 =	sand.u32 $0x1, s0;
	s0 =	smul.u32 $0x630, s25  }
0x3: {  	s9 =	rddreg [dreg:$0x0];
	s1 =	simm.s32 $0x0;
	s18 =	smul.u32 $0xC40, s25  }
0x4: {  	[smem:$0x7FF] =	sst s1;
	s5 =	sadd.s32 $0x31800, s9;
	s2 =	smul.u32 $0x6300, s3  }
0x5: {  	s6 =	sadd.s32 $0x33200, s9;
	s4 =	ssub.s32 $0x2, s3;
	s19 =	smul.u32 $0xC6000, s3  }
0x6: {  	s24 =	sshrl.u32 s4, $0x1;
	s20 =	sadd.s32 $0x620, s18;
	s7 =	sshrl.u32 s18, $0x3  }
0x7: {  	s23 =	sadd.s32 s0, s2;
	s2 =	ssub.s32 s4, s24;
	s10 =	sadd.s32 s5, s7  }
0x8: {  	s8 =	sshrl.u32 s20, $0x3;
	s26 =	sadd.s32 s6, s7;
	[dreg:$0x7] =	wrdreg s10  }
0x9: {  	s4 =	smul.u32 $0xC600, s25;
	s5 =	sadd.s32 s5, s8;
	[dreg:$0x9] =	wrdreg s26  }
0xa: {  	s22 =	sadd.s32 $0x34C00, s9;
	s6 =	sadd.s32 s6, s8;
	[dreg:$0x8] =	wrdreg s5  }
0xb: {  	[dreg:$0xa] =	wrdreg s6;
	s7 =	sadd.s32 s4, s19;
	s5 =	sadd.s32 $0x1200, s4  }
0xc: {  	s6 =	sadd.s32 $0x2400, s4;
	s8 =	sshrl.u32 s7, $0x3;
	s10 =	sadd.s32 s19, s5  }
0xd: {  	s12 =	sadd.s32 s19, s6;
	s7 =	sadd.s32 s22, s8;
	s11 =	sshrl.u32 s10, $0x3  }
0xe: {  	s8 =	sshrl.u32 s12, $0x3;
	[dreg:$0xb] =	wrdreg s7;
	s7 =	sadd.s32 s22, s11  }
0xf: {  	s8 =	sadd.s32 s22, s8;
	[dreg:$0xc] =	wrdreg s7;
	s7 =	sadd.s32 $0x3600, s4  }
0x10: {  	[dreg:$0xd] =	wrdreg s8;
	s8 =	sadd.s32 $0x4800, s4;
	s13 =	sadd.s32 s19, s7  }
0x11: {  	s10 =	sadd.s32 $0x5A00, s4;
	s12 =	sadd.s32 s19, s8;
	s11 =	sshrl.u32 s13, $0x3  }
0x12: {  	s15 =	sadd.s32 s19, s10;
	s14 =	sshrl.u32 s12, $0x3;
	s11 =	sadd.s32 s22, s11  }
0x13: {  	s12 =	sshrl.u32 s15, $0x3;
	[dreg:$0xe] =	wrdreg s11;
	s11 =	sadd.s32 s22, s14  }
0x14: {  	s12 =	sadd.s32 s22, s12;
	[dreg:$0xf] =	wrdreg s11;
	s11 =	sadd.s32 $0x6C00, s4  }
0x15: {  	[dreg:$0x10] =	wrdreg s12;
	s12 =	sadd.s32 $0x7E00, s4;
	s13 =	sadd.s32 s19, s11  }
0x16: {  	s15 =	sadd.s32 s19, s12;
	s14 =	sshrl.u32 s13, $0x3;
	s13 =	sadd.s32 $0x9000, s4  }
0x17: {  	s16 =	sshrl.u32 s15, $0x3;
	s14 =	sadd.s32 s22, s14;
	s17 =	sadd.s32 s19, s13  }
0x18: {  	[dreg:$0x11] =	wrdreg s14;
	s14 =	sadd.s32 s22, s16;
	s21 =	sshrl.u32 s17, $0x3  }
0x19: {  	[dreg:$0x12] =	wrdreg s14;
	s14 =	sadd.s32 s22, s21  }
0x1a: {  	[dreg:$0x13] =	wrdreg s14;
	s14 =	sadd.s32 $0xA200, s4  }
0x1b: {  	s16 =	rddreg [dreg:$0x2];
	s21 =	sadd.s32 s19, s14  }
0x1c: {  	s15 =	sadd.s32 $0xB400, s4;
	s17 =	rddreg [dreg:$0x3];
	s21 =	sshrl.u32 s21, $0x3  }
0x1d: {  	s24 =	sadd.s32 s19, s15;
	s19 =	rddreg [dreg:$0x4];
	s21 =	sadd.s32 s22, s21  }
0x1e: {  	s24 =	sshrl.u32 s24, $0x3;
	[dreg:$0x14] =	wrdreg s21  }
0x1f: {  	s22 =	sadd.s32 s22, s24;
	s21 =	rddreg [dreg:$0x5]  }
0x20: {  	s26 =	sadd.s32 s18, s16;
	[dreg:$0x15] =	wrdreg s22  }
0x21: {  	s18 =	sadd.s32 s18, s17;
	_ =	strace $0x8000004A;
	[dreg:$0x16] =	wrdreg s26  }
0x22: {  	s24 =	sshrl.u32 s23, $0x3;
	s23 =	sadd.s32 s20, s16;
	[dreg:$0x17] =	wrdreg s18  }
0x23: {  	s22 =	sadd.s32 s24, s9;
	s24 =	sadd.s32 s20, s17;
	[dreg:$0x18] =	wrdreg s23  }
0x24: {  	s20 =	sadd.s32 $0x32FBC, s9;
	[dreg:$0x19] =	wrdreg s24  }
0x25: {  	s4 =	sadd.s32 s4, s19;
	[dreg:$0x1b] =	wrdreg s20  }
0x26: {  	s28 =	sadd.s32 $0x4C5800, s9;
	s26 =	sadd.s32 $0x32EF8, s9;
	[smem:$0x7EA] =	sst s4  }
0x27: {  	s29 =	sadd.s32 $0x800, s9;
	s23 =	sadd.s32 $0x348F8, s9;
	[dreg:$0x1a] =	wrdreg s26  }
0x28: {  	s30 =	sadd.s32 $0x19000, s9;
	s9 =	sadd.s32 $0x349BC, s9;
	[dreg:$0x1c] =	wrdreg s23  }
0x29: {  	s24 =	sshll.u32 s25, $0xD;
	s0 =	sadd.s32 s0, s21;
	[dreg:$0x1d] =	wrdreg s9  }
0x2a: {  	s9 =	sadd.s32 s24, s19;
	[smem:$0x7F5] =	sst s0  }
0x2b: {  	s26 =	sshll.u32 s25, $0x8;
	s23 =	sor.u32 $0x10, s25;
	[dreg:$0x1e] =	wrdreg s9  }
0x2c: {  	s20 =	sadd.s32 s26, s21;
	s24 =	sshll.u32 s23, $0xD;
	s9 =	sshll.u32 s23, $0x8  }
0x2d: {  	s26 =	sor.u32 $0x20, s25;
	[dreg:$0x1f] =	wrdreg s20;
	s18 =	sadd.s32 s24, s19  }
0x2e: {  	s9 =	sadd.s32 s9, s21;
	s23 =	sshll.u32 s26, $0x8;
	s24 =	sor.u32 $0x30, s25  }
0x2f: {  	s20 =	sor.u32 $0x40, s25;
	[smem:$0x7DE] =	sst s18;
	s18 =	sshll.u32 s26, $0xD  }
0x30: {  	[smem:$0x7DF] =	sst s9;
	s26 =	sshll.u32 s24, $0xD;
	s9 =	sadd.s32 s18, s19  }
0x31: {  	s18 =	sshll.u32 s24, $0x8;
	[smem:$0x7E0] =	sst s9;
	s9 =	sadd.s32 s23, s21  }
0x32: {  	s24 =	sor.u32 $0x50, s25;
	s18 =	sadd.s32 s18, s21;
	[smem:$0x7E1] =	sst s9  }
0x33: {  	s23 =	sshll.u32 s20, $0xD;
	s9 =	sadd.s32 s26, s19;
	[smem:$0x7E3] =	sst s18  }
0x34: {  	s18 =	sadd.s32 s23, s19;
	[smem:$0x7E2] =	sst s9;
	s9 =	sshll.u32 s20, $0x8  }
0x35: {  	s26 =	sshll.u32 s24, $0xD;
	[smem:$0x7E4] =	sst s18;
	s9 =	sadd.s32 s9, s21  }
0x36: {  	[smem:$0x7E5] =	sst s9;
	s9 =	sadd.s32 s26, s19  }
0x37: {  	s26 =	sadd.s32 s5, s19;
	[smem:$0x7E6] =	sst s9  }
0x38: {  	s5 =	sadd.s32 s6, s19;
	[smem:$0x7EB] =	sst s26  }
0x39: {  	s6 =	sadd.s32 s7, s19;
	[smem:$0x7EC] =	sst s5  }
0x3a: {  	s7 =	sadd.s32 s8, s19;
	[smem:$0x7ED] =	sst s6  }
0x3b: {  	s8 =	sadd.s32 s10, s19;
	[smem:$0x7EE] =	sst s7  }
0x3c: {  	s10 =	sadd.s32 s12, s19;
	[smem:$0x7EF] =	sst s8  }
0x3d: {  	s12 =	sadd.s32 s14, s19;
	[smem:$0x7F1] =	sst s10  }
0x3e: {  	s18 =	sshll.u32 s24, $0x8;
	s14 =	sadd.s32 $0x66400, s22;
	[smem:$0x7F3] =	sst s12  }
0x3f: {  	s20 =	sor.u32 $0x60, s25;
	s22 =	sadd.s32 $0xC350, s16;
	[smem:$0x7F6] =	sst s14  }
0x40: {  	s23 =	sshll.u32 s20, $0xD;
	s9 =	sadd.s32 s18, s21;
	[smem:$0x7FA] =	sst s22  }
0x41: {  	s18 =	sshll.u32 s20, $0x8;
	s20 =	sadd.s32 $0xBDE0, s16;
	[smem:$0x7E7] =	sst s9  }
0x42: {  	s31 =	simm.s32 $0x2000;
	s26 =	sadd.s32 $0xC350, s17;
	[smem:$0x7F9] =	sst s20  }
0x43: {  	p0 =	seq.s32 s25, $0xF;
	s9 =	sadd.s32 s23, s19;
	[smem:$0x7FD] =	sst s26  }
0x44: {  	p1 =	sgt.u32 s25, $0x2;
	s24 =	sadd.s32 s18, s21;
	[smem:$0x7E8] =	sst s9  }
0x45: {  	s3 =	smul.u32 $0xFFFF9E00, s3;
	s18 =	sadd.s32 $0xB7C0, s16;
	[smem:$0x7E9] =	sst s24  }
0x46: {  	s0 =	simm.s32 $0x200;
	s23 =	sadd.s32 $0xB7C0, s17;
	[smem:$0x7F8] =	sst s18  }
0x47: {  	s22 =	simm.s32 $0xC500;
	s9 =	sadd.s32 s11, s19;
	[smem:$0x7FB] =	sst s23  }
0x48: {  	s20 =	simm.s32 $0x8500;
	s11 =	sadd.s32 s13, s19;
	[smem:$0x7F0] =	sst s9  }
0x49: {  	s26 =	simm.s32 $0x500;
	s13 =	sadd.s32 s15, s19;
	[smem:$0x7F2] =	sst s11  }
0x4a: {  	s15 =	smax.u32 s2, $0x1;
	s24 =	sadd.s32 $0xBDE0, s17;
	[smem:$0x7F4] =	sst s13  }
0x4b: {  	s23 =	simm.s32 $0x100;
	s18 =	simm.s32 $0xA500;
	[smem:$0x7F7] =	sst s15  }
0x4c: {  	v0 =	vlaneseq.u32;
	s2 =	simm.s32 $0x0;
	[smem:$0x7FC] =	sst s24;
	s13 =	smul.u32 $0xC400, s25  }
0x4d: {  	v2 =	vimm.f32 $0.0e+00;
	v3 =	vor.u32 $0x10, v0;
	v1 =	vmov s3;
	s15 =	simm.s32 $0x1;
	s24 =	simm.s32 $0x300;
	s25 =	simm.s32 $0x400  }
.LBB2_1:
0x4e: {  	s3 =	rddreg [dreg:$0x1];
	s4 =	simm.s32 $0xC600  }
0x4f: {  	[tilespmem:s4], [sflag:$0x1] =	stream.linear.gather [hbm4b:s3+s1], $0x10, $0x38;
	[tilespmem:$0x1B1B0] =	vst v63  }
0x50: {  	_ =	swait.ge [sflag:s15], $0x10  }
0x51: {  	[sflag:s15] =	ssyncset.done $0x0  }
0x52: {  	s3 =	simm.s32 $0x40;
	s4 =	simm.s32 $0x0;
	[sflag:s15] =	ssyncadd.s32 $0xFFFFFFF0  }
.LBB2_2:
0x53: {  	p2 =	sne.s32 s3, $0x7FC0;
	[tilespmem:s4+$0x8500] =	vst v2;
	s4 =	smov.u32 s3;
	s3 =	sadd.s32 $0x40, s3  }
.Ltmp0:
0x54: {  	(pc) =	sbr.rel @p2 .LBB2_2-.Ltmp0, $2  }
0x55: {  	_ =	sdelay $0x2  }
0x56: {  	s4 =	sshra.s32 s4, $0x2  }
0x57: {  	[tilespmem:s4+$0x8500] =	vst v2  }
0x58: {  	[tilespmem:$0xC500] =	vst v2  }
0x59: {  	[tilespmem:$0xC510] =	vst v2  }
0x5a: {  	[tilespmem:$0xC520] =	vst v2  }
0x5b: {  	[tilespmem:$0xC530] =	vst v2  }
0x5c: {  	[tilespmem:$0xC540] =	vst v2  }
0x5d: {  	[tilespmem:$0xC550] =	vst v2  }
0x5e: {  	[tilespmem:$0xC560] =	vst v2  }
0x5f: {  	[tilespmem:$0xC570] =	vst v2  }
0x60: {  	[tilespmem:$0xC580] =	vst v2  }
0x61: {  	[tilespmem:$0xC590] =	vst v2  }
0x62: {  	[tilespmem:$0xC5A0] =	vst v2  }
0x63: {  	[tilespmem:$0xC5B0] =	vst v2  }
0x64: {  	[tilespmem:$0xC5C0] =	vst v2  }
0x65: {  	[tilespmem:$0xC5D0] =	vst v2  }
0x66: {  	[tilespmem:$0xC5E0] =	vst v2  }
0x67: {  	s3 =	simm.s32 @p0 $0x0;
	s4 =	simm.s32 @p0 $0xC680;
	s5 =	rddreg [dreg:$0x1a];
	[tilespmem:$0xC5F0] =	vst v2  }
0x68: {  	[tilespmem:s4], [sflag:$0x1] =	stream.linear.gather @p0 [hbm4b:s5+s3], $0x620, $0x38;
	[tilespmem:$0x1B1B0] =	vst v63  }
0x69: {  	s5 =	simm.s32 @p0 $0x1  }
0x6a: {  	_ =	swait.ge @p0 [sflag:s5], $0x620  }
0x6b: {  	s6 =	sld [smem:$0x7F8]  }
0x6c: {  	[sflag:s5] =	ssyncset.done @p0 $0x0  }
0x6d: {  	[sflag:s5] =	ssyncadd.s32 @p0 $0xFFFFF9E0  }
0x6e: {  	[spmem:s6] =	stream.linear.scatter @p0 [tilespmem:s4], [sflag:$0x1], $0x620, $0x38;
	[tilespmem:$0x1B1B0] =	vst v63  }
0x6f: {  	_ =	swait.ge @p0 [sflag:s5], $0x620  }
0x70: {  	[sflag:s5] =	ssyncset.done @p0 $0x0  }
0x71: {  	s6 =	rddreg [dreg:$0x1b];
	[sflag:s5] =	ssyncadd.s32 @p0 $0xFFFFF9E0  }
0x72: {  	[tilespmem:s4], [sflag:$0x1] =	stream.linear.gather @p0 [hbm4b:s6+s3], $0x570, $0x38;
	[tilespmem:$0x1B1B0] =	vst v63  }
0x73: {  	_ =	swait.ge @p0 [sflag:s5], $0x570  }
0x74: {  	s6 =	sld [smem:$0x7F9]  }
0x75: {  	[sflag:s5] =	ssyncset.done @p0 $0x0  }
0x76: {  	[sflag:s5] =	ssyncadd.s32 @p0 $0xFFFFFA90  }
0x77: {  	[spmem:s6] =	stream.linear.scatter @p0 [tilespmem:s4], [sflag:$0x1], $0x570, $0x38;
	[tilespmem:$0x1B1B0] =	vst v63  }
0x78: {  	_ =	swait.ge @p0 [sflag:s5], $0x570  }
0x79: {  	s7 =	sld [smem:$0x7FA]  }
0x7a: {  	[sflag:s5] =	ssyncset.done @p0 $0x0  }
0x7b: {  	s6 =	simm.s32 @p0 $0xC500;
	[sflag:s5] =	ssyncadd.s32 @p0 $0xFFFFFA90  }
0x7c: {  	[spmem:s7] =	stream.linear.scatter @p0 [tilespmem:s6], [sflag:$0x1], $0x10, $0x38;
	[tilespmem:$0x1B1B0] =	vst v63  }
0x7d: {  	_ =	swait.ge @p0 [sflag:s5], $0x10  }
0x7e: {  	[sflag:s5] =	ssyncset.done @p0 $0x0  }
0x7f: {  	s7 =	rddreg [dreg:$0x1c];
	[sflag:s5] =	ssyncadd.s32 @p0 $0xFFFFFFF0  }
0x80: {  	[tilespmem:s4], [sflag:$0x1] =	stream.linear.gather @p0 [hbm4b:s7+s3], $0x620, $0x38;
	[tilespmem:$0x1B1B0] =	vst v63  }
0x81: {  	_ =	swait.ge @p0 [sflag:s5], $0x620  }
0x82: {  	s7 =	sld [smem:$0x7FB]  }
0x83: {  	[sflag:s5] =	ssyncset.done @p0 $0x0  }
0x84: {  	[sflag:s5] =	ssyncadd.s32 @p0 $0xFFFFF9E0  }
0x85: {  	[spmem:s7] =	stream.linear.scatter @p0 [tilespmem:s4], [sflag:$0x1], $0x620, $0x38;
	[tilespmem:$0x1B1B0] =	vst v63  }
0x86: {  	_ =	swait.ge @p0 [sflag:s5], $0x620  }
0x87: {  	[sflag:s5] =	ssyncset.done @p0 $0x0  }
0x88: {  	s7 =	rddreg [dreg:$0x1d];
	[sflag:s5] =	ssyncadd.s32 @p0 $0xFFFFF9E0  }
0x89: {  	[tilespmem:s4], [sflag:$0x1] =	stream.linear.gather @p0 [hbm4b:s7+s3], $0x570, $0x38;
	[tilespmem:$0x1B1B0] =	vst v63  }
0x8a: {  	_ =	swait.ge @p0 [sflag:s5], $0x570  }
0x8b: {  	s3 =	sld [smem:$0x7FC]  }
0x8c: {  	[sflag:s5] =	ssyncset.done @p0 $0x0  }
0x8d: {  	[sflag:s5] =	ssyncadd.s32 @p0 $0xFFFFFA90  }
0x8e: {  	[spmem:s3] =	stream.linear.scatter @p0 [tilespmem:s4], [sflag:$0x1], $0x570, $0x38;
	[tilespmem:$0x1B1B0] =	vst v63  }
0x8f: {  	_ =	swait.ge @p0 [sflag:s5], $0x570  }
0x90: {  	s3 =	sld [smem:$0x7FD]  }
0x91: {  	[sflag:s5] =	ssyncset.done @p0 $0x0  }
0x92: {  	[sflag:s5] =	ssyncadd.s32 @p0 $0xFFFFFA90  }
0x93: {  	[spmem:s3] =	stream.linear.scatter @p0 [tilespmem:s6], [sflag:$0x1], $0x10, $0x38;
	[tilespmem:$0x1B1B0] =	vst v63  }
0x94: {  	_ =	swait.ge @p0 [sflag:s5], $0x10  }
0x95: {  	s4 =	simm.s32 @!p0 $0xC680;
	[sflag:s5] =	ssyncset.done @p0 $0x0  }
0x96: {  	s3 =	simm.s32 @!p0 $0x0;
	[sflag:s5] =	ssyncadd.s32 @p0 $0xFFFFFFF0;
	s5 =	rddreg [dreg:$0x7]  }
0x97: {  	[tilespmem:s4], [sflag:$0x1] =	stream.linear.gather @!p0 [hbm4b:s5+s3], $0x620, $0x38;
	[tilespmem:$0x1B1B0] =	vst v63  }
0x98: {  	s5 =	simm.s32 @!p0 $0x1  }
0x99: {  	_ =	swait.ge @!p0 [sflag:s5], $0x620  }
0x9a: {  	[sflag:s5] =	ssyncset.done @!p0 $0x0  }
0x9b: {  	s6 =	rddreg [dreg:$0x16];
	[sflag:s5] =	ssyncadd.s32 @!p0 $0xFFFFF9E0  }
0x9c: {  	[spmem:s6] =	stream.linear.scatter @!p0 [tilespmem:s4], [sflag:$0x1], $0x620, $0x38;
	[tilespmem:$0x1B1B0] =	vst v63  }
0x9d: {  	_ =	swait.ge @!p0 [sflag:s5], $0x620  }
0x9e: {  	[sflag:s5] =	ssyncset.done @!p0 $0x0  }
0x9f: {  	s6 =	rddreg [dreg:$0x8];
	[sflag:s5] =	ssyncadd.s32 @!p0 $0xFFFFF9E0  }
0xa0: {  	[tilespmem:s4], [sflag:$0x1] =	stream.linear.gather @!p0 [hbm4b:s6+s3], $0x620, $0x38;
	[tilespmem:$0x1B1B0] =	vst v63  }
0xa1: {  	_ =	swait.ge @!p0 [sflag:s5], $0x620  }
0xa2: {  	[sflag:s5] =	ssyncset.done @!p0 $0x0  }
0xa3: {  	s6 =	rddreg [dreg:$0x18];
	[sflag:s5] =	ssyncadd.s32 @!p0 $0xFFFFF9E0  }
0xa4: {  	[spmem:s6] =	stream.linear.scatter @!p0 [tilespmem:s4], [sflag:$0x1], $0x620, $0x38;
	[tilespmem:$0x1B1B0] =	vst v63  }
0xa5: {  	_ =	swait.ge @!p0 [sflag:s5], $0x620  }
0xa6: {  	[sflag:s5] =	ssyncset.done @!p0 $0x0  }
0xa7: {  	s6 =	rddreg [dreg:$0x9];
	[sflag:s5] =	ssyncadd.s32 @!p0 $0xFFFFF9E0  }
0xa8: {  	[tilespmem:s4], [sflag:$0x1] =	stream.linear.gather @!p0 [hbm4b:s6+s3], $0x620, $0x38;
	[tilespmem:$0x1B1B0] =	vst v63  }
0xa9: {  	_ =	swait.ge @!p0 [sflag:s5], $0x620  }
0xaa: {  	[sflag:s5] =	ssyncset.done @!p0 $0x0  }
0xab: {  	s6 =	rddreg [dreg:$0x17];
	[sflag:s5] =	ssyncadd.s32 @!p0 $0xFFFFF9E0  }
0xac: {  	[spmem:s6] =	stream.linear.scatter @!p0 [tilespmem:s4], [sflag:$0x1], $0x620, $0x38;
	[tilespmem:$0x1B1B0] =	vst v63  }
0xad: {  	_ =	swait.ge @!p0 [sflag:s5], $0x620  }
0xae: {  	[sflag:s5] =	ssyncset.done @!p0 $0x0  }
0xaf: {  	s6 =	rddreg [dreg:$0xa];
	[sflag:s5] =	ssyncadd.s32 @!p0 $0xFFFFF9E0  }
0xb0: {  	[tilespmem:s4], [sflag:$0x1] =	stream.linear.gather @!p0 [hbm4b:s6+s3], $0x620, $0x38;
	[tilespmem:$0x1B1B0] =	vst v63  }
0xb1: {  	_ =	swait.ge @!p0 [sflag:s5], $0x620  }
0xb2: {  	[sflag:s5] =	ssyncset.done @!p0 $0x0  }
0xb3: {  	s3 =	rddreg [dreg:$0x19];
	[sflag:s5] =	ssyncadd.s32 @!p0 $0xFFFFF9E0  }
0xb4: {  	[spmem:s3] =	stream.linear.scatter @!p0 [tilespmem:s4], [sflag:$0x1], $0x620, $0x38;
	[tilespmem:$0x1B1B0] =	vst v63  }
0xb5: {  	_ =	swait.ge @!p0 [sflag:s5], $0x620  }
0xb6: {  	[sflag:s5] =	ssyncset.done @!p0 $0x0  }
0xb7: {  	s12 =	rddreg [dreg:$0x1e];
	[sflag:s5] =	ssyncadd.s32 @!p0 $0xFFFFF9E0  }
0xb8: {  	[spmem:s12] =	stream.linear.scatter [tilespmem:s20], [sflag:$0x1], $0x2000, $0x38;
	[tilespmem:$0x1B1B0] =	vst v63  }
0xb9: {  	_ =	swait.ge [sflag:s15], $0x2000  }
0xba: {  	[sflag:s15] =	ssyncset.done $0x0  }
0xbb: {  	s14 =	rddreg [dreg:$0x1f];
	[sflag:s15] =	ssyncadd.s32 $0xFFFFE000  }
0xbc: {  	[spmem:s14] =	stream.linear.scatter [tilespmem:s22], [sflag:$0x1], $0x100, $0x38;
	[tilespmem:$0x1B1B0] =	vst v63  }
0xbd: {  	_ =	swait.ge [sflag:s15], $0x100  }
0xbe: {  	s4 =	sld [smem:$0x7DE]  }
0xbf: {  	[sflag:s15] =	ssyncset.done $0x0  }
0xc0: {  	[sflag:s15] =	ssyncadd.s32 $0xFFFFFF00  }
0xc1: {  	[spmem:s4] =	stream.linear.scatter [tilespmem:s20], [sflag:$0x1], $0x2000, $0x38;
	[tilespmem:$0x1B1B0] =	vst v63  }
0xc2: {  	_ =	swait.ge [sflag:s15], $0x2000  }
0xc3: {  	s5 =	sld [smem:$0x7DF]  }
0xc4: {  	[sflag:s15] =	ssyncset.done $0x0  }
0xc5: {  	[sflag:s15] =	ssyncadd.s32 $0xFFFFE000  }
0xc6: {  	[spmem:s5] =	stream.linear.scatter [tilespmem:s22], [sflag:$0x1], $0x100, $0x38;
	[tilespmem:$0x1B1B0] =	vst v63  }
0xc7: {  	_ =	swait.ge [sflag:s15], $0x100  }
0xc8: {  	s6 =	sld [smem:$0x7E0]  }
0xc9: {  	[sflag:s15] =	ssyncset.done $0x0  }
0xca: {  	[sflag:s15] =	ssyncadd.s32 $0xFFFFFF00  }
0xcb: {  	[spmem:s6] =	stream.linear.scatter [tilespmem:s20], [sflag:$0x1], $0x2000, $0x38;
	[tilespmem:$0x1B1B0] =	vst v63  }
0xcc: {  	_ =	swait.ge [sflag:s15], $0x2000  }
0xcd: {  	s7 =	sld [smem:$0x7E1]  }
0xce: {  	[sflag:s15] =	ssyncset.done $0x0  }
0xcf: {  	[sflag:s15] =	ssyncadd.s32 $0xFFFFE000  }
0xd0: {  	[spmem:s7] =	stream.linear.scatter [tilespmem:s22], [sflag:$0x1], $0x100, $0x38;
	[tilespmem:$0x1B1B0] =	vst v63  }
0xd1: {  	_ =	swait.ge [sflag:s15], $0x100  }
0xd2: {  	s8 =	sld [smem:$0x7E2]  }
0xd3: {  	[sflag:s15] =	ssyncset.done $0x0  }
0xd4: {  	[sflag:s15] =	ssyncadd.s32 $0xFFFFFF00  }
0xd5: {  	[spmem:s8] =	stream.linear.scatter [tilespmem:s20], [sflag:$0x1], $0x2000, $0x38;
	[tilespmem:$0x1B1B0] =	vst v63  }
0xd6: {  	_ =	swait.ge [sflag:s15], $0x2000  }
0xd7: {  	s9 =	sld [smem:$0x7E3]  }
0xd8: {  	[sflag:s15] =	ssyncset.done $0x0  }
0xd9: {  	[sflag:s15] =	ssyncadd.s32 $0xFFFFE000  }
0xda: {  	[spmem:s9] =	stream.linear.scatter [tilespmem:s22], [sflag:$0x1], $0x100, $0x38;
	[tilespmem:$0x1B1B0] =	vst v63  }
0xdb: {  	_ =	swait.ge [sflag:s15], $0x100  }
0xdc: {  	s10 =	sld [smem:$0x7E4]  }
0xdd: {  	[sflag:s15] =	ssyncset.done $0x0  }
0xde: {  	[sflag:s15] =	ssyncadd.s32 $0xFFFFFF00  }
0xdf: {  	[spmem:s10] =	stream.linear.scatter [tilespmem:s20], [sflag:$0x1], $0x2000, $0x38;
	[tilespmem:$0x1B1B0] =	vst v63  }
0xe0: {  	_ =	swait.ge [sflag:s15], $0x2000  }
0xe1: {  	s11 =	sld [smem:$0x7E5]  }
0xe2: {  	[sflag:s15] =	ssyncset.done $0x0  }
0xe3: {  	[sflag:s15] =	ssyncadd.s32 $0xFFFFE000  }
0xe4: {  	[spmem:s11] =	stream.linear.scatter [tilespmem:s22], [sflag:$0x1], $0x100, $0x38;
	[tilespmem:$0x1B1B0] =	vst v63  }
0xe5: {  	_ =	swait.ge [sflag:s15], $0x100  }
0xe6: {  	s12 =	sld [smem:$0x7E6]  }
0xe7: {  	[sflag:s15] =	ssyncset.done $0x0  }
0xe8: {  	[sflag:s15] =	ssyncadd.s32 $0xFFFFFF00  }
0xe9: {  	[spmem:s12] =	stream.linear.scatter [tilespmem:s20], [sflag:$0x1], $0x2000, $0x38;
	[tilespmem:$0x1B1B0] =	vst v63  }
0xea: {  	_ =	swait.ge [sflag:s15], $0x2000  }
0xeb: {  	s14 =	sld [smem:$0x7E7]  }
0xec: {  	[sflag:s15] =	ssyncset.done $0x0  }
0xed: {  	[sflag:s15] =	ssyncadd.s32 $0xFFFFE000  }
0xee: {  	[spmem:s14] =	stream.linear.scatter [tilespmem:s22], [sflag:$0x1], $0x100, $0x38;
	[tilespmem:$0x1B1B0] =	vst v63  }
0xef: {  	_ =	swait.ge [sflag:s15], $0x100  }
0xf0: {  	s4 =	sld [smem:$0x7E8]  }
0xf1: {  	[sflag:s15] =	ssyncset.done $0x0  }
0xf2: {  	s3 =	simm.s32 @!p1 $0x8500;
	[sflag:s15] =	ssyncadd.s32 $0xFFFFFF00  }
0xf3: {  	[spmem:s4] =	stream.linear.scatter @!p1 [tilespmem:s3], [sflag:$0x1], $0x2000, $0x38;
	[tilespmem:$0x1B1B0] =	vst v63  }
0xf4: {  	s3 =	simm.s32 @!p1 $0x1  }
0xf5: {  	_ =	swait.ge @!p1 [sflag:s3], $0x2000  }
0xf6: {  	s5 =	sld [smem:$0x7E9]  }
0xf7: {  	[sflag:s3] =	ssyncset.done @!p1 $0x0  }
0xf8: {  	s4 =	simm.s32 @!p1 $0xC500;
	[sflag:s3] =	ssyncadd.s32 @!p1 $0xFFFFE000  }
0xf9: {  	[spmem:s5] =	stream.linear.scatter @!p1 [tilespmem:s4], [sflag:$0x1], $0x100, $0x38;
	[tilespmem:$0x1B1B0] =	vst v63  }
0xfa: {  	_ =	swait.ge @!p1 [sflag:s3], $0x100  }
0xfb: {  	[sflag:s3] =	ssyncset.done @!p1 $0x0  }
0xfc: {  	[sflag:s3] =	ssyncadd.s32 @!p1 $0xFFFFFF00  }
0xfd: {  	[bflag:$0x0] =	sbarrier.arrive $0xFFFF  }
0xfe: {  	v4 =	vld [tilespmem:$0xC600];
	_ =	sdelay $0x3  }
0xff: {  	s4 =	simm.s32 $0x0;
	s3 =	simm.s32 $0x0  }
.LBB2_4:
0x100: {  	s5 =	sshll.u32 s4, $0x8  }
0x101: {  	s5 =	sadd.s32 s13, s5  }
0x102: {  	s5 =	sshrl.u32 s5, $0x3  }
0x103: {  	s6 =	sadd.s32 s29, s5  }
0x104: {  	[tilespmem:s3], [sflag:$0x1] =	stream.linear.gather [hbm4b:s6+s3], $0x100, $0x38;
	[tilespmem:$0x1B1B0] =	vst v63  }
0x105: {  	_ =	swait.ge [sflag:s15], $0x100  }
0x106: {  	[sflag:s15] =	ssyncset.done $0x0  }
0x107: {  	s5 =	sadd.s32 s30, s5;
	[sflag:s15] =	ssyncadd.s32 $0xFFFFFF00  }
0x108: {  	[tilespmem:s23], [sflag:$0x1] =	stream.linear.gather [hbm4b:s5+s3], $0x100, $0x38;
	[tilespmem:$0x1B1B0] =	vst v63  }
0x109: {  	_ =	swait.ge [sflag:s15], $0x100  }
0x10a: {  	[sflag:s15] =	ssyncset.done $0x0  }
0x10b: {  	[sflag:s15] =	ssyncadd.s32 $0xFFFFFF00  }
0x10c: {  	[tilespmem:s24], [sflag:$0x1] =	stream.indirect.gather [spmem:s16], $0x1, s3, s23, $0xb8;
	[tilespmem:$0x1B1B0] =	vst v63  }
0x10d: {  	_ =	swait.ge [sflag:s15], $0x100  }
0x10e: {  	[sflag:s15] =	ssyncset.done $0x0  }
0x10f: {  	[sflag:s15] =	ssyncadd.s32 $0xFFFFFF00  }
0x110: {  	[tilespmem:s25], [sflag:$0x1] =	stream.indirect.gather [spmem:s17], $0x1, s23, s23, $0xb8;
	[tilespmem:$0x1B1B0] =	vst v63  }
0x111: {  	_ =	swait.ge [sflag:s15], $0x100  }
0x112: {  	[sflag:s15] =	ssyncset.done $0x0  }
0x113: {  	[sflag:s15] =	ssyncadd.s32 $0xFFFFFF00  }
0x114: {  	[tilespmem:s26], [sflag:$0x1] =	stream.indirect.gather [hbm4b:s28+s23], $0x80, s3, s23, $0xb8;
	[tilespmem:$0x1B1B0] =	vst v63  }
0x115: {  	_ =	swait.ge [sflag:s15], $0x8000  }
0x116: {  	[sflag:s15] =	ssyncset.done $0x0  }
0x117: {  	s5 =	simm.s32 $0x0;
	[sflag:s15] =	ssyncadd.s32 $0xFFFF8000  }
0x118: {  	v5 =	vld [tilespmem:s5+$0x100]  }
0x119: {  	v6 =	vld [tilespmem:s5+$0x300]  }
0x11a: {  	s6 =	simm.s32 $0x10;
	v7 =	vld [tilespmem:s5+$0x400]  }
0x11b: {  	v8 =	vld [tilespmem:s6+$0x300]  }
0x11c: {  	v9 =	vld [tilespmem:s6+$0x400]  }
0x11d: {  	v5 =	vadd.s32 v1, v5  }
0x11e: {  	v5 =	vmin.u32 v5, $0x6200  }
0x11f: {  	s7 =	simm.s32 $0x20;
	v10 =	vld [tilespmem:s6+$0x100];
	[tilespmem:s5+$0x200] =	vst v5;
	v5 =	vadd.f32 v7, v6  }
0x120: {  	v6 =	vld [tilespmem:s7+$0x300]  }
0x121: {  	v7 =	vadd.f32 v9, v8;
	v8 =	vld [tilespmem:s7+$0x400];
	v9 =	vmul.f32 $2.000000030e-01, v5  }
0x122: {  	vm0 =	vgt.f32 v5, $0.0e+00  }
0x123: {  	v5 =	vsel vm0, v5, v9  }
0x124: {  	v5 =	vsub.f32 v5, v4  }
0x125: {  	v12 =	vmul.f32 $2.000000030e-01, v7;
	vm14 =	vgt.f32 v7, $0.0e+00  }
0x126: {  	v9 =	vadd.s32 v1, v10;
	v8 =	vadd.f32 v8, v6;
	v6 =	vmul.f32 $1.442695020e+00, v5  }
0x127: {  	v7 =	vsel vm14, v7, v12;
	v9 =	vmin.u32 v9, $0x6200  }
0x128: {  	v11 =	vld [tilespmem:s7+$0x100];
	[tilespmem:s6+$0x200] =	vst v9;
	v9 =	vsub.f32 v7, v4;
	(erf) = vpow2.f32 v6;
	_ =	sdelay $0x1  }
0x129: {  	s8 =	simm.s32 $0x30;
	v9 =	vmul.f32 $1.442695020e+00, v9  }
0x12a: {  	v5 =	vld [tilespmem:s8+$0x300]  }
0x12b: {  	v7 =	vld [tilespmem:s8+$0x400];
	(erf) = vpow2.f32 v9  }
0x12c: {  	v10 =	vadd.s32 v1, v11;
	v11 =	vmul.f32 $2.000000030e-01, v8;
	v6 =	vld [tilespmem:s8+$0x100]  }
0x12d: {  	v10 =	vmin.u32 v10, $0x6200;
	vm15 =	vgt.f32 v8, $0.0e+00  }
0x12e: {  	s9 =	simm.s32 $0x100;
	[tilespmem:s7+$0x200] =	vst v10;
	v8 =	vsel vm15, v8, v11  }
.LBB2_5:
0x12f: {  	s10 =	sshra.s32 s9, $0x2;
	v8 =	vsub.f32 v8, v4;
	p2 =	sne.s32 s9, $0x3C0  }
.Ltmp1:
0x130: {  	s9 =	sadd.s32 $0x40, s9;
	v9 =	vadd.f32 v7, v5;
	v5 =	vld [tilespmem:s10+$0x300];
	v10 =	vpop (erf);
	(pc) =	sbr.rel @p2 .LBB2_5-.Ltmp1, $4  }
0x131: {  	v7 =	vld [tilespmem:s10+$0x400];
	v11 =	vadd.s32 v1, v6;
	v8 =	vmul.f32 $1.442695020e+00, v8;
	[tilespmem:s5+$0xC500] =	vst v10;
	s5 =	smov.u32 s6;
	s6 =	smov.u32 s7;
	s7 =	smov.u32 s8  }
0x132: {  	s8 =	smov.u32 s10;
	v6 =	vld [tilespmem:s10+$0x100];
	v10 =	vmin.u32 v11, $0x6200;
	v11 =	vmul.f32 $2.000000030e-01, v9  }
0x133: {  	vm0 =	vgt.f32 v9, $0.0e+00;
	[tilespmem:s7+$0x200] =	vst v10;
	(erf) = vpow2.f32 v8  }
0x134: {  	v8 =	vsel vm0, v9, v11  }
0x135: {  	_ = 	snop  }
0x136: {  	v5 =	vadd.f32 v7, v5;
	_ =	sdelay $0x1  }
0x137: {  	v7 =	vmul.f32 $2.000000030e-01, v5  }
0x138: {  	vm0 =	vgt.f32 v5, $0.0e+00  }
0x139: {  	v8 =	vsub.f32 v8, v4;
	v5 =	vsel vm0, v5, v7  }
0x13a: {  	v5 =	vsub.f32 v5, v4  }
0x13b: {  	v7 =	vmul.f32 $1.442695020e+00, v8  }
0x13c: {  	v5 =	vmul.f32 $1.442695020e+00, v5  }
0x13d: {  	(erf) = vpow2.f32 v7  }
0x13e: {  	(erf) = vpow2.f32 v5;
	_ =	sdelay $0x3  }
0x13f: {  	v6 =	vadd.s32 v1, v6;
	v5 =	vpop (erf)  }
0x140: {  	[tilespmem:s5+$0xC500] =	vst v5;
	v5 =	vmin.u32 v6, $0x6200;
	_ =	sdelay $0x1  }
0x141: {  	v6 =	vpop (erf);
	[tilespmem:s8+$0x200] =	vst v5  }
0x142: {  	[tilespmem:s6+$0xC500] =	vst v6;
	v5 =	vpop (erf)  }
0x143: {  	[tilespmem:s7+$0xC500] =	vst v5;
	v5 =	vpop (erf)  }
0x144: {  	s5 =	simm.s32 $0xC500;
	[tilespmem:s8+$0xC500] =	vst v5  }
0x145: {  	v5 =	vld [tilespmem:s5+$0x0]  }
0x146: {  	s9 =	simm.s32 $0x900  }
0x147: {  	v6 =	vld [tilespmem:s9+$0xFFFFFC00];
	_ =	sdelay $0x2  }
0x148: {  	v7 =	vbroadcast v5, $0x0;
	_ =	sdelay $0x1  }
0x149: {  	v6 =	vmul.f32 v6, v7  }
0x14a: {  	s10 =	simm.s32 $0x8600;
	s6 =	simm.s32 $0x200  }
0x14b: {  	v8 =	vld [tilespmem:s6+$0x0];
	[tilespmem:s10+$0xFFFFFF00] =	vst v6  }
0x14c: {  	v9 =	vld [tilespmem:s9+$0xFFFFFC10];
	_ =	sdelay $0x3  }
0x14d: {  	v6 =	vshll.u32 v8, $0x5  }
0x14e: {  	v8 =	vbroadcast v6, $0x0;
	v7 =	vmul.f32 v9, v7;
	_ =	sdelay $0x1  }
0x14f: {  	s7 =	simm.s32 $0xA600;
	v9 =	vor.u32 v0, v8;
	[tilespmem:s10+$0xFFFFFF10] =	vst v7  }
0x150: {  	v7 =	vor.u32 v3, v8;
	[tilespmem:s7+$0xFFFFFF00] =	vst v9  }
0x151: {  	[tilespmem:s7+$0xFFFFFF10] =	vst v7  }
0x152: {  	v7 =	vld [tilespmem:s9+$0xFFFFFC80];
	_ =	sdelay $0x2  }
0x153: {  	v8 =	vbroadcast v5, $0x1;
	_ =	sdelay $0x1  }
0x154: {  	v7 =	vmul.f32 v7, v8;
	_ =	sdelay $0x1  }
0x155: {  	[tilespmem:s10+$0xFFFFFF20] =	vst v7  }
0x156: {  	v7 =	vld [tilespmem:s9+$0xFFFFFC90];
	_ =	sdelay $0x4  }
0x157: {  	s12 =	simm.s32 $0x20;
	v9 =	vbroadcast v6, $0x1;
	v7 =	vmul.f32 v7, v8  }
0x158: {  	s8 =	sor.u32 $0x30, s12  }
0x159: {  	v8 =	vor.u32 v0, v9;
	[tilespmem:s8+$0x8500] =	vst v7  }
0x15a: {  	v7 =	vor.u32 v3, v9;
	[tilespmem:s7+$0xFFFFFF20] =	vst v8  }
0x15b: {  	[tilespmem:s8+$0xA500] =	vst v7  }
0x15c: {  	v7 =	vld [tilespmem:s9+$0xFFFFFD00];
	_ =	sdelay $0x2  }
0x15d: {  	v8 =	vbroadcast v5, $0x2;
	_ =	sdelay $0x1  }
0x15e: {  	v7 =	vmul.f32 v7, v8;
	_ =	sdelay $0x1  }
0x15f: {  	[tilespmem:s10+$0xFFFFFF40] =	vst v7  }
0x160: {  	v7 =	vld [tilespmem:s9+$0xFFFFFD10];
	_ =	sdelay $0x4  }
0x161: {  	s14 =	simm.s32 $0x40;
	v9 =	vbroadcast v6, $0x2;
	v7 =	vmul.f32 v7, v8  }
0x162: {  	s8 =	sor.u32 $0x50, s14  }
0x163: {  	v8 =	vor.u32 v0, v9;
	[tilespmem:s8+$0x8500] =	vst v7  }
0x164: {  	v7 =	vor.u32 v3, v9;
	[tilespmem:s7+$0xFFFFFF40] =	vst v8  }
0x165: {  	[tilespmem:s8+$0xA500] =	vst v7  }
0x166: {  	v7 =	vld [tilespmem:s9+$0xFFFFFD80];
	_ =	sdelay $0x2  }
0x167: {  	v8 =	vbroadcast v5, $0x3;
	_ =	sdelay $0x1  }
0x168: {  	v7 =	vmul.f32 v7, v8;
	_ =	sdelay $0x1  }
0x169: {  	[tilespmem:s10+$0xFFFFFF60] =	vst v7  }
0x16a: {  	v7 =	vld [tilespmem:s9+$0xFFFFFD90];
	_ =	sdelay $0x4  }
0x16b: {  	s11 =	simm.s32 $0x60;
	v9 =	vbroadcast v6, $0x3;
	v7 =	vmul.f32 v7, v8  }
0x16c: {  	s8 =	sor.u32 $0x70, s11  }
0x16d: {  	v8 =	vor.u32 v0, v9;
	[tilespmem:s8+$0x8500] =	vst v7  }
0x16e: {  	v7 =	vor.u32 v3, v9;
	[tilespmem:s7+$0xFFFFFF60] =	vst v8  }
0x16f: {  	[tilespmem:s8+$0xA500] =	vst v7  }
0x170: {  	v7 =	vld [tilespmem:s9+$0xFFFFFE00];
	_ =	sdelay $0x2  }
0x171: {  	v8 =	vbroadcast v5, $0x4;
	_ =	sdelay $0x1  }
0x172: {  	v7 =	vmul.f32 v7, v8;
	_ =	sdelay $0x1  }
0x173: {  	[tilespmem:s10+$0xFFFFFF80] =	vst v7  }
0x174: {  	v7 =	vld [tilespmem:s9+$0xFFFFFE10];
	_ =	sdelay $0x4  }
0x175: {  	v9 =	vbroadcast v6, $0x4;
	v7 =	vmul.f32 v7, v8;
	_ =	sdelay $0x1  }
0x176: {  	v8 =	vor.u32 v0, v9;
	[tilespmem:s10+$0xFFFFFF90] =	vst v7  }
0x177: {  	v7 =	vor.u32 v3, v9;
	[tilespmem:s7+$0xFFFFFF80] =	vst v8  }
0x178: {  	[tilespmem:s7+$0xFFFFFF90] =	vst v7  }
0x179: {  	v7 =	vld [tilespmem:s9+$0xFFFFFE80];
	_ =	sdelay $0x2  }
0x17a: {  	v8 =	vbroadcast v5, $0x5;
	_ =	sdelay $0x1  }
0x17b: {  	v7 =	vmul.f32 v7, v8;
	_ =	sdelay $0x1  }
0x17c: {  	[tilespmem:s10+$0xFFFFFFA0] =	vst v7  }
0x17d: {  	v7 =	vld [tilespmem:s9+$0xFFFFFE90];
	_ =	sdelay $0x4  }
0x17e: {  	s12 =	simm.s32 $0xA0;
	v9 =	vbroadcast v6, $0x5;
	v7 =	vmul.f32 v7, v8  }
0x17f: {  	s8 =	sor.u32 $0x30, s12  }
0x180: {  	v8 =	vor.u32 v0, v9;
	[tilespmem:s8+$0x8500] =	vst v7  }
0x181: {  	v7 =	vor.u32 v3, v9;
	[tilespmem:s7+$0xFFFFFFA0] =	vst v8  }
0x182: {  	[tilespmem:s8+$0xA500] =	vst v7  }
0x183: {  	v7 =	vld [tilespmem:s9+$0xFFFFFF00];
	_ =	sdelay $0x2  }
0x184: {  	v8 =	vbroadcast v5, $0x6;
	_ =	sdelay $0x1  }
0x185: {  	v7 =	vmul.f32 v7, v8;
	_ =	sdelay $0x1  }
0x186: {  	[tilespmem:s10+$0xFFFFFFC0] =	vst v7  }
0x187: {  	v7 =	vld [tilespmem:s9+$0xFFFFFF10];
	_ =	sdelay $0x4  }
0x188: {  	s14 =	simm.s32 $0xC0;
	v9 =	vbroadcast v6, $0x6;
	v7 =	vmul.f32 v7, v8  }
0x189: {  	s8 =	sor.u32 $0x50, s14  }
0x18a: {  	v8 =	vor.u32 v0, v9;
	[tilespmem:s8+$0x8500] =	vst v7  }
0x18b: {  	v7 =	vor.u32 v3, v9;
	[tilespmem:s7+$0xFFFFFFC0] =	vst v8  }
0x18c: {  	[tilespmem:s8+$0xA500] =	vst v7  }
0x18d: {  	v7 =	vld [tilespmem:s9+$0xFFFFFF80];
	_ =	sdelay $0x2  }
0x18e: {  	v8 =	vbroadcast v5, $0x7;
	_ =	sdelay $0x1  }
0x18f: {  	v7 =	vmul.f32 v7, v8;
	_ =	sdelay $0x1  }
0x190: {  	[tilespmem:s10+$0xFFFFFFE0] =	vst v7  }
0x191: {  	v7 =	vld [tilespmem:s9+$0xFFFFFF90];
	_ =	sdelay $0x4  }
0x192: {  	s11 =	simm.s32 $0xE0;
	v9 =	vbroadcast v6, $0x7;
	v7 =	vmul.f32 v7, v8  }
0x193: {  	s8 =	sor.u32 $0x70, s11  }
0x194: {  	v8 =	vor.u32 v0, v9;
	[tilespmem:s8+$0x8500] =	vst v7  }
0x195: {  	v7 =	vor.u32 v3, v9;
	[tilespmem:s7+$0xFFFFFFE0] =	vst v8  }
0x196: {  	[tilespmem:s8+$0xA500] =	vst v7  }
0x197: {  	v7 =	vld [tilespmem:s9+$0x0];
	_ =	sdelay $0x2  }
0x198: {  	v8 =	vbroadcast v5, $0x8;
	_ =	sdelay $0x1  }
0x199: {  	v7 =	vmul.f32 v7, v8;
	_ =	sdelay $0x1  }
0x19a: {  	[tilespmem:s10+$0x0] =	vst v7  }
0x19b: {  	v7 =	vld [tilespmem:s9+$0x10];
	_ =	sdelay $0x4  }
0x19c: {  	v9 =	vbroadcast v6, $0x8;
	v7 =	vmul.f32 v7, v8;
	_ =	sdelay $0x1  }
0x19d: {  	v8 =	vor.u32 v0, v9;
	[tilespmem:s10+$0x10] =	vst v7  }
0x19e: {  	v7 =	vor.u32 v3, v9;
	[tilespmem:s7+$0x0] =	vst v8  }
0x19f: {  	[tilespmem:s7+$0x10] =	vst v7  }
0x1a0: {  	v7 =	vld [tilespmem:s9+$0x80];
	_ =	sdelay $0x2  }
0x1a1: {  	v8 =	vbroadcast v5, $0x9;
	_ =	sdelay $0x1  }
0x1a2: {  	v7 =	vmul.f32 v7, v8;
	_ =	sdelay $0x1  }
0x1a3: {  	[tilespmem:s10+$0x20] =	vst v7  }
0x1a4: {  	v7 =	vld [tilespmem:s9+$0x90];
	_ =	sdelay $0x4  }
0x1a5: {  	s12 =	simm.s32 $0x120;
	v9 =	vbroadcast v6, $0x9;
	v7 =	vmul.f32 v7, v8  }
0x1a6: {  	s8 =	sor.u32 $0x30, s12  }
0x1a7: {  	v8 =	vor.u32 v0, v9;
	[tilespmem:s8+$0x8500] =	vst v7  }
0x1a8: {  	v7 =	vor.u32 v3, v9;
	[tilespmem:s7+$0x20] =	vst v8  }
0x1a9: {  	[tilespmem:s8+$0xA500] =	vst v7  }
0x1aa: {  	v7 =	vld [tilespmem:s9+$0x100];
	_ =	sdelay $0x2  }
0x1ab: {  	v8 =	vbroadcast v5, $0xA;
	_ =	sdelay $0x1  }
0x1ac: {  	v7 =	vmul.f32 v7, v8;
	_ =	sdelay $0x1  }
0x1ad: {  	[tilespmem:s10+$0x40] =	vst v7  }
0x1ae: {  	v7 =	vld [tilespmem:s9+$0x110];
	_ =	sdelay $0x4  }
0x1af: {  	s14 =	simm.s32 $0x140;
	v9 =	vbroadcast v6, $0xA;
	v7 =	vmul.f32 v7, v8  }
0x1b0: {  	s8 =	sor.u32 $0x50, s14  }
0x1b1: {  	v8 =	vor.u32 v0, v9;
	[tilespmem:s8+$0x8500] =	vst v7  }
0x1b2: {  	v7 =	vor.u32 v3, v9;
	[tilespmem:s7+$0x40] =	vst v8  }
0x1b3: {  	[tilespmem:s8+$0xA500] =	vst v7  }
0x1b4: {  	v7 =	vld [tilespmem:s9+$0x180];
	_ =	sdelay $0x2  }
0x1b5: {  	v8 =	vbroadcast v5, $0xB;
	_ =	sdelay $0x1  }
0x1b6: {  	v7 =	vmul.f32 v7, v8;
	_ =	sdelay $0x1  }
0x1b7: {  	[tilespmem:s10+$0x60] =	vst v7  }
0x1b8: {  	v7 =	vld [tilespmem:s9+$0x190];
	_ =	sdelay $0x4  }
0x1b9: {  	s11 =	simm.s32 $0x160;
	v9 =	vbroadcast v6, $0xB;
	v7 =	vmul.f32 v7, v8  }
0x1ba: {  	s8 =	sor.u32 $0x70, s11  }
0x1bb: {  	v8 =	vor.u32 v0, v9;
	[tilespmem:s8+$0x8500] =	vst v7  }
0x1bc: {  	v7 =	vor.u32 v3, v9;
	[tilespmem:s7+$0x60] =	vst v8  }
0x1bd: {  	[tilespmem:s8+$0xA500] =	vst v7  }
0x1be: {  	v7 =	vld [tilespmem:s9+$0x200];
	_ =	sdelay $0x2  }
0x1bf: {  	v8 =	vbroadcast v5, $0xC;
	_ =	sdelay $0x1  }
0x1c0: {  	v7 =	vmul.f32 v7, v8;
	_ =	sdelay $0x1  }
0x1c1: {  	[tilespmem:s10+$0x80] =	vst v7  }
0x1c2: {  	v7 =	vld [tilespmem:s9+$0x210];
	_ =	sdelay $0x4  }
0x1c3: {  	v9 =	vbroadcast v6, $0xC;
	v7 =	vmul.f32 v7, v8;
	_ =	sdelay $0x1  }
0x1c4: {  	v8 =	vor.u32 v0, v9;
	[tilespmem:s10+$0x90] =	vst v7  }
0x1c5: {  	v7 =	vor.u32 v3, v9;
	[tilespmem:s7+$0x80] =	vst v8  }
0x1c6: {  	[tilespmem:s7+$0x90] =	vst v7  }
0x1c7: {  	v7 =	vld [tilespmem:s9+$0x280];
	_ =	sdelay $0x2  }
0x1c8: {  	v8 =	vbroadcast v5, $0xD;
	_ =	sdelay $0x1  }
0x1c9: {  	v7 =	vmul.f32 v7, v8;
	_ =	sdelay $0x1  }
0x1ca: {  	[tilespmem:s10+$0xA0] =	vst v7  }
0x1cb: {  	v7 =	vld [tilespmem:s9+$0x290];
	_ =	sdelay $0x4  }
0x1cc: {  	s12 =	simm.s32 $0x1A0;
	v9 =	vbroadcast v6, $0xD;
	v7 =	vmul.f32 v7, v8  }
0x1cd: {  	s8 =	sor.u32 $0x30, s12  }
0x1ce: {  	v8 =	vor.u32 v0, v9;
	[tilespmem:s8+$0x8500] =	vst v7  }
0x1cf: {  	v7 =	vor.u32 v3, v9;
	[tilespmem:s7+$0xA0] =	vst v8  }
0x1d0: {  	[tilespmem:s8+$0xA500] =	vst v7  }
0x1d1: {  	v7 =	vld [tilespmem:s9+$0x300];
	_ =	sdelay $0x2  }
0x1d2: {  	v8 =	vbroadcast v5, $0xE;
	_ =	sdelay $0x1  }
0x1d3: {  	v7 =	vmul.f32 v7, v8;
	_ =	sdelay $0x1  }
0x1d4: {  	[tilespmem:s10+$0xC0] =	vst v7  }
0x1d5: {  	v7 =	vld [tilespmem:s9+$0x310];
	_ =	sdelay $0x4  }
0x1d6: {  	s14 =	simm.s32 $0x1C0;
	v9 =	vbroadcast v6, $0xE;
	v7 =	vmul.f32 v7, v8  }
0x1d7: {  	s8 =	sor.u32 $0x50, s14  }
0x1d8: {  	v8 =	vor.u32 v0, v9;
	[tilespmem:s8+$0x8500] =	vst v7  }
0x1d9: {  	v7 =	vor.u32 v3, v9;
	[tilespmem:s7+$0xC0] =	vst v8  }
0x1da: {  	[tilespmem:s8+$0xA500] =	vst v7  }
0x1db: {  	v7 =	vld [tilespmem:s9+$0x380];
	_ =	sdelay $0x2  }
0x1dc: {  	v5 =	vbroadcast v5, $0xF;
	_ =	sdelay $0x1  }
0x1dd: {  	v7 =	vmul.f32 v7, v5;
	_ =	sdelay $0x1  }
0x1de: {  	[tilespmem:s10+$0xE0] =	vst v7  }
0x1df: {  	v8 =	vld [tilespmem:s9+$0x390];
	_ =	sdelay $0x1  }
0x1e0: {  	s11 =	simm.s32 $0x1E0;
	v6 =	vbroadcast v6, $0xF  }
0x1e1: {  	s12 =	sor.u32 $0x70, s11;
	s14 =	simm.s32 $0x1100  }
0x1e2: {  	s8 =	simm.s32 $0x3E0;
	v7 =	vor.u32 v0, v6;
	v6 =	vor.u32 v3, v6;
	s10 =	simm.s32 $0x8800;
	s9 =	simm.s32 $0xA600  }
.LBB2_7:
0x1e3: {  	v5 =	vmul.f32 v8, v5;
	s6 =	sadd.s32 $0x10, s6;
	s5 =	sadd.s32 $0x10, s5;
	s7 =	sadd.s32 $0x200, s7  }
0x1e4: {  	p2 =	sne.s32 s8, $0x1FE0;
	s11 =	smov.u32 s8;
	s8 =	sadd.s32 $0x200, s8  }
0x1e5: {  	[tilespmem:s12+$0x8500] =	vst v5  }
0x1e6: {  	[tilespmem:s9+$0xE0] =	vst v7;
	s9 =	smov.u32 s7  }
0x1e7: {  	[tilespmem:s12+$0xA500] =	vst v6  }
0x1e8: {  	v5 =	vld [tilespmem:s5+$0x0];
	_ =	sdelay $0x1  }
0x1e9: {  	v6 =	vld [tilespmem:s14+$0xFFFFFC00];
	_ =	sdelay $0x2  }
0x1ea: {  	v7 =	vbroadcast v5, $0x0;
	_ =	sdelay $0x1  }
0x1eb: {  	v6 =	vmul.f32 v6, v7  }
0x1ec: {  	v8 =	vld [tilespmem:s6+$0x0]  }
0x1ed: {  	[tilespmem:s10+$0xFFFFFF00] =	vst v6  }
0x1ee: {  	v6 =	vld [tilespmem:s14+$0xFFFFFC10];
	_ =	sdelay $0x2  }
0x1ef: {  	v18 =	vshll.u32 v8, $0x5  }
0x1f0: {  	v8 =	vbroadcast v18, $0x0;
	v19 =	vbroadcast v18, $0x1  }
0x1f1: {  	v20 =	vbroadcast v18, $0x2;
	v6 =	vmul.f32 v6, v7  }
0x1f2: {  	v21 =	vbroadcast v18, $0x3;
	v17 =	vbroadcast v18, $0x4  }
0x1f3: {  	v16 =	vbroadcast v18, $0x5;
	v7 =	vor.u32 v0, v8;
	[tilespmem:s10+$0xFFFFFF10] =	vst v6;
	v6 =	vor.u32 v3, v8  }
0x1f4: {  	v15 =	vbroadcast v18, $0x6;
	v14 =	vbroadcast v18, $0x7;
	[tilespmem:s7+$0xFFFFFF00] =	vst v7  }
0x1f5: {  	v13 =	vbroadcast v18, $0x8;
	v12 =	vbroadcast v18, $0x9;
	[tilespmem:s7+$0xFFFFFF10] =	vst v6  }
0x1f6: {  	v11 =	vbroadcast v18, $0xA;
	v10 =	vbroadcast v18, $0xB;
	v22 =	vld [tilespmem:s14+$0xFFFFFC80]  }
0x1f7: {  	v9 =	vbroadcast v18, $0xC;
	v8 =	vbroadcast v18, $0xD  }
0x1f8: {  	v23 =	vbroadcast v5, $0x1;
	v7 =	vbroadcast v18, $0xE  }
0x1f9: {  	v6 =	vbroadcast v18, $0xF;
	_ =	sdelay $0x1  }
0x1fa: {  	v18 =	vmul.f32 v22, v23;
	_ =	sdelay $0x1  }
0x1fb: {  	[tilespmem:s10+$0xFFFFFF20] =	vst v18  }
0x1fc: {  	v18 =	vld [tilespmem:s14+$0xFFFFFC90];
	_ =	sdelay $0x3  }
0x1fd: {  	s12 =	sadd.s32 $0xFFFFFE40, s11  }
0x1fe: {  	s12 =	sor.u32 $0x30, s12;
	v18 =	vmul.f32 v18, v23  }
0x1ff: {  	v22 =	vor.u32 v0, v19  }
0x200: {  	[tilespmem:s12+$0x8500] =	vst v18;
	v18 =	vor.u32 v3, v19  }
0x201: {  	[tilespmem:s7+$0xFFFFFF20] =	vst v22  }
0x202: {  	[tilespmem:s12+$0xA500] =	vst v18  }
0x203: {  	v18 =	vld [tilespmem:s14+$0xFFFFFD00];
	_ =	sdelay $0x1  }
0x204: {  	v19 =	vbroadcast v5, $0x2;
	_ =	sdelay $0x2  }
0x205: {  	v18 =	vmul.f32 v18, v19;
	_ =	sdelay $0x1  }
0x206: {  	[tilespmem:s10+$0xFFFFFF40] =	vst v18  }
0x207: {  	v18 =	vld [tilespmem:s14+$0xFFFFFD10];
	_ =	sdelay $0x3  }
0x208: {  	s12 =	sadd.s32 $0xFFFFFE60, s11  }
0x209: {  	s12 =	sor.u32 $0x50, s12;
	v18 =	vmul.f32 v18, v19  }
0x20a: {  	v19 =	vor.u32 v0, v20  }
0x20b: {  	[tilespmem:s12+$0x8500] =	vst v18;
	v18 =	vor.u32 v3, v20  }
0x20c: {  	[tilespmem:s7+$0xFFFFFF40] =	vst v19  }
0x20d: {  	[tilespmem:s12+$0xA500] =	vst v18  }
0x20e: {  	v18 =	vld [tilespmem:s14+$0xFFFFFD80];
	_ =	sdelay $0x1  }
0x20f: {  	v19 =	vbroadcast v5, $0x3;
	_ =	sdelay $0x2  }
0x210: {  	v18 =	vmul.f32 v18, v19;
	_ =	sdelay $0x1  }
0x211: {  	[tilespmem:s10+$0xFFFFFF60] =	vst v18  }
0x212: {  	v18 =	vld [tilespmem:s14+$0xFFFFFD90];
	_ =	sdelay $0x3  }
0x213: {  	s12 =	sadd.s32 $0xFFFFFE80, s11  }
0x214: {  	s12 =	sor.u32 $0x70, s12;
	v18 =	vmul.f32 v18, v19  }
0x215: {  	v19 =	vor.u32 v0, v21  }
0x216: {  	[tilespmem:s12+$0x8500] =	vst v18;
	v18 =	vor.u32 v3, v21  }
0x217: {  	[tilespmem:s7+$0xFFFFFF60] =	vst v19  }
0x218: {  	[tilespmem:s12+$0xA500] =	vst v18  }
0x219: {  	v18 =	vld [tilespmem:s14+$0xFFFFFE00];
	_ =	sdelay $0x1  }
0x21a: {  	v19 =	vbroadcast v5, $0x4;
	_ =	sdelay $0x2  }
0x21b: {  	v18 =	vmul.f32 v18, v19;
	_ =	sdelay $0x1  }
0x21c: {  	[tilespmem:s10+$0xFFFFFF80] =	vst v18  }
0x21d: {  	v18 =	vld [tilespmem:s14+$0xFFFFFE10];
	_ =	sdelay $0x4  }
0x21e: {  	v18 =	vmul.f32 v18, v19;
	_ =	sdelay $0x1  }
0x21f: {  	v19 =	vor.u32 v0, v17;
	v17 =	vor.u32 v3, v17;
	[tilespmem:s10+$0xFFFFFF90] =	vst v18  }
0x220: {  	[tilespmem:s7+$0xFFFFFF80] =	vst v19  }
0x221: {  	[tilespmem:s7+$0xFFFFFF90] =	vst v17  }
0x222: {  	v17 =	vld [tilespmem:s14+$0xFFFFFE80]  }
0x223: {  	v18 =	vbroadcast v5, $0x5;
	_ =	sdelay $0x3  }
0x224: {  	v17 =	vmul.f32 v17, v18;
	_ =	sdelay $0x1  }
0x225: {  	[tilespmem:s10+$0xFFFFFFA0] =	vst v17  }
0x226: {  	v17 =	vld [tilespmem:s14+$0xFFFFFE90];
	_ =	sdelay $0x2  }
0x227: {  	s12 =	sadd.s32 $0xFFFFFEC0, s11  }
0x228: {  	s12 =	sor.u32 $0x30, s12  }
0x229: {  	v19 =	vor.u32 v0, v16;
	v17 =	vmul.f32 v17, v18  }
0x22a: {  	v16 =	vor.u32 v3, v16  }
0x22b: {  	[tilespmem:s12+$0x8500] =	vst v17  }
0x22c: {  	[tilespmem:s7+$0xFFFFFFA0] =	vst v19  }
0x22d: {  	[tilespmem:s12+$0xA500] =	vst v16  }
0x22e: {  	v16 =	vld [tilespmem:s14+$0xFFFFFF00]  }
0x22f: {  	v17 =	vbroadcast v5, $0x6;
	_ =	sdelay $0x3  }
0x230: {  	v16 =	vmul.f32 v16, v17;
	_ =	sdelay $0x1  }
0x231: {  	[tilespmem:s10+$0xFFFFFFC0] =	vst v16  }
0x232: {  	v16 =	vld [tilespmem:s14+$0xFFFFFF10];
	_ =	sdelay $0x2  }
0x233: {  	s12 =	sadd.s32 $0xFFFFFEE0, s11  }
0x234: {  	s12 =	sor.u32 $0x50, s12  }
0x235: {  	v18 =	vor.u32 v0, v15;
	v16 =	vmul.f32 v16, v17  }
0x236: {  	v15 =	vor.u32 v3, v15  }
0x237: {  	[tilespmem:s12+$0x8500] =	vst v16  }
0x238: {  	[tilespmem:s7+$0xFFFFFFC0] =	vst v18  }
0x239: {  	[tilespmem:s12+$0xA500] =	vst v15  }
0x23a: {  	v15 =	vld [tilespmem:s14+$0xFFFFFF80]  }
0x23b: {  	v16 =	vbroadcast v5, $0x7;
	_ =	sdelay $0x3  }
0x23c: {  	v15 =	vmul.f32 v15, v16;
	_ =	sdelay $0x1  }
0x23d: {  	[tilespmem:s10+$0xFFFFFFE0] =	vst v15  }
0x23e: {  	v15 =	vld [tilespmem:s14+$0xFFFFFF90];
	_ =	sdelay $0x2  }
0x23f: {  	s12 =	sadd.s32 $0xFFFFFF00, s11  }
0x240: {  	s12 =	sor.u32 $0x70, s12  }
0x241: {  	v17 =	vor.u32 v0, v14;
	v15 =	vmul.f32 v15, v16  }
0x242: {  	v14 =	vor.u32 v3, v14  }
0x243: {  	[tilespmem:s12+$0x8500] =	vst v15  }
0x244: {  	[tilespmem:s7+$0xFFFFFFE0] =	vst v17  }
0x245: {  	[tilespmem:s12+$0xA500] =	vst v14  }
0x246: {  	v14 =	vld [tilespmem:s14+$0x0]  }
0x247: {  	v15 =	vbroadcast v5, $0x8;
	_ =	sdelay $0x3  }
0x248: {  	v14 =	vmul.f32 v14, v15;
	_ =	sdelay $0x1  }
0x249: {  	[tilespmem:s10+$0x0] =	vst v14  }
0x24a: {  	v14 =	vld [tilespmem:s14+$0x10];
	_ =	sdelay $0x4  }
0x24b: {  	v14 =	vmul.f32 v14, v15;
	_ =	sdelay $0x1  }
0x24c: {  	v15 =	vor.u32 v0, v13;
	v13 =	vor.u32 v3, v13;
	[tilespmem:s10+$0x10] =	vst v14  }
0x24d: {  	[tilespmem:s7+$0x0] =	vst v15  }
0x24e: {  	[tilespmem:s7+$0x10] =	vst v13  }
0x24f: {  	v13 =	vbroadcast v5, $0x9;
	v14 =	vld [tilespmem:s14+$0x80];
	_ =	sdelay $0x4  }
0x250: {  	v14 =	vmul.f32 v14, v13;
	_ =	sdelay $0x1  }
0x251: {  	[tilespmem:s10+$0x20] =	vst v14  }
0x252: {  	v14 =	vld [tilespmem:s14+$0x90];
	_ =	sdelay $0x1  }
0x253: {  	s12 =	sadd.s32 $0xFFFFFF40, s11  }
0x254: {  	s12 =	sor.u32 $0x30, s12  }
0x255: {  	v15 =	vor.u32 v0, v12  }
0x256: {  	v12 =	vor.u32 v3, v12;
	v13 =	vmul.f32 v14, v13;
	_ =	sdelay $0x1  }
0x257: {  	[tilespmem:s12+$0x8500] =	vst v13  }
0x258: {  	[tilespmem:s7+$0x20] =	vst v15  }
0x259: {  	[tilespmem:s12+$0xA500] =	vst v12  }
0x25a: {  	v12 =	vbroadcast v5, $0xA;
	v13 =	vld [tilespmem:s14+$0x100];
	_ =	sdelay $0x4  }
0x25b: {  	v13 =	vmul.f32 v13, v12;
	_ =	sdelay $0x1  }
0x25c: {  	[tilespmem:s10+$0x40] =	vst v13  }
0x25d: {  	v13 =	vld [tilespmem:s14+$0x110];
	_ =	sdelay $0x1  }
0x25e: {  	s12 =	sadd.s32 $0xFFFFFF60, s11  }
0x25f: {  	s12 =	sor.u32 $0x50, s12  }
0x260: {  	v14 =	vor.u32 v0, v11  }
0x261: {  	v11 =	vor.u32 v3, v11;
	v12 =	vmul.f32 v13, v12;
	_ =	sdelay $0x1  }
0x262: {  	[tilespmem:s12+$0x8500] =	vst v12  }
0x263: {  	[tilespmem:s7+$0x40] =	vst v14  }
0x264: {  	[tilespmem:s12+$0xA500] =	vst v11  }
0x265: {  	v11 =	vbroadcast v5, $0xB;
	v12 =	vld [tilespmem:s14+$0x180];
	_ =	sdelay $0x4  }
0x266: {  	v12 =	vmul.f32 v12, v11;
	_ =	sdelay $0x1  }
0x267: {  	[tilespmem:s10+$0x60] =	vst v12  }
0x268: {  	v12 =	vld [tilespmem:s14+$0x190];
	_ =	sdelay $0x1  }
0x269: {  	s12 =	sadd.s32 $0xFFFFFF80, s11  }
0x26a: {  	s12 =	sor.u32 $0x70, s12  }
0x26b: {  	v13 =	vor.u32 v0, v10  }
0x26c: {  	v10 =	vor.u32 v3, v10;
	v11 =	vmul.f32 v12, v11;
	_ =	sdelay $0x1  }
0x26d: {  	[tilespmem:s12+$0x8500] =	vst v11  }
0x26e: {  	[tilespmem:s7+$0x60] =	vst v13  }
0x26f: {  	[tilespmem:s12+$0xA500] =	vst v10  }
0x270: {  	v10 =	vbroadcast v5, $0xC;
	v11 =	vld [tilespmem:s14+$0x200];
	_ =	sdelay $0x4  }
0x271: {  	v11 =	vmul.f32 v11, v10;
	_ =	sdelay $0x1  }
0x272: {  	[tilespmem:s10+$0x80] =	vst v11  }
0x273: {  	v11 =	vld [tilespmem:s14+$0x210];
	_ =	sdelay $0x4  }
0x274: {  	v10 =	vmul.f32 v11, v10;
	_ =	sdelay $0x1  }
0x275: {  	v11 =	vor.u32 v0, v9;
	v9 =	vor.u32 v3, v9;
	[tilespmem:s10+$0x90] =	vst v10  }
0x276: {  	[tilespmem:s7+$0x80] =	vst v11  }
0x277: {  	[tilespmem:s7+$0x90] =	vst v9;
	v9 =	vbroadcast v5, $0xD  }
0x278: {  	v10 =	vld [tilespmem:s14+$0x280];
	_ =	sdelay $0x4  }
0x279: {  	v10 =	vmul.f32 v10, v9;
	_ =	sdelay $0x1  }
0x27a: {  	[tilespmem:s10+$0xA0] =	vst v10  }
0x27b: {  	v10 =	vld [tilespmem:s14+$0x290]  }
0x27c: {  	s12 =	sadd.s32 $0xFFFFFFC0, s11  }
0x27d: {  	s12 =	sor.u32 $0x30, s12  }
0x27e: {  	v11 =	vor.u32 v0, v8  }
0x27f: {  	v8 =	vor.u32 v3, v8  }
0x280: {  	v9 =	vmul.f32 v10, v9;
	_ =	sdelay $0x1  }
0x281: {  	[tilespmem:s12+$0x8500] =	vst v9  }
0x282: {  	[tilespmem:s7+$0xA0] =	vst v11  }
0x283: {  	[tilespmem:s12+$0xA500] =	vst v8;
	v8 =	vbroadcast v5, $0xE  }
0x284: {  	v9 =	vld [tilespmem:s14+$0x300];
	_ =	sdelay $0x4  }
0x285: {  	v9 =	vmul.f32 v9, v8;
	_ =	sdelay $0x1  }
0x286: {  	[tilespmem:s10+$0xC0] =	vst v9  }
0x287: {  	v9 =	vld [tilespmem:s14+$0x310]  }
0x288: {  	s12 =	sadd.s32 $0xFFFFFFE0, s11  }
0x289: {  	s12 =	sor.u32 $0x50, s12  }
0x28a: {  	v10 =	vor.u32 v0, v7  }
0x28b: {  	v7 =	vor.u32 v3, v7  }
0x28c: {  	v8 =	vmul.f32 v9, v8;
	_ =	sdelay $0x1  }
0x28d: {  	[tilespmem:s12+$0x8500] =	vst v8  }
0x28e: {  	[tilespmem:s7+$0xC0] =	vst v10  }
0x28f: {  	v5 =	vbroadcast v5, $0xF;
	[tilespmem:s12+$0xA500] =	vst v7  }
0x290: {  	v7 =	vld [tilespmem:s14+$0x380];
	_ =	sdelay $0x4  }
0x291: {  	v7 =	vmul.f32 v7, v5;
	_ =	sdelay $0x1  }
0x292: {  	[tilespmem:s10+$0xE0] =	vst v7  }
.Ltmp2:
0x293: {  	v8 =	vld [tilespmem:s14+$0x390];
	(pc) =	sbr.rel @p2 .LBB2_7-.Ltmp2, $4  }
0x294: {  	_ = 	snop  }
0x295: {  	s12 =	sor.u32 $0x70, s11  }
0x296: {  	v7 =	vor.u32 v0, v6  }
0x297: {  	v6 =	vor.u32 v3, v6;
	s10 =	sadd.s32 $0x200, s10;
	s14 =	sadd.s32 $0x800, s14  }
0x298: {  	v5 =	vmul.f32 v8, v5;
	_ =	sdelay $0x1  }
0x299: {  	[tilespmem:s12+$0x8500] =	vst v5  }
0x29a: {  	[tilespmem:s9+$0xE0] =	vst v7  }
0x29b: {  	[tilespmem:s12+$0xA500] =	vst v6  }
0x29c: {  	[spmem:s19] =	stream.indirect.scatter.add.f32 [tilespmem:s20], [sflag:$0x1], $0x1, s18, s31, $0xb8;
	[tilespmem:$0x1B1B0] =	vst v63  }
0x29d: {  	s4 =	sadd.s32 $0x1, s4;
	_ =	swait.ge [sflag:s15], $0x2000  }
0x29e: {  	p2 =	sne.s32 s4, $0xC4;
	[sflag:s15] =	ssyncset.done $0x0  }
.Ltmp3:
0x29f: {  	[sflag:s15] =	ssyncadd.s32 $0xFFFFE000;
	(pc) =	sbr.rel @p2 .LBB2_4-.Ltmp3, $4  }
0x2a0: {  	[spmem:s21] =	stream.indirect.scatter.add.f32 [tilespmem:s22], [sflag:$0x1], $0x1, s0, s23, $0xb8;
	[tilespmem:$0x1B1B0] =	vst v63  }
0x2a1: {  	_ =	swait.ge [sflag:s15], $0x100  }
0x2a2: {  	[sflag:s15] =	ssyncset.done $0x0  }
0x2a3: {  	[sflag:s15] =	ssyncadd.s32 $0xFFFFFF00  }
0x2a4: {  	[bflag:$0x0] =	sbarrier.arrive $0xFFFF  }
0x2a5: {  	s3 =	sld [smem:$0x7EA];
	_ =	sdelay $0x2  }
0x2a6: {  	[tilespmem:s20], [sflag:$0x1] =	stream.linear.gather [spmem:s3], $0x1200, $0x38;
	[tilespmem:$0x1B1B0] =	vst v63  }
0x2a7: {  	_ =	swait.ge [sflag:s15], $0x1200  }
0x2a8: {  	[sflag:s15] =	ssyncset.done $0x0  }
0x2a9: {  	s10 =	rddreg [dreg:$0xb];
	[sflag:s15] =	ssyncadd.s32 $0xFFFFEE00  }
0x2aa: {  	[hbm4b:s10+s1] =	stream.linear.scatter [tilespmem:s20], [sflag:$0x1], $0x1200, $0x38;
	[tilespmem:$0x1B1B0] =	vst v63  }
0x2ab: {  	_ =	swait.ge [sflag:s15], $0x1200  }
0x2ac: {  	s11 =	sld [smem:$0x7EB]  }
0x2ad: {  	[sflag:s15] =	ssyncset.done $0x0  }
0x2ae: {  	[sflag:s15] =	ssyncadd.s32 $0xFFFFEE00  }
0x2af: {  	[tilespmem:s20], [sflag:$0x1] =	stream.linear.gather [spmem:s11], $0x1200, $0x38;
	[tilespmem:$0x1B1B0] =	vst v63  }
0x2b0: {  	_ =	swait.ge [sflag:s15], $0x1200  }
0x2b1: {  	[sflag:s15] =	ssyncset.done $0x0  }
0x2b2: {  	s12 =	rddreg [dreg:$0xc];
	[sflag:s15] =	ssyncadd.s32 $0xFFFFEE00  }
0x2b3: {  	[hbm4b:s12+s1] =	stream.linear.scatter [tilespmem:s20], [sflag:$0x1], $0x1200, $0x38;
	[tilespmem:$0x1B1B0] =	vst v63  }
0x2b4: {  	_ =	swait.ge [sflag:s15], $0x1200  }
0x2b5: {  	s14 =	sld [smem:$0x7EC]  }
0x2b6: {  	[sflag:s15] =	ssyncset.done $0x0  }
0x2b7: {  	[sflag:s15] =	ssyncadd.s32 $0xFFFFEE00  }
0x2b8: {  	[tilespmem:s20], [sflag:$0x1] =	stream.linear.gather [spmem:s14], $0x1200, $0x38;
	[tilespmem:$0x1B1B0] =	vst v63  }
0x2b9: {  	_ =	swait.ge [sflag:s15], $0x1200  }
0x2ba: {  	[sflag:s15] =	ssyncset.done $0x0  }
0x2bb: {  	s4 =	rddreg [dreg:$0xd];
	[sflag:s15] =	ssyncadd.s32 $0xFFFFEE00  }
0x2bc: {  	[hbm4b:s4+s1] =	stream.linear.scatter [tilespmem:s20], [sflag:$0x1], $0x1200, $0x38;
	[tilespmem:$0x1B1B0] =	vst v63  }
0x2bd: {  	_ =	swait.ge [sflag:s15], $0x1200  }
0x2be: {  	s5 =	sld [smem:$0x7ED]  }
0x2bf: {  	[sflag:s15] =	ssyncset.done $0x0  }
0x2c0: {  	[sflag:s15] =	ssyncadd.s32 $0xFFFFEE00  }
0x2c1: {  	[tilespmem:s20], [sflag:$0x1] =	stream.linear.gather [spmem:s5], $0x1200, $0x38;
	[tilespmem:$0x1B1B0] =	vst v63  }
0x2c2: {  	_ =	swait.ge [sflag:s15], $0x1200  }
0x2c3: {  	[sflag:s15] =	ssyncset.done $0x0  }
0x2c4: {  	s6 =	rddreg [dreg:$0xe];
	[sflag:s15] =	ssyncadd.s32 $0xFFFFEE00  }
0x2c5: {  	[hbm4b:s6+s1] =	stream.linear.scatter [tilespmem:s20], [sflag:$0x1], $0x1200, $0x38;
	[tilespmem:$0x1B1B0] =	vst v63  }
0x2c6: {  	_ =	swait.ge [sflag:s15], $0x1200  }
0x2c7: {  	s7 =	sld [smem:$0x7EE]  }
0x2c8: {  	[sflag:s15] =	ssyncset.done $0x0  }
0x2c9: {  	[sflag:s15] =	ssyncadd.s32 $0xFFFFEE00  }
0x2ca: {  	[tilespmem:s20], [sflag:$0x1] =	stream.linear.gather [spmem:s7], $0x1200, $0x38;
	[tilespmem:$0x1B1B0] =	vst v63  }
0x2cb: {  	_ =	swait.ge [sflag:s15], $0x1200  }
0x2cc: {  	[sflag:s15] =	ssyncset.done $0x0  }
0x2cd: {  	s8 =	rddreg [dreg:$0xf];
	[sflag:s15] =	ssyncadd.s32 $0xFFFFEE00  }
0x2ce: {  	[hbm4b:s8+s1] =	stream.linear.scatter [tilespmem:s20], [sflag:$0x1], $0x1200, $0x38;
	[tilespmem:$0x1B1B0] =	vst v63  }
0x2cf: {  	_ =	swait.ge [sflag:s15], $0x1200  }
0x2d0: {  	s9 =	sld [smem:$0x7EF]  }
0x2d1: {  	[sflag:s15] =	ssyncset.done $0x0  }
0x2d2: {  	[sflag:s15] =	ssyncadd.s32 $0xFFFFEE00  }
0x2d3: {  	[tilespmem:s20], [sflag:$0x1] =	stream.linear.gather [spmem:s9], $0x1200, $0x38;
	[tilespmem:$0x1B1B0] =	vst v63  }
0x2d4: {  	_ =	swait.ge [sflag:s15], $0x1200  }
0x2d5: {  	[sflag:s15] =	ssyncset.done $0x0  }
0x2d6: {  	s10 =	rddreg [dreg:$0x10];
	[sflag:s15] =	ssyncadd.s32 $0xFFFFEE00  }
0x2d7: {  	[hbm4b:s10+s1] =	stream.linear.scatter [tilespmem:s20], [sflag:$0x1], $0x1200, $0x38;
	[tilespmem:$0x1B1B0] =	vst v63  }
0x2d8: {  	_ =	swait.ge [sflag:s15], $0x1200  }
0x2d9: {  	s11 =	sld [smem:$0x7F0]  }
0x2da: {  	[sflag:s15] =	ssyncset.done $0x0  }
0x2db: {  	[sflag:s15] =	ssyncadd.s32 $0xFFFFEE00  }
0x2dc: {  	[tilespmem:s20], [sflag:$0x1] =	stream.linear.gather [spmem:s11], $0x1200, $0x38;
	[tilespmem:$0x1B1B0] =	vst v63  }
0x2dd: {  	_ =	swait.ge [sflag:s15], $0x1200  }
0x2de: {  	[sflag:s15] =	ssyncset.done $0x0  }
0x2df: {  	s12 =	rddreg [dreg:$0x11];
	[sflag:s15] =	ssyncadd.s32 $0xFFFFEE00  }
0x2e0: {  	[hbm4b:s12+s1] =	stream.linear.scatter [tilespmem:s20], [sflag:$0x1], $0x1200, $0x38;
	[tilespmem:$0x1B1B0] =	vst v63  }
0x2e1: {  	_ =	swait.ge [sflag:s15], $0x1200  }
0x2e2: {  	s14 =	sld [smem:$0x7F1]  }
0x2e3: {  	[sflag:s15] =	ssyncset.done $0x0  }
0x2e4: {  	[sflag:s15] =	ssyncadd.s32 $0xFFFFEE00  }
0x2e5: {  	[tilespmem:s20], [sflag:$0x1] =	stream.linear.gather [spmem:s14], $0x1200, $0x38;
	[tilespmem:$0x1B1B0] =	vst v63  }
0x2e6: {  	_ =	swait.ge [sflag:s15], $0x1200  }
0x2e7: {  	[sflag:s15] =	ssyncset.done $0x0  }
0x2e8: {  	s4 =	rddreg [dreg:$0x12];
	[sflag:s15] =	ssyncadd.s32 $0xFFFFEE00  }
0x2e9: {  	[hbm4b:s4+s1] =	stream.linear.scatter [tilespmem:s20], [sflag:$0x1], $0x1200, $0x38;
	[tilespmem:$0x1B1B0] =	vst v63  }
0x2ea: {  	_ =	swait.ge [sflag:s15], $0x1200  }
0x2eb: {  	s5 =	sld [smem:$0x7F2]  }
0x2ec: {  	[sflag:s15] =	ssyncset.done $0x0  }
0x2ed: {  	[sflag:s15] =	ssyncadd.s32 $0xFFFFEE00  }
0x2ee: {  	[tilespmem:s20], [sflag:$0x1] =	stream.linear.gather [spmem:s5], $0x1200, $0x38;
	[tilespmem:$0x1B1B0] =	vst v63  }
0x2ef: {  	_ =	swait.ge [sflag:s15], $0x1200  }
0x2f0: {  	[sflag:s15] =	ssyncset.done $0x0  }
0x2f1: {  	s6 =	rddreg [dreg:$0x13];
	[sflag:s15] =	ssyncadd.s32 $0xFFFFEE00  }
0x2f2: {  	[hbm4b:s6+s1] =	stream.linear.scatter [tilespmem:s20], [sflag:$0x1], $0x1200, $0x38;
	[tilespmem:$0x1B1B0] =	vst v63  }
0x2f3: {  	_ =	swait.ge [sflag:s15], $0x1200  }
0x2f4: {  	s7 =	sld [smem:$0x7F3]  }
0x2f5: {  	[sflag:s15] =	ssyncset.done $0x0  }
0x2f6: {  	[sflag:s15] =	ssyncadd.s32 $0xFFFFEE00  }
0x2f7: {  	[tilespmem:s20], [sflag:$0x1] =	stream.linear.gather [spmem:s7], $0x1200, $0x38;
	[tilespmem:$0x1B1B0] =	vst v63  }
0x2f8: {  	_ =	swait.ge [sflag:s15], $0x1200  }
0x2f9: {  	[sflag:s15] =	ssyncset.done $0x0  }
0x2fa: {  	s8 =	rddreg [dreg:$0x14];
	[sflag:s15] =	ssyncadd.s32 $0xFFFFEE00  }
0x2fb: {  	[hbm4b:s8+s1] =	stream.linear.scatter [tilespmem:s20], [sflag:$0x1], $0x1200, $0x38;
	[tilespmem:$0x1B1B0] =	vst v63  }
0x2fc: {  	_ =	swait.ge [sflag:s15], $0x1200  }
0x2fd: {  	s9 =	sld [smem:$0x7F4]  }
0x2fe: {  	[sflag:s15] =	ssyncset.done $0x0  }
0x2ff: {  	[sflag:s15] =	ssyncadd.s32 $0xFFFFEE00  }
0x300: {  	[tilespmem:s20], [sflag:$0x1] =	stream.linear.gather [spmem:s9], $0x1200, $0x38;
	[tilespmem:$0x1B1B0] =	vst v63  }
0x301: {  	_ =	swait.ge [sflag:s15], $0x1200  }
0x302: {  	[sflag:s15] =	ssyncset.done $0x0  }
0x303: {  	s10 =	rddreg [dreg:$0x15];
	[sflag:s15] =	ssyncadd.s32 $0xFFFFEE00  }
0x304: {  	[hbm4b:s10+s1] =	stream.linear.scatter [tilespmem:s20], [sflag:$0x1], $0x1200, $0x38;
	[tilespmem:$0x1B1B0] =	vst v63  }
0x305: {  	_ =	swait.ge [sflag:s15], $0x1200  }
0x306: {  	s11 =	sld [smem:$0x7F5]  }
0x307: {  	[sflag:s15] =	ssyncset.done $0x0  }
0x308: {  	s4 =	simm.s32 $0xC680;
	[sflag:s15] =	ssyncadd.s32 $0xFFFFEE00  }
0x309: {  	[tilespmem:s4], [sflag:$0x1] =	stream.linear.gather [spmem:s11], $0x630, $0x38;
	[tilespmem:$0x1B1B0] =	vst v63  }
0x30a: {  	_ =	swait.ge [sflag:s15], $0x630  }
0x30b: {  	s12 =	sld [smem:$0x7F6]  }
0x30c: {  	[sflag:s15] =	ssyncset.done $0x0  }
0x30d: {  	[sflag:s15] =	ssyncadd.s32 $0xFFFFF9D0  }
0x30e: {  	[hbm4b:s12+s1] =	stream.linear.scatter [tilespmem:s4], [sflag:$0x1], $0x630, $0x38;
	[tilespmem:$0x1B1B0] =	vst v63  }
0x30f: {  	_ =	swait.ge [sflag:s15], $0x630  }
0x310: {  	s14 =	sld [smem:$0x7F7];
	_ =	sdelay $0x1  }
0x311: {  	s2 =	sadd.s32 $0x1, s2  }
0x312: {  	p2 =	sne.s32 s2, s14  }
.Ltmp4:
0x313: {  	_ = 	snop;
	(pc) =	sbr.rel @p2 .LBB2_1-.Ltmp4, $3  }
0x314: {  	_ =	sdelay $0x1  }
0x315: {  	[sflag:s15] =	ssyncset.done $0x0  }
0x316: {  	[sflag:s15] =	ssyncadd.s32 $0xFFFFF9D0  }
0x317: {  	_ =	sfence.sel $0x180000  }
0x318: {  	[bflag:$0x0] =	sbarrier.arrive $0xFFFF  }
0x319: {  	_ =	strace $0x9000004A  }
0x31a: {  	s0 =	stileid.u32;
	[bflag:$0x2] =	sbarrier.arrive $0xFFFF  }
0x31b: {  	p0 =	sne.s32 s0, $0x0;
	s0 =	rddreg [dreg:$0x6]  }
0x31c: {  	s0 =	sadd.s32 @!p0 $0x100000, s0  }
0x31d: {  	[sflag:s0] =	ssyncadd.tile.s32 @!p0 $0x1;
	_ =	shalt  }
.Lfunc_end2:
_tile_overlayer_lowered:
.L_overlay_start_2:
0x31e: {  	(tag) =	ssettag $0x2  }
0x31f: {  	s0 =	rddreg [dreg:$0x0];
	s2 =	stileid.u32  }
0x320: {  	s1 =	rddreg [dreg:$0x1];
	p0 =	sne.s32 s2, $0x0  }
0x321: {  	s3 =	rddreg [dreg:$0x2];
	[bflag:$0x3] =	sbarrier.arrive $0xFFFF;
	s2 =	simm.s32 @!p0 $0x1C01  }
0x322: {  	[timem:s3], [sflag:s2] =	dma.local @!p0 [hbm:s0], s1  }
0x323: {  	s0 =	simm.s32 @!p0 $0x1  }
0x324: {  	_ =	swait.ge @!p0 [sflag:s0], s1  }
0x325: {  	s1 =	ssub.s32 @!p0 $0x0, s1;
	[sflag:s0] =	ssyncset.done @!p0 $0x0  }
0x326: {  	[sflag:s0] =	ssyncadd.s32 @!p0 s1  }
0x327: {  	[bflag:$0x3] =	sbarrier.arrive $0xFFFF  }
0x328: {  	_ =	shalt  }

// kernel: kernel.7.cloned.1.call-start
scs
__scs_entry_jumppad:
0x0: {  	(pc) =	sbr.rel $0x88, $3  }
0x1: {  	(tag) =	ssettag $0x0;
	lr =	simm.s32 $0x1  }
0x2: {  	[smem:$0x3F94] =	sst lr;
	_ =	strace $0xD0000000  }
0x3: {  	_ = 	snop  }
0x4: {  	_ = 	snop  }
0x5: {  	_ = 	snop  }
0x6: {  	_ = 	snop  }
0x7: {  	_ = 	snop  }
__scs_overlays_trampoline_lowered:
0x8: {  	[smem:$0x3FA3] =	sst s0  }
0x9: {  	[smem:$0x3FA4] =	sst s1  }
0xa: {  	[smem:$0x3FA5] =	sst s2  }
0xb: {  	[smem:$0x3FA6] =	sst s3  }
0xc: {  	[smem:$0x3FA7] =	sst s4  }
0xd: {  	[smem:$0x3FA8] =	sst s5  }
0xe: {  	[smem:$0x3FA9] =	sst s6  }
0xf: {  	[smem:$0x3FAA] =	sst s7  }
0x10: {  	[smem:$0x3FAB] =	sst s8  }
0x11: {  	[smem:$0x3FAC] =	sst s9;
	s0 =	simm.s32 @!p0 $0x0  }
0x12: {  	s1 =	sld [smem:$0x3F92];
	s0 =	simm.s32 @p0 $0x1  }
0x13: {  	[smem:$0x3FAD] =	sst s0;
	s0 =	simm.s32 @!p1 $0x0  }
0x14: {  	s2 =	sld [smem:$0x3F91];
	s0 =	simm.s32 @p1 $0x1  }
0x15: {  	[smem:$0x3FAE] =	sst s0;
	s0 =	simm.s32 @!p2 $0x0  }
0x16: {  	s3 =	sld [smem:$0x3FDB];
	s0 =	simm.s32 @p2 $0x1  }
0x17: {  	s4 =	simm.s32 $0x1BF5;
	[smem:$0x3FB0] =	sst s0  }
0x18: {  	s0 =	sld [smem:$0x3F93];
	_ =	swait.ge [sflag:s4], $0x0  }
0x19: {  	s7 =	sld [smem:$0x3F94]  }
0x1a: {  	s8 =	sadd.s32 $0xFFFFE003, lr  }
0x1b: {  	s9 =	sadd.s32 $0xFFFFFEF7, lr;
	s5 =	simm.s32 $0xFFFFFFFF;
	p2 =	slt.u32 s8, $0xFFFFF086  }
0x1c: {  	p1 =	slt.u32 s9, $0xF7A;
	s5 =	simm.s32 @!p2 $0x0  }
0x1d: {  	s5 =	simm.s32 @p1 $0x1;
	p0 =	seq.s32 s7, s2  }
0x1e: {  	s7 =	smul.u32 @!p0 $0xF7A, s2;
	p2 =	seq.s32 @!p0 s5, $0x0  }
0x1f: {  	s9 =	smul.u32 $0xF7A, s1;
	s8 =	simm.s32 @!p0 $0x1BF5;
	p2 =	por !p2, p0  }
0x20: {  	[sflag:s8] =	ssyncset.s32 @!p0 $0xFFFFF086;
	s6 =	sadd.s32 @!p0 s3, s7;
	s7 =	simm.s32 @!p0 $0x108  }
0x21: {  	s3 =	sadd.s32 s3, s9;
	s6 =	sadd.s32 @!p0 $0x88, s6;
	s7 =	simm.s32 @p2 $0x1082  }
0x22: {  	[simem:s7], [sflag:s8] =	dma.local @!p0 [hbm:s6], $0xF7A  }
0x23: {  	s9 =	sor.u32 $0xD0000000, s2;
	s6 =	simm.s32 $0x108;
	_ =	swait.ge @!p0 [sflag:s8], $0x0  }
0x24: {  	s3 =	sadd.s32 $0x88, s3;
	s6 =	simm.s32 @!p1 $0x1082;
	[sflag:s4] =	ssyncset.s32 $0xFFFFF086  }
0x25: {  	[simem:s6], [sflag:s4] =	dma.local [hbm:s3], $0xF7A  }
0x26: {  	[smem:$0x3F94] =	sst s1;
	(tag) =	ssettag s2;
	_ =	strace s9  }
0x27: {  	s1 =	sld [smem:$0x3FA4]  }
0x28: {  	s2 =	sld [smem:$0x3FA5]  }
0x29: {  	s4 =	sld [smem:$0x3FA7]  }
0x2a: {  	p0 =	seq.s32 s5, $0x0;
	s5 =	sld [smem:$0x3FA8]  }
0x2b: {  	s6 =	sld [smem:$0x3FA9]  }
0x2c: {  	s7 =	sld [smem:$0x3FAA]  }
0x2d: {  	s3 =	simm.s32 $0x108;
	s8 =	sld [smem:$0x3FAB]  }
0x2e: {  	s3 =	simm.s32 @!p0 $0x1082;
	s9 =	sld [smem:$0x3FAC]  }
0x2f: {  	lr =	sadd.s32 s0, s3;
	s0 =	sld [smem:$0x3FA3]  }
0x30: {  	s3 =	sld [smem:$0x3FA6]  }
0x31: {  	[smem:$0x3FAF] =	sst s10  }
0x32: {  	s10 =	sld [smem:$0x3FAD];
	_ =	sdelay $0x3  }
0x33: {  	p0 =	seq.s32 s10, $0x1;
	s10 =	sld [smem:$0x3FAF];
	_ =	sdelay $0x3  }
0x34: {  	[smem:$0x3FAF] =	sst s10  }
0x35: {  	s10 =	sld [smem:$0x3FAE];
	_ =	sdelay $0x3  }
0x36: {  	p1 =	seq.s32 s10, $0x1;
	s10 =	sld [smem:$0x3FAF];
	_ =	sdelay $0x3  }
0x37: {  	[smem:$0x3FAF] =	sst s10  }
0x38: {  	s10 =	sld [smem:$0x3FB0]  }
0x39: {  	_ = 	snop;
	(pc) =	sbr.ind lr, $3  }
0x3a: {  	_ = 	snop  }
0x3b: {  	_ = 	snop  }
0x3c: {  	p2 =	seq.s32 s10, $0x1;
	s10 =	sld [smem:$0x3FAF]  }
0x3d: {  	_ =	shalt  }
0x3e: {  	_ =	shalt  }
0x3f: {  	_ =	shalt  }
0x40: {  	_ =	shalt  }
0x41: {  	_ =	shalt  }
0x42: {  	_ =	shalt  }
0x43: {  	_ =	shalt  }
0x44: {  	_ =	shalt  }
0x45: {  	_ =	shalt  }
0x46: {  	_ =	shalt  }
0x47: {  	_ =	shalt  }
0x48: {  	_ =	shalt  }
0x49: {  	_ =	shalt  }
0x4a: {  	_ =	shalt  }
0x4b: {  	_ =	shalt  }
0x4c: {  	_ =	shalt  }
0x4d: {  	_ =	shalt  }
0x4e: {  	_ =	shalt  }
0x4f: {  	_ =	shalt  }
0x50: {  	_ =	shalt  }
0x51: {  	_ =	shalt  }
0x52: {  	_ =	shalt  }
0x53: {  	_ =	shalt  }
0x54: {  	_ =	shalt  }
0x55: {  	_ =	shalt  }
0x56: {  	_ =	shalt  }
0x57: {  	_ =	shalt  }
0x58: {  	_ =	shalt  }
0x59: {  	_ =	shalt  }
0x5a: {  	_ =	shalt  }
0x5b: {  	_ =	shalt  }
0x5c: {  	_ =	shalt  }
0x5d: {  	_ =	shalt  }
0x5e: {  	_ =	shalt  }
0x5f: {  	_ =	shalt  }
0x60: {  	_ =	shalt  }
0x61: {  	_ =	shalt  }
0x62: {  	_ =	shalt  }
0x63: {  	_ =	shalt  }
0x64: {  	_ =	shalt  }
0x65: {  	_ =	shalt  }
0x66: {  	_ =	shalt  }
0x67: {  	_ =	shalt  }
0x68: {  	_ =	shalt  }
0x69: {  	_ =	shalt  }
0x6a: {  	_ =	shalt  }
0x6b: {  	_ =	shalt  }
0x6c: {  	_ =	shalt  }
0x6d: {  	_ =	shalt  }
0x6e: {  	_ =	shalt  }
0x6f: {  	_ =	shalt  }
0x70: {  	_ =	shalt  }
0x71: {  	_ =	shalt  }
0x72: {  	_ =	shalt  }
0x73: {  	_ =	shalt  }
0x74: {  	_ =	shalt  }
0x75: {  	_ =	shalt  }
0x76: {  	_ =	shalt  }
0x77: {  	_ =	shalt  }
0x78: {  	_ =	shalt  }
0x79: {  	_ =	shalt  }
0x7a: {  	_ =	shalt  }
0x7b: {  	_ =	shalt  }
0x7c: {  	_ =	shalt  }
0x7d: {  	_ =	shalt  }
0x7e: {  	_ =	shalt  }
0x7f: {  	_ =	shalt  }
0x80: {  	_ =	shalt  }
0x81: {  	_ =	shalt  }
0x82: {  	_ =	shalt  }
0x83: {  	_ =	shalt  }
0x84: {  	_ =	shalt  }
0x85: {  	_ =	shalt  }
0x86: {  	_ =	shalt  }
0x87: {  	_ =	shalt  }
.Lfunc_end0:
.L_simem_size_0:
called_computation_lowered:
.L_overlay_start_0:
0x88: {  	s2 =	sld [smem:$0x3FD9]  }
0x89: {  	s3 =	sld [smem:$0x3FFE];
	_ =	sdelay $0x1  }
0x8a: {  	s1 =	srdreg.scid  }
0x8b: {  	s0 =	sand.u32 $0x1, s1  }
0x8c: {  	s16 =	sshll.u32 s0, $0xA;
	s2 =	sadd.s32 s3, s2  }
0x8d: {  	s2 =	sadd.s32 s2, s16  }
0x8e: {  	[smem:$0x3FBB] =	sst s2  }
0x8f: {  	_ = 	snop  }
0x90: {  	(tm) =	ssettm $0x1  }
0x91: {  	s17 =	sld [smem:$0x3FFB];
	_ =	sdelay $0x3  }
0x92: {  	_ =	strace s17  }
0x93: {  	s2 =	sld [smem:$0x3FFC];
	_ =	sdelay $0x3  }
0x94: {  	_ =	strace s2  }
0x95: {  	s2 =	sld [smem:$0x3FFD];
	_ =	sdelay $0x3  }
0x96: {  	_ =	strace s2  }
0x97: {  	_ =	strace $0x8FFFFFFF  }
0x98: {  	s18 =	sld [smem:$0x3FDB];
	_ =	sdelay $0x1  }
0x99: {  	s19 =	simm.s32 $_scs_section_size  }
0x9a: {  	s4 =	simm.s32 $_size__tile_overlayer_lowered;
	s5 =	simm.s32 $_tile_overlayer_lowered  }
0x9b: {  	s22 =	simm.s32 $0x1BFF;
	s21 =	sshll.u32 s5, $0x1;
	s2 =	sadd.s32 s19, s18  }
0x9c: {  	s6 =	simm.s32 $0x0;
	s20 =	sshll.u32 s4, $0x1;
	s4 =	sadd.s32 s21, s2  }
0x9d: {  	[timem:s6], [sflag:s22] =	dma.local [hbm:s4], s20  }
0x9e: {  	_ =	swait.ge [sflag:s22], s20  }
0x9f: {  	s3 =	ssub.s32 $0x0, s20;
	[sflag:s22] =	ssyncset.done $0x0  }
0xa0: {  	[sflag:s22] =	ssyncadd.s32 s3;
	_ =	sdelay $0x1  }
0xa1: {  	s23 =	simm.s32 $0x1B8B  }
0xa2: {  	_ =	swait.ge [sflag:s23], $0x1  }
0xa3: {  	[sflag:s23] =	ssyncset.done $0x0  }
0xa4: {  	s25 =	simm.s32 $0x1B8E;
	s24 =	sld [smem:$0x3FFE];
	[sflag:s23] =	ssyncadd.s32 $0xFFFFFFFF  }
0xa5: {  	s26 =	simm.s32 $execute0_lowered;
	[smem:$0x3FD2] =	sst s25  }
0xa6: {  	s4 =	sshll.u32 s26, $0x1;
	_ =	strace $0x80000046;
	[dreg:$0x1] =	wrdreg $0xFFFFFFFF  }
0xa7: {  	s28 =	simm.s32 $_size_execute0_lowered;
	s2 =	sadd.s32 s2, s4;
	[dreg:$0x0] =	wrdreg $0x0  }
0xa8: {  	s4 =	sshll.u32 s28, $0x1;
	[dreg:$0x2] =	wrdreg s2  }
0xa9: {  	[dreg:$0x3] =	wrdreg s4  }
0xaa: {  	[dreg:$0x4] =	wrdreg $0xC0  }
0xab: {  	_ =	task [dreg:s6], $0x5FFFF  }
0xac: {  	[dreg:$0x1] =	wrdreg $0xFFFFFFFF  }
0xad: {  	[dreg:$0x0] =	wrdreg $0x60  }
0xae: {  	[dreg:$0x2] =	wrdreg s24  }
0xaf: {  	[dreg:$0x3] =	wrdreg $0x25800  }
0xb0: {  	[dreg:$0x4] =	wrdreg $0x31C00  }
0xb1: {  	[dreg:$0x5] =	wrdreg $0x3E000  }
0xb2: {  	[dreg:$0x6] =	wrdreg $0x4A400  }
0xb3: {  	[dreg:$0x7] =	wrdreg $0x56800  }
0xb4: {  	[dreg:$0x8] =	wrdreg $0x62C00  }
0xb5: {  	[dreg:$0x9] =	wrdreg $0x6F000  }
0xb6: {  	[dreg:$0xa] =	wrdreg $0x7B400  }
0xb7: {  	[dreg:$0xb] =	wrdreg $0x87800  }
0xb8: {  	[dreg:$0xc] =	wrdreg $0x9  }
0xb9: {  	_ =	task.clear_ibuf [dreg:s6], $0xDFFFF;
	_ =	strace $0x90000046  }
0xba: {  	s29 =	simm.s32 $0x9;
	_ =	strace $0x80000048  }
0xbb: {  	_ =	swait.ge [sflag:s29], $0x1  }
0xbc: {  	[sflag:s29] =	ssyncadd.s32 $0xFFFFFFFF  }
0xbd: {  	_ =	strace $0x90000048  }
0xbe: {  	_ =	sfence  }
0xbf: {  	s30 =	sld [smem:$0x0];
	_ =	sdelay $0x2  }
0xc0: {  	s31 =	sshll.u32 s1, $0xD;
	s1 =	sshrl.u32 s1, $0x2  }
0xc1: {  	s3 =	sand.u32 $0x4000, s31;
	s1 =	sadd.s32 s1, s30  }
0xc2: {  	s0 =	sor.u32 s3, s0;
	s1 =	sshll.u32 s1, $0x11  }
0xc3: {  	s0 =	sor.u32 s1, s0  }
0xc4: {  	s0 =	sadd.s32 $0x8F2B, s0  }
0xc5: {  	[sflag:s0] =	ssyncadd.remote.s32 $0x1  }
0xc6: {  	_ =	sfence.sel $0xFFFF  }
0xc7: {  	[dreg:$0x0] =	wrdreg $0xFFFFFFFF;
	(pc) =	sbr.abs _section_cstart, $3  }
0xc8: {  	[dreg:$0x1] =	wrdreg $0xFFFFFFFF  }
0xc9: {  	_ =	task.clear_ibuf [dreg:s6], $0x2FFFF;
	_ =	strace $0x9FFFFFFF  }
0xca: {  	(tm) =	ssettm $0x7FFFFFFF  }
0xcb: {  	_ =	shalt  }
tec
execute0_lowered:
.L_overlay_start_1:
0x0: {  	(tag) =	ssettag $0x1  }
0x1: {  	s15 =	rddreg [dreg:$0x0]  }
0x2: {  	s0 =	rddreg [dreg:$0x1]  }
0x3: {  	s1 =	rddreg [dreg:$0x2]  }
0x4: {  	s18 =	rddreg [dreg:$0x3]  }
0x5: {  	s19 =	rddreg [dreg:$0x4]  }
0x6: {  	s20 =	rddreg [dreg:$0x5]  }
0x7: {  	s3 =	rddreg [dreg:$0x6]  }
0x8: {  	s4 =	rddreg [dreg:$0x7]  }
0x9: {  	s6 =	rddreg [dreg:$0x8]  }
0xa: {  	s22 =	rddreg [dreg:$0x9];
	s21 =	stileid.u32  }
0xb: {  	s7 =	srdreg.scid;
	s2 =	simm.s32 $0x0;
	s5 =	smul.u32 $0xC40, s21  }
0xc: {  	s14 =	sand.u32 $0x1, s7;
	[smem:$0x7FF] =	sst s2;
	s12 =	sadd.s32 $0x800, s15  }
0xd: {  	s13 =	sadd.s32 $0x19000, s15;
	s9 =	sadd.s32 $0x600, s15;
	s11 =	smul.u32 $0xC400, s14  }
0xe: {  	_ =	strace $0x80000047;
	s8 =	ssub.s32 $0x2, s14;
	s25 =	sshrl.u32 s5, $0x3  }
0xf: {  	[dreg:$0xb] =	wrdreg s9;
	s17 =	sshrl.u32 s8, $0x1;
	s16 =	sadd.s32 s25, s15  }
0x10: {  	s26 =	sadd.s32 s5, s11;
	s11 =	ssub.s32 s8, s17;
	s17 =	sshll.u32 s21, $0x9  }
0x11: {  	s7 =	sshrl.u32 s26, $0x3;
	s10 =	sadd.s32 $0xC3C00, s16;
	s16 =	sor.u32 $0x2000, s17  }
0x12: {  	s7 =	sadd.s32 s7, s15;
	[dreg:$0xc] =	wrdreg s10;
	s15 =	sadd.s32 $0xC52F8, s15  }
0x13: {  	s23 =	sadd.s32 s16, s1;
	[dreg:$0xd] =	wrdreg s15  }
0x14: {  	s24 =	sadd.s32 s16, s18;
	[dreg:$0xe] =	wrdreg s23  }
0x15: {  	s25 =	sadd.s32 s16, s19;
	[dreg:$0xf] =	wrdreg s24  }
0x16: {  	s26 =	sadd.s32 s16, s20;
	[dreg:$0x10] =	wrdreg s25  }
0x17: {  	s8 =	sadd.s32 s16, s3;
	[dreg:$0x11] =	wrdreg s26  }
0x18: {  	s9 =	sadd.s32 s16, s4;
	[dreg:$0x12] =	wrdreg s8  }
0x19: {  	s10 =	sadd.s32 s16, s6;
	[dreg:$0x13] =	wrdreg s9  }
0x1a: {  	[dreg:$0x14] =	wrdreg s10;
	s15 =	sadd.s32 s16, s22;
	s16 =	sor.u32 $0x4000, s17  }
0x1b: {  	[dreg:$0x15] =	wrdreg s15;
	s23 =	sadd.s32 s16, s1  }
0x1c: {  	s24 =	sadd.s32 s16, s18;
	[dreg:$0x16] =	wrdreg s23  }
0x1d: {  	s25 =	sadd.s32 s16, s19;
	[dreg:$0x17] =	wrdreg s24  }
0x1e: {  	s26 =	sadd.s32 s16, s20;
	[dreg:$0x18] =	wrdreg s25  }
0x1f: {  	s8 =	sadd.s32 s16, s3;
	[dreg:$0x19] =	wrdreg s26  }
0x20: {  	s9 =	sadd.s32 s16, s4;
	[dreg:$0x1a] =	wrdreg s8  }
0x21: {  	s10 =	sadd.s32 s16, s6;
	[dreg:$0x1b] =	wrdreg s9  }
0x22: {  	s15 =	sadd.s32 s16, s22;
	s16 =	sor.u32 $0x6000, s17;
	[dreg:$0x1c] =	wrdreg s10  }
0x23: {  	[dreg:$0x1d] =	wrdreg s15;
	s23 =	sadd.s32 s16, s1  }
0x24: {  	s24 =	sadd.s32 s16, s18;
	[dreg:$0x1e] =	wrdreg s23  }
0x25: {  	s25 =	sadd.s32 s16, s19;
	[dreg:$0x1f] =	wrdreg s24  }
0x26: {  	s26 =	sadd.s32 s16, s20;
	[smem:$0x7C4] =	sst s25  }
0x27: {  	s8 =	sadd.s32 s16, s3;
	[smem:$0x7C5] =	sst s26  }
0x28: {  	s9 =	sadd.s32 s16, s4;
	[smem:$0x7C6] =	sst s8  }
0x29: {  	s10 =	sadd.s32 s16, s6;
	[smem:$0x7C7] =	sst s9  }
0x2a: {  	s15 =	sadd.s32 s16, s22;
	s16 =	sor.u32 $0x8000, s17;
	[smem:$0x7C8] =	sst s10  }
0x2b: {  	[smem:$0x7C9] =	sst s15;
	s23 =	sadd.s32 s16, s1  }
0x2c: {  	s24 =	sadd.s32 s16, s18;
	[smem:$0x7CA] =	sst s23  }
0x2d: {  	s25 =	sadd.s32 s16, s19;
	[smem:$0x7CB] =	sst s24  }
0x2e: {  	s26 =	sadd.s32 s16, s20;
	[smem:$0x7CC] =	sst s25  }
0x2f: {  	s8 =	sadd.s32 s16, s3;
	[smem:$0x7CD] =	sst s26  }
0x30: {  	s9 =	sadd.s32 s16, s4;
	[smem:$0x7CE] =	sst s8  }
0x31: {  	s10 =	sadd.s32 s16, s6;
	[smem:$0x7CF] =	sst s9  }
0x32: {  	s15 =	sadd.s32 s16, s22;
	s16 =	sor.u32 $0xA000, s17;
	[smem:$0x7D0] =	sst s10  }
0x33: {  	[smem:$0x7D1] =	sst s15;
	s23 =	sadd.s32 s16, s1  }
0x34: {  	s24 =	sadd.s32 s16, s18;
	[smem:$0x7D2] =	sst s23  }
0x35: {  	s25 =	sadd.s32 s16, s19;
	[smem:$0x7D3] =	sst s24  }
0x36: {  	s26 =	sadd.s32 s16, s20;
	[smem:$0x7D4] =	sst s25  }
0x37: {  	s8 =	sadd.s32 s16, s3;
	[smem:$0x7D5] =	sst s26  }
0x38: {  	s9 =	sadd.s32 s16, s4;
	[smem:$0x7D6] =	sst s8  }
0x39: {  	s10 =	sadd.s32 s16, s6;
	[smem:$0x7D7] =	sst s9  }
0x3a: {  	s16 =	sadd.s32 s16, s22;
	[smem:$0x7D8] =	sst s10  }
0x3b: {  	s15 =	sadd.s32 s17, s22;
	[smem:$0x7D9] =	sst s16  }
0x3c: {  	s23 =	sadd.s32 s17, s1;
	[smem:$0x7E1] =	sst s15  }
0x3d: {  	s24 =	sadd.s32 s17, s18;
	[smem:$0x7DA] =	sst s23  }
0x3e: {  	s25 =	sadd.s32 s17, s19;
	[smem:$0x7DB] =	sst s24  }
0x3f: {  	s26 =	sadd.s32 s17, s20;
	[smem:$0x7DC] =	sst s25  }
0x40: {  	s8 =	sadd.s32 s17, s3;
	[smem:$0x7DD] =	sst s26  }
0x41: {  	s9 =	sadd.s32 s17, s4;
	[smem:$0x7DE] =	sst s8  }
0x42: {  	s10 =	sadd.s32 s17, s6;
	[smem:$0x7DF] =	sst s9  }
0x43: {  	s16 =	sor.u32 $0xC000, s17;
	s15 =	sadd.s32 s5, s0;
	[smem:$0x7E0] =	sst s10  }
0x44: {  	s17 =	sadd.s32 s16, s1;
	[smem:$0x7EA] =	sst s15  }
0x45: {  	s23 =	sadd.s32 s16, s18;
	[smem:$0x7E2] =	sst s17  }
0x46: {  	s24 =	sadd.s32 s16, s19;
	[smem:$0x7E3] =	sst s23  }
0x47: {  	s25 =	sadd.s32 s16, s20;
	[smem:$0x7E4] =	sst s24  }
0x48: {  	s28 =	simm.s32 $0x1780;
	s26 =	sadd.s32 s16, s3;
	[smem:$0x7E5] =	sst s25  }
0x49: {  	s29 =	simm.s32 $0x1F80;
	s8 =	sadd.s32 s16, s4;
	[smem:$0x7E6] =	sst s26  }
0x4a: {  	s30 =	simm.s32 $0x1980;
	s9 =	sadd.s32 s16, s6;
	[smem:$0x7E7] =	sst s8  }
0x4b: {  	s14 =	sshll.u32 s14, $0x4;
	s10 =	sadd.s32 s16, s22;
	[smem:$0x7E8] =	sst s9  }
0x4c: {  	s14 =	sor.u32 s21, s14;
	s1 =	sadd.s32 s5, s1;
	[smem:$0x7E9] =	sst s10  }
0x4d: {  	s16 =	smul.u32 $0x6200, s14;
	s14 =	sadd.s32 $0x31800, s7;
	[smem:$0x7EB] =	sst s1  }
0x4e: {  	s31 =	simm.s32 $0x2180;
	s15 =	sadd.s32 $0x34900, s7;
	[smem:$0x7F3] =	sst s14  }
0x4f: {  	s8 =	smov.u32 s3;
	s17 =	sadd.s32 s5, s3;
	[smem:$0x7F4] =	sst s15  }
0x50: {  	s3 =	smov.u32 s18;
	s18 =	sadd.s32 s5, s18;
	[smem:$0x7EC] =	sst s17  }
0x51: {  	s2 =	smov.u32 s22;
	s23 =	sadd.s32 s5, s4;
	[smem:$0x7ED] =	sst s18  }
0x52: {  	p0 =	seq.s32 s21, $0xF;
	s24 =	sadd.s32 s5, s19;
	[smem:$0x7EE] =	sst s23  }
0x53: {  	p1 =	sgt.u32 s21, $0x1;
	s25 =	sadd.s32 s5, s6;
	[smem:$0x7EF] =	sst s24  }
0x54: {  	s9 =	smov.u32 s4;
	s26 =	sadd.s32 s5, s20;
	[smem:$0x7F0] =	sst s25  }
0x55: {  	s4 =	smov.u32 s19;
	s5 =	sadd.s32 s5, s22;
	[smem:$0x7F1] =	sst s26  }
0x56: {  	s10 =	smov.u32 s6;
	s19 =	sadd.s32 $0x3DC00, s7;
	[smem:$0x7F2] =	sst s5  }
0x57: {  	s6 =	smov.u32 s20;
	s20 =	sadd.s32 $0x40D00, s7;
	[smem:$0x7F7] =	sst s19  }
0x58: {  	s21 =	simm.s32 $0x100;
	s22 =	sadd.s32 $0x43E00, s7;
	[smem:$0x7F8] =	sst s20  }
0x59: {  	s1 =	simm.s32 $0x0;
	s17 =	sadd.s32 $0x37A00, s7;
	[smem:$0x7F9] =	sst s22  }
0x5a: {  	s14 =	simm.s32 $0x0;
	s18 =	sadd.s32 $0x3AB00, s7;
	[smem:$0x7F5] =	sst s17  }
0x5b: {  	s23 =	sadd.s32 $0x46F00, s7;
	s24 =	smax.u32 s11, $0x1;
	[smem:$0x7F6] =	sst s18  }
0x5c: {  	s25 =	sadd.s32 $0xB7C0, s0;
	s26 =	sadd.s32 $0xC350, s0;
	[smem:$0x7FA] =	sst s23  }
0x5d: {  	s19 =	simm.s32 $0x1;
	s20 =	simm.s32 $0x1580;
	[smem:$0x7FB] =	sst s24  }
0x5e: {  	s22 =	simm.s32 $0x300;
	s7 =	simm.s32 $0x1B80;
	[smem:$0x7FC] =	sst s25  }
0x5f: {  	s5 =	simm.s32 $0x2380;
	[smem:$0x7FD] =	sst s26;
	s23 =	simm.s32 $0x200  }
0x60: {  	v0 =	vimm.f32 $0.0e+00;
	s24 =	simm.s32 $0x500;
	s25 =	simm.s32 $0x700;
	s26 =	simm.s32 $0x1D80  }
.LBB2_1:
0x61: {  	[smem:$0x7C3] =	sst s14  }
0x62: {  	s11 =	rddreg [dreg:$0xb]  }
0x63: {  	[tilespmem:s1], [sflag:$0x1] =	stream.linear.gather [hbm4b:s11+s1], $0x100, $0x38;
	[tilespmem:$0x93C0] =	vst v63  }
0x64: {  	_ =	swait.ge [sflag:s19], $0x100  }
0x65: {  	[sflag:s19] =	ssyncset.done $0x0  }
0x66: {  	[sflag:s19] =	ssyncadd.s32 $0xFFFFFF00  }
0x67: {  	[tilespmem:$0x1580] =	vst v0  }
0x68: {  	[tilespmem:$0x1590] =	vst v0  }
0x69: {  	[tilespmem:$0x15A0] =	vst v0  }
0x6a: {  	[tilespmem:$0x15B0] =	vst v0  }
0x6b: {  	[tilespmem:$0x15C0] =	vst v0  }
0x6c: {  	[tilespmem:$0x15D0] =	vst v0  }
0x6d: {  	[tilespmem:$0x15E0] =	vst v0  }
0x6e: {  	[tilespmem:$0x15F0] =	vst v0  }
0x6f: {  	[tilespmem:$0x1600] =	vst v0  }
0x70: {  	[tilespmem:$0x1610] =	vst v0  }
0x71: {  	[tilespmem:$0x1620] =	vst v0  }
0x72: {  	[tilespmem:$0x1630] =	vst v0  }
0x73: {  	[tilespmem:$0x1640] =	vst v0  }
0x74: {  	[tilespmem:$0x1650] =	vst v0  }
0x75: {  	[tilespmem:$0x1660] =	vst v0  }
0x76: {  	[tilespmem:$0x1670] =	vst v0  }
0x77: {  	[tilespmem:$0x1680] =	vst v0  }
0x78: {  	[tilespmem:$0x1690] =	vst v0  }
0x79: {  	[tilespmem:$0x16A0] =	vst v0  }
0x7a: {  	[tilespmem:$0x16B0] =	vst v0  }
0x7b: {  	[tilespmem:$0x16C0] =	vst v0  }
0x7c: {  	[tilespmem:$0x16D0] =	vst v0  }
0x7d: {  	[tilespmem:$0x16E0] =	vst v0  }
0x7e: {  	[tilespmem:$0x16F0] =	vst v0  }
0x7f: {  	[tilespmem:$0x1700] =	vst v0  }
0x80: {  	[tilespmem:$0x1710] =	vst v0  }
0x81: {  	[tilespmem:$0x1720] =	vst v0  }
0x82: {  	[tilespmem:$0x1730] =	vst v0  }
0x83: {  	[tilespmem:$0x1740] =	vst v0  }
0x84: {  	[tilespmem:$0x1750] =	vst v0  }
0x85: {  	[tilespmem:$0x1760] =	vst v0  }
0x86: {  	s14 =	simm.s32 @p0 $0x900;
	s11 =	simm.s32 @p0 $0x0;
	s1 =	rddreg [dreg:$0xd];
	[tilespmem:$0x1770] =	vst v0  }
0x87: {  	[tilespmem:s14], [sflag:$0x1] =	stream.linear.gather @p0 [hbm4b:s1+s11], $0xB90, $0x38;
	[tilespmem:$0x93C0] =	vst v63  }
0x88: {  	s11 =	simm.s32 @p0 $0x1  }
0x89: {  	_ =	swait.ge @p0 [sflag:s11], $0xB90  }
0x8a: {  	s1 =	sld [smem:$0x7FC]  }
0x8b: {  	[sflag:s11] =	ssyncset.done @p0 $0x0  }
0x8c: {  	[sflag:s11] =	ssyncadd.s32 @p0 $0xFFFFF470  }
0x8d: {  	[spmem:s1] =	stream.linear.scatter @p0 [tilespmem:s14], [sflag:$0x1], $0xB90, $0x38;
	[tilespmem:$0x93C0] =	vst v63  }
0x8e: {  	_ =	swait.ge @p0 [sflag:s11], $0xB90  }
0x8f: {  	s1 =	sld [smem:$0x7FD]  }
0x90: {  	[sflag:s11] =	ssyncset.done @p0 $0x0  }
0x91: {  	s14 =	simm.s32 @p0 $0x1580;
	[sflag:s11] =	ssyncadd.s32 @p0 $0xFFFFF470  }
0x92: {  	[spmem:s1] =	stream.linear.scatter @p0 [tilespmem:s14], [sflag:$0x1], $0x10, $0x38;
	[tilespmem:$0x93C0] =	vst v63  }
0x93: {  	_ =	swait.ge @p0 [sflag:s11], $0x10  }
0x94: {  	s14 =	simm.s32 @!p0 $0x900;
	[sflag:s11] =	ssyncset.done @p0 $0x0  }
0x95: {  	s1 =	rddreg [dreg:$0xc];
	[sflag:s11] =	ssyncadd.s32 @p0 $0xFFFFFFF0;
	s11 =	simm.s32 @!p0 $0x0  }
0x96: {  	[tilespmem:s14], [sflag:$0x1] =	stream.linear.gather @!p0 [hbm4b:s1+s11], $0xC40, $0x38;
	[tilespmem:$0x93C0] =	vst v63  }
0x97: {  	s11 =	simm.s32 @!p0 $0x1  }
0x98: {  	_ =	swait.ge @!p0 [sflag:s11], $0xC40  }
0x99: {  	s1 =	sld [smem:$0x7EA]  }
0x9a: {  	[sflag:s11] =	ssyncset.done @!p0 $0x0  }
0x9b: {  	[sflag:s11] =	ssyncadd.s32 @!p0 $0xFFFFF3C0  }
0x9c: {  	[spmem:s1] =	stream.linear.scatter @!p0 [tilespmem:s14], [sflag:$0x1], $0xC40, $0x38;
	[tilespmem:$0x93C0] =	vst v63  }
0x9d: {  	_ =	swait.ge @!p0 [sflag:s11], $0xC40  }
0x9e: {  	s15 =	sld [smem:$0x7DA]  }
0x9f: {  	[sflag:s11] =	ssyncset.done @!p0 $0x0  }
0xa0: {  	[sflag:s11] =	ssyncadd.s32 @!p0 $0xFFFFF3C0  }
0xa1: {  	[spmem:s15] =	stream.linear.scatter [tilespmem:s20], [sflag:$0x1], $0x200, $0x38;
	[tilespmem:$0x93C0] =	vst v63  }
0xa2: {  	_ =	swait.ge [sflag:s19], $0x200  }
0xa3: {  	s17 =	sld [smem:$0x7DB]  }
0xa4: {  	[sflag:s19] =	ssyncset.done $0x0  }
0xa5: {  	[sflag:s19] =	ssyncadd.s32 $0xFFFFFE00  }
0xa6: {  	[spmem:s17] =	stream.linear.scatter [tilespmem:s20], [sflag:$0x1], $0x200, $0x38;
	[tilespmem:$0x93C0] =	vst v63  }
0xa7: {  	_ =	swait.ge [sflag:s19], $0x200  }
0xa8: {  	s18 =	sld [smem:$0x7DC]  }
0xa9: {  	[sflag:s19] =	ssyncset.done $0x0  }
0xaa: {  	[sflag:s19] =	ssyncadd.s32 $0xFFFFFE00  }
0xab: {  	[spmem:s18] =	stream.linear.scatter [tilespmem:s20], [sflag:$0x1], $0x200, $0x38;
	[tilespmem:$0x93C0] =	vst v63  }
0xac: {  	_ =	swait.ge [sflag:s19], $0x200  }
0xad: {  	s11 =	sld [smem:$0x7DD]  }
0xae: {  	[sflag:s19] =	ssyncset.done $0x0  }
0xaf: {  	[sflag:s19] =	ssyncadd.s32 $0xFFFFFE00  }
0xb0: {  	[spmem:s11] =	stream.linear.scatter [tilespmem:s20], [sflag:$0x1], $0x200, $0x38;
	[tilespmem:$0x93C0] =	vst v63  }
0xb1: {  	_ =	swait.ge [sflag:s19], $0x200  }
0xb2: {  	s14 =	sld [smem:$0x7DE]  }
0xb3: {  	[sflag:s19] =	ssyncset.done $0x0  }
0xb4: {  	[sflag:s19] =	ssyncadd.s32 $0xFFFFFE00  }
0xb5: {  	[spmem:s14] =	stream.linear.scatter [tilespmem:s20], [sflag:$0x1], $0x200, $0x38;
	[tilespmem:$0x93C0] =	vst v63  }
0xb6: {  	_ =	swait.ge [sflag:s19], $0x200  }
0xb7: {  	s15 =	sld [smem:$0x7DF]  }
0xb8: {  	[sflag:s19] =	ssyncset.done $0x0  }
0xb9: {  	[sflag:s19] =	ssyncadd.s32 $0xFFFFFE00  }
0xba: {  	[spmem:s15] =	stream.linear.scatter [tilespmem:s20], [sflag:$0x1], $0x200, $0x38;
	[tilespmem:$0x93C0] =	vst v63  }
0xbb: {  	_ =	swait.ge [sflag:s19], $0x200  }
0xbc: {  	s17 =	sld [smem:$0x7E0]  }
0xbd: {  	[sflag:s19] =	ssyncset.done $0x0  }
0xbe: {  	[sflag:s19] =	ssyncadd.s32 $0xFFFFFE00  }
0xbf: {  	[spmem:s17] =	stream.linear.scatter [tilespmem:s20], [sflag:$0x1], $0x200, $0x38;
	[tilespmem:$0x93C0] =	vst v63  }
0xc0: {  	_ =	swait.ge [sflag:s19], $0x200  }
0xc1: {  	s18 =	sld [smem:$0x7E1]  }
0xc2: {  	[sflag:s19] =	ssyncset.done $0x0  }
0xc3: {  	[sflag:s19] =	ssyncadd.s32 $0xFFFFFE00  }
0xc4: {  	[spmem:s18] =	stream.linear.scatter [tilespmem:s20], [sflag:$0x1], $0x200, $0x38;
	[tilespmem:$0x93C0] =	vst v63  }
0xc5: {  	_ =	swait.ge [sflag:s19], $0x200  }
0xc6: {  	[sflag:s19] =	ssyncset.done $0x0  }
0xc7: {  	s11 =	rddreg [dreg:$0xe];
	[sflag:s19] =	ssyncadd.s32 $0xFFFFFE00  }
0xc8: {  	[spmem:s11] =	stream.linear.scatter [tilespmem:s20], [sflag:$0x1], $0x200, $0x38;
	[tilespmem:$0x93C0] =	vst v63  }
0xc9: {  	_ =	swait.ge [sflag:s19], $0x200  }
0xca: {  	[sflag:s19] =	ssyncset.done $0x0  }
0xcb: {  	s14 =	rddreg [dreg:$0xf];
	[sflag:s19] =	ssyncadd.s32 $0xFFFFFE00  }
0xcc: {  	[spmem:s14] =	stream.linear.scatter [tilespmem:s20], [sflag:$0x1], $0x200, $0x38;
	[tilespmem:$0x93C0] =	vst v63  }
0xcd: {  	_ =	swait.ge [sflag:s19], $0x200  }
0xce: {  	[sflag:s19] =	ssyncset.done $0x0  }
0xcf: {  	s15 =	rddreg [dreg:$0x10];
	[sflag:s19] =	ssyncadd.s32 $0xFFFFFE00  }
0xd0: {  	[spmem:s15] =	stream.linear.scatter [tilespmem:s20], [sflag:$0x1], $0x200, $0x38;
	[tilespmem:$0x93C0] =	vst v63  }
0xd1: {  	_ =	swait.ge [sflag:s19], $0x200  }
0xd2: {  	[sflag:s19] =	ssyncset.done $0x0  }
0xd3: {  	s17 =	rddreg [dreg:$0x11];
	[sflag:s19] =	ssyncadd.s32 $0xFFFFFE00  }
0xd4: {  	[spmem:s17] =	stream.linear.scatter [tilespmem:s20], [sflag:$0x1], $0x200, $0x38;
	[tilespmem:$0x93C0] =	vst v63  }
0xd5: {  	_ =	swait.ge [sflag:s19], $0x200  }
0xd6: {  	[sflag:s19] =	ssyncset.done $0x0  }
0xd7: {  	s18 =	rddreg [dreg:$0x12];
	[sflag:s19] =	ssyncadd.s32 $0xFFFFFE00  }
0xd8: {  	[spmem:s18] =	stream.linear.scatter [tilespmem:s20], [sflag:$0x1], $0x200, $0x38;
	[tilespmem:$0x93C0] =	vst v63  }
0xd9: {  	_ =	swait.ge [sflag:s19], $0x200  }
0xda: {  	[sflag:s19] =	ssyncset.done $0x0  }
0xdb: {  	s11 =	rddreg [dreg:$0x13];
	[sflag:s19] =	ssyncadd.s32 $0xFFFFFE00  }
0xdc: {  	[spmem:s11] =	stream.linear.scatter [tilespmem:s20], [sflag:$0x1], $0x200, $0x38;
	[tilespmem:$0x93C0] =	vst v63  }
0xdd: {  	_ =	swait.ge [sflag:s19], $0x200  }
0xde: {  	[sflag:s19] =	ssyncset.done $0x0  }
0xdf: {  	s14 =	rddreg [dreg:$0x14];
	[sflag:s19] =	ssyncadd.s32 $0xFFFFFE00  }
0xe0: {  	[spmem:s14] =	stream.linear.scatter [tilespmem:s20], [sflag:$0x1], $0x200, $0x38;
	[tilespmem:$0x93C0] =	vst v63  }
0xe1: {  	_ =	swait.ge [sflag:s19], $0x200  }
0xe2: {  	[sflag:s19] =	ssyncset.done $0x0  }
0xe3: {  	s15 =	rddreg [dreg:$0x15];
	[sflag:s19] =	ssyncadd.s32 $0xFFFFFE00  }
0xe4: {  	[spmem:s15] =	stream.linear.scatter [tilespmem:s20], [sflag:$0x1], $0x200, $0x38;
	[tilespmem:$0x93C0] =	vst v63  }
0xe5: {  	_ =	swait.ge [sflag:s19], $0x200  }
0xe6: {  	[sflag:s19] =	ssyncset.done $0x0  }
0xe7: {  	s17 =	rddreg [dreg:$0x16];
	[sflag:s19] =	ssyncadd.s32 $0xFFFFFE00  }
0xe8: {  	[spmem:s17] =	stream.linear.scatter [tilespmem:s20], [sflag:$0x1], $0x200, $0x38;
	[tilespmem:$0x93C0] =	vst v63  }
0xe9: {  	_ =	swait.ge [sflag:s19], $0x200  }
0xea: {  	[sflag:s19] =	ssyncset.done $0x0  }
0xeb: {  	s18 =	rddreg [dreg:$0x17];
	[sflag:s19] =	ssyncadd.s32 $0xFFFFFE00  }
0xec: {  	[spmem:s18] =	stream.linear.scatter [tilespmem:s20], [sflag:$0x1], $0x200, $0x38;
	[tilespmem:$0x93C0] =	vst v63  }
0xed: {  	_ =	swait.ge [sflag:s19], $0x200  }
0xee: {  	[sflag:s19] =	ssyncset.done $0x0  }
0xef: {  	s11 =	rddreg [dreg:$0x18];
	[sflag:s19] =	ssyncadd.s32 $0xFFFFFE00  }
0xf0: {  	[spmem:s11] =	stream.linear.scatter [tilespmem:s20], [sflag:$0x1], $0x200, $0x38;
	[tilespmem:$0x93C0] =	vst v63  }
0xf1: {  	_ =	swait.ge [sflag:s19], $0x200  }
0xf2: {  	[sflag:s19] =	ssyncset.done $0x0  }
0xf3: {  	s14 =	rddreg [dreg:$0x19];
	[sflag:s19] =	ssyncadd.s32 $0xFFFFFE00  }
0xf4: {  	[spmem:s14] =	stream.linear.scatter [tilespmem:s20], [sflag:$0x1], $0x200, $0x38;
	[tilespmem:$0x93C0] =	vst v63  }
0xf5: {  	_ =	swait.ge [sflag:s19], $0x200  }
0xf6: {  	[sflag:s19] =	ssyncset.done $0x0  }
0xf7: {  	s15 =	rddreg [dreg:$0x1a];
	[sflag:s19] =	ssyncadd.s32 $0xFFFFFE00  }
0xf8: {  	[spmem:s15] =	stream.linear.scatter [tilespmem:s20], [sflag:$0x1], $0x200, $0x38;
	[tilespmem:$0x93C0] =	vst v63  }
0xf9: {  	_ =	swait.ge [sflag:s19], $0x200  }
0xfa: {  	[sflag:s19] =	ssyncset.done $0x0  }
0xfb: {  	s17 =	rddreg [dreg:$0x1b];
	[sflag:s19] =	ssyncadd.s32 $0xFFFFFE00  }
0xfc: {  	[spmem:s17] =	stream.linear.scatter [tilespmem:s20], [sflag:$0x1], $0x200, $0x38;
	[tilespmem:$0x93C0] =	vst v63  }
0xfd: {  	_ =	swait.ge [sflag:s19], $0x200  }
0xfe: {  	[sflag:s19] =	ssyncset.done $0x0  }
0xff: {  	s18 =	rddreg [dreg:$0x1c];
	[sflag:s19] =	ssyncadd.s32 $0xFFFFFE00  }
0x100: {  	[spmem:s18] =	stream.linear.scatter [tilespmem:s20], [sflag:$0x1], $0x200, $0x38;
	[tilespmem:$0x93C0] =	vst v63  }
0x101: {  	_ =	swait.ge [sflag:s19], $0x200  }
0x102: {  	[sflag:s19] =	ssyncset.done $0x0  }
0x103: {  	s11 =	rddreg [dreg:$0x1d];
	[sflag:s19] =	ssyncadd.s32 $0xFFFFFE00  }
0x104: {  	[spmem:s11] =	stream.linear.scatter [tilespmem:s20], [sflag:$0x1], $0x200, $0x38;
	[tilespmem:$0x93C0] =	vst v63  }
0x105: {  	_ =	swait.ge [sflag:s19], $0x200  }
0x106: {  	[sflag:s19] =	ssyncset.done $0x0  }
0x107: {  	s14 =	rddreg [dreg:$0x1e];
	[sflag:s19] =	ssyncadd.s32 $0xFFFFFE00  }
0x108: {  	[spmem:s14] =	stream.linear.scatter [tilespmem:s20], [sflag:$0x1], $0x200, $0x38;
	[tilespmem:$0x93C0] =	vst v63  }
0x109: {  	_ =	swait.ge [sflag:s19], $0x200  }
0x10a: {  	[sflag:s19] =	ssyncset.done $0x0  }
0x10b: {  	s15 =	rddreg [dreg:$0x1f];
	[sflag:s19] =	ssyncadd.s32 $0xFFFFFE00  }
0x10c: {  	[spmem:s15] =	stream.linear.scatter [tilespmem:s20], [sflag:$0x1], $0x200, $0x38;
	[tilespmem:$0x93C0] =	vst v63  }
0x10d: {  	_ =	swait.ge [sflag:s19], $0x200  }
0x10e: {  	s17 =	sld [smem:$0x7C4]  }
0x10f: {  	[sflag:s19] =	ssyncset.done $0x0  }
0x110: {  	[sflag:s19] =	ssyncadd.s32 $0xFFFFFE00  }
0x111: {  	[spmem:s17] =	stream.linear.scatter [tilespmem:s20], [sflag:$0x1], $0x200, $0x38;
	[tilespmem:$0x93C0] =	vst v63  }
0x112: {  	_ =	swait.ge [sflag:s19], $0x200  }
0x113: {  	s18 =	sld [smem:$0x7C5]  }
0x114: {  	[sflag:s19] =	ssyncset.done $0x0  }
0x115: {  	[sflag:s19] =	ssyncadd.s32 $0xFFFFFE00  }
0x116: {  	[spmem:s18] =	stream.linear.scatter [tilespmem:s20], [sflag:$0x1], $0x200, $0x38;
	[tilespmem:$0x93C0] =	vst v63  }
0x117: {  	_ =	swait.ge [sflag:s19], $0x200  }
0x118: {  	s11 =	sld [smem:$0x7C6]  }
0x119: {  	[sflag:s19] =	ssyncset.done $0x0  }
0x11a: {  	[sflag:s19] =	ssyncadd.s32 $0xFFFFFE00  }
0x11b: {  	[spmem:s11] =	stream.linear.scatter [tilespmem:s20], [sflag:$0x1], $0x200, $0x38;
	[tilespmem:$0x93C0] =	vst v63  }
0x11c: {  	_ =	swait.ge [sflag:s19], $0x200  }
0x11d: {  	s14 =	sld [smem:$0x7C7]  }
0x11e: {  	[sflag:s19] =	ssyncset.done $0x0  }
0x11f: {  	[sflag:s19] =	ssyncadd.s32 $0xFFFFFE00  }
0x120: {  	[spmem:s14] =	stream.linear.scatter [tilespmem:s20], [sflag:$0x1], $0x200, $0x38;
	[tilespmem:$0x93C0] =	vst v63  }
0x121: {  	_ =	swait.ge [sflag:s19], $0x200  }
0x122: {  	s15 =	sld [smem:$0x7C8]  }
0x123: {  	[sflag:s19] =	ssyncset.done $0x0  }
0x124: {  	[sflag:s19] =	ssyncadd.s32 $0xFFFFFE00  }
0x125: {  	[spmem:s15] =	stream.linear.scatter [tilespmem:s20], [sflag:$0x1], $0x200, $0x38;
	[tilespmem:$0x93C0] =	vst v63  }
0x126: {  	_ =	swait.ge [sflag:s19], $0x200  }
0x127: {  	s17 =	sld [smem:$0x7C9]  }
0x128: {  	[sflag:s19] =	ssyncset.done $0x0  }
0x129: {  	[sflag:s19] =	ssyncadd.s32 $0xFFFFFE00  }
0x12a: {  	[spmem:s17] =	stream.linear.scatter [tilespmem:s20], [sflag:$0x1], $0x200, $0x38;
	[tilespmem:$0x93C0] =	vst v63  }
0x12b: {  	_ =	swait.ge [sflag:s19], $0x200  }
0x12c: {  	s18 =	sld [smem:$0x7CA]  }
0x12d: {  	[sflag:s19] =	ssyncset.done $0x0  }
0x12e: {  	[sflag:s19] =	ssyncadd.s32 $0xFFFFFE00  }
0x12f: {  	[spmem:s18] =	stream.linear.scatter [tilespmem:s20], [sflag:$0x1], $0x200, $0x38;
	[tilespmem:$0x93C0] =	vst v63  }
0x130: {  	_ =	swait.ge [sflag:s19], $0x200  }
0x131: {  	s11 =	sld [smem:$0x7CB]  }
0x132: {  	[sflag:s19] =	ssyncset.done $0x0  }
0x133: {  	[sflag:s19] =	ssyncadd.s32 $0xFFFFFE00  }
0x134: {  	[spmem:s11] =	stream.linear.scatter [tilespmem:s20], [sflag:$0x1], $0x200, $0x38;
	[tilespmem:$0x93C0] =	vst v63  }
0x135: {  	_ =	swait.ge [sflag:s19], $0x200  }
0x136: {  	s14 =	sld [smem:$0x7CC]  }
0x137: {  	[sflag:s19] =	ssyncset.done $0x0  }
0x138: {  	[sflag:s19] =	ssyncadd.s32 $0xFFFFFE00  }
0x139: {  	[spmem:s14] =	stream.linear.scatter [tilespmem:s20], [sflag:$0x1], $0x200, $0x38;
	[tilespmem:$0x93C0] =	vst v63  }
0x13a: {  	_ =	swait.ge [sflag:s19], $0x200  }
0x13b: {  	s15 =	sld [smem:$0x7CD]  }
0x13c: {  	[sflag:s19] =	ssyncset.done $0x0  }
0x13d: {  	[sflag:s19] =	ssyncadd.s32 $0xFFFFFE00  }
0x13e: {  	[spmem:s15] =	stream.linear.scatter [tilespmem:s20], [sflag:$0x1], $0x200, $0x38;
	[tilespmem:$0x93C0] =	vst v63  }
0x13f: {  	_ =	swait.ge [sflag:s19], $0x200  }
0x140: {  	s17 =	sld [smem:$0x7CE]  }
0x141: {  	[sflag:s19] =	ssyncset.done $0x0  }
0x142: {  	[sflag:s19] =	ssyncadd.s32 $0xFFFFFE00  }
0x143: {  	[spmem:s17] =	stream.linear.scatter [tilespmem:s20], [sflag:$0x1], $0x200, $0x38;
	[tilespmem:$0x93C0] =	vst v63  }
0x144: {  	_ =	swait.ge [sflag:s19], $0x200  }
0x145: {  	s18 =	sld [smem:$0x7CF]  }
0x146: {  	[sflag:s19] =	ssyncset.done $0x0  }
0x147: {  	[sflag:s19] =	ssyncadd.s32 $0xFFFFFE00  }
0x148: {  	[spmem:s18] =	stream.linear.scatter [tilespmem:s20], [sflag:$0x1], $0x200, $0x38;
	[tilespmem:$0x93C0] =	vst v63  }
0x149: {  	_ =	swait.ge [sflag:s19], $0x200  }
0x14a: {  	s11 =	sld [smem:$0x7D0]  }
0x14b: {  	[sflag:s19] =	ssyncset.done $0x0  }
0x14c: {  	[sflag:s19] =	ssyncadd.s32 $0xFFFFFE00  }
0x14d: {  	[spmem:s11] =	stream.linear.scatter [tilespmem:s20], [sflag:$0x1], $0x200, $0x38;
	[tilespmem:$0x93C0] =	vst v63  }
0x14e: {  	_ =	swait.ge [sflag:s19], $0x200  }
0x14f: {  	s14 =	sld [smem:$0x7D1]  }
0x150: {  	[sflag:s19] =	ssyncset.done $0x0  }
0x151: {  	[sflag:s19] =	ssyncadd.s32 $0xFFFFFE00  }
0x152: {  	[spmem:s14] =	stream.linear.scatter [tilespmem:s20], [sflag:$0x1], $0x200, $0x38;
	[tilespmem:$0x93C0] =	vst v63  }
0x153: {  	_ =	swait.ge [sflag:s19], $0x200  }
0x154: {  	s15 =	sld [smem:$0x7D2]  }
0x155: {  	[sflag:s19] =	ssyncset.done $0x0  }
0x156: {  	[sflag:s19] =	ssyncadd.s32 $0xFFFFFE00  }
0x157: {  	[spmem:s15] =	stream.linear.scatter [tilespmem:s20], [sflag:$0x1], $0x200, $0x38;
	[tilespmem:$0x93C0] =	vst v63  }
0x158: {  	_ =	swait.ge [sflag:s19], $0x200  }
0x159: {  	s17 =	sld [smem:$0x7D3]  }
0x15a: {  	[sflag:s19] =	ssyncset.done $0x0  }
0x15b: {  	[sflag:s19] =	ssyncadd.s32 $0xFFFFFE00  }
0x15c: {  	[spmem:s17] =	stream.linear.scatter [tilespmem:s20], [sflag:$0x1], $0x200, $0x38;
	[tilespmem:$0x93C0] =	vst v63  }
0x15d: {  	_ =	swait.ge [sflag:s19], $0x200  }
0x15e: {  	s18 =	sld [smem:$0x7D4]  }
0x15f: {  	[sflag:s19] =	ssyncset.done $0x0  }
0x160: {  	[sflag:s19] =	ssyncadd.s32 $0xFFFFFE00  }
0x161: {  	[spmem:s18] =	stream.linear.scatter [tilespmem:s20], [sflag:$0x1], $0x200, $0x38;
	[tilespmem:$0x93C0] =	vst v63  }
0x162: {  	_ =	swait.ge [sflag:s19], $0x200  }
0x163: {  	s11 =	sld [smem:$0x7D5]  }
0x164: {  	[sflag:s19] =	ssyncset.done $0x0  }
0x165: {  	[sflag:s19] =	ssyncadd.s32 $0xFFFFFE00  }
0x166: {  	[spmem:s11] =	stream.linear.scatter [tilespmem:s20], [sflag:$0x1], $0x200, $0x38;
	[tilespmem:$0x93C0] =	vst v63  }
0x167: {  	_ =	swait.ge [sflag:s19], $0x200  }
0x168: {  	s14 =	sld [smem:$0x7D6]  }
0x169: {  	[sflag:s19] =	ssyncset.done $0x0  }
0x16a: {  	[sflag:s19] =	ssyncadd.s32 $0xFFFFFE00  }
0x16b: {  	[spmem:s14] =	stream.linear.scatter [tilespmem:s20], [sflag:$0x1], $0x200, $0x38;
	[tilespmem:$0x93C0] =	vst v63  }
0x16c: {  	_ =	swait.ge [sflag:s19], $0x200  }
0x16d: {  	s15 =	sld [smem:$0x7D7]  }
0x16e: {  	[sflag:s19] =	ssyncset.done $0x0  }
0x16f: {  	[sflag:s19] =	ssyncadd.s32 $0xFFFFFE00  }
0x170: {  	[spmem:s15] =	stream.linear.scatter [tilespmem:s20], [sflag:$0x1], $0x200, $0x38;
	[tilespmem:$0x93C0] =	vst v63  }
0x171: {  	_ =	swait.ge [sflag:s19], $0x200  }
0x172: {  	s17 =	sld [smem:$0x7D8]  }
0x173: {  	[sflag:s19] =	ssyncset.done $0x0  }
0x174: {  	[sflag:s19] =	ssyncadd.s32 $0xFFFFFE00  }
0x175: {  	[spmem:s17] =	stream.linear.scatter [tilespmem:s20], [sflag:$0x1], $0x200, $0x38;
	[tilespmem:$0x93C0] =	vst v63  }
0x176: {  	_ =	swait.ge [sflag:s19], $0x200  }
0x177: {  	s18 =	sld [smem:$0x7D9]  }
0x178: {  	[sflag:s19] =	ssyncset.done $0x0  }
0x179: {  	[sflag:s19] =	ssyncadd.s32 $0xFFFFFE00  }
0x17a: {  	[spmem:s18] =	stream.linear.scatter [tilespmem:s20], [sflag:$0x1], $0x200, $0x38;
	[tilespmem:$0x93C0] =	vst v63  }
0x17b: {  	_ =	swait.ge [sflag:s19], $0x200  }
0x17c: {  	s1 =	sld [smem:$0x7E2]  }
0x17d: {  	[sflag:s19] =	ssyncset.done $0x0  }
0x17e: {  	s11 =	simm.s32 @!p1 $0x1580;
	s14 =	simm.s32 @!p1 $0x1;
	[sflag:s19] =	ssyncadd.s32 $0xFFFFFE00  }
0x17f: {  	[spmem:s1] =	stream.linear.scatter @!p1 [tilespmem:s11], [sflag:$0x1], $0x200, $0x38;
	[tilespmem:$0x93C0] =	vst v63  }
0x180: {  	_ =	swait.ge @!p1 [sflag:s14], $0x200  }
0x181: {  	s1 =	sld [smem:$0x7E3]  }
0x182: {  	[sflag:s14] =	ssyncset.done @!p1 $0x0  }
0x183: {  	[sflag:s14] =	ssyncadd.s32 @!p1 $0xFFFFFE00  }
0x184: {  	[spmem:s1] =	stream.linear.scatter @!p1 [tilespmem:s11], [sflag:$0x1], $0x200, $0x38;
	[tilespmem:$0x93C0] =	vst v63  }
0x185: {  	_ =	swait.ge @!p1 [sflag:s14], $0x200  }
0x186: {  	s1 =	sld [smem:$0x7E4]  }
0x187: {  	[sflag:s14] =	ssyncset.done @!p1 $0x0  }
0x188: {  	[sflag:s14] =	ssyncadd.s32 @!p1 $0xFFFFFE00  }
0x189: {  	[spmem:s1] =	stream.linear.scatter @!p1 [tilespmem:s11], [sflag:$0x1], $0x200, $0x38;
	[tilespmem:$0x93C0] =	vst v63  }
0x18a: {  	_ =	swait.ge @!p1 [sflag:s14], $0x200  }
0x18b: {  	s1 =	sld [smem:$0x7E5]  }
0x18c: {  	[sflag:s14] =	ssyncset.done @!p1 $0x0  }
0x18d: {  	[sflag:s14] =	ssyncadd.s32 @!p1 $0xFFFFFE00  }
0x18e: {  	[spmem:s1] =	stream.linear.scatter @!p1 [tilespmem:s11], [sflag:$0x1], $0x200, $0x38;
	[tilespmem:$0x93C0] =	vst v63  }
0x18f: {  	_ =	swait.ge @!p1 [sflag:s14], $0x200  }
0x190: {  	s1 =	sld [smem:$0x7E6]  }
0x191: {  	[sflag:s14] =	ssyncset.done @!p1 $0x0  }
0x192: {  	[sflag:s14] =	ssyncadd.s32 @!p1 $0xFFFFFE00  }
0x193: {  	[spmem:s1] =	stream.linear.scatter @!p1 [tilespmem:s11], [sflag:$0x1], $0x200, $0x38;
	[tilespmem:$0x93C0] =	vst v63  }
0x194: {  	_ =	swait.ge @!p1 [sflag:s14], $0x200  }
0x195: {  	s1 =	sld [smem:$0x7E7]  }
0x196: {  	[sflag:s14] =	ssyncset.done @!p1 $0x0  }
0x197: {  	[sflag:s14] =	ssyncadd.s32 @!p1 $0xFFFFFE00  }
0x198: {  	[spmem:s1] =	stream.linear.scatter @!p1 [tilespmem:s11], [sflag:$0x1], $0x200, $0x38;
	[tilespmem:$0x93C0] =	vst v63  }
0x199: {  	_ =	swait.ge @!p1 [sflag:s14], $0x200  }
0x19a: {  	s1 =	sld [smem:$0x7E8]  }
0x19b: {  	[sflag:s14] =	ssyncset.done @!p1 $0x0  }
0x19c: {  	[sflag:s14] =	ssyncadd.s32 @!p1 $0xFFFFFE00  }
0x19d: {  	[spmem:s1] =	stream.linear.scatter @!p1 [tilespmem:s11], [sflag:$0x1], $0x200, $0x38;
	[tilespmem:$0x93C0] =	vst v63  }
0x19e: {  	_ =	swait.ge @!p1 [sflag:s14], $0x200  }
0x19f: {  	s1 =	sld [smem:$0x7E9]  }
0x1a0: {  	[sflag:s14] =	ssyncset.done @!p1 $0x0  }
0x1a1: {  	[sflag:s14] =	ssyncadd.s32 @!p1 $0xFFFFFE00  }
0x1a2: {  	[spmem:s1] =	stream.linear.scatter @!p1 [tilespmem:s11], [sflag:$0x1], $0x200, $0x38;
	[tilespmem:$0x93C0] =	vst v63  }
0x1a3: {  	_ =	swait.ge @!p1 [sflag:s14], $0x200  }
0x1a4: {  	[sflag:s14] =	ssyncset.done @!p1 $0x0  }
0x1a5: {  	[sflag:s14] =	ssyncadd.s32 @!p1 $0xFFFFFE00  }
0x1a6: {  	[bflag:$0x0] =	sbarrier.arrive $0xFFFF  }
0x1a7: {  	v1 =	vld [tilespmem:$0x0]  }
0x1a8: {  	v2 =	vld [tilespmem:$0x40]  }
0x1a9: {  	v3 =	vld [tilespmem:$0x80]  }
0x1aa: {  	v4 =	vld [tilespmem:$0x10]  }
0x1ab: {  	v5 =	vld [tilespmem:$0x50]  }
0x1ac: {  	v6 =	vld [tilespmem:$0x90]  }
0x1ad: {  	v7 =	vld [tilespmem:$0x20]  }
0x1ae: {  	v8 =	vld [tilespmem:$0x60]  }
0x1af: {  	v9 =	vld [tilespmem:$0xA0]  }
0x1b0: {  	v12 =	vld [tilespmem:$0xB0]  }
0x1b1: {  	v10 =	vld [tilespmem:$0x30]  }
0x1b2: {  	s17 =	simm.s32 $0x0;
	v11 =	vld [tilespmem:$0x70]  }
.LBB2_2:
0x1b3: {  	s11 =	sshll.u32 s17, $0x9  }
0x1b4: {  	s11 =	sadd.s32 s16, s11  }
0x1b5: {  	s11 =	sshrl.u32 s11, $0x3  }
0x1b6: {  	s15 =	simm.s32 $0x0;
	s14 =	sadd.s32 s12, s11  }
0x1b7: {  	[tilespmem:s21], [sflag:$0x1] =	stream.linear.gather [hbm4b:s14+s15], $0x200, $0x38;
	[tilespmem:$0x93C0] =	vst v63  }
0x1b8: {  	_ =	swait.ge [sflag:s19], $0x200  }
0x1b9: {  	[sflag:s19] =	ssyncset.done $0x0  }
0x1ba: {  	s11 =	sadd.s32 s13, s11;
	[sflag:s19] =	ssyncadd.s32 $0xFFFFFE00  }
0x1bb: {  	[tilespmem:s22], [sflag:$0x1] =	stream.linear.gather [hbm4b:s11+s15], $0x200, $0x38;
	[tilespmem:$0x93C0] =	vst v63  }
0x1bc: {  	_ =	swait.ge [sflag:s19], $0x200  }
0x1bd: {  	[sflag:s19] =	ssyncset.done $0x0  }
0x1be: {  	[sflag:s19] =	ssyncadd.s32 $0xFFFFFE00  }
0x1bf: {  	[tilespmem:s24], [sflag:$0x1] =	stream.indirect.gather [spmem:s0], $0x1, s21, s23, $0xb8;
	[tilespmem:$0x93C0] =	vst v63  }
0x1c0: {  	_ =	swait.ge [sflag:s19], $0x200  }
0x1c1: {  	[sflag:s19] =	ssyncset.done $0x0  }
0x1c2: {  	[sflag:s19] =	ssyncadd.s32 $0xFFFFFE00  }
0x1c3: {  	[tilespmem:s25], [sflag:$0x1] =	stream.indirect.gather [spmem:s0], $0x1, s22, s23, $0xb8;
	[tilespmem:$0x93C0] =	vst v63  }
0x1c4: {  	_ =	swait.ge [sflag:s19], $0x200  }
0x1c5: {  	[sflag:s19] =	ssyncset.done $0x0  }
0x1c6: {  	s11 =	simm.s32 $0x0;
	[sflag:s19] =	ssyncadd.s32 $0xFFFFFE00  }
0x1c7: {  	v14 =	vld [tilespmem:s11+$0x500]  }
0x1c8: {  	v15 =	vld [tilespmem:s11+$0x700];
	_ =	sdelay $0x4  }
0x1c9: {  	v13 =	vmul.f32 v15, v11;
	v16 =	vmul.f32 v14, v10  }
0x1ca: {  	v17 =	vmul.f32 v14, v1;
	v18 =	vmul.f32 v15, v5  }
0x1cb: {  	v19 =	vmul.f32 v15, v2;
	v16 =	vadd.f32 v13, v16;
	v13 =	vmul.f32 v14, v4  }
0x1cc: {  	s18 =	simm.s32 $0x10;
	v21 =	vmul.f32 v14, v7;
	v15 =	vmul.f32 v15, v8  }
0x1cd: {  	v17 =	vadd.f32 v19, v17;
	v20 =	vmul.f32 $2.000000030e-01, v16;
	v18 =	vadd.f32 v18, v13;
	v13 =	vld [tilespmem:s18+$0x500]  }
0x1ce: {  	v15 =	vadd.f32 v15, v21;
	vm0 =	vgt.f32 v16, $0.0e+00  }
0x1cf: {  	v21 =	vmul.f32 $2.000000030e-01, v17;
	v16 =	vsel vm0, v16, v20;
	v19 =	vmul.f32 $2.000000030e-01, v18;
	v20 =	vld [tilespmem:s18+$0x700]  }
0x1d0: {  	vm1 =	vgt.f32 v17, $0.0e+00;
	vm0 =	vgt.f32 v18, $0.0e+00;
	v16 =	vsub.f32 v16, v12  }
0x1d1: {  	v17 =	vsel vm1, v17, v21;
	v18 =	vsel vm0, v18, v19;
	v19 =	vmul.f32 $2.000000030e-01, v15  }
0x1d2: {  	v17 =	vsub.f32 v17, v3;
	v16 =	vmul.f32 $1.442695020e+00, v16;
	v22 =	vmul.f32 v13, v1  }
0x1d3: {  	v23 =	vmul.f32 v13, v10;
	v24 =	vmul.f32 v13, v7  }
0x1d4: {  	v18 =	vsub.f32 v18, v6;
	v17 =	vmul.f32 $1.442695020e+00, v17;
	v21 =	vmul.f32 v20, v11  }
0x1d5: {  	vm0 =	vgt.f32 v15, $0.0e+00;
	(erf) = vpow2.f32 v16;
	v16 =	vmul.f32 v13, v4  }
0x1d6: {  	v18 =	vmul.f32 $1.442695020e+00, v18;
	v25 =	vmul.f32 v20, v5;
	v21 =	vadd.f32 v21, v23  }
0x1d7: {  	v15 =	vsel vm0, v15, v19;
	v19 =	vmul.f32 v20, v8;
	v23 =	vmul.f32 v20, v2  }
0x1d8: {  	s15 =	simm.s32 $0x20;
	(erf) = vpow2.f32 v18;
	v16 =	vadd.f32 v25, v16;
	v18 =	vmul.f32 $2.000000030e-01, v21  }
0x1d9: {  	(erf) = vpow2.f32 v17;
	v17 =	vsub.f32 v15, v9;
	v15 =	vld [tilespmem:s15+$0x500];
	vm0 =	vgt.f32 v21, $0.0e+00  }
0x1da: {  	v20 =	vadd.f32 v23, v22;
	v22 =	vadd.f32 v19, v24;
	v18 =	vsel vm0, v21, v18  }
0x1db: {  	v23 =	vld [tilespmem:s15+$0x700];
	v17 =	vmul.f32 $1.442695020e+00, v17;
	v21 =	vmul.f32 $2.000000030e-01, v16;
	v18 =	vsub.f32 v18, v12  }
0x1dc: {  	vm0 =	vgt.f32 v16, $0.0e+00;
	v19 =	vmul.f32 $2.000000030e-01, v20;
	v24 =	vmul.f32 $2.000000030e-01, v22  }
0x1dd: {  	(erf) = vpow2.f32 v17;
	v16 =	vsel vm0, v16, v21;
	v18 =	vmul.f32 $1.442695020e+00, v18  }
0x1de: {  	vm0 =	vgt.f32 v20, $0.0e+00;
	v21 =	vsub.f32 v16, v6;
	v16 =	vmul.f32 v15, v1  }
0x1df: {  	v25 =	vpop (erf);
	v17 =	vsel vm0, v20, v19;
	v20 =	vmul.f32 v15, v4;
	(erf) = vpow2.f32 v18  }
0x1e0: {  	vm0 =	vgt.f32 v22, $0.0e+00;
	v28 =	vmul.f32 v23, v11;
	v30 =	vmul.f32 v23, v5  }
0x1e1: {  	v26 =	vmul.f32 v25, v14;
	v27 =	vsub.f32 v17, v3;
	v17 =	vmul.f32 v15, v7  }
0x1e2: {  	[tilespmem:s11+$0x1B80] =	vst v25;
	v19 =	vpop (erf);
	v18 =	vsel vm0, v22, v24;
	v22 =	vmul.f32 v15, v10;
	v31 =	vmul.f32 $1.442695020e+00, v21  }
0x1e3: {  	v21 =	vmul.f32 v23, v8;
	v24 =	vmul.f32 v23, v2;
	v29 =	vpop (erf);
	[tilespmem:s11+$0x1780] =	vst v19  }
0x1e4: {  	v27 =	vmul.f32 $1.442695020e+00, v27;
	[tilespmem:s11+$0x2380] =	vst v26;
	v25 =	vmul.f32 v29, v14;
	v22 =	vadd.f32 v28, v22  }
0x1e5: {  	v20 =	vadd.f32 v30, v20;
	v18 =	vsub.f32 v18, v9;
	[tilespmem:s11+$0x1580] =	vst v29;
	(erf) = vpow2.f32 v31  }
0x1e6: {  	s14 =	simm.s32 $0xC0;
	(erf) = vpow2.f32 v27;
	[tilespmem:s11+$0x1D80] =	vst v25;
	vm0 =	vgt.f32 v22, $0.0e+00;
	v25 =	vmul.f32 $2.000000030e-01, v22;
	v23 =	vpop (erf)  }
.LBB2_3:
0x1e7: {  	s1 =	sshra.s32 s14, $0x2;
	p2 =	sne.s32 s14, $0x7C0;
	s14 =	sadd.s32 $0x40, s14;
	v16 =	vadd.f32 v24, v16;
	vm1 =	vgt.f32 v20, $0.0e+00;
	v19 =	vmul.f32 v19, v14  }
0x1e8: {  	v26 =	vmul.f32 $2.000000030e-01, v20;
	v24 =	vld [tilespmem:s1+$0x500];
	v22 =	vsel vm0, v22, v25;
	v25 =	vpop (erf);
	[tilespmem:s11+$0x1980] =	vst v23;
	v23 =	vmul.f32 v23, v14  }
0x1e9: {  	v17 =	vadd.f32 v21, v17;
	v18 =	vmul.f32 $1.442695020e+00, v18;
	v14 =	vmovc v13;
	v27 =	vld [tilespmem:s1+$0x700];
	v21 =	vsub.f32 v22, v12;
	[tilespmem:s11+$0x1F80] =	vst v19  }
0x1ea: {  	v13 =	vmovc v15;
	vm0 =	vgt.f32 v16, $0.0e+00;
	v19 =	vmul.f32 $2.000000030e-01, v16;
	v20 =	vsel vm1, v20, v26;
	[tilespmem:s11+$0x2180] =	vst v23;
	s11 =	smov.u32 s18;
	s18 =	smov.u32 s15;
	s15 =	smov.u32 s1  }
0x1eb: {  	v20 =	vsub.f32 v20, v6;
	v21 =	vmul.f32 $1.442695020e+00, v21;
	[tilespmem:s11+$0x1B80] =	vst v25;
	(erf) = vpow2.f32 v18  }
0x1ec: {  	v22 =	vmul.f32 $2.000000030e-01, v17;
	v18 =	vsel vm0, v16, v19;
	vm0 =	vgt.f32 v17, $0.0e+00  }
0x1ed: {  	v23 =	vsub.f32 v18, v3;
	v16 =	vmul.f32 v24, v1;
	(erf) = vpow2.f32 v21;
	v15 =	vmovc v24  }
0x1ee: {  	v18 =	vsel vm0, v17, v22;
	v21 =	vmul.f32 v25, v14;
	v26 =	vmul.f32 v15, v4;
	v19 =	vpop (erf)  }
0x1ef: {  	v18 =	vsub.f32 v18, v9;
	v17 =	vmul.f32 v15, v7;
	v22 =	vmul.f32 v27, v11;
	[tilespmem:s11+$0x1780] =	vst v19;
	v24 =	vpop (erf)  }
.Ltmp0:
0x1f0: {  	v25 =	vmul.f32 v15, v10;
	[tilespmem:s11+$0x1580] =	vst v24;
	v24 =	vmul.f32 v24, v14;
	(pc) =	sbr.rel @p2 .LBB2_3-.Ltmp0, $4  }
0x1f1: {  	v29 =	vmul.f32 $1.442695020e+00, v20;
	v28 =	vmul.f32 v27, v5;
	[tilespmem:s11+$0x2380] =	vst v21  }
0x1f2: {  	v30 =	vmul.f32 $1.442695020e+00, v23;
	v22 =	vadd.f32 v22, v25;
	v21 =	vmul.f32 v27, v8;
	[tilespmem:s11+$0x1D80] =	vst v24  }
0x1f3: {  	v20 =	vadd.f32 v28, v26;
	v24 =	vmul.f32 v27, v2;
	(erf) = vpow2.f32 v29  }
0x1f4: {  	vm0 =	vgt.f32 v22, $0.0e+00;
	v25 =	vmul.f32 $2.000000030e-01, v22;
	(erf) = vpow2.f32 v30;
	v23 =	vpop (erf)  }
0x1f5: {  	v16 =	vadd.f32 v24, v16;
	vm1 =	vgt.f32 v20, $0.0e+00  }
0x1f6: {  	v19 =	vmul.f32 v19, v14;
	v54 =	vmul.f32 $2.000000030e-01, v20;
	v17 =	vadd.f32 v21, v17  }
0x1f7: {  	v18 =	vmul.f32 $1.442695020e+00, v18;
	v14 =	vmul.f32 v23, v14;
	v22 =	vsel vm0, v22, v25  }
0x1f8: {  	v55 =	vmul.f32 $2.000000030e-01, v16;
	v22 =	vsub.f32 v22, v12;
	vm14 =	vgt.f32 v16, $0.0e+00  }
0x1f9: {  	v20 =	vsel vm1, v20, v54;
	(erf) = vpow2.f32 v18;
	v57 =	vmul.f32 $2.000000030e-01, v17  }
0x1fa: {  	vm15 =	vgt.f32 v17, $0.0e+00;
	v20 =	vsub.f32 v20, v6;
	v16 =	vsel vm14, v16, v55  }
0x1fb: {  	v58 =	vpop (erf);
	v56 =	vmul.f32 $1.442695020e+00, v22;
	v17 =	vsel vm15, v17, v57;
	v16 =	vsub.f32 v16, v3  }
0x1fc: {  	[tilespmem:s11+$0x2180] =	vst v14;
	v60 =	vmul.f32 v58, v13;
	v20 =	vmul.f32 $1.442695020e+00, v20;
	v14 =	vsub.f32 v17, v9  }
0x1fd: {  	[tilespmem:s11+$0x1980] =	vst v23;
	(erf) = vpow2.f32 v56;
	v16 =	vmul.f32 $1.442695020e+00, v16  }
0x1fe: {  	[tilespmem:s11+$0x1F80] =	vst v19;
	(erf) = vpow2.f32 v20;
	v14 =	vmul.f32 $1.442695020e+00, v14  }
0x1ff: {  	[tilespmem:s18+$0x1B80] =	vst v58  }
0x200: {  	[tilespmem:s18+$0x2380] =	vst v60;
	v59 =	vpop (erf);
	(erf) = vpow2.f32 v16  }
0x201: {  	[tilespmem:s18+$0x1780] =	vst v59;
	v61 =	vpop (erf);
	v62 =	vmul.f32 v59, v13  }
0x202: {  	[tilespmem:s18+$0x1580] =	vst v61;
	v18 =	vmul.f32 v61, v13;
	(erf) = vpow2.f32 v14;
	v14 =	vpop (erf)  }
0x203: {  	[tilespmem:s18+$0x1F80] =	vst v62;
	v13 =	vmul.f32 v14, v13  }
0x204: {  	[tilespmem:s18+$0x1D80] =	vst v18  }
0x205: {  	[tilespmem:s18+$0x1980] =	vst v14  }
0x206: {  	[tilespmem:s18+$0x2180] =	vst v13;
	v14 =	vpop (erf)  }
0x207: {  	[tilespmem:s15+$0x1B80] =	vst v14;
	v13 =	vpop (erf);
	v14 =	vmul.f32 v14, v15  }
0x208: {  	[tilespmem:s15+$0x1780] =	vst v13  }
0x209: {  	v13 =	vmul.f32 v13, v15;
	v63 =	vpop (erf);
	[tilespmem:s15+$0x2380] =	vst v14  }
0x20a: {  	[tilespmem:s15+$0x1580] =	vst v63  }
0x20b: {  	v16 =	vmul.f32 v63, v15;
	[tilespmem:s15+$0x1F80] =	vst v13;
	v14 =	vpop (erf)  }
0x20c: {  	[tilespmem:s15+$0x1980] =	vst v14;
	v14 =	vmul.f32 v14, v15  }
0x20d: {  	[tilespmem:s15+$0x1D80] =	vst v16  }
0x20e: {  	s1 =	rddreg [dreg:$0x2];
	[tilespmem:s15+$0x2180] =	vst v14  }
0x20f: {  	[spmem:s1] =	stream.indirect.scatter.add.f32 [tilespmem:s20], [sflag:$0x1], $0x1, s22, s23, $0xb8;
	[tilespmem:$0x93C0] =	vst v63  }
0x210: {  	_ =	swait.ge [sflag:s19], $0x200  }
0x211: {  	[sflag:s19] =	ssyncset.done $0x0  }
0x212: {  	[sflag:s19] =	ssyncadd.s32 $0xFFFFFE00  }
0x213: {  	[spmem:s8] =	stream.indirect.scatter.add.f32 [tilespmem:s26], [sflag:$0x1], $0x1, s22, s23, $0xb8;
	[tilespmem:$0x93C0] =	vst v63  }
0x214: {  	_ =	swait.ge [sflag:s19], $0x200  }
0x215: {  	[sflag:s19] =	ssyncset.done $0x0  }
0x216: {  	[sflag:s19] =	ssyncadd.s32 $0xFFFFFE00  }
0x217: {  	[spmem:s3] =	stream.indirect.scatter.add.f32 [tilespmem:s28], [sflag:$0x1], $0x1, s22, s23, $0xb8;
	[tilespmem:$0x93C0] =	vst v63  }
0x218: {  	_ =	swait.ge [sflag:s19], $0x200  }
0x219: {  	[sflag:s19] =	ssyncset.done $0x0  }
0x21a: {  	[sflag:s19] =	ssyncadd.s32 $0xFFFFFE00  }
0x21b: {  	[spmem:s9] =	stream.indirect.scatter.add.f32 [tilespmem:s29], [sflag:$0x1], $0x1, s22, s23, $0xb8;
	[tilespmem:$0x93C0] =	vst v63  }
0x21c: {  	_ =	swait.ge [sflag:s19], $0x200  }
0x21d: {  	[sflag:s19] =	ssyncset.done $0x0  }
0x21e: {  	[sflag:s19] =	ssyncadd.s32 $0xFFFFFE00  }
0x21f: {  	[spmem:s4] =	stream.indirect.scatter.add.f32 [tilespmem:s30], [sflag:$0x1], $0x1, s22, s23, $0xb8;
	[tilespmem:$0x93C0] =	vst v63  }
0x220: {  	_ =	swait.ge [sflag:s19], $0x200  }
0x221: {  	[sflag:s19] =	ssyncset.done $0x0  }
0x222: {  	[sflag:s19] =	ssyncadd.s32 $0xFFFFFE00  }
0x223: {  	[spmem:s10] =	stream.indirect.scatter.add.f32 [tilespmem:s31], [sflag:$0x1], $0x1, s22, s23, $0xb8;
	[tilespmem:$0x93C0] =	vst v63  }
0x224: {  	_ =	swait.ge [sflag:s19], $0x200  }
0x225: {  	[sflag:s19] =	ssyncset.done $0x0  }
0x226: {  	[sflag:s19] =	ssyncadd.s32 $0xFFFFFE00  }
0x227: {  	[spmem:s6] =	stream.indirect.scatter.add.f32 [tilespmem:s7], [sflag:$0x1], $0x1, s22, s23, $0xb8;
	[tilespmem:$0x93C0] =	vst v63  }
0x228: {  	s17 =	sadd.s32 $0x1, s17;
	_ =	swait.ge [sflag:s19], $0x200  }
0x229: {  	p2 =	sne.s32 s17, $0x31;
	[sflag:s19] =	ssyncset.done $0x0  }
.Ltmp1:
0x22a: {  	[sflag:s19] =	ssyncadd.s32 $0xFFFFFE00;
	(pc) =	sbr.rel @p2 .LBB2_2-.Ltmp1, $4  }
0x22b: {  	[spmem:s2] =	stream.indirect.scatter.add.f32 [tilespmem:s5], [sflag:$0x1], $0x1, s22, s23, $0xb8;
	[tilespmem:$0x93C0] =	vst v63  }
0x22c: {  	_ =	swait.ge [sflag:s19], $0x200  }
0x22d: {  	[sflag:s19] =	ssyncset.done $0x0  }
0x22e: {  	[sflag:s19] =	ssyncadd.s32 $0xFFFFFE00  }
0x22f: {  	[bflag:$0x0] =	sbarrier.arrive $0xFFFF  }
0x230: {  	s1 =	sld [smem:$0x7EB];
	_ =	sdelay $0x1  }
0x231: {  	s14 =	simm.s32 $0x900  }
0x232: {  	[tilespmem:s14], [sflag:$0x1] =	stream.linear.gather [spmem:s1], $0xC40, $0x38;
	[tilespmem:$0x93C0] =	vst v63  }
0x233: {  	_ =	swait.ge [sflag:s19], $0xC40  }
0x234: {  	s11 =	sld [smem:$0x7F3]  }
0x235: {  	[sflag:s19] =	ssyncset.done $0x0  }
0x236: {  	s1 =	simm.s32 $0x0;
	[sflag:s19] =	ssyncadd.s32 $0xFFFFF3C0  }
0x237: {  	[hbm4b:s11+s1] =	stream.linear.scatter [tilespmem:s14], [sflag:$0x1], $0xC40, $0x38;
	[tilespmem:$0x93C0] =	vst v63  }
0x238: {  	_ =	swait.ge [sflag:s19], $0xC40  }
0x239: {  	s18 =	sld [smem:$0x7EC]  }
0x23a: {  	[sflag:s19] =	ssyncset.done $0x0  }
0x23b: {  	[sflag:s19] =	ssyncadd.s32 $0xFFFFF3C0  }
0x23c: {  	[tilespmem:s14], [sflag:$0x1] =	stream.linear.gather [spmem:s18], $0xC40, $0x38;
	[tilespmem:$0x93C0] =	vst v63  }
0x23d: {  	_ =	swait.ge [sflag:s19], $0xC40  }
0x23e: {  	s15 =	sld [smem:$0x7F4]  }
0x23f: {  	[sflag:s19] =	ssyncset.done $0x0  }
0x240: {  	[sflag:s19] =	ssyncadd.s32 $0xFFFFF3C0  }
0x241: {  	[hbm4b:s15+s1] =	stream.linear.scatter [tilespmem:s14], [sflag:$0x1], $0xC40, $0x38;
	[tilespmem:$0x93C0] =	vst v63  }
0x242: {  	_ =	swait.ge [sflag:s19], $0xC40  }
0x243: {  	s17 =	sld [smem:$0x7ED]  }
0x244: {  	[sflag:s19] =	ssyncset.done $0x0  }
0x245: {  	[sflag:s19] =	ssyncadd.s32 $0xFFFFF3C0  }
0x246: {  	[tilespmem:s14], [sflag:$0x1] =	stream.linear.gather [spmem:s17], $0xC40, $0x38;
	[tilespmem:$0x93C0] =	vst v63  }
0x247: {  	_ =	swait.ge [sflag:s19], $0xC40  }
0x248: {  	s18 =	sld [smem:$0x7F5]  }
0x249: {  	[sflag:s19] =	ssyncset.done $0x0  }
0x24a: {  	[sflag:s19] =	ssyncadd.s32 $0xFFFFF3C0  }
0x24b: {  	[hbm4b:s18+s1] =	stream.linear.scatter [tilespmem:s14], [sflag:$0x1], $0xC40, $0x38;
	[tilespmem:$0x93C0] =	vst v63  }
0x24c: {  	_ =	swait.ge [sflag:s19], $0xC40  }
0x24d: {  	s15 =	sld [smem:$0x7EE]  }
0x24e: {  	[sflag:s19] =	ssyncset.done $0x0  }
0x24f: {  	[sflag:s19] =	ssyncadd.s32 $0xFFFFF3C0  }
0x250: {  	[tilespmem:s14], [sflag:$0x1] =	stream.linear.gather [spmem:s15], $0xC40, $0x38;
	[tilespmem:$0x93C0] =	vst v63  }
0x251: {  	_ =	swait.ge [sflag:s19], $0xC40  }
0x252: {  	s17 =	sld [smem:$0x7F6]  }
0x253: {  	[sflag:s19] =	ssyncset.done $0x0  }
0x254: {  	[sflag:s19] =	ssyncadd.s32 $0xFFFFF3C0  }
0x255: {  	[hbm4b:s17+s1] =	stream.linear.scatter [tilespmem:s14], [sflag:$0x1], $0xC40, $0x38;
	[tilespmem:$0x93C0] =	vst v63  }
0x256: {  	_ =	swait.ge [sflag:s19], $0xC40  }
0x257: {  	s18 =	sld [smem:$0x7EF]  }
0x258: {  	[sflag:s19] =	ssyncset.done $0x0  }
0x259: {  	[sflag:s19] =	ssyncadd.s32 $0xFFFFF3C0  }
0x25a: {  	[tilespmem:s14], [sflag:$0x1] =	stream.linear.gather [spmem:s18], $0xC40, $0x38;
	[tilespmem:$0x93C0] =	vst v63  }
0x25b: {  	_ =	swait.ge [sflag:s19], $0xC40  }
0x25c: {  	s15 =	sld [smem:$0x7F7]  }
0x25d: {  	[sflag:s19] =	ssyncset.done $0x0  }
0x25e: {  	[sflag:s19] =	ssyncadd.s32 $0xFFFFF3C0  }
0x25f: {  	[hbm4b:s15+s1] =	stream.linear.scatter [tilespmem:s14], [sflag:$0x1], $0xC40, $0x38;
	[tilespmem:$0x93C0] =	vst v63  }
0x260: {  	_ =	swait.ge [sflag:s19], $0xC40  }
0x261: {  	s17 =	sld [smem:$0x7F0]  }
0x262: {  	[sflag:s19] =	ssyncset.done $0x0  }
0x263: {  	[sflag:s19] =	ssyncadd.s32 $0xFFFFF3C0  }
0x264: {  	[tilespmem:s14], [sflag:$0x1] =	stream.linear.gather [spmem:s17], $0xC40, $0x38;
	[tilespmem:$0x93C0] =	vst v63  }
0x265: {  	_ =	swait.ge [sflag:s19], $0xC40  }
0x266: {  	s18 =	sld [smem:$0x7F8]  }
0x267: {  	[sflag:s19] =	ssyncset.done $0x0  }
0x268: {  	[sflag:s19] =	ssyncadd.s32 $0xFFFFF3C0  }
0x269: {  	[hbm4b:s18+s1] =	stream.linear.scatter [tilespmem:s14], [sflag:$0x1], $0xC40, $0x38;
	[tilespmem:$0x93C0] =	vst v63  }
0x26a: {  	_ =	swait.ge [sflag:s19], $0xC40  }
0x26b: {  	s15 =	sld [smem:$0x7F1]  }
0x26c: {  	[sflag:s19] =	ssyncset.done $0x0  }
0x26d: {  	[sflag:s19] =	ssyncadd.s32 $0xFFFFF3C0  }
0x26e: {  	[tilespmem:s14], [sflag:$0x1] =	stream.linear.gather [spmem:s15], $0xC40, $0x38;
	[tilespmem:$0x93C0] =	vst v63  }
0x26f: {  	_ =	swait.ge [sflag:s19], $0xC40  }
0x270: {  	s17 =	sld [smem:$0x7F9]  }
0x271: {  	[sflag:s19] =	ssyncset.done $0x0  }
0x272: {  	[sflag:s19] =	ssyncadd.s32 $0xFFFFF3C0  }
0x273: {  	[hbm4b:s17+s1] =	stream.linear.scatter [tilespmem:s14], [sflag:$0x1], $0xC40, $0x38;
	[tilespmem:$0x93C0] =	vst v63  }
0x274: {  	_ =	swait.ge [sflag:s19], $0xC40  }
0x275: {  	s18 =	sld [smem:$0x7F2]  }
0x276: {  	[sflag:s19] =	ssyncset.done $0x0  }
0x277: {  	[sflag:s19] =	ssyncadd.s32 $0xFFFFF3C0  }
0x278: {  	[tilespmem:s14], [sflag:$0x1] =	stream.linear.gather [spmem:s18], $0xC40, $0x38;
	[tilespmem:$0x93C0] =	vst v63  }
0x279: {  	_ =	swait.ge [sflag:s19], $0xC40  }
0x27a: {  	s15 =	sld [smem:$0x7FA]  }
0x27b: {  	[sflag:s19] =	ssyncset.done $0x0  }
0x27c: {  	[sflag:s19] =	ssyncadd.s32 $0xFFFFF3C0  }
0x27d: {  	[hbm4b:s15+s1] =	stream.linear.scatter [tilespmem:s14], [sflag:$0x1], $0xC40, $0x38;
	[tilespmem:$0x93C0] =	vst v63  }
0x27e: {  	_ =	swait.ge [sflag:s19], $0xC40  }
0x27f: {  	s17 =	sld [smem:$0x7C3]  }
0x280: {  	s18 =	sld [smem:$0x7FB];
	_ =	sdelay $0x1  }
0x281: {  	s14 =	sadd.s32 $0x1, s17  }
0x282: {  	p2 =	sne.s32 s14, s18  }
.Ltmp2:
0x283: {  	_ = 	snop;
	(pc) =	sbr.rel @p2 .LBB2_1-.Ltmp2, $3  }
0x284: {  	_ =	sdelay $0x1  }
0x285: {  	[sflag:s19] =	ssyncset.done $0x0  }
0x286: {  	[sflag:s19] =	ssyncadd.s32 $0xFFFFF3C0  }
0x287: {  	_ =	sfence.sel $0x180000  }
0x288: {  	[bflag:$0x0] =	sbarrier.arrive $0xFFFF  }
0x289: {  	_ =	strace $0x90000047  }
0x28a: {  	s0 =	stileid.u32;
	[bflag:$0x2] =	sbarrier.arrive $0xFFFF  }
0x28b: {  	p0 =	sne.s32 s0, $0x0;
	s0 =	rddreg [dreg:$0xa]  }
0x28c: {  	s0 =	sadd.s32 @!p0 $0x100000, s0  }
0x28d: {  	[sflag:s0] =	ssyncadd.tile.s32 @!p0 $0x1;
	_ =	shalt  }
.Lfunc_end2:
_tile_overlayer_lowered:
.L_overlay_start_2:
0x28e: {  	(tag) =	ssettag $0x2  }
0x28f: {  	s0 =	rddreg [dreg:$0x0];
	s2 =	stileid.u32  }
0x290: {  	s1 =	rddreg [dreg:$0x1];
	p0 =	sne.s32 s2, $0x0  }
0x291: {  	s3 =	rddreg [dreg:$0x2];
	[bflag:$0x3] =	sbarrier.arrive $0xFFFF;
	s2 =	simm.s32 @!p0 $0x1C01  }
0x292: {  	[timem:s3], [sflag:s2] =	dma.local @!p0 [hbm:s0], s1  }
0x293: {  	s0 =	simm.s32 @!p0 $0x1  }
0x294: {  	_ =	swait.ge @!p0 [sflag:s0], s1  }
0x295: {  	s1 =	ssub.s32 @!p0 $0x0, s1;
	[sflag:s0] =	ssyncset.done @!p0 $0x0  }
0x296: {  	[sflag:s0] =	ssyncadd.s32 @!p0 s1  }
0x297: {  	[bflag:$0x3] =	sbarrier.arrive $0xFFFF  }
0x298: {  	_ =	shalt  }

</sc_bundles>
